<compile_context>
chip_gen: v7x
topology: tpu7x:2x2x1
jax: 0.10.2.dev20260603
libtpu: 0.0.44.dev20260713+nightly
codegen_flags: <defaults>
</compile_context>

<pallas_src>
import functools
import math

import jax
import jax.numpy as jnp
from jax import lax
from jax.experimental import pallas as pl
from jax.experimental.pallas import tpu as pltpu
from jax.experimental.pallas import tpu_sc as plsc

D = 64
SCALE = math.sqrt(D)
NC, NS = 2, 16
NW = NC * NS
V = 1000000
PR = V // 2
NFULL = V // 128
NTAIL = V - NFULL * 128

PITCH = 128
_MESH = dict(core_axis_name="c", subcore_axis_name="s")
_PARAMS = pltpu.CompilerParams(use_tc_tiling_on_sc=True,
                               needs_layout_passes=False)


def _wid():
    return lax.axis_index("s") * NC + lax.axis_index("c")


@functools.cache
def _detile_kernel():
    nb_even = NFULL // NW
    nb_extra = NFULL - nb_even * NW

    @functools.partial(
        pl.kernel,
        out_type=jax.ShapeDtypeStruct((PR, 128), jnp.float32),
        mesh=plsc.VectorSubcoreMesh(**_MESH),
        scratch_types=[
            pltpu.VMEM((2 * D, PITCH), jnp.float32),
            pltpu.VMEM((2 * D, PITCH), jnp.float32),
            pltpu.SemaphoreType.DMA,
            pltpu.SemaphoreType.DMA,
        ],
        compiler_params=_PARAMS,
    )
    def detile(lutT, tailP, lutC, ibuf, obuf, sem_i, sem_o):
        w = _wid()
        nb = jnp.where(w < nb_extra, nb_even + 1, nb_even)
        k0 = w * nb_even + jnp.minimum(w, nb_extra)

        iota = lax.iota(jnp.int32, 16)
        rot = [(iota + j) & 15 for j in range(16)]
        srow_s = [r >> 1 for r in rot]
        scol_s = [(r & 1) * D + iota for r in rot]

        def issue_read(k, par):
            pltpu.async_copy(
                lutT.at[:, pl.ds(k * 128, 128)],
                ibuf.at[pl.ds(par * D, D), pl.ds(0, 128)], sem_i)

        def wait_read(par):
            pltpu.make_async_copy(
                lutT.at[:, pl.ds(0, 128)],
                ibuf.at[pl.ds(par * D, D), pl.ds(0, 128)], sem_i).wait()

        def wait_write(par):
            pltpu.make_async_copy(
                obuf.at[pl.ds(par * D, D), pl.ds(0, 128)],
                lutC.at[pl.ds(0, D)], sem_o).wait()

        @pl.when(nb > 0)
        def _():
            issue_read(k0, 0)

        def body(m, carry):
            par = lax.rem(m, 2)
            rbase = par * D

            @pl.when(m + 1 < nb)
            def _():
                issue_read(k0 + m + 1, 1 - par)

            wait_read(par)

            @pl.when(m >= 2)
            def _():
                wait_write(par)

            def fcol(f0, c2):
                grows = rbase + f0 + iota

                def wcol(wi, c3):
                    w0 = wi * 16
                    for j in range(16):
                        vals = plsc.load_gather(ibuf, [grows, w0 + rot[j]])
                        plsc.store_scatter(
                            obuf,
                            [(rbase + w0 // 2) + srow_s[j], scol_s[j] + f0],
                            vals)
                    return c3

                return lax.fori_loop(0, 8, wcol, c2, unroll=2)

            def fcol(fi, c2):
                f0 = fi * 16
                cols16 = [c + f0 for c in scol_s]

                def wcol(wi, c3):
                    w0 = wi * 16
                    src = ibuf.at[pl.ds(rbase + f0, 16)]
                    dst = obuf.at[pl.ds(rbase + w0 // 2, 8)]
                    for j in range(16):
                        vals = plsc.load_gather(src, [iota, w0 + rot[j]])
                        plsc.store_scatter(dst, [srow_s[j], cols16[j]], vals)
                    return c3

                return lax.fori_loop(0, 8, wcol, c2, unroll=2)

            lax.fori_loop(0, D // 16, fcol, 0)

            pltpu.async_copy(
                obuf.at[pl.ds(par * D, D), pl.ds(0, 128)],
                lutC.at[pl.ds((k0 + m) * D, D)], sem_o)
            return carry

        lax.fori_loop(0, nb, body, 0)

        @pl.when(nb >= 2)
        def _():
            wait_write(lax.rem(nb, 2))

        @pl.when(nb >= 1)
        def _():
            wait_write(lax.rem(nb + 1, 2))

        @pl.when(w == NW - 1)
        def _():
            pltpu.sync_copy(tailP, ibuf.at[pl.ds(0, NTAIL), pl.ds(0, 128)])

            def trow(t, c2):
                half = lax.rem(t, 2) * D
                for b in range(D // 16):
                    obuf[lax.div(t, 2), pl.ds(half + b * 16, 16)] = (
                        ibuf[t, pl.ds(b * 16, 16)])
                return c2

            lax.fori_loop(0, NTAIL, trow, 0)
            pltpu.sync_copy(obuf.at[pl.ds(0, NTAIL // 2), pl.ds(0, 128)],
                            lutC.at[pl.ds(NFULL * D, NTAIL // 2)])

    return detile


@functools.cache
def _gather_kernel(S, B):
    assert B == NW * 128
    GDEPTH = 4

    @functools.partial(
        pl.kernel,
        out_type=jax.ShapeDtypeStruct((S * D, B), jnp.float32),
        mesh=plsc.VectorSubcoreMesh(**_MESH),
        scratch_types=[
            pltpu.VMEM((S, 128), jnp.int32),
            pltpu.VMEM((GDEPTH, 128), jnp.int32),
            pltpu.VMEM((GDEPTH * 128, PITCH), jnp.float32),
            pltpu.VMEM((2 * D, PITCH), jnp.float32),
            pltpu.SemaphoreType.DMA,
            pltpu.SemaphoreType.DMA,
        ],
        compiler_params=_PARAMS,
    )
    def gather(xT, lutC, out2d, idx_v, idx2_v, gbuf, obuf, sem_g, sem_o):
        w = _wid()
        c0 = w * 128
        pltpu.sync_copy(xT.at[:, pl.ds(c0, 128)], idx_v)

        iota = lax.iota(jnp.int32, 16)
        rot = [(iota + j) & 15 for j in range(16)]

        def stage(s):
            par = lax.rem(s, GDEPTH)
            for b in range(8):
                sl = pl.ds(b * 16, 16)
                idx2_v[par, sl] = lax.shift_right_logical(idx_v[s, sl], 1)
            pltpu.async_copy(lutC.at[idx2_v.at[par]],
                             gbuf.at[pl.ds(par * 128, 128), pl.ds(0, 128)],
                             sem_g)

        def wait_gather(par):
            pltpu.make_async_copy(lutC.at[pl.ds(0, 128)],
                                  gbuf.at[pl.ds(par * 128, 128), pl.ds(0, 128)],
                                  sem_g).wait()

        def wait_write(par):
            pltpu.make_async_copy(obuf.at[pl.ds(par * D, D), pl.ds(0, 128)],
                                  out2d.at[pl.ds(0, D), pl.ds(0, 128)],
                                  sem_o).wait()

        for s0 in range(GDEPTH - 1):
            stage(s0)

        def body(s, carry):
            par = lax.rem(s, GDEPTH)
            opar = lax.rem(s, 2)
            gbase = par * 128
            obase = opar * D

            @pl.when(s + GDEPTH - 1 < S)
            def _():
                stage(s + GDEPTH - 1)

            wait_gather(par)

            @pl.when(s >= 2)
            def _():
                wait_write(opar)

            def dtile(ri, c2):
                r0 = ri * 16
                grows = gbase + r0 + iota
                ocols = r0 + iota
                halfv = (idx_v[s, pl.ds(r0, 16)] & 1) * D
                for d0 in range(0, D, 16):
                    for j in range(16):
                        vals = plsc.load_gather(
                            gbuf, [grows, halfv + (d0 + rot[j])])
                        plsc.store_scatter(
                            obuf, [obase + d0 + rot[j], ocols],
                            vals * SCALE)
                return c2

            lax.fori_loop(0, 8, dtile, 0, unroll=2)

            pltpu.async_copy(obuf.at[pl.ds(obase, D), pl.ds(0, 128)],
                             out2d.at[pl.ds(s * D, D), pl.ds(c0, 128)], sem_o)
            return carry

        lax.fori_loop(0, S, body, 0)
        wait_write(lax.rem(S, 2))
        wait_write(lax.rem(S + 1, 2))

    return gather


def kernel(x, lut):
    Bt, S = x.shape
    xT = x.T.astype(jnp.int32)
    lutT = lut.T
    tailP = jnp.pad(lut[NFULL * 128:], ((0, 0), (0, 128 - D)))
    lutC = _detile_kernel()(lutT, tailP)
    out2d = _gather_kernel(S, Bt)(xT, lutC)
    return jnp.transpose(out2d.reshape(S, D, Bt), (2, 0, 1))

# --- scband reference (transcript-rebuilt; emitter-appended) ---
"""Pipeline reference for scband-embeddings-66829691125959 (READ-ONLY COPY).

The authoritative reference and input builder live on the scoring server;
editing this copy changes nothing except your own understanding.
"""

import jax, jax.numpy as jnp
import numpy as np
import math

D_MODEL = 64
VOCAB = 1000000

def setup_inputs(seed: int = 0) -> dict:
    key = jax.random.key(seed)
    k1, k2 = jax.random.split(key)
    x = jax.random.randint(k1, (4096, 200), 0, VOCAB, dtype=jnp.int64 if jax.config.jax_enable_x64 else jnp.int32)
    lut = jax.random.normal(k2, (VOCAB, D_MODEL), dtype=jnp.float32)
    return {"x": x, "lut": lut}

def reference(x, lut):
    # Embedding lookup followed by sqrt(d_model) scaling, matching torch module
    emb = jnp.take(lut, x, axis=0)  # (batch, seq_len, d_model)
    return emb * math.sqrt(D_MODEL)

if __name__ == "__main__":
    import jax
    _d = setup_inputs()
    print(jax.jit(kernel)(*tuple(_d.values())))

</pallas_src>

<mosaic_0001>
#map = affine_map<(d0, d1) -> (0, 0)>
module attributes {stable_mosaic.version = 14 : i64} {
  func.func @gather(%arg0: i32, %arg1: i32, %arg2: memref<200x4096xi32, #tpu.memory_space<hbm>>, %arg3: memref<500000x128xf32, #tpu.memory_space<hbm>>, %arg4: memref<12800x4096xf32, #tpu.memory_space<hbm>>, %arg5: memref<200x128xi32, #tpu.memory_space<vmem>>, %arg6: memref<4x128xi32, #tpu.memory_space<vmem>>, %arg7: memref<512x128xf32, #tpu.memory_space<vmem>>, %arg8: memref<128x128xf32, #tpu.memory_space<vmem>>, %arg9: memref<!tpu.dma_semaphore, #tpu.memory_space<semaphore_mem>>, %arg10: memref<!tpu.dma_semaphore, #tpu.memory_space<semaphore_mem>>) attributes {dimension_semantics = [#tpu.dimension_semantics<core_parallel>, #tpu.dimension_semantics<subcore_parallel>], iteration_bounds = array<i64: 2, 16>, scalar_prefetch = 0 : i64, scratch_operands = 6 : i64, tpu.core_type = #tpu.core_type<sc_vector_subcore>, window_params = [{transform_indices = #map}, {transform_indices = #map}, {transform_indices = #map}]} {
    %mul3A = arith.constant 2 : i32
    %mul3A_0 = arith.muli %arg1, %mul3A : i32
    %add3A = arith.addi %mul3A_0, %arg0 : i32
    %mul3A_1 = arith.constant 128 : i32
    %mul3A_2 = arith.muli %add3A, %mul3A_1 : i32
    "tpu.region"() ({
      %run_scoped3A = tpu.sem_alloc : memref<!tpu.dma_semaphore, #tpu.memory_space<semaphore_mem>>
      %dma_start3A_406 = arith.constant 0 : i32
      %dma_start3A_407 = tpu.memref_slice %arg2[%dma_start3A_406, %mul3A_2] : memref<200x4096xi32, #tpu.memory_space<hbm>> -> memref<200x128xi32, #tpu.memory_space<hbm>>
      %dma_start3A_408 = arith.constant 0 : i32
      %dma_start3A_409 = tpu.memref_slice %arg2[%dma_start3A_408, %mul3A_2] : memref<200x4096xi32, #tpu.memory_space<hbm>> -> memref<200x128xi32, #tpu.memory_space<hbm>>
      tpu.enqueue_dma source(%dma_start3A_409 : memref<200x128xi32, #tpu.memory_space<hbm>>) target(%arg5 : memref<200x128xi32, #tpu.memory_space<vmem>>) target_semaphore(%run_scoped3A : memref<!tpu.dma_semaphore, #tpu.memory_space<semaphore_mem>>)
      %dma_wait3A_410 = arith.constant 0 : i32
      %dma_wait3A_411 = tpu.memref_slice %arg2[%dma_wait3A_410, %mul3A_2] : memref<200x4096xi32, #tpu.memory_space<hbm>> -> memref<200x128xi32, #tpu.memory_space<hbm>>
      %dma_wait3A_412 = arith.constant 0 : i32
      %dma_wait3A_413 = tpu.memref_slice %arg2[%dma_wait3A_412, %mul3A_2] : memref<200x4096xi32, #tpu.memory_space<hbm>> -> memref<200x128xi32, #tpu.memory_space<hbm>>
      tpu.wait_dma2 semaphore(%run_scoped3A : memref<!tpu.dma_semaphore, #tpu.memory_space<semaphore_mem>>) src(%dma_wait3A_413 : memref<200x128xi32, #tpu.memory_space<hbm>>) dst(%arg5 : memref<200x128xi32, #tpu.memory_space<vmem>>)
      tpu.yield
    }) : () -> ()
    %iota3A = tpu.iota {dimensions = array<i32: 0>} : vector<16xi32>
    %add3A_3 = arith.constant 0 : i32
    %add3A_4 = vector.broadcast %add3A_3 : i32 to vector<16xi32>
    %add3A_5 = arith.addi %iota3A, %add3A_4 : vector<16xi32>
    %and3A = arith.constant 15 : i32
    %and3A_6 = vector.broadcast %and3A : i32 to vector<16xi32>
    %and3A_7 = arith.andi %add3A_5, %and3A_6 : vector<16xi32>
    %add3A_8 = arith.constant 1 : i32
    %add3A_9 = vector.broadcast %add3A_8 : i32 to vector<16xi32>
    %add3A_10 = arith.addi %iota3A, %add3A_9 : vector<16xi32>
    %and3A_11 = arith.constant 15 : i32
    %and3A_12 = vector.broadcast %and3A_11 : i32 to vector<16xi32>
    %and3A_13 = arith.andi %add3A_10, %and3A_12 : vector<16xi32>
    %add3A_14 = arith.constant 2 : i32
    %add3A_15 = vector.broadcast %add3A_14 : i32 to vector<16xi32>
    %add3A_16 = arith.addi %iota3A, %add3A_15 : vector<16xi32>
    %and3A_17 = arith.constant 15 : i32
    %and3A_18 = vector.broadcast %and3A_17 : i32 to vector<16xi32>
    %and3A_19 = arith.andi %add3A_16, %and3A_18 : vector<16xi32>
    %add3A_20 = arith.constant 3 : i32
    %add3A_21 = vector.broadcast %add3A_20 : i32 to vector<16xi32>
    %add3A_22 = arith.addi %iota3A, %add3A_21 : vector<16xi32>
    %and3A_23 = arith.constant 15 : i32
    %and3A_24 = vector.broadcast %and3A_23 : i32 to vector<16xi32>
    %and3A_25 = arith.andi %add3A_22, %and3A_24 : vector<16xi32>
    %add3A_26 = arith.constant 4 : i32
    %add3A_27 = vector.broadcast %add3A_26 : i32 to vector<16xi32>
    %add3A_28 = arith.addi %iota3A, %add3A_27 : vector<16xi32>
    %and3A_29 = arith.constant 15 : i32
    %and3A_30 = vector.broadcast %and3A_29 : i32 to vector<16xi32>
    %and3A_31 = arith.andi %add3A_28, %and3A_30 : vector<16xi32>
    %add3A_32 = arith.constant 5 : i32
    %add3A_33 = vector.broadcast %add3A_32 : i32 to vector<16xi32>
    %add3A_34 = arith.addi %iota3A, %add3A_33 : vector<16xi32>
    %and3A_35 = arith.constant 15 : i32
    %and3A_36 = vector.broadcast %and3A_35 : i32 to vector<16xi32>
    %and3A_37 = arith.andi %add3A_34, %and3A_36 : vector<16xi32>
    %add3A_38 = arith.constant 6 : i32
    %add3A_39 = vector.broadcast %add3A_38 : i32 to vector<16xi32>
    %add3A_40 = arith.addi %iota3A, %add3A_39 : vector<16xi32>
    %and3A_41 = arith.constant 15 : i32
    %and3A_42 = vector.broadcast %and3A_41 : i32 to vector<16xi32>
    %and3A_43 = arith.andi %add3A_40, %and3A_42 : vector<16xi32>
    %add3A_44 = arith.constant 7 : i32
    %add3A_45 = vector.broadcast %add3A_44 : i32 to vector<16xi32>
    %add3A_46 = arith.addi %iota3A, %add3A_45 : vector<16xi32>
    %and3A_47 = arith.constant 15 : i32
    %and3A_48 = vector.broadcast %and3A_47 : i32 to vector<16xi32>
    %and3A_49 = arith.andi %add3A_46, %and3A_48 : vector<16xi32>
    %add3A_50 = arith.constant 8 : i32
    %add3A_51 = vector.broadcast %add3A_50 : i32 to vector<16xi32>
    %add3A_52 = arith.addi %iota3A, %add3A_51 : vector<16xi32>
    %and3A_53 = arith.constant 15 : i32
    %and3A_54 = vector.broadcast %and3A_53 : i32 to vector<16xi32>
    %and3A_55 = arith.andi %add3A_52, %and3A_54 : vector<16xi32>
    %add3A_56 = arith.constant 9 : i32
    %add3A_57 = vector.broadcast %add3A_56 : i32 to vector<16xi32>
    %add3A_58 = arith.addi %iota3A, %add3A_57 : vector<16xi32>
    %and3A_59 = arith.constant 15 : i32
    %and3A_60 = vector.broadcast %and3A_59 : i32 to vector<16xi32>
    %and3A_61 = arith.andi %add3A_58, %and3A_60 : vector<16xi32>
    %add3A_62 = arith.constant 10 : i32
    %add3A_63 = vector.broadcast %add3A_62 : i32 to vector<16xi32>
    %add3A_64 = arith.addi %iota3A, %add3A_63 : vector<16xi32>
    %and3A_65 = arith.constant 15 : i32
    %and3A_66 = vector.broadcast %and3A_65 : i32 to vector<16xi32>
    %and3A_67 = arith.andi %add3A_64, %and3A_66 : vector<16xi32>
    %add3A_68 = arith.constant 11 : i32
    %add3A_69 = vector.broadcast %add3A_68 : i32 to vector<16xi32>
    %add3A_70 = arith.addi %iota3A, %add3A_69 : vector<16xi32>
    %and3A_71 = arith.constant 15 : i32
    %and3A_72 = vector.broadcast %and3A_71 : i32 to vector<16xi32>
    %and3A_73 = arith.andi %add3A_70, %and3A_72 : vector<16xi32>
    %add3A_74 = arith.constant 12 : i32
    %add3A_75 = vector.broadcast %add3A_74 : i32 to vector<16xi32>
    %add3A_76 = arith.addi %iota3A, %add3A_75 : vector<16xi32>
    %and3A_77 = arith.constant 15 : i32
    %and3A_78 = vector.broadcast %and3A_77 : i32 to vector<16xi32>
    %and3A_79 = arith.andi %add3A_76, %and3A_78 : vector<16xi32>
    %add3A_80 = arith.constant 13 : i32
    %add3A_81 = vector.broadcast %add3A_80 : i32 to vector<16xi32>
    %add3A_82 = arith.addi %iota3A, %add3A_81 : vector<16xi32>
    %and3A_83 = arith.constant 15 : i32
    %and3A_84 = vector.broadcast %and3A_83 : i32 to vector<16xi32>
    %and3A_85 = arith.andi %add3A_82, %and3A_84 : vector<16xi32>
    %add3A_86 = arith.constant 14 : i32
    %add3A_87 = vector.broadcast %add3A_86 : i32 to vector<16xi32>
    %add3A_88 = arith.addi %iota3A, %add3A_87 : vector<16xi32>
    %and3A_89 = arith.constant 15 : i32
    %and3A_90 = vector.broadcast %and3A_89 : i32 to vector<16xi32>
    %and3A_91 = arith.andi %add3A_88, %and3A_90 : vector<16xi32>
    %add3A_92 = arith.constant 15 : i32
    %add3A_93 = vector.broadcast %add3A_92 : i32 to vector<16xi32>
    %add3A_94 = arith.addi %iota3A, %add3A_93 : vector<16xi32>
    %and3A_95 = arith.constant 15 : i32
    %and3A_96 = vector.broadcast %and3A_95 : i32 to vector<16xi32>
    %and3A_97 = arith.andi %add3A_94, %and3A_96 : vector<16xi32>
    %rem3A = arith.constant 0 : i32
    %rem3A_98 = arith.constant 4 : i32
    %rem3A_99 = arith.remsi %rem3A, %rem3A_98 : i32
    %get3A = arith.constant 0 : i32
    %get3A_100 = arith.index_cast %get3A : i32 to index
    %get3A_101 = arith.constant 0 : index
    %get3A_102 = tpu.vector_load %arg5[%get3A_100, %get3A_101] {strides = array<i32>} : memref<200x128xi32, #tpu.memory_space<vmem>>, vector<16xi32>,
    %shift_right_logical3A = arith.constant 1 : i32
    %shift_right_logical3A_103 = vector.broadcast %shift_right_logical3A : i32 to vector<16xi32>
    %shift_right_logical3A_104 = arith.shrui %get3A_102, %shift_right_logical3A_103 : vector<16xi32>
    %swap3A = arith.index_cast %rem3A_99 : i32 to index
    %swap3A_105 = arith.constant 0 : index
    %swap3A_106 = tpu.vector_load %arg6[%swap3A, %swap3A_105] {strides = array<i32>} : memref<4x128xi32, #tpu.memory_space<vmem>>, vector<16xi32>,
    tpu.vector_store %arg6[%swap3A, %swap3A_105], %shift_right_logical3A_104 {strides = array<i32>} : memref<4x128xi32, #tpu.memory_space<vmem>>, vector<16xi32>,
    %get3A_107 = arith.constant 0 : i32
    %get3A_108 = arith.index_cast %get3A_107 : i32 to index
    %get3A_109 = arith.constant 16 : index
    %get3A_110 = tpu.vector_load %arg5[%get3A_108, %get3A_109] {strides = array<i32>} : memref<200x128xi32, #tpu.memory_space<vmem>>, vector<16xi32>,
    %shift_right_logical3A_111 = arith.constant 1 : i32
    %shift_right_logical3A_112 = vector.broadcast %shift_right_logical3A_111 : i32 to vector<16xi32>
    %shift_right_logical3A_113 = arith.shrui %get3A_110, %shift_right_logical3A_112 : vector<16xi32>
    %swap3A_114 = arith.index_cast %rem3A_99 : i32 to index
    %swap3A_115 = arith.constant 16 : index
    %swap3A_116 = tpu.vector_load %arg6[%swap3A_114, %swap3A_115] {strides = array<i32>} : memref<4x128xi32, #tpu.memory_space<vmem>>, vector<16xi32>,
    tpu.vector_store %arg6[%swap3A_114, %swap3A_115], %shift_right_logical3A_113 {strides = array<i32>} : memref<4x128xi32, #tpu.memory_space<vmem>>, vector<16xi32>,
    %get3A_117 = arith.constant 0 : i32
    %get3A_118 = arith.index_cast %get3A_117 : i32 to index
    %get3A_119 = arith.constant 32 : index
    %get3A_120 = tpu.vector_load %arg5[%get3A_118, %get3A_119] {strides = array<i32>} : memref<200x128xi32, #tpu.memory_space<vmem>>, vector<16xi32>,
    %shift_right_logical3A_121 = arith.constant 1 : i32
    %shift_right_logical3A_122 = vector.broadcast %shift_right_logical3A_121 : i32 to vector<16xi32>
    %shift_right_logical3A_123 = arith.shrui %get3A_120, %shift_right_logical3A_122 : vector<16xi32>
    %swap3A_124 = arith.index_cast %rem3A_99 : i32 to index
    %swap3A_125 = arith.constant 32 : index
    %swap3A_126 = tpu.vector_load %arg6[%swap3A_124, %swap3A_125] {strides = array<i32>} : memref<4x128xi32, #tpu.memory_space<vmem>>, vector<16xi32>,
    tpu.vector_store %arg6[%swap3A_124, %swap3A_125], %shift_right_logical3A_123 {strides = array<i32>} : memref<4x128xi32, #tpu.memory_space<vmem>>, vector<16xi32>,
    %get3A_127 = arith.constant 0 : i32
    %get3A_128 = arith.index_cast %get3A_127 : i32 to index
    %get3A_129 = arith.constant 48 : index
    %get3A_130 = tpu.vector_load %arg5[%get3A_128, %get3A_129] {strides = array<i32>} : memref<200x128xi32, #tpu.memory_space<vmem>>, vector<16xi32>,
    %shift_right_logical3A_131 = arith.constant 1 : i32
    %shift_right_logical3A_132 = vector.broadcast %shift_right_logical3A_131 : i32 to vector<16xi32>
    %shift_right_logical3A_133 = arith.shrui %get3A_130, %shift_right_logical3A_132 : vector<16xi32>
    %swap3A_134 = arith.index_cast %rem3A_99 : i32 to index
    %swap3A_135 = arith.constant 48 : index
    %swap3A_136 = tpu.vector_load %arg6[%swap3A_134, %swap3A_135] {strides = array<i32>} : memref<4x128xi32, #tpu.memory_space<vmem>>, vector<16xi32>,
    tpu.vector_store %arg6[%swap3A_134, %swap3A_135], %shift_right_logical3A_133 {strides = array<i32>} : memref<4x128xi32, #tpu.memory_space<vmem>>, vector<16xi32>,
    %get3A_137 = arith.constant 0 : i32
    %get3A_138 = arith.index_cast %get3A_137 : i32 to index
    %get3A_139 = arith.constant 64 : index
    %get3A_140 = tpu.vector_load %arg5[%get3A_138, %get3A_139] {strides = array<i32>} : memref<200x128xi32, #tpu.memory_space<vmem>>, vector<16xi32>,
    %shift_right_logical3A_141 = arith.constant 1 : i32
    %shift_right_logical3A_142 = vector.broadcast %shift_right_logical3A_141 : i32 to vector<16xi32>
    %shift_right_logical3A_143 = arith.shrui %get3A_140, %shift_right_logical3A_142 : vector<16xi32>
    %swap3A_144 = arith.index_cast %rem3A_99 : i32 to index
    %swap3A_145 = arith.constant 64 : index
    %swap3A_146 = tpu.vector_load %arg6[%swap3A_144, %swap3A_145] {strides = array<i32>} : memref<4x128xi32, #tpu.memory_space<vmem>>, vector<16xi32>,
    tpu.vector_store %arg6[%swap3A_144, %swap3A_145], %shift_right_logical3A_143 {strides = array<i32>} : memref<4x128xi32, #tpu.memory_space<vmem>>, vector<16xi32>,
    %get3A_147 = arith.constant 0 : i32
    %get3A_148 = arith.index_cast %get3A_147 : i32 to index
    %get3A_149 = arith.constant 80 : index
    %get3A_150 = tpu.vector_load %arg5[%get3A_148, %get3A_149] {strides = array<i32>} : memref<200x128xi32, #tpu.memory_space<vmem>>, vector<16xi32>,
    %shift_right_logical3A_151 = arith.constant 1 : i32
    %shift_right_logical3A_152 = vector.broadcast %shift_right_logical3A_151 : i32 to vector<16xi32>
    %shift_right_logical3A_153 = arith.shrui %get3A_150, %shift_right_logical3A_152 : vector<16xi32>
    %swap3A_154 = arith.index_cast %rem3A_99 : i32 to index
    %swap3A_155 = arith.constant 80 : index
    %swap3A_156 = tpu.vector_load %arg6[%swap3A_154, %swap3A_155] {strides = array<i32>} : memref<4x128xi32, #tpu.memory_space<vmem>>, vector<16xi32>,
    tpu.vector_store %arg6[%swap3A_154, %swap3A_155], %shift_right_logical3A_153 {strides = array<i32>} : memref<4x128xi32, #tpu.memory_space<vmem>>, vector<16xi32>,
    %get3A_157 = arith.constant 0 : i32
    %get3A_158 = arith.index_cast %get3A_157 : i32 to index
    %get3A_159 = arith.constant 96 : index
    %get3A_160 = tpu.vector_load %arg5[%get3A_158, %get3A_159] {strides = array<i32>} : memref<200x128xi32, #tpu.memory_space<vmem>>, vector<16xi32>,
    %shift_right_logical3A_161 = arith.constant 1 : i32
    %shift_right_logical3A_162 = vector.broadcast %shift_right_logical3A_161 : i32 to vector<16xi32>
    %shift_right_logical3A_163 = arith.shrui %get3A_160, %shift_right_logical3A_162 : vector<16xi32>
    %swap3A_164 = arith.index_cast %rem3A_99 : i32 to index
    %swap3A_165 = arith.constant 96 : index
    %swap3A_166 = tpu.vector_load %arg6[%swap3A_164, %swap3A_165] {strides = array<i32>} : memref<4x128xi32, #tpu.memory_space<vmem>>, vector<16xi32>,
    tpu.vector_store %arg6[%swap3A_164, %swap3A_165], %shift_right_logical3A_163 {strides = array<i32>} : memref<4x128xi32, #tpu.memory_space<vmem>>, vector<16xi32>,
    %get3A_167 = arith.constant 0 : i32
    %get3A_168 = arith.index_cast %get3A_167 : i32 to index
    %get3A_169 = arith.constant 112 : index
    %get3A_170 = tpu.vector_load %arg5[%get3A_168, %get3A_169] {strides = array<i32>} : memref<200x128xi32, #tpu.memory_space<vmem>>, vector<16xi32>,
    %shift_right_logical3A_171 = arith.constant 1 : i32
    %shift_right_logical3A_172 = vector.broadcast %shift_right_logical3A_171 : i32 to vector<16xi32>
    %shift_right_logical3A_173 = arith.shrui %get3A_170, %shift_right_logical3A_172 : vector<16xi32>
    %swap3A_174 = arith.index_cast %rem3A_99 : i32 to index
    %swap3A_175 = arith.constant 112 : index
    %swap3A_176 = tpu.vector_load %arg6[%swap3A_174, %swap3A_175] {strides = array<i32>} : memref<4x128xi32, #tpu.memory_space<vmem>>, vector<16xi32>,
    tpu.vector_store %arg6[%swap3A_174, %swap3A_175], %shift_right_logical3A_173 {strides = array<i32>} : memref<4x128xi32, #tpu.memory_space<vmem>>, vector<16xi32>,
    %mul3A_177 = arith.constant 128 : i32
    %mul3A_178 = arith.muli %rem3A_99, %mul3A_177 : i32
    %dma_start3A = arith.constant 0 : i32
    %dma_start3A_179 = tpu.memref_slice %arg7[%mul3A_178, %dma_start3A] : memref<512x128xf32, #tpu.memory_space<vmem>> -> memref<128x128xf32, #tpu.memory_space<vmem>>
    %dma_start3A_180 = arith.constant 0 : i32
    %dma_start3A_181 = tpu.memref_slice %arg6[%rem3A_99, %dma_start3A_180] : memref<4x128xi32, #tpu.memory_space<vmem>> -> memref<1x128xi32, #tpu.memory_space<vmem>>
    %dma_start3A_182 = tpu.memref_squeeze %dma_start3A_181 : memref<1x128xi32, #tpu.memory_space<vmem>> -> memref<128xi32, #tpu.memory_space<vmem>>
    %dma_start3A_183 = arith.constant 0 : i32
    %dma_start3A_184 = arith.constant 0 : i32
    %dma_start3A_185 = tpu.memref_slice %arg3[%dma_start3A_183, %dma_start3A_184] : memref<500000x128xf32, #tpu.memory_space<hbm>> -> memref<500000x128xf32, #tpu.memory_space<hbm>>
    tpu.enqueue_indirect_dma source(%dma_start3A_185 : memref<500000x128xf32, #tpu.memory_space<hbm>>) target(%dma_start3A_179 : memref<128x128xf32, #tpu.memory_space<vmem>>) offsets(%dma_start3A_182 : memref<128xi32, #tpu.memory_space<vmem>>) semaphore(%arg9 : memref<!tpu.dma_semaphore, #tpu.memory_space<semaphore_mem>>)
    %rem3A_186 = arith.constant 1 : i32
    %rem3A_187 = arith.constant 4 : i32
    %rem3A_188 = arith.remsi %rem3A_186, %rem3A_187 : i32
    %get3A_189 = arith.constant 1 : i32
    %get3A_190 = arith.index_cast %get3A_189 : i32 to index
    %get3A_191 = arith.constant 0 : index
    %get3A_192 = tpu.vector_load %arg5[%get3A_190, %get3A_191] {strides = array<i32>} : memref<200x128xi32, #tpu.memory_space<vmem>>, vector<16xi32>,
    %shift_right_logical3A_193 = arith.constant 1 : i32
    %shift_right_logical3A_194 = vector.broadcast %shift_right_logical3A_193 : i32 to vector<16xi32>
    %shift_right_logical3A_195 = arith.shrui %get3A_192, %shift_right_logical3A_194 : vector<16xi32>
    %swap3A_196 = arith.index_cast %rem3A_188 : i32 to index
    %swap3A_197 = arith.constant 0 : index
    %swap3A_198 = tpu.vector_load %arg6[%swap3A_196, %swap3A_197] {strides = array<i32>} : memref<4x128xi32, #tpu.memory_space<vmem>>, vector<16xi32>,
    tpu.vector_store %arg6[%swap3A_196, %swap3A_197], %shift_right_logical3A_195 {strides = array<i32>} : memref<4x128xi32, #tpu.memory_space<vmem>>, vector<16xi32>,
    %get3A_199 = arith.constant 1 : i32
    %get3A_200 = arith.index_cast %get3A_199 : i32 to index
    %get3A_201 = arith.constant 16 : index
    %get3A_202 = tpu.vector_load %arg5[%get3A_200, %get3A_201] {strides = array<i32>} : memref<200x128xi32, #tpu.memory_space<vmem>>, vector<16xi32>,
    %shift_right_logical3A_203 = arith.constant 1 : i32
    %shift_right_logical3A_204 = vector.broadcast %shift_right_logical3A_203 : i32 to vector<16xi32>
    %shift_right_logical3A_205 = arith.shrui %get3A_202, %shift_right_logical3A_204 : vector<16xi32>
    %swap3A_206 = arith.index_cast %rem3A_188 : i32 to index
    %swap3A_207 = arith.constant 16 : index
    %swap3A_208 = tpu.vector_load %arg6[%swap3A_206, %swap3A_207] {strides = array<i32>} : memref<4x128xi32, #tpu.memory_space<vmem>>, vector<16xi32>,
    tpu.vector_store %arg6[%swap3A_206, %swap3A_207], %shift_right_logical3A_205 {strides = array<i32>} : memref<4x128xi32, #tpu.memory_space<vmem>>, vector<16xi32>,
    %get3A_209 = arith.constant 1 : i32
    %get3A_210 = arith.index_cast %get3A_209 : i32 to index
    %get3A_211 = arith.constant 32 : index
    %get3A_212 = tpu.vector_load %arg5[%get3A_210, %get3A_211] {strides = array<i32>} : memref<200x128xi32, #tpu.memory_space<vmem>>, vector<16xi32>,
    %shift_right_logical3A_213 = arith.constant 1 : i32
    %shift_right_logical3A_214 = vector.broadcast %shift_right_logical3A_213 : i32 to vector<16xi32>
    %shift_right_logical3A_215 = arith.shrui %get3A_212, %shift_right_logical3A_214 : vector<16xi32>
    %swap3A_216 = arith.index_cast %rem3A_188 : i32 to index
    %swap3A_217 = arith.constant 32 : index
    %swap3A_218 = tpu.vector_load %arg6[%swap3A_216, %swap3A_217] {strides = array<i32>} : memref<4x128xi32, #tpu.memory_space<vmem>>, vector<16xi32>,
    tpu.vector_store %arg6[%swap3A_216, %swap3A_217], %shift_right_logical3A_215 {strides = array<i32>} : memref<4x128xi32, #tpu.memory_space<vmem>>, vector<16xi32>,
    %get3A_219 = arith.constant 1 : i32
    %get3A_220 = arith.index_cast %get3A_219 : i32 to index
    %get3A_221 = arith.constant 48 : index
    %get3A_222 = tpu.vector_load %arg5[%get3A_220, %get3A_221] {strides = array<i32>} : memref<200x128xi32, #tpu.memory_space<vmem>>, vector<16xi32>,
    %shift_right_logical3A_223 = arith.constant 1 : i32
    %shift_right_logical3A_224 = vector.broadcast %shift_right_logical3A_223 : i32 to vector<16xi32>
    %shift_right_logical3A_225 = arith.shrui %get3A_222, %shift_right_logical3A_224 : vector<16xi32>
    %swap3A_226 = arith.index_cast %rem3A_188 : i32 to index
    %swap3A_227 = arith.constant 48 : index
    %swap3A_228 = tpu.vector_load %arg6[%swap3A_226, %swap3A_227] {strides = array<i32>} : memref<4x128xi32, #tpu.memory_space<vmem>>, vector<16xi32>,
    tpu.vector_store %arg6[%swap3A_226, %swap3A_227], %shift_right_logical3A_225 {strides = array<i32>} : memref<4x128xi32, #tpu.memory_space<vmem>>, vector<16xi32>,
    %get3A_229 = arith.constant 1 : i32
    %get3A_230 = arith.index_cast %get3A_229 : i32 to index
    %get3A_231 = arith.constant 64 : index
    %get3A_232 = tpu.vector_load %arg5[%get3A_230, %get3A_231] {strides = array<i32>} : memref<200x128xi32, #tpu.memory_space<vmem>>, vector<16xi32>,
    %shift_right_logical3A_233 = arith.constant 1 : i32
    %shift_right_logical3A_234 = vector.broadcast %shift_right_logical3A_233 : i32 to vector<16xi32>
    %shift_right_logical3A_235 = arith.shrui %get3A_232, %shift_right_logical3A_234 : vector<16xi32>
    %swap3A_236 = arith.index_cast %rem3A_188 : i32 to index
    %swap3A_237 = arith.constant 64 : index
    %swap3A_238 = tpu.vector_load %arg6[%swap3A_236, %swap3A_237] {strides = array<i32>} : memref<4x128xi32, #tpu.memory_space<vmem>>, vector<16xi32>,
    tpu.vector_store %arg6[%swap3A_236, %swap3A_237], %shift_right_logical3A_235 {strides = array<i32>} : memref<4x128xi32, #tpu.memory_space<vmem>>, vector<16xi32>,
    %get3A_239 = arith.constant 1 : i32
    %get3A_240 = arith.index_cast %get3A_239 : i32 to index
    %get3A_241 = arith.constant 80 : index
    %get3A_242 = tpu.vector_load %arg5[%get3A_240, %get3A_241] {strides = array<i32>} : memref<200x128xi32, #tpu.memory_space<vmem>>, vector<16xi32>,
    %shift_right_logical3A_243 = arith.constant 1 : i32
    %shift_right_logical3A_244 = vector.broadcast %shift_right_logical3A_243 : i32 to vector<16xi32>
    %shift_right_logical3A_245 = arith.shrui %get3A_242, %shift_right_logical3A_244 : vector<16xi32>
    %swap3A_246 = arith.index_cast %rem3A_188 : i32 to index
    %swap3A_247 = arith.constant 80 : index
    %swap3A_248 = tpu.vector_load %arg6[%swap3A_246, %swap3A_247] {strides = array<i32>} : memref<4x128xi32, #tpu.memory_space<vmem>>, vector<16xi32>,
    tpu.vector_store %arg6[%swap3A_246, %swap3A_247], %shift_right_logical3A_245 {strides = array<i32>} : memref<4x128xi32, #tpu.memory_space<vmem>>, vector<16xi32>,
    %get3A_249 = arith.constant 1 : i32
    %get3A_250 = arith.index_cast %get3A_249 : i32 to index
    %get3A_251 = arith.constant 96 : index
    %get3A_252 = tpu.vector_load %arg5[%get3A_250, %get3A_251] {strides = array<i32>} : memref<200x128xi32, #tpu.memory_space<vmem>>, vector<16xi32>,
    %shift_right_logical3A_253 = arith.constant 1 : i32
    %shift_right_logical3A_254 = vector.broadcast %shift_right_logical3A_253 : i32 to vector<16xi32>
    %shift_right_logical3A_255 = arith.shrui %get3A_252, %shift_right_logical3A_254 : vector<16xi32>
    %swap3A_256 = arith.index_cast %rem3A_188 : i32 to index
    %swap3A_257 = arith.constant 96 : index
    %swap3A_258 = tpu.vector_load %arg6[%swap3A_256, %swap3A_257] {strides = array<i32>} : memref<4x128xi32, #tpu.memory_space<vmem>>, vector<16xi32>,
    tpu.vector_store %arg6[%swap3A_256, %swap3A_257], %shift_right_logical3A_255 {strides = array<i32>} : memref<4x128xi32, #tpu.memory_space<vmem>>, vector<16xi32>,
    %get3A_259 = arith.constant 1 : i32
    %get3A_260 = arith.index_cast %get3A_259 : i32 to index
    %get3A_261 = arith.constant 112 : index
    %get3A_262 = tpu.vector_load %arg5[%get3A_260, %get3A_261] {strides = array<i32>} : memref<200x128xi32, #tpu.memory_space<vmem>>, vector<16xi32>,
    %shift_right_logical3A_263 = arith.constant 1 : i32
    %shift_right_logical3A_264 = vector.broadcast %shift_right_logical3A_263 : i32 to vector<16xi32>
    %shift_right_logical3A_265 = arith.shrui %get3A_262, %shift_right_logical3A_264 : vector<16xi32>
    %swap3A_266 = arith.index_cast %rem3A_188 : i32 to index
    %swap3A_267 = arith.constant 112 : index
    %swap3A_268 = tpu.vector_load %arg6[%swap3A_266, %swap3A_267] {strides = array<i32>} : memref<4x128xi32, #tpu.memory_space<vmem>>, vector<16xi32>,
    tpu.vector_store %arg6[%swap3A_266, %swap3A_267], %shift_right_logical3A_265 {strides = array<i32>} : memref<4x128xi32, #tpu.memory_space<vmem>>, vector<16xi32>,
    %mul3A_269 = arith.constant 128 : i32
    %mul3A_270 = arith.muli %rem3A_188, %mul3A_269 : i32
    %dma_start3A_271 = arith.constant 0 : i32
    %dma_start3A_272 = tpu.memref_slice %arg7[%mul3A_270, %dma_start3A_271] : memref<512x128xf32, #tpu.memory_space<vmem>> -> memref<128x128xf32, #tpu.memory_space<vmem>>
    %dma_start3A_273 = arith.constant 0 : i32
    %dma_start3A_274 = tpu.memref_slice %arg6[%rem3A_188, %dma_start3A_273] : memref<4x128xi32, #tpu.memory_space<vmem>> -> memref<1x128xi32, #tpu.memory_space<vmem>>
    %dma_start3A_275 = tpu.memref_squeeze %dma_start3A_274 : memref<1x128xi32, #tpu.memory_space<vmem>> -> memref<128xi32, #tpu.memory_space<vmem>>
    %dma_start3A_276 = arith.constant 0 : i32
    %dma_start3A_277 = arith.constant 0 : i32
    %dma_start3A_278 = tpu.memref_slice %arg3[%dma_start3A_276, %dma_start3A_277] : memref<500000x128xf32, #tpu.memory_space<hbm>> -> memref<500000x128xf32, #tpu.memory_space<hbm>>
    tpu.enqueue_indirect_dma source(%dma_start3A_278 : memref<500000x128xf32, #tpu.memory_space<hbm>>) target(%dma_start3A_272 : memref<128x128xf32, #tpu.memory_space<vmem>>) offsets(%dma_start3A_275 : memref<128xi32, #tpu.memory_space<vmem>>) semaphore(%arg9 : memref<!tpu.dma_semaphore, #tpu.memory_space<semaphore_mem>>)
    %rem3A_279 = arith.constant 2 : i32
    %rem3A_280 = arith.constant 4 : i32
    %rem3A_281 = arith.remsi %rem3A_279, %rem3A_280 : i32
    %get3A_282 = arith.constant 2 : i32
    %get3A_283 = arith.index_cast %get3A_282 : i32 to index
    %get3A_284 = arith.constant 0 : index
    %get3A_285 = tpu.vector_load %arg5[%get3A_283, %get3A_284] {strides = array<i32>} : memref<200x128xi32, #tpu.memory_space<vmem>>, vector<16xi32>,
    %shift_right_logical3A_286 = arith.constant 1 : i32
    %shift_right_logical3A_287 = vector.broadcast %shift_right_logical3A_286 : i32 to vector<16xi32>
    %shift_right_logical3A_288 = arith.shrui %get3A_285, %shift_right_logical3A_287 : vector<16xi32>
    %swap3A_289 = arith.index_cast %rem3A_281 : i32 to index
    %swap3A_290 = arith.constant 0 : index
    %swap3A_291 = tpu.vector_load %arg6[%swap3A_289, %swap3A_290] {strides = array<i32>} : memref<4x128xi32, #tpu.memory_space<vmem>>, vector<16xi32>,
    tpu.vector_store %arg6[%swap3A_289, %swap3A_290], %shift_right_logical3A_288 {strides = array<i32>} : memref<4x128xi32, #tpu.memory_space<vmem>>, vector<16xi32>,
    %get3A_292 = arith.constant 2 : i32
    %get3A_293 = arith.index_cast %get3A_292 : i32 to index
    %get3A_294 = arith.constant 16 : index
    %get3A_295 = tpu.vector_load %arg5[%get3A_293, %get3A_294] {strides = array<i32>} : memref<200x128xi32, #tpu.memory_space<vmem>>, vector<16xi32>,
    %shift_right_logical3A_296 = arith.constant 1 : i32
    %shift_right_logical3A_297 = vector.broadcast %shift_right_logical3A_296 : i32 to vector<16xi32>
    %shift_right_logical3A_298 = arith.shrui %get3A_295, %shift_right_logical3A_297 : vector<16xi32>
    %swap3A_299 = arith.index_cast %rem3A_281 : i32 to index
    %swap3A_300 = arith.constant 16 : index
    %swap3A_301 = tpu.vector_load %arg6[%swap3A_299, %swap3A_300] {strides = array<i32>} : memref<4x128xi32, #tpu.memory_space<vmem>>, vector<16xi32>,
    tpu.vector_store %arg6[%swap3A_299, %swap3A_300], %shift_right_logical3A_298 {strides = array<i32>} : memref<4x128xi32, #tpu.memory_space<vmem>>, vector<16xi32>,
    %get3A_302 = arith.constant 2 : i32
    %get3A_303 = arith.index_cast %get3A_302 : i32 to index
    %get3A_304 = arith.constant 32 : index
    %get3A_305 = tpu.vector_load %arg5[%get3A_303, %get3A_304] {strides = array<i32>} : memref<200x128xi32, #tpu.memory_space<vmem>>, vector<16xi32>,
    %shift_right_logical3A_306 = arith.constant 1 : i32
    %shift_right_logical3A_307 = vector.broadcast %shift_right_logical3A_306 : i32 to vector<16xi32>
    %shift_right_logical3A_308 = arith.shrui %get3A_305, %shift_right_logical3A_307 : vector<16xi32>
    %swap3A_309 = arith.index_cast %rem3A_281 : i32 to index
    %swap3A_310 = arith.constant 32 : index
    %swap3A_311 = tpu.vector_load %arg6[%swap3A_309, %swap3A_310] {strides = array<i32>} : memref<4x128xi32, #tpu.memory_space<vmem>>, vector<16xi32>,
    tpu.vector_store %arg6[%swap3A_309, %swap3A_310], %shift_right_logical3A_308 {strides = array<i32>} : memref<4x128xi32, #tpu.memory_space<vmem>>, vector<16xi32>,
    %get3A_312 = arith.constant 2 : i32
    %get3A_313 = arith.index_cast %get3A_312 : i32 to index
    %get3A_314 = arith.constant 48 : index
    %get3A_315 = tpu.vector_load %arg5[%get3A_313, %get3A_314] {strides = array<i32>} : memref<200x128xi32, #tpu.memory_space<vmem>>, vector<16xi32>,
    %shift_right_logical3A_316 = arith.constant 1 : i32
    %shift_right_logical3A_317 = vector.broadcast %shift_right_logical3A_316 : i32 to vector<16xi32>
    %shift_right_logical3A_318 = arith.shrui %get3A_315, %shift_right_logical3A_317 : vector<16xi32>
    %swap3A_319 = arith.index_cast %rem3A_281 : i32 to index
    %swap3A_320 = arith.constant 48 : index
    %swap3A_321 = tpu.vector_load %arg6[%swap3A_319, %swap3A_320] {strides = array<i32>} : memref<4x128xi32, #tpu.memory_space<vmem>>, vector<16xi32>,
    tpu.vector_store %arg6[%swap3A_319, %swap3A_320], %shift_right_logical3A_318 {strides = array<i32>} : memref<4x128xi32, #tpu.memory_space<vmem>>, vector<16xi32>,
    %get3A_322 = arith.constant 2 : i32
    %get3A_323 = arith.index_cast %get3A_322 : i32 to index
    %get3A_324 = arith.constant 64 : index
    %get3A_325 = tpu.vector_load %arg5[%get3A_323, %get3A_324] {strides = array<i32>} : memref<200x128xi32, #tpu.memory_space<vmem>>, vector<16xi32>,
    %shift_right_logical3A_326 = arith.constant 1 : i32
    %shift_right_logical3A_327 = vector.broadcast %shift_right_logical3A_326 : i32 to vector<16xi32>
    %shift_right_logical3A_328 = arith.shrui %get3A_325, %shift_right_logical3A_327 : vector<16xi32>
    %swap3A_329 = arith.index_cast %rem3A_281 : i32 to index
    %swap3A_330 = arith.constant 64 : index
    %swap3A_331 = tpu.vector_load %arg6[%swap3A_329, %swap3A_330] {strides = array<i32>} : memref<4x128xi32, #tpu.memory_space<vmem>>, vector<16xi32>,
    tpu.vector_store %arg6[%swap3A_329, %swap3A_330], %shift_right_logical3A_328 {strides = array<i32>} : memref<4x128xi32, #tpu.memory_space<vmem>>, vector<16xi32>,
    %get3A_332 = arith.constant 2 : i32
    %get3A_333 = arith.index_cast %get3A_332 : i32 to index
    %get3A_334 = arith.constant 80 : index
    %get3A_335 = tpu.vector_load %arg5[%get3A_333, %get3A_334] {strides = array<i32>} : memref<200x128xi32, #tpu.memory_space<vmem>>, vector<16xi32>,
    %shift_right_logical3A_336 = arith.constant 1 : i32
    %shift_right_logical3A_337 = vector.broadcast %shift_right_logical3A_336 : i32 to vector<16xi32>
    %shift_right_logical3A_338 = arith.shrui %get3A_335, %shift_right_logical3A_337 : vector<16xi32>
    %swap3A_339 = arith.index_cast %rem3A_281 : i32 to index
    %swap3A_340 = arith.constant 80 : index
    %swap3A_341 = tpu.vector_load %arg6[%swap3A_339, %swap3A_340] {strides = array<i32>} : memref<4x128xi32, #tpu.memory_space<vmem>>, vector<16xi32>,
    tpu.vector_store %arg6[%swap3A_339, %swap3A_340], %shift_right_logical3A_338 {strides = array<i32>} : memref<4x128xi32, #tpu.memory_space<vmem>>, vector<16xi32>,
    %get3A_342 = arith.constant 2 : i32
    %get3A_343 = arith.index_cast %get3A_342 : i32 to index
    %get3A_344 = arith.constant 96 : index
    %get3A_345 = tpu.vector_load %arg5[%get3A_343, %get3A_344] {strides = array<i32>} : memref<200x128xi32, #tpu.memory_space<vmem>>, vector<16xi32>,
    %shift_right_logical3A_346 = arith.constant 1 : i32
    %shift_right_logical3A_347 = vector.broadcast %shift_right_logical3A_346 : i32 to vector<16xi32>
    %shift_right_logical3A_348 = arith.shrui %get3A_345, %shift_right_logical3A_347 : vector<16xi32>
    %swap3A_349 = arith.index_cast %rem3A_281 : i32 to index
    %swap3A_350 = arith.constant 96 : index
    %swap3A_351 = tpu.vector_load %arg6[%swap3A_349, %swap3A_350] {strides = array<i32>} : memref<4x128xi32, #tpu.memory_space<vmem>>, vector<16xi32>,
    tpu.vector_store %arg6[%swap3A_349, %swap3A_350], %shift_right_logical3A_348 {strides = array<i32>} : memref<4x128xi32, #tpu.memory_space<vmem>>, vector<16xi32>,
    %get3A_352 = arith.constant 2 : i32
    %get3A_353 = arith.index_cast %get3A_352 : i32 to index
    %get3A_354 = arith.constant 112 : index
    %get3A_355 = tpu.vector_load %arg5[%get3A_353, %get3A_354] {strides = array<i32>} : memref<200x128xi32, #tpu.memory_space<vmem>>, vector<16xi32>,
    %shift_right_logical3A_356 = arith.constant 1 : i32
    %shift_right_logical3A_357 = vector.broadcast %shift_right_logical3A_356 : i32 to vector<16xi32>
    %shift_right_logical3A_358 = arith.shrui %get3A_355, %shift_right_logical3A_357 : vector<16xi32>
    %swap3A_359 = arith.index_cast %rem3A_281 : i32 to index
    %swap3A_360 = arith.constant 112 : index
    %swap3A_361 = tpu.vector_load %arg6[%swap3A_359, %swap3A_360] {strides = array<i32>} : memref<4x128xi32, #tpu.memory_space<vmem>>, vector<16xi32>,
    tpu.vector_store %arg6[%swap3A_359, %swap3A_360], %shift_right_logical3A_358 {strides = array<i32>} : memref<4x128xi32, #tpu.memory_space<vmem>>, vector<16xi32>,
    %mul3A_362 = arith.constant 128 : i32
    %mul3A_363 = arith.muli %rem3A_281, %mul3A_362 : i32
    %dma_start3A_364 = arith.constant 0 : i32
    %dma_start3A_365 = tpu.memref_slice %arg7[%mul3A_363, %dma_start3A_364] : memref<512x128xf32, #tpu.memory_space<vmem>> -> memref<128x128xf32, #tpu.memory_space<vmem>>
    %dma_start3A_366 = arith.constant 0 : i32
    %dma_start3A_367 = tpu.memref_slice %arg6[%rem3A_281, %dma_start3A_366] : memref<4x128xi32, #tpu.memory_space<vmem>> -> memref<1x128xi32, #tpu.memory_space<vmem>>
    %dma_start3A_368 = tpu.memref_squeeze %dma_start3A_367 : memref<1x128xi32, #tpu.memory_space<vmem>> -> memref<128xi32, #tpu.memory_space<vmem>>
    %dma_start3A_369 = arith.constant 0 : i32
    %dma_start3A_370 = arith.constant 0 : i32
    %dma_start3A_371 = tpu.memref_slice %arg3[%dma_start3A_369, %dma_start3A_370] : memref<500000x128xf32, #tpu.memory_space<hbm>> -> memref<500000x128xf32, #tpu.memory_space<hbm>>
    tpu.enqueue_indirect_dma source(%dma_start3A_371 : memref<500000x128xf32, #tpu.memory_space<hbm>>) target(%dma_start3A_365 : memref<128x128xf32, #tpu.memory_space<vmem>>) offsets(%dma_start3A_368 : memref<128xi32, #tpu.memory_space<vmem>>) semaphore(%arg9 : memref<!tpu.dma_semaphore, #tpu.memory_space<semaphore_mem>>)
    %scan3A = arith.constant 0 : i32
    %scan3A_372 = arith.constant 0 : i32
    %scan3A_373 = arith.constant 200 : i32
    %scan3A_374 = arith.addi %scan3A_372, %scan3A_373 : i32
    %scan3A_375 = arith.constant 1 : i32
    scf.for %scan3A_406 = %scan3A_372 to %scan3A_374 step %scan3A_375  : i32 {
      %rem3A_407 = arith.constant 4 : i32
      %rem3A_408 = arith.remsi %scan3A_406, %rem3A_407 : i32
      %rem3A_409 = arith.constant 2 : i32
      %rem3A_410 = arith.remsi %scan3A_406, %rem3A_409 : i32
      %mul3A_411 = arith.constant 128 : i32
      %mul3A_412 = arith.muli %rem3A_408, %mul3A_411 : i32
      %mul3A_413 = arith.constant 64 : i32
      %mul3A_414 = arith.muli %rem3A_410, %mul3A_413 : i32
      %add3A_415 = arith.constant 4 : i32
      %add3A_416 = arith.addi %scan3A_406, %add3A_415 : i32
      %sub3A = arith.constant 1 : i32
      %sub3A_417 = arith.subi %add3A_416, %sub3A : i32
      %lt3A = arith.constant 200 : i32
      %lt3A_418 = arith.cmpi slt, %sub3A_417, %lt3A : i32
      %convert_element_type3A = arith.extui %lt3A_418 : i1 to i32
      %cond3A = arith.constant 0 : i32
      %cond3A_419 = arith.cmpi ne, %convert_element_type3A, %cond3A : i32
      scf.if %cond3A_419 {
        %add3A_450 = arith.constant 4 : i32
        %add3A_451 = arith.addi %scan3A_406, %add3A_450 : i32
        %sub3A_452 = arith.constant 1 : i32
        %sub3A_453 = arith.subi %add3A_451, %sub3A_452 : i32
        %rem3A_454 = arith.constant 4 : i32
        %rem3A_455 = arith.remsi %sub3A_453, %rem3A_454 : i32
        %get3A_456 = arith.index_cast %sub3A_453 : i32 to index
        %get3A_457 = arith.constant 0 : index
        %get3A_458 = tpu.vector_load %arg5[%get3A_456, %get3A_457] {strides = array<i32>} : memref<200x128xi32, #tpu.memory_space<vmem>>, vector<16xi32>,
        %shift_right_logical3A_459 = arith.constant 1 : i32
        %shift_right_logical3A_460 = vector.broadcast %shift_right_logical3A_459 : i32 to vector<16xi32>
        %shift_right_logical3A_461 = arith.shrui %get3A_458, %shift_right_logical3A_460 : vector<16xi32>
        %swap3A_462 = arith.index_cast %rem3A_455 : i32 to index
        %swap3A_463 = arith.constant 0 : index
        %swap3A_464 = tpu.vector_load %arg6[%swap3A_462, %swap3A_463] {strides = array<i32>} : memref<4x128xi32, #tpu.memory_space<vmem>>, vector<16xi32>,
        tpu.vector_store %arg6[%swap3A_462, %swap3A_463], %shift_right_logical3A_461 {strides = array<i32>} : memref<4x128xi32, #tpu.memory_space<vmem>>, vector<16xi32>,
        %get3A_465 = arith.index_cast %sub3A_453 : i32 to index
        %get3A_466 = arith.constant 16 : index
        %get3A_467 = tpu.vector_load %arg5[%get3A_465, %get3A_466] {strides = array<i32>} : memref<200x128xi32, #tpu.memory_space<vmem>>, vector<16xi32>,
        %shift_right_logical3A_468 = arith.constant 1 : i32
        %shift_right_logical3A_469 = vector.broadcast %shift_right_logical3A_468 : i32 to vector<16xi32>
        %shift_right_logical3A_470 = arith.shrui %get3A_467, %shift_right_logical3A_469 : vector<16xi32>
        %swap3A_471 = arith.index_cast %rem3A_455 : i32 to index
        %swap3A_472 = arith.constant 16 : index
        %swap3A_473 = tpu.vector_load %arg6[%swap3A_471, %swap3A_472] {strides = array<i32>} : memref<4x128xi32, #tpu.memory_space<vmem>>, vector<16xi32>,
        tpu.vector_store %arg6[%swap3A_471, %swap3A_472], %shift_right_logical3A_470 {strides = array<i32>} : memref<4x128xi32, #tpu.memory_space<vmem>>, vector<16xi32>,
        %get3A_474 = arith.index_cast %sub3A_453 : i32 to index
        %get3A_475 = arith.constant 32 : index
        %get3A_476 = tpu.vector_load %arg5[%get3A_474, %get3A_475] {strides = array<i32>} : memref<200x128xi32, #tpu.memory_space<vmem>>, vector<16xi32>,
        %shift_right_logical3A_477 = arith.constant 1 : i32
        %shift_right_logical3A_478 = vector.broadcast %shift_right_logical3A_477 : i32 to vector<16xi32>
        %shift_right_logical3A_479 = arith.shrui %get3A_476, %shift_right_logical3A_478 : vector<16xi32>
        %swap3A_480 = arith.index_cast %rem3A_455 : i32 to index
        %swap3A_481 = arith.constant 32 : index
        %swap3A_482 = tpu.vector_load %arg6[%swap3A_480, %swap3A_481] {strides = array<i32>} : memref<4x128xi32, #tpu.memory_space<vmem>>, vector<16xi32>,
        tpu.vector_store %arg6[%swap3A_480, %swap3A_481], %shift_right_logical3A_479 {strides = array<i32>} : memref<4x128xi32, #tpu.memory_space<vmem>>, vector<16xi32>,
        %get3A_483 = arith.index_cast %sub3A_453 : i32 to index
        %get3A_484 = arith.constant 48 : index
        %get3A_485 = tpu.vector_load %arg5[%get3A_483, %get3A_484] {strides = array<i32>} : memref<200x128xi32, #tpu.memory_space<vmem>>, vector<16xi32>,
        %shift_right_logical3A_486 = arith.constant 1 : i32
        %shift_right_logical3A_487 = vector.broadcast %shift_right_logical3A_486 : i32 to vector<16xi32>
        %shift_right_logical3A_488 = arith.shrui %get3A_485, %shift_right_logical3A_487 : vector<16xi32>
        %swap3A_489 = arith.index_cast %rem3A_455 : i32 to index
        %swap3A_490 = arith.constant 48 : index
        %swap3A_491 = tpu.vector_load %arg6[%swap3A_489, %swap3A_490] {strides = array<i32>} : memref<4x128xi32, #tpu.memory_space<vmem>>, vector<16xi32>,
        tpu.vector_store %arg6[%swap3A_489, %swap3A_490], %shift_right_logical3A_488 {strides = array<i32>} : memref<4x128xi32, #tpu.memory_space<vmem>>, vector<16xi32>,
        %get3A_492 = arith.index_cast %sub3A_453 : i32 to index
        %get3A_493 = arith.constant 64 : index
        %get3A_494 = tpu.vector_load %arg5[%get3A_492, %get3A_493] {strides = array<i32>} : memref<200x128xi32, #tpu.memory_space<vmem>>, vector<16xi32>,
        %shift_right_logical3A_495 = arith.constant 1 : i32
        %shift_right_logical3A_496 = vector.broadcast %shift_right_logical3A_495 : i32 to vector<16xi32>
        %shift_right_logical3A_497 = arith.shrui %get3A_494, %shift_right_logical3A_496 : vector<16xi32>
        %swap3A_498 = arith.index_cast %rem3A_455 : i32 to index
        %swap3A_499 = arith.constant 64 : index
        %swap3A_500 = tpu.vector_load %arg6[%swap3A_498, %swap3A_499] {strides = array<i32>} : memref<4x128xi32, #tpu.memory_space<vmem>>, vector<16xi32>,
        tpu.vector_store %arg6[%swap3A_498, %swap3A_499], %shift_right_logical3A_497 {strides = array<i32>} : memref<4x128xi32, #tpu.memory_space<vmem>>, vector<16xi32>,
        %get3A_501 = arith.index_cast %sub3A_453 : i32 to index
        %get3A_502 = arith.constant 80 : index
        %get3A_503 = tpu.vector_load %arg5[%get3A_501, %get3A_502] {strides = array<i32>} : memref<200x128xi32, #tpu.memory_space<vmem>>, vector<16xi32>,
        %shift_right_logical3A_504 = arith.constant 1 : i32
        %shift_right_logical3A_505 = vector.broadcast %shift_right_logical3A_504 : i32 to vector<16xi32>
        %shift_right_logical3A_506 = arith.shrui %get3A_503, %shift_right_logical3A_505 : vector<16xi32>
        %swap3A_507 = arith.index_cast %rem3A_455 : i32 to index
        %swap3A_508 = arith.constant 80 : index
        %swap3A_509 = tpu.vector_load %arg6[%swap3A_507, %swap3A_508] {strides = array<i32>} : memref<4x128xi32, #tpu.memory_space<vmem>>, vector<16xi32>,
        tpu.vector_store %arg6[%swap3A_507, %swap3A_508], %shift_right_logical3A_506 {strides = array<i32>} : memref<4x128xi32, #tpu.memory_space<vmem>>, vector<16xi32>,
        %get3A_510 = arith.index_cast %sub3A_453 : i32 to index
        %get3A_511 = arith.constant 96 : index
        %get3A_512 = tpu.vector_load %arg5[%get3A_510, %get3A_511] {strides = array<i32>} : memref<200x128xi32, #tpu.memory_space<vmem>>, vector<16xi32>,
        %shift_right_logical3A_513 = arith.constant 1 : i32
        %shift_right_logical3A_514 = vector.broadcast %shift_right_logical3A_513 : i32 to vector<16xi32>
        %shift_right_logical3A_515 = arith.shrui %get3A_512, %shift_right_logical3A_514 : vector<16xi32>
        %swap3A_516 = arith.index_cast %rem3A_455 : i32 to index
        %swap3A_517 = arith.constant 96 : index
        %swap3A_518 = tpu.vector_load %arg6[%swap3A_516, %swap3A_517] {strides = array<i32>} : memref<4x128xi32, #tpu.memory_space<vmem>>, vector<16xi32>,
        tpu.vector_store %arg6[%swap3A_516, %swap3A_517], %shift_right_logical3A_515 {strides = array<i32>} : memref<4x128xi32, #tpu.memory_space<vmem>>, vector<16xi32>,
        %get3A_519 = arith.index_cast %sub3A_453 : i32 to index
        %get3A_520 = arith.constant 112 : index
        %get3A_521 = tpu.vector_load %arg5[%get3A_519, %get3A_520] {strides = array<i32>} : memref<200x128xi32, #tpu.memory_space<vmem>>, vector<16xi32>,
        %shift_right_logical3A_522 = arith.constant 1 : i32
        %shift_right_logical3A_523 = vector.broadcast %shift_right_logical3A_522 : i32 to vector<16xi32>
        %shift_right_logical3A_524 = arith.shrui %get3A_521, %shift_right_logical3A_523 : vector<16xi32>
        %swap3A_525 = arith.index_cast %rem3A_455 : i32 to index
        %swap3A_526 = arith.constant 112 : index
        %swap3A_527 = tpu.vector_load %arg6[%swap3A_525, %swap3A_526] {strides = array<i32>} : memref<4x128xi32, #tpu.memory_space<vmem>>, vector<16xi32>,
        tpu.vector_store %arg6[%swap3A_525, %swap3A_526], %shift_right_logical3A_524 {strides = array<i32>} : memref<4x128xi32, #tpu.memory_space<vmem>>, vector<16xi32>,
        %mul3A_528 = arith.constant 128 : i32
        %mul3A_529 = arith.muli %rem3A_455, %mul3A_528 : i32
        %dma_start3A_530 = arith.constant 0 : i32
        %dma_start3A_531 = tpu.memref_slice %arg7[%mul3A_529, %dma_start3A_530] : memref<512x128xf32, #tpu.memory_space<vmem>> -> memref<128x128xf32, #tpu.memory_space<vmem>>
        %dma_start3A_532 = arith.constant 0 : i32
        %dma_start3A_533 = tpu.memref_slice %arg6[%rem3A_455, %dma_start3A_532] : memref<4x128xi32, #tpu.memory_space<vmem>> -> memref<1x128xi32, #tpu.memory_space<vmem>>
        %dma_start3A_534 = tpu.memref_squeeze %dma_start3A_533 : memref<1x128xi32, #tpu.memory_space<vmem>> -> memref<128xi32, #tpu.memory_space<vmem>>
        %dma_start3A_535 = arith.constant 0 : i32
        %dma_start3A_536 = arith.constant 0 : i32
        %dma_start3A_537 = tpu.memref_slice %arg3[%dma_start3A_535, %dma_start3A_536] : memref<500000x128xf32, #tpu.memory_space<hbm>> -> memref<500000x128xf32, #tpu.memory_space<hbm>>
        tpu.enqueue_indirect_dma source(%dma_start3A_537 : memref<500000x128xf32, #tpu.memory_space<hbm>>) target(%dma_start3A_531 : memref<128x128xf32, #tpu.memory_space<vmem>>) offsets(%dma_start3A_534 : memref<128xi32, #tpu.memory_space<vmem>>) semaphore(%arg9 : memref<!tpu.dma_semaphore, #tpu.memory_space<semaphore_mem>>)
      } else {
      }
      %mul3A_420 = arith.constant 128 : i32
      %mul3A_421 = arith.muli %rem3A_408, %mul3A_420 : i32
      %dma_wait3A_422 = arith.constant 0 : i32
      %dma_wait3A_423 = tpu.memref_slice %arg7[%mul3A_421, %dma_wait3A_422] : memref<512x128xf32, #tpu.memory_space<vmem>> -> memref<128x128xf32, #tpu.memory_space<vmem>>
      %dma_wait3A_424 = arith.constant 0 : i32
      %dma_wait3A_425 = arith.constant 0 : i32
      %dma_wait3A_426 = tpu.memref_slice %arg3[%dma_wait3A_424, %dma_wait3A_425] : memref<500000x128xf32, #tpu.memory_space<hbm>> -> memref<128x128xf32, #tpu.memory_space<hbm>>
      %dma_wait3A_427 = arith.constant 0 : i32
      %dma_wait3A_428 = tpu.memref_slice %arg7[%mul3A_421, %dma_wait3A_427] : memref<512x128xf32, #tpu.memory_space<vmem>> -> memref<128x128xf32, #tpu.memory_space<vmem>>
      %dma_wait3A_429 = arith.constant 0 : i32
      %dma_wait3A_430 = arith.constant 0 : i32
      %dma_wait3A_431 = tpu.memref_slice %arg3[%dma_wait3A_429, %dma_wait3A_430] : memref<500000x128xf32, #tpu.memory_space<hbm>> -> memref<128x128xf32, #tpu.memory_space<hbm>>
      tpu.wait_dma2 semaphore(%arg9 : memref<!tpu.dma_semaphore, #tpu.memory_space<semaphore_mem>>) src(%dma_wait3A_431 : memref<128x128xf32, #tpu.memory_space<hbm>>) dst(%dma_wait3A_428 : memref<128x128xf32, #tpu.memory_space<vmem>>)
      %ge3A = arith.constant 2 : i32
      %ge3A_432 = arith.cmpi sge, %scan3A_406, %ge3A : i32
      %convert_element_type3A_433 = arith.extui %ge3A_432 : i1 to i32
      %cond3A_434 = arith.constant 0 : i32
      %cond3A_435 = arith.cmpi ne, %convert_element_type3A_433, %cond3A_434 : i32
      scf.if %cond3A_435 {
        %mul3A_450 = arith.constant 64 : i32
        %mul3A_451 = arith.muli %rem3A_410, %mul3A_450 : i32
        %dma_wait3A_452 = arith.constant 0 : i32
        %dma_wait3A_453 = tpu.memref_slice %arg8[%mul3A_451, %dma_wait3A_452] : memref<128x128xf32, #tpu.memory_space<vmem>> -> memref<64x128xf32, #tpu.memory_space<vmem>>
        %dma_wait3A_454 = arith.constant 0 : i32
        %dma_wait3A_455 = arith.constant 0 : i32
        %dma_wait3A_456 = tpu.memref_slice %arg4[%dma_wait3A_454, %dma_wait3A_455] : memref<12800x4096xf32, #tpu.memory_space<hbm>> -> memref<64x128xf32, #tpu.memory_space<hbm>>
        %dma_wait3A_457 = arith.constant 0 : i32
        %dma_wait3A_458 = arith.constant 0 : i32
        %dma_wait3A_459 = tpu.memref_slice %arg4[%dma_wait3A_457, %dma_wait3A_458] : memref<12800x4096xf32, #tpu.memory_space<hbm>> -> memref<64x128xf32, #tpu.memory_space<hbm>>
        %dma_wait3A_460 = arith.constant 0 : i32
        %dma_wait3A_461 = tpu.memref_slice %arg8[%mul3A_451, %dma_wait3A_460] : memref<128x128xf32, #tpu.memory_space<vmem>> -> memref<64x128xf32, #tpu.memory_space<vmem>>
        tpu.wait_dma2 semaphore(%arg10 : memref<!tpu.dma_semaphore, #tpu.memory_space<semaphore_mem>>) src(%dma_wait3A_461 : memref<64x128xf32, #tpu.memory_space<vmem>>) dst(%dma_wait3A_459 : memref<64x128xf32, #tpu.memory_space<hbm>>)
      } else {
      }
      %scan3A_436 = arith.constant 0 : i32
      %scan3A_437 = arith.constant 0 : i32
      %scan3A_438 = arith.constant 8 : i32
      %scan3A_439 = arith.addi %scan3A_437, %scan3A_438 : i32
      %scan3A_440 = arith.constant 2 : i32
      scf.for %scan3A_450 = %scan3A_437 to %scan3A_439 step %scan3A_440  : i32 {
        %mul3A_451 = arith.constant 16 : i32
        %mul3A_452 = arith.muli %scan3A_450, %mul3A_451 : i32
        %add3A_453 = arith.addi %mul3A_412, %mul3A_452 : i32
        %add3A_454 = vector.broadcast %add3A_453 : i32 to vector<16xi32>
        %add3A_455 = arith.addi %add3A_454, %iota3A : vector<16xi32>
        %add3A_456 = vector.broadcast %mul3A_452 : i32 to vector<16xi32>
        %add3A_457 = arith.addi %add3A_456, %iota3A : vector<16xi32>
        %get3A_458 = arith.index_cast %scan3A_406 : i32 to index
        %get3A_459 = arith.index_cast %mul3A_452 : i32 to index
        %get3A_460 = tpu.vector_load %arg5[%get3A_458, %get3A_459] {strides = array<i32>} : memref<200x128xi32, #tpu.memory_space<vmem>>, vector<16xi32>,
        %and3A_461 = arith.constant 1 : i32
        %and3A_462 = vector.broadcast %and3A_461 : i32 to vector<16xi32>
        %and3A_463 = arith.andi %get3A_460, %and3A_462 : vector<16xi32>
        %mul3A_464 = arith.constant 64 : i32
        %mul3A_465 = vector.broadcast %mul3A_464 : i32 to vector<16xi32>
        %mul3A_466 = arith.muli %and3A_463, %mul3A_465 : vector<16xi32>
        %add3A_467 = arith.constant 0 : i32
        %add3A_468 = vector.broadcast %add3A_467 : i32 to vector<16xi32>
        %add3A_469 = arith.addi %add3A_468, %and3A_7 : vector<16xi32>
        %add3A_470 = arith.addi %mul3A_466, %add3A_469 : vector<16xi32>
        %gather3A = tpu.vector_load_idx %arg7[%add3A_455, %add3A_470] : memref<512x128xf32, #tpu.memory_space<vmem>>[vector<16xi32>, vector<16xi32>], vector<16xf32>,
        %add3A_471 = arith.constant 0 : i32
        %add3A_472 = arith.addi %mul3A_414, %add3A_471 : i32
        %add3A_473 = vector.broadcast %add3A_472 : i32 to vector<16xi32>
        %add3A_474 = arith.addi %add3A_473, %and3A_7 : vector<16xi32>
        %mul3A_475 = arith.constant 8.000000e+00 : f32
        %mul3A_476 = vector.broadcast %mul3A_475 : f32 to vector<16xf32>
        %mul3A_477 = arith.mulf %gather3A, %mul3A_476 : vector<16xf32>
        tpu.vector_store_idx %arg8[%add3A_474, %add3A_457], %mul3A_477 : memref<128x128xf32, #tpu.memory_space<vmem>>[vector<16xi32>, vector<16xi32>], vector<16xf32>,
        %add3A_478 = arith.constant 0 : i32
        %add3A_479 = vector.broadcast %add3A_478 : i32 to vector<16xi32>
        %add3A_480 = arith.addi %add3A_479, %and3A_13 : vector<16xi32>
        %add3A_481 = arith.addi %mul3A_466, %add3A_480 : vector<16xi32>
        %gather3A_482 = tpu.vector_load_idx %arg7[%add3A_455, %add3A_481] : memref<512x128xf32, #tpu.memory_space<vmem>>[vector<16xi32>, vector<16xi32>], vector<16xf32>,
        %add3A_483 = arith.constant 0 : i32
        %add3A_484 = arith.addi %mul3A_414, %add3A_483 : i32
        %add3A_485 = vector.broadcast %add3A_484 : i32 to vector<16xi32>
        %add3A_486 = arith.addi %add3A_485, %and3A_13 : vector<16xi32>
        %mul3A_487 = arith.constant 8.000000e+00 : f32
        %mul3A_488 = vector.broadcast %mul3A_487 : f32 to vector<16xf32>
        %mul3A_489 = arith.mulf %gather3A_482, %mul3A_488 : vector<16xf32>
        tpu.vector_store_idx %arg8[%add3A_486, %add3A_457], %mul3A_489 : memref<128x128xf32, #tpu.memory_space<vmem>>[vector<16xi32>, vector<16xi32>], vector<16xf32>,
        %add3A_490 = arith.constant 0 : i32
        %add3A_491 = vector.broadcast %add3A_490 : i32 to vector<16xi32>
        %add3A_492 = arith.addi %add3A_491, %and3A_19 : vector<16xi32>
        %add3A_493 = arith.addi %mul3A_466, %add3A_492 : vector<16xi32>
        %gather3A_494 = tpu.vector_load_idx %arg7[%add3A_455, %add3A_493] : memref<512x128xf32, #tpu.memory_space<vmem>>[vector<16xi32>, vector<16xi32>], vector<16xf32>,
        %add3A_495 = arith.constant 0 : i32
        %add3A_496 = arith.addi %mul3A_414, %add3A_495 : i32
        %add3A_497 = vector.broadcast %add3A_496 : i32 to vector<16xi32>
        %add3A_498 = arith.addi %add3A_497, %and3A_19 : vector<16xi32>
        %mul3A_499 = arith.constant 8.000000e+00 : f32
        %mul3A_500 = vector.broadcast %mul3A_499 : f32 to vector<16xf32>
        %mul3A_501 = arith.mulf %gather3A_494, %mul3A_500 : vector<16xf32>
        tpu.vector_store_idx %arg8[%add3A_498, %add3A_457], %mul3A_501 : memref<128x128xf32, #tpu.memory_space<vmem>>[vector<16xi32>, vector<16xi32>], vector<16xf32>,
        %add3A_502 = arith.constant 0 : i32
        %add3A_503 = vector.broadcast %add3A_502 : i32 to vector<16xi32>
        %add3A_504 = arith.addi %add3A_503, %and3A_25 : vector<16xi32>
        %add3A_505 = arith.addi %mul3A_466, %add3A_504 : vector<16xi32>
        %gather3A_506 = tpu.vector_load_idx %arg7[%add3A_455, %add3A_505] : memref<512x128xf32, #tpu.memory_space<vmem>>[vector<16xi32>, vector<16xi32>], vector<16xf32>,
        %add3A_507 = arith.constant 0 : i32
        %add3A_508 = arith.addi %mul3A_414, %add3A_507 : i32
        %add3A_509 = vector.broadcast %add3A_508 : i32 to vector<16xi32>
        %add3A_510 = arith.addi %add3A_509, %and3A_25 : vector<16xi32>
        %mul3A_511 = arith.constant 8.000000e+00 : f32
        %mul3A_512 = vector.broadcast %mul3A_511 : f32 to vector<16xf32>
        %mul3A_513 = arith.mulf %gather3A_506, %mul3A_512 : vector<16xf32>
        tpu.vector_store_idx %arg8[%add3A_510, %add3A_457], %mul3A_513 : memref<128x128xf32, #tpu.memory_space<vmem>>[vector<16xi32>, vector<16xi32>], vector<16xf32>,
        %add3A_514 = arith.constant 0 : i32
        %add3A_515 = vector.broadcast %add3A_514 : i32 to vector<16xi32>
        %add3A_516 = arith.addi %add3A_515, %and3A_31 : vector<16xi32>
        %add3A_517 = arith.addi %mul3A_466, %add3A_516 : vector<16xi32>
        %gather3A_518 = tpu.vector_load_idx %arg7[%add3A_455, %add3A_517] : memref<512x128xf32, #tpu.memory_space<vmem>>[vector<16xi32>, vector<16xi32>], vector<16xf32>,
        %add3A_519 = arith.constant 0 : i32
        %add3A_520 = arith.addi %mul3A_414, %add3A_519 : i32
        %add3A_521 = vector.broadcast %add3A_520 : i32 to vector<16xi32>
        %add3A_522 = arith.addi %add3A_521, %and3A_31 : vector<16xi32>
        %mul3A_523 = arith.constant 8.000000e+00 : f32
        %mul3A_524 = vector.broadcast %mul3A_523 : f32 to vector<16xf32>
        %mul3A_525 = arith.mulf %gather3A_518, %mul3A_524 : vector<16xf32>
        tpu.vector_store_idx %arg8[%add3A_522, %add3A_457], %mul3A_525 : memref<128x128xf32, #tpu.memory_space<vmem>>[vector<16xi32>, vector<16xi32>], vector<16xf32>,
        %add3A_526 = arith.constant 0 : i32
        %add3A_527 = vector.broadcast %add3A_526 : i32 to vector<16xi32>
        %add3A_528 = arith.addi %add3A_527, %and3A_37 : vector<16xi32>
        %add3A_529 = arith.addi %mul3A_466, %add3A_528 : vector<16xi32>
        %gather3A_530 = tpu.vector_load_idx %arg7[%add3A_455, %add3A_529] : memref<512x128xf32, #tpu.memory_space<vmem>>[vector<16xi32>, vector<16xi32>], vector<16xf32>,
        %add3A_531 = arith.constant 0 : i32
        %add3A_532 = arith.addi %mul3A_414, %add3A_531 : i32
        %add3A_533 = vector.broadcast %add3A_532 : i32 to vector<16xi32>
        %add3A_534 = arith.addi %add3A_533, %and3A_37 : vector<16xi32>
        %mul3A_535 = arith.constant 8.000000e+00 : f32
        %mul3A_536 = vector.broadcast %mul3A_535 : f32 to vector<16xf32>
        %mul3A_537 = arith.mulf %gather3A_530, %mul3A_536 : vector<16xf32>
        tpu.vector_store_idx %arg8[%add3A_534, %add3A_457], %mul3A_537 : memref<128x128xf32, #tpu.memory_space<vmem>>[vector<16xi32>, vector<16xi32>], vector<16xf32>,
        %add3A_538 = arith.constant 0 : i32
        %add3A_539 = vector.broadcast %add3A_538 : i32 to vector<16xi32>
        %add3A_540 = arith.addi %add3A_539, %and3A_43 : vector<16xi32>
        %add3A_541 = arith.addi %mul3A_466, %add3A_540 : vector<16xi32>
        %gather3A_542 = tpu.vector_load_idx %arg7[%add3A_455, %add3A_541] : memref<512x128xf32, #tpu.memory_space<vmem>>[vector<16xi32>, vector<16xi32>], vector<16xf32>,
        %add3A_543 = arith.constant 0 : i32
        %add3A_544 = arith.addi %mul3A_414, %add3A_543 : i32
        %add3A_545 = vector.broadcast %add3A_544 : i32 to vector<16xi32>
        %add3A_546 = arith.addi %add3A_545, %and3A_43 : vector<16xi32>
        %mul3A_547 = arith.constant 8.000000e+00 : f32
        %mul3A_548 = vector.broadcast %mul3A_547 : f32 to vector<16xf32>
        %mul3A_549 = arith.mulf %gather3A_542, %mul3A_548 : vector<16xf32>
        tpu.vector_store_idx %arg8[%add3A_546, %add3A_457], %mul3A_549 : memref<128x128xf32, #tpu.memory_space<vmem>>[vector<16xi32>, vector<16xi32>], vector<16xf32>,
        %add3A_550 = arith.constant 0 : i32
        %add3A_551 = vector.broadcast %add3A_550 : i32 to vector<16xi32>
        %add3A_552 = arith.addi %add3A_551, %and3A_49 : vector<16xi32>
        %add3A_553 = arith.addi %mul3A_466, %add3A_552 : vector<16xi32>
        %gather3A_554 = tpu.vector_load_idx %arg7[%add3A_455, %add3A_553] : memref<512x128xf32, #tpu.memory_space<vmem>>[vector<16xi32>, vector<16xi32>], vector<16xf32>,
        %add3A_555 = arith.constant 0 : i32
        %add3A_556 = arith.addi %mul3A_414, %add3A_555 : i32
        %add3A_557 = vector.broadcast %add3A_556 : i32 to vector<16xi32>
        %add3A_558 = arith.addi %add3A_557, %and3A_49 : vector<16xi32>
        %mul3A_559 = arith.constant 8.000000e+00 : f32
        %mul3A_560 = vector.broadcast %mul3A_559 : f32 to vector<16xf32>
        %mul3A_561 = arith.mulf %gather3A_554, %mul3A_560 : vector<16xf32>
        tpu.vector_store_idx %arg8[%add3A_558, %add3A_457], %mul3A_561 : memref<128x128xf32, #tpu.memory_space<vmem>>[vector<16xi32>, vector<16xi32>], vector<16xf32>,
        %add3A_562 = arith.constant 0 : i32
        %add3A_563 = vector.broadcast %add3A_562 : i32 to vector<16xi32>
        %add3A_564 = arith.addi %add3A_563, %and3A_55 : vector<16xi32>
        %add3A_565 = arith.addi %mul3A_466, %add3A_564 : vector<16xi32>
        %gather3A_566 = tpu.vector_load_idx %arg7[%add3A_455, %add3A_565] : memref<512x128xf32, #tpu.memory_space<vmem>>[vector<16xi32>, vector<16xi32>], vector<16xf32>,
        %add3A_567 = arith.constant 0 : i32
        %add3A_568 = arith.addi %mul3A_414, %add3A_567 : i32
        %add3A_569 = vector.broadcast %add3A_568 : i32 to vector<16xi32>
        %add3A_570 = arith.addi %add3A_569, %and3A_55 : vector<16xi32>
        %mul3A_571 = arith.constant 8.000000e+00 : f32
        %mul3A_572 = vector.broadcast %mul3A_571 : f32 to vector<16xf32>
        %mul3A_573 = arith.mulf %gather3A_566, %mul3A_572 : vector<16xf32>
        tpu.vector_store_idx %arg8[%add3A_570, %add3A_457], %mul3A_573 : memref<128x128xf32, #tpu.memory_space<vmem>>[vector<16xi32>, vector<16xi32>], vector<16xf32>,
        %add3A_574 = arith.constant 0 : i32
        %add3A_575 = vector.broadcast %add3A_574 : i32 to vector<16xi32>
        %add3A_576 = arith.addi %add3A_575, %and3A_61 : vector<16xi32>
        %add3A_577 = arith.addi %mul3A_466, %add3A_576 : vector<16xi32>
        %gather3A_578 = tpu.vector_load_idx %arg7[%add3A_455, %add3A_577] : memref<512x128xf32, #tpu.memory_space<vmem>>[vector<16xi32>, vector<16xi32>], vector<16xf32>,
        %add3A_579 = arith.constant 0 : i32
        %add3A_580 = arith.addi %mul3A_414, %add3A_579 : i32
        %add3A_581 = vector.broadcast %add3A_580 : i32 to vector<16xi32>
        %add3A_582 = arith.addi %add3A_581, %and3A_61 : vector<16xi32>
        %mul3A_583 = arith.constant 8.000000e+00 : f32
        %mul3A_584 = vector.broadcast %mul3A_583 : f32 to vector<16xf32>
        %mul3A_585 = arith.mulf %gather3A_578, %mul3A_584 : vector<16xf32>
        tpu.vector_store_idx %arg8[%add3A_582, %add3A_457], %mul3A_585 : memref<128x128xf32, #tpu.memory_space<vmem>>[vector<16xi32>, vector<16xi32>], vector<16xf32>,
        %add3A_586 = arith.constant 0 : i32
        %add3A_587 = vector.broadcast %add3A_586 : i32 to vector<16xi32>
        %add3A_588 = arith.addi %add3A_587, %and3A_67 : vector<16xi32>
        %add3A_589 = arith.addi %mul3A_466, %add3A_588 : vector<16xi32>
        %gather3A_590 = tpu.vector_load_idx %arg7[%add3A_455, %add3A_589] : memref<512x128xf32, #tpu.memory_space<vmem>>[vector<16xi32>, vector<16xi32>], vector<16xf32>,
        %add3A_591 = arith.constant 0 : i32
        %add3A_592 = arith.addi %mul3A_414, %add3A_591 : i32
        %add3A_593 = vector.broadcast %add3A_592 : i32 to vector<16xi32>
        %add3A_594 = arith.addi %add3A_593, %and3A_67 : vector<16xi32>
        %mul3A_595 = arith.constant 8.000000e+00 : f32
        %mul3A_596 = vector.broadcast %mul3A_595 : f32 to vector<16xf32>
        %mul3A_597 = arith.mulf %gather3A_590, %mul3A_596 : vector<16xf32>
        tpu.vector_store_idx %arg8[%add3A_594, %add3A_457], %mul3A_597 : memref<128x128xf32, #tpu.memory_space<vmem>>[vector<16xi32>, vector<16xi32>], vector<16xf32>,
        %add3A_598 = arith.constant 0 : i32
        %add3A_599 = vector.broadcast %add3A_598 : i32 to vector<16xi32>
        %add3A_600 = arith.addi %add3A_599, %and3A_73 : vector<16xi32>
        %add3A_601 = arith.addi %mul3A_466, %add3A_600 : vector<16xi32>
        %gather3A_602 = tpu.vector_load_idx %arg7[%add3A_455, %add3A_601] : memref<512x128xf32, #tpu.memory_space<vmem>>[vector<16xi32>, vector<16xi32>], vector<16xf32>,
        %add3A_603 = arith.constant 0 : i32
        %add3A_604 = arith.addi %mul3A_414, %add3A_603 : i32
        %add3A_605 = vector.broadcast %add3A_604 : i32 to vector<16xi32>
        %add3A_606 = arith.addi %add3A_605, %and3A_73 : vector<16xi32>
        %mul3A_607 = arith.constant 8.000000e+00 : f32
        %mul3A_608 = vector.broadcast %mul3A_607 : f32 to vector<16xf32>
        %mul3A_609 = arith.mulf %gather3A_602, %mul3A_608 : vector<16xf32>
        tpu.vector_store_idx %arg8[%add3A_606, %add3A_457], %mul3A_609 : memref<128x128xf32, #tpu.memory_space<vmem>>[vector<16xi32>, vector<16xi32>], vector<16xf32>,
        %add3A_610 = arith.constant 0 : i32
        %add3A_611 = vector.broadcast %add3A_610 : i32 to vector<16xi32>
        %add3A_612 = arith.addi %add3A_611, %and3A_79 : vector<16xi32>
        %add3A_613 = arith.addi %mul3A_466, %add3A_612 : vector<16xi32>
        %gather3A_614 = tpu.vector_load_idx %arg7[%add3A_455, %add3A_613] : memref<512x128xf32, #tpu.memory_space<vmem>>[vector<16xi32>, vector<16xi32>], vector<16xf32>,
        %add3A_615 = arith.constant 0 : i32
        %add3A_616 = arith.addi %mul3A_414, %add3A_615 : i32
        %add3A_617 = vector.broadcast %add3A_616 : i32 to vector<16xi32>
        %add3A_618 = arith.addi %add3A_617, %and3A_79 : vector<16xi32>
        %mul3A_619 = arith.constant 8.000000e+00 : f32
        %mul3A_620 = vector.broadcast %mul3A_619 : f32 to vector<16xf32>
        %mul3A_621 = arith.mulf %gather3A_614, %mul3A_620 : vector<16xf32>
        tpu.vector_store_idx %arg8[%add3A_618, %add3A_457], %mul3A_621 : memref<128x128xf32, #tpu.memory_space<vmem>>[vector<16xi32>, vector<16xi32>], vector<16xf32>,
        %add3A_622 = arith.constant 0 : i32
        %add3A_623 = vector.broadcast %add3A_622 : i32 to vector<16xi32>
        %add3A_624 = arith.addi %add3A_623, %and3A_85 : vector<16xi32>
        %add3A_625 = arith.addi %mul3A_466, %add3A_624 : vector<16xi32>
        %gather3A_626 = tpu.vector_load_idx %arg7[%add3A_455, %add3A_625] : memref<512x128xf32, #tpu.memory_space<vmem>>[vector<16xi32>, vector<16xi32>], vector<16xf32>,
        %add3A_627 = arith.constant 0 : i32
        %add3A_628 = arith.addi %mul3A_414, %add3A_627 : i32
        %add3A_629 = vector.broadcast %add3A_628 : i32 to vector<16xi32>
        %add3A_630 = arith.addi %add3A_629, %and3A_85 : vector<16xi32>
        %mul3A_631 = arith.constant 8.000000e+00 : f32
        %mul3A_632 = vector.broadcast %mul3A_631 : f32 to vector<16xf32>
        %mul3A_633 = arith.mulf %gather3A_626, %mul3A_632 : vector<16xf32>
        tpu.vector_store_idx %arg8[%add3A_630, %add3A_457], %mul3A_633 : memref<128x128xf32, #tpu.memory_space<vmem>>[vector<16xi32>, vector<16xi32>], vector<16xf32>,
        %add3A_634 = arith.constant 0 : i32
        %add3A_635 = vector.broadcast %add3A_634 : i32 to vector<16xi32>
        %add3A_636 = arith.addi %add3A_635, %and3A_91 : vector<16xi32>
        %add3A_637 = arith.addi %mul3A_466, %add3A_636 : vector<16xi32>
        %gather3A_638 = tpu.vector_load_idx %arg7[%add3A_455, %add3A_637] : memref<512x128xf32, #tpu.memory_space<vmem>>[vector<16xi32>, vector<16xi32>], vector<16xf32>,
        %add3A_639 = arith.constant 0 : i32
        %add3A_640 = arith.addi %mul3A_414, %add3A_639 : i32
        %add3A_641 = vector.broadcast %add3A_640 : i32 to vector<16xi32>
        %add3A_642 = arith.addi %add3A_641, %and3A_91 : vector<16xi32>
        %mul3A_643 = arith.constant 8.000000e+00 : f32
        %mul3A_644 = vector.broadcast %mul3A_643 : f32 to vector<16xf32>
        %mul3A_645 = arith.mulf %gather3A_638, %mul3A_644 : vector<16xf32>
        tpu.vector_store_idx %arg8[%add3A_642, %add3A_457], %mul3A_645 : memref<128x128xf32, #tpu.memory_space<vmem>>[vector<16xi32>, vector<16xi32>], vector<16xf32>,
        %add3A_646 = arith.constant 0 : i32
        %add3A_647 = vector.broadcast %add3A_646 : i32 to vector<16xi32>
        %add3A_648 = arith.addi %add3A_647, %and3A_97 : vector<16xi32>
        %add3A_649 = arith.addi %mul3A_466, %add3A_648 : vector<16xi32>
        %gather3A_650 = tpu.vector_load_idx %arg7[%add3A_455, %add3A_649] : memref<512x128xf32, #tpu.memory_space<vmem>>[vector<16xi32>, vector<16xi32>], vector<16xf32>,
        %add3A_651 = arith.constant 0 : i32
        %add3A_652 = arith.addi %mul3A_414, %add3A_651 : i32
        %add3A_653 = vector.broadcast %add3A_652 : i32 to vector<16xi32>
        %add3A_654 = arith.addi %add3A_653, %and3A_97 : vector<16xi32>
        %mul3A_655 = arith.constant 8.000000e+00 : f32
        %mul3A_656 = vector.broadcast %mul3A_655 : f32 to vector<16xf32>
        %mul3A_657 = arith.mulf %gather3A_650, %mul3A_656 : vector<16xf32>
        tpu.vector_store_idx %arg8[%add3A_654, %add3A_457], %mul3A_657 : memref<128x128xf32, #tpu.memory_space<vmem>>[vector<16xi32>, vector<16xi32>], vector<16xf32>,
        %add3A_658 = arith.constant 16 : i32
        %add3A_659 = vector.broadcast %add3A_658 : i32 to vector<16xi32>
        %add3A_660 = arith.addi %add3A_659, %and3A_7 : vector<16xi32>
        %add3A_661 = arith.addi %mul3A_466, %add3A_660 : vector<16xi32>
        %gather3A_662 = tpu.vector_load_idx %arg7[%add3A_455, %add3A_661] : memref<512x128xf32, #tpu.memory_space<vmem>>[vector<16xi32>, vector<16xi32>], vector<16xf32>,
        %add3A_663 = arith.constant 16 : i32
        %add3A_664 = arith.addi %mul3A_414, %add3A_663 : i32
        %add3A_665 = vector.broadcast %add3A_664 : i32 to vector<16xi32>
        %add3A_666 = arith.addi %add3A_665, %and3A_7 : vector<16xi32>
        %mul3A_667 = arith.constant 8.000000e+00 : f32
        %mul3A_668 = vector.broadcast %mul3A_667 : f32 to vector<16xf32>
        %mul3A_669 = arith.mulf %gather3A_662, %mul3A_668 : vector<16xf32>
        tpu.vector_store_idx %arg8[%add3A_666, %add3A_457], %mul3A_669 : memref<128x128xf32, #tpu.memory_space<vmem>>[vector<16xi32>, vector<16xi32>], vector<16xf32>,
        %add3A_670 = arith.constant 16 : i32
        %add3A_671 = vector.broadcast %add3A_670 : i32 to vector<16xi32>
        %add3A_672 = arith.addi %add3A_671, %and3A_13 : vector<16xi32>
        %add3A_673 = arith.addi %mul3A_466, %add3A_672 : vector<16xi32>
        %gather3A_674 = tpu.vector_load_idx %arg7[%add3A_455, %add3A_673] : memref<512x128xf32, #tpu.memory_space<vmem>>[vector<16xi32>, vector<16xi32>], vector<16xf32>,
        %add3A_675 = arith.constant 16 : i32
        %add3A_676 = arith.addi %mul3A_414, %add3A_675 : i32
        %add3A_677 = vector.broadcast %add3A_676 : i32 to vector<16xi32>
        %add3A_678 = arith.addi %add3A_677, %and3A_13 : vector<16xi32>
        %mul3A_679 = arith.constant 8.000000e+00 : f32
        %mul3A_680 = vector.broadcast %mul3A_679 : f32 to vector<16xf32>
        %mul3A_681 = arith.mulf %gather3A_674, %mul3A_680 : vector<16xf32>
        tpu.vector_store_idx %arg8[%add3A_678, %add3A_457], %mul3A_681 : memref<128x128xf32, #tpu.memory_space<vmem>>[vector<16xi32>, vector<16xi32>], vector<16xf32>,
        %add3A_682 = arith.constant 16 : i32
        %add3A_683 = vector.broadcast %add3A_682 : i32 to vector<16xi32>
        %add3A_684 = arith.addi %add3A_683, %and3A_19 : vector<16xi32>
        %add3A_685 = arith.addi %mul3A_466, %add3A_684 : vector<16xi32>
        %gather3A_686 = tpu.vector_load_idx %arg7[%add3A_455, %add3A_685] : memref<512x128xf32, #tpu.memory_space<vmem>>[vector<16xi32>, vector<16xi32>], vector<16xf32>,
        %add3A_687 = arith.constant 16 : i32
        %add3A_688 = arith.addi %mul3A_414, %add3A_687 : i32
        %add3A_689 = vector.broadcast %add3A_688 : i32 to vector<16xi32>
        %add3A_690 = arith.addi %add3A_689, %and3A_19 : vector<16xi32>
        %mul3A_691 = arith.constant 8.000000e+00 : f32
        %mul3A_692 = vector.broadcast %mul3A_691 : f32 to vector<16xf32>
        %mul3A_693 = arith.mulf %gather3A_686, %mul3A_692 : vector<16xf32>
        tpu.vector_store_idx %arg8[%add3A_690, %add3A_457], %mul3A_693 : memref<128x128xf32, #tpu.memory_space<vmem>>[vector<16xi32>, vector<16xi32>], vector<16xf32>,
        %add3A_694 = arith.constant 16 : i32
        %add3A_695 = vector.broadcast %add3A_694 : i32 to vector<16xi32>
        %add3A_696 = arith.addi %add3A_695, %and3A_25 : vector<16xi32>
        %add3A_697 = arith.addi %mul3A_466, %add3A_696 : vector<16xi32>
        %gather3A_698 = tpu.vector_load_idx %arg7[%add3A_455, %add3A_697] : memref<512x128xf32, #tpu.memory_space<vmem>>[vector<16xi32>, vector<16xi32>], vector<16xf32>,
        %add3A_699 = arith.constant 16 : i32
        %add3A_700 = arith.addi %mul3A_414, %add3A_699 : i32
        %add3A_701 = vector.broadcast %add3A_700 : i32 to vector<16xi32>
        %add3A_702 = arith.addi %add3A_701, %and3A_25 : vector<16xi32>
        %mul3A_703 = arith.constant 8.000000e+00 : f32
        %mul3A_704 = vector.broadcast %mul3A_703 : f32 to vector<16xf32>
        %mul3A_705 = arith.mulf %gather3A_698, %mul3A_704 : vector<16xf32>
        tpu.vector_store_idx %arg8[%add3A_702, %add3A_457], %mul3A_705 : memref<128x128xf32, #tpu.memory_space<vmem>>[vector<16xi32>, vector<16xi32>], vector<16xf32>,
        %add3A_706 = arith.constant 16 : i32
        %add3A_707 = vector.broadcast %add3A_706 : i32 to vector<16xi32>
        %add3A_708 = arith.addi %add3A_707, %and3A_31 : vector<16xi32>
        %add3A_709 = arith.addi %mul3A_466, %add3A_708 : vector<16xi32>
        %gather3A_710 = tpu.vector_load_idx %arg7[%add3A_455, %add3A_709] : memref<512x128xf32, #tpu.memory_space<vmem>>[vector<16xi32>, vector<16xi32>], vector<16xf32>,
        %add3A_711 = arith.constant 16 : i32
        %add3A_712 = arith.addi %mul3A_414, %add3A_711 : i32
        %add3A_713 = vector.broadcast %add3A_712 : i32 to vector<16xi32>
        %add3A_714 = arith.addi %add3A_713, %and3A_31 : vector<16xi32>
        %mul3A_715 = arith.constant 8.000000e+00 : f32
        %mul3A_716 = vector.broadcast %mul3A_715 : f32 to vector<16xf32>
        %mul3A_717 = arith.mulf %gather3A_710, %mul3A_716 : vector<16xf32>
        tpu.vector_store_idx %arg8[%add3A_714, %add3A_457], %mul3A_717 : memref<128x128xf32, #tpu.memory_space<vmem>>[vector<16xi32>, vector<16xi32>], vector<16xf32>,
        %add3A_718 = arith.constant 16 : i32
        %add3A_719 = vector.broadcast %add3A_718 : i32 to vector<16xi32>
        %add3A_720 = arith.addi %add3A_719, %and3A_37 : vector<16xi32>
        %add3A_721 = arith.addi %mul3A_466, %add3A_720 : vector<16xi32>
        %gather3A_722 = tpu.vector_load_idx %arg7[%add3A_455, %add3A_721] : memref<512x128xf32, #tpu.memory_space<vmem>>[vector<16xi32>, vector<16xi32>], vector<16xf32>,
        %add3A_723 = arith.constant 16 : i32
        %add3A_724 = arith.addi %mul3A_414, %add3A_723 : i32
        %add3A_725 = vector.broadcast %add3A_724 : i32 to vector<16xi32>
        %add3A_726 = arith.addi %add3A_725, %and3A_37 : vector<16xi32>
        %mul3A_727 = arith.constant 8.000000e+00 : f32
        %mul3A_728 = vector.broadcast %mul3A_727 : f32 to vector<16xf32>
        %mul3A_729 = arith.mulf %gather3A_722, %mul3A_728 : vector<16xf32>
        tpu.vector_store_idx %arg8[%add3A_726, %add3A_457], %mul3A_729 : memref<128x128xf32, #tpu.memory_space<vmem>>[vector<16xi32>, vector<16xi32>], vector<16xf32>,
        %add3A_730 = arith.constant 16 : i32
        %add3A_731 = vector.broadcast %add3A_730 : i32 to vector<16xi32>
        %add3A_732 = arith.addi %add3A_731, %and3A_43 : vector<16xi32>
        %add3A_733 = arith.addi %mul3A_466, %add3A_732 : vector<16xi32>
        %gather3A_734 = tpu.vector_load_idx %arg7[%add3A_455, %add3A_733] : memref<512x128xf32, #tpu.memory_space<vmem>>[vector<16xi32>, vector<16xi32>], vector<16xf32>,
        %add3A_735 = arith.constant 16 : i32
        %add3A_736 = arith.addi %mul3A_414, %add3A_735 : i32
        %add3A_737 = vector.broadcast %add3A_736 : i32 to vector<16xi32>
        %add3A_738 = arith.addi %add3A_737, %and3A_43 : vector<16xi32>
        %mul3A_739 = arith.constant 8.000000e+00 : f32
        %mul3A_740 = vector.broadcast %mul3A_739 : f32 to vector<16xf32>
        %mul3A_741 = arith.mulf %gather3A_734, %mul3A_740 : vector<16xf32>
        tpu.vector_store_idx %arg8[%add3A_738, %add3A_457], %mul3A_741 : memref<128x128xf32, #tpu.memory_space<vmem>>[vector<16xi32>, vector<16xi32>], vector<16xf32>,
        %add3A_742 = arith.constant 16 : i32
        %add3A_743 = vector.broadcast %add3A_742 : i32 to vector<16xi32>
        %add3A_744 = arith.addi %add3A_743, %and3A_49 : vector<16xi32>
        %add3A_745 = arith.addi %mul3A_466, %add3A_744 : vector<16xi32>
        %gather3A_746 = tpu.vector_load_idx %arg7[%add3A_455, %add3A_745] : memref<512x128xf32, #tpu.memory_space<vmem>>[vector<16xi32>, vector<16xi32>], vector<16xf32>,
        %add3A_747 = arith.constant 16 : i32
        %add3A_748 = arith.addi %mul3A_414, %add3A_747 : i32
        %add3A_749 = vector.broadcast %add3A_748 : i32 to vector<16xi32>
        %add3A_750 = arith.addi %add3A_749, %and3A_49 : vector<16xi32>
        %mul3A_751 = arith.constant 8.000000e+00 : f32
        %mul3A_752 = vector.broadcast %mul3A_751 : f32 to vector<16xf32>
        %mul3A_753 = arith.mulf %gather3A_746, %mul3A_752 : vector<16xf32>
        tpu.vector_store_idx %arg8[%add3A_750, %add3A_457], %mul3A_753 : memref<128x128xf32, #tpu.memory_space<vmem>>[vector<16xi32>, vector<16xi32>], vector<16xf32>,
        %add3A_754 = arith.constant 16 : i32
        %add3A_755 = vector.broadcast %add3A_754 : i32 to vector<16xi32>
        %add3A_756 = arith.addi %add3A_755, %and3A_55 : vector<16xi32>
        %add3A_757 = arith.addi %mul3A_466, %add3A_756 : vector<16xi32>
        %gather3A_758 = tpu.vector_load_idx %arg7[%add3A_455, %add3A_757] : memref<512x128xf32, #tpu.memory_space<vmem>>[vector<16xi32>, vector<16xi32>], vector<16xf32>,
        %add3A_759 = arith.constant 16 : i32
        %add3A_760 = arith.addi %mul3A_414, %add3A_759 : i32
        %add3A_761 = vector.broadcast %add3A_760 : i32 to vector<16xi32>
        %add3A_762 = arith.addi %add3A_761, %and3A_55 : vector<16xi32>
        %mul3A_763 = arith.constant 8.000000e+00 : f32
        %mul3A_764 = vector.broadcast %mul3A_763 : f32 to vector<16xf32>
        %mul3A_765 = arith.mulf %gather3A_758, %mul3A_764 : vector<16xf32>
        tpu.vector_store_idx %arg8[%add3A_762, %add3A_457], %mul3A_765 : memref<128x128xf32, #tpu.memory_space<vmem>>[vector<16xi32>, vector<16xi32>], vector<16xf32>,
        %add3A_766 = arith.constant 16 : i32
        %add3A_767 = vector.broadcast %add3A_766 : i32 to vector<16xi32>
        %add3A_768 = arith.addi %add3A_767, %and3A_61 : vector<16xi32>
        %add3A_769 = arith.addi %mul3A_466, %add3A_768 : vector<16xi32>
        %gather3A_770 = tpu.vector_load_idx %arg7[%add3A_455, %add3A_769] : memref<512x128xf32, #tpu.memory_space<vmem>>[vector<16xi32>, vector<16xi32>], vector<16xf32>,
        %add3A_771 = arith.constant 16 : i32
        %add3A_772 = arith.addi %mul3A_414, %add3A_771 : i32
        %add3A_773 = vector.broadcast %add3A_772 : i32 to vector<16xi32>
        %add3A_774 = arith.addi %add3A_773, %and3A_61 : vector<16xi32>
        %mul3A_775 = arith.constant 8.000000e+00 : f32
        %mul3A_776 = vector.broadcast %mul3A_775 : f32 to vector<16xf32>
        %mul3A_777 = arith.mulf %gather3A_770, %mul3A_776 : vector<16xf32>
        tpu.vector_store_idx %arg8[%add3A_774, %add3A_457], %mul3A_777 : memref<128x128xf32, #tpu.memory_space<vmem>>[vector<16xi32>, vector<16xi32>], vector<16xf32>,
        %add3A_778 = arith.constant 16 : i32
        %add3A_779 = vector.broadcast %add3A_778 : i32 to vector<16xi32>
        %add3A_780 = arith.addi %add3A_779, %and3A_67 : vector<16xi32>
        %add3A_781 = arith.addi %mul3A_466, %add3A_780 : vector<16xi32>
        %gather3A_782 = tpu.vector_load_idx %arg7[%add3A_455, %add3A_781] : memref<512x128xf32, #tpu.memory_space<vmem>>[vector<16xi32>, vector<16xi32>], vector<16xf32>,
        %add3A_783 = arith.constant 16 : i32
        %add3A_784 = arith.addi %mul3A_414, %add3A_783 : i32
        %add3A_785 = vector.broadcast %add3A_784 : i32 to vector<16xi32>
        %add3A_786 = arith.addi %add3A_785, %and3A_67 : vector<16xi32>
        %mul3A_787 = arith.constant 8.000000e+00 : f32
        %mul3A_788 = vector.broadcast %mul3A_787 : f32 to vector<16xf32>
        %mul3A_789 = arith.mulf %gather3A_782, %mul3A_788 : vector<16xf32>
        tpu.vector_store_idx %arg8[%add3A_786, %add3A_457], %mul3A_789 : memref<128x128xf32, #tpu.memory_space<vmem>>[vector<16xi32>, vector<16xi32>], vector<16xf32>,
        %add3A_790 = arith.constant 16 : i32
        %add3A_791 = vector.broadcast %add3A_790 : i32 to vector<16xi32>
        %add3A_792 = arith.addi %add3A_791, %and3A_73 : vector<16xi32>
        %add3A_793 = arith.addi %mul3A_466, %add3A_792 : vector<16xi32>
        %gather3A_794 = tpu.vector_load_idx %arg7[%add3A_455, %add3A_793] : memref<512x128xf32, #tpu.memory_space<vmem>>[vector<16xi32>, vector<16xi32>], vector<16xf32>,
        %add3A_795 = arith.constant 16 : i32
        %add3A_796 = arith.addi %mul3A_414, %add3A_795 : i32
        %add3A_797 = vector.broadcast %add3A_796 : i32 to vector<16xi32>
        %add3A_798 = arith.addi %add3A_797, %and3A_73 : vector<16xi32>
        %mul3A_799 = arith.constant 8.000000e+00 : f32
        %mul3A_800 = vector.broadcast %mul3A_799 : f32 to vector<16xf32>
        %mul3A_801 = arith.mulf %gather3A_794, %mul3A_800 : vector<16xf32>
        tpu.vector_store_idx %arg8[%add3A_798, %add3A_457], %mul3A_801 : memref<128x128xf32, #tpu.memory_space<vmem>>[vector<16xi32>, vector<16xi32>], vector<16xf32>,
        %add3A_802 = arith.constant 16 : i32
        %add3A_803 = vector.broadcast %add3A_802 : i32 to vector<16xi32>
        %add3A_804 = arith.addi %add3A_803, %and3A_79 : vector<16xi32>
        %add3A_805 = arith.addi %mul3A_466, %add3A_804 : vector<16xi32>
        %gather3A_806 = tpu.vector_load_idx %arg7[%add3A_455, %add3A_805] : memref<512x128xf32, #tpu.memory_space<vmem>>[vector<16xi32>, vector<16xi32>], vector<16xf32>,
        %add3A_807 = arith.constant 16 : i32
        %add3A_808 = arith.addi %mul3A_414, %add3A_807 : i32
        %add3A_809 = vector.broadcast %add3A_808 : i32 to vector<16xi32>
        %add3A_810 = arith.addi %add3A_809, %and3A_79 : vector<16xi32>
        %mul3A_811 = arith.constant 8.000000e+00 : f32
        %mul3A_812 = vector.broadcast %mul3A_811 : f32 to vector<16xf32>
        %mul3A_813 = arith.mulf %gather3A_806, %mul3A_812 : vector<16xf32>
        tpu.vector_store_idx %arg8[%add3A_810, %add3A_457], %mul3A_813 : memref<128x128xf32, #tpu.memory_space<vmem>>[vector<16xi32>, vector<16xi32>], vector<16xf32>,
        %add3A_814 = arith.constant 16 : i32
        %add3A_815 = vector.broadcast %add3A_814 : i32 to vector<16xi32>
        %add3A_816 = arith.addi %add3A_815, %and3A_85 : vector<16xi32>
        %add3A_817 = arith.addi %mul3A_466, %add3A_816 : vector<16xi32>
        %gather3A_818 = tpu.vector_load_idx %arg7[%add3A_455, %add3A_817] : memref<512x128xf32, #tpu.memory_space<vmem>>[vector<16xi32>, vector<16xi32>], vector<16xf32>,
        %add3A_819 = arith.constant 16 : i32
        %add3A_820 = arith.addi %mul3A_414, %add3A_819 : i32
        %add3A_821 = vector.broadcast %add3A_820 : i32 to vector<16xi32>
        %add3A_822 = arith.addi %add3A_821, %and3A_85 : vector<16xi32>
        %mul3A_823 = arith.constant 8.000000e+00 : f32
        %mul3A_824 = vector.broadcast %mul3A_823 : f32 to vector<16xf32>
        %mul3A_825 = arith.mulf %gather3A_818, %mul3A_824 : vector<16xf32>
        tpu.vector_store_idx %arg8[%add3A_822, %add3A_457], %mul3A_825 : memref<128x128xf32, #tpu.memory_space<vmem>>[vector<16xi32>, vector<16xi32>], vector<16xf32>,
        %add3A_826 = arith.constant 16 : i32
        %add3A_827 = vector.broadcast %add3A_826 : i32 to vector<16xi32>
        %add3A_828 = arith.addi %add3A_827, %and3A_91 : vector<16xi32>
        %add3A_829 = arith.addi %mul3A_466, %add3A_828 : vector<16xi32>
        %gather3A_830 = tpu.vector_load_idx %arg7[%add3A_455, %add3A_829] : memref<512x128xf32, #tpu.memory_space<vmem>>[vector<16xi32>, vector<16xi32>], vector<16xf32>,
        %add3A_831 = arith.constant 16 : i32
        %add3A_832 = arith.addi %mul3A_414, %add3A_831 : i32
        %add3A_833 = vector.broadcast %add3A_832 : i32 to vector<16xi32>
        %add3A_834 = arith.addi %add3A_833, %and3A_91 : vector<16xi32>
        %mul3A_835 = arith.constant 8.000000e+00 : f32
        %mul3A_836 = vector.broadcast %mul3A_835 : f32 to vector<16xf32>
        %mul3A_837 = arith.mulf %gather3A_830, %mul3A_836 : vector<16xf32>
        tpu.vector_store_idx %arg8[%add3A_834, %add3A_457], %mul3A_837 : memref<128x128xf32, #tpu.memory_space<vmem>>[vector<16xi32>, vector<16xi32>], vector<16xf32>,
        %add3A_838 = arith.constant 16 : i32
        %add3A_839 = vector.broadcast %add3A_838 : i32 to vector<16xi32>
        %add3A_840 = arith.addi %add3A_839, %and3A_97 : vector<16xi32>
        %add3A_841 = arith.addi %mul3A_466, %add3A_840 : vector<16xi32>
        %gather3A_842 = tpu.vector_load_idx %arg7[%add3A_455, %add3A_841] : memref<512x128xf32, #tpu.memory_space<vmem>>[vector<16xi32>, vector<16xi32>], vector<16xf32>,
        %add3A_843 = arith.constant 16 : i32
        %add3A_844 = arith.addi %mul3A_414, %add3A_843 : i32
        %add3A_845 = vector.broadcast %add3A_844 : i32 to vector<16xi32>
        %add3A_846 = arith.addi %add3A_845, %and3A_97 : vector<16xi32>
        %mul3A_847 = arith.constant 8.000000e+00 : f32
        %mul3A_848 = vector.broadcast %mul3A_847 : f32 to vector<16xf32>
        %mul3A_849 = arith.mulf %gather3A_842, %mul3A_848 : vector<16xf32>
        tpu.vector_store_idx %arg8[%add3A_846, %add3A_457], %mul3A_849 : memref<128x128xf32, #tpu.memory_space<vmem>>[vector<16xi32>, vector<16xi32>], vector<16xf32>,
        %add3A_850 = arith.constant 32 : i32
        %add3A_851 = vector.broadcast %add3A_850 : i32 to vector<16xi32>
        %add3A_852 = arith.addi %add3A_851, %and3A_7 : vector<16xi32>
        %add3A_853 = arith.addi %mul3A_466, %add3A_852 : vector<16xi32>
        %gather3A_854 = tpu.vector_load_idx %arg7[%add3A_455, %add3A_853] : memref<512x128xf32, #tpu.memory_space<vmem>>[vector<16xi32>, vector<16xi32>], vector<16xf32>,
        %add3A_855 = arith.constant 32 : i32
        %add3A_856 = arith.addi %mul3A_414, %add3A_855 : i32
        %add3A_857 = vector.broadcast %add3A_856 : i32 to vector<16xi32>
        %add3A_858 = arith.addi %add3A_857, %and3A_7 : vector<16xi32>
        %mul3A_859 = arith.constant 8.000000e+00 : f32
        %mul3A_860 = vector.broadcast %mul3A_859 : f32 to vector<16xf32>
        %mul3A_861 = arith.mulf %gather3A_854, %mul3A_860 : vector<16xf32>
        tpu.vector_store_idx %arg8[%add3A_858, %add3A_457], %mul3A_861 : memref<128x128xf32, #tpu.memory_space<vmem>>[vector<16xi32>, vector<16xi32>], vector<16xf32>,
        %add3A_862 = arith.constant 32 : i32
        %add3A_863 = vector.broadcast %add3A_862 : i32 to vector<16xi32>
        %add3A_864 = arith.addi %add3A_863, %and3A_13 : vector<16xi32>
        %add3A_865 = arith.addi %mul3A_466, %add3A_864 : vector<16xi32>
        %gather3A_866 = tpu.vector_load_idx %arg7[%add3A_455, %add3A_865] : memref<512x128xf32, #tpu.memory_space<vmem>>[vector<16xi32>, vector<16xi32>], vector<16xf32>,
        %add3A_867 = arith.constant 32 : i32
        %add3A_868 = arith.addi %mul3A_414, %add3A_867 : i32
        %add3A_869 = vector.broadcast %add3A_868 : i32 to vector<16xi32>
        %add3A_870 = arith.addi %add3A_869, %and3A_13 : vector<16xi32>
        %mul3A_871 = arith.constant 8.000000e+00 : f32
        %mul3A_872 = vector.broadcast %mul3A_871 : f32 to vector<16xf32>
        %mul3A_873 = arith.mulf %gather3A_866, %mul3A_872 : vector<16xf32>
        tpu.vector_store_idx %arg8[%add3A_870, %add3A_457], %mul3A_873 : memref<128x128xf32, #tpu.memory_space<vmem>>[vector<16xi32>, vector<16xi32>], vector<16xf32>,
        %add3A_874 = arith.constant 32 : i32
        %add3A_875 = vector.broadcast %add3A_874 : i32 to vector<16xi32>
        %add3A_876 = arith.addi %add3A_875, %and3A_19 : vector<16xi32>
        %add3A_877 = arith.addi %mul3A_466, %add3A_876 : vector<16xi32>
        %gather3A_878 = tpu.vector_load_idx %arg7[%add3A_455, %add3A_877] : memref<512x128xf32, #tpu.memory_space<vmem>>[vector<16xi32>, vector<16xi32>], vector<16xf32>,
        %add3A_879 = arith.constant 32 : i32
        %add3A_880 = arith.addi %mul3A_414, %add3A_879 : i32
        %add3A_881 = vector.broadcast %add3A_880 : i32 to vector<16xi32>
        %add3A_882 = arith.addi %add3A_881, %and3A_19 : vector<16xi32>
        %mul3A_883 = arith.constant 8.000000e+00 : f32
        %mul3A_884 = vector.broadcast %mul3A_883 : f32 to vector<16xf32>
        %mul3A_885 = arith.mulf %gather3A_878, %mul3A_884 : vector<16xf32>
        tpu.vector_store_idx %arg8[%add3A_882, %add3A_457], %mul3A_885 : memref<128x128xf32, #tpu.memory_space<vmem>>[vector<16xi32>, vector<16xi32>], vector<16xf32>,
        %add3A_886 = arith.constant 32 : i32
        %add3A_887 = vector.broadcast %add3A_886 : i32 to vector<16xi32>
        %add3A_888 = arith.addi %add3A_887, %and3A_25 : vector<16xi32>
        %add3A_889 = arith.addi %mul3A_466, %add3A_888 : vector<16xi32>
        %gather3A_890 = tpu.vector_load_idx %arg7[%add3A_455, %add3A_889] : memref<512x128xf32, #tpu.memory_space<vmem>>[vector<16xi32>, vector<16xi32>], vector<16xf32>,
        %add3A_891 = arith.constant 32 : i32
        %add3A_892 = arith.addi %mul3A_414, %add3A_891 : i32
        %add3A_893 = vector.broadcast %add3A_892 : i32 to vector<16xi32>
        %add3A_894 = arith.addi %add3A_893, %and3A_25 : vector<16xi32>
        %mul3A_895 = arith.constant 8.000000e+00 : f32
        %mul3A_896 = vector.broadcast %mul3A_895 : f32 to vector<16xf32>
        %mul3A_897 = arith.mulf %gather3A_890, %mul3A_896 : vector<16xf32>
        tpu.vector_store_idx %arg8[%add3A_894, %add3A_457], %mul3A_897 : memref<128x128xf32, #tpu.memory_space<vmem>>[vector<16xi32>, vector<16xi32>], vector<16xf32>,
        %add3A_898 = arith.constant 32 : i32
        %add3A_899 = vector.broadcast %add3A_898 : i32 to vector<16xi32>
        %add3A_900 = arith.addi %add3A_899, %and3A_31 : vector<16xi32>
        %add3A_901 = arith.addi %mul3A_466, %add3A_900 : vector<16xi32>
        %gather3A_902 = tpu.vector_load_idx %arg7[%add3A_455, %add3A_901] : memref<512x128xf32, #tpu.memory_space<vmem>>[vector<16xi32>, vector<16xi32>], vector<16xf32>,
        %add3A_903 = arith.constant 32 : i32
        %add3A_904 = arith.addi %mul3A_414, %add3A_903 : i32
        %add3A_905 = vector.broadcast %add3A_904 : i32 to vector<16xi32>
        %add3A_906 = arith.addi %add3A_905, %and3A_31 : vector<16xi32>
        %mul3A_907 = arith.constant 8.000000e+00 : f32
        %mul3A_908 = vector.broadcast %mul3A_907 : f32 to vector<16xf32>
        %mul3A_909 = arith.mulf %gather3A_902, %mul3A_908 : vector<16xf32>
        tpu.vector_store_idx %arg8[%add3A_906, %add3A_457], %mul3A_909 : memref<128x128xf32, #tpu.memory_space<vmem>>[vector<16xi32>, vector<16xi32>], vector<16xf32>,
        %add3A_910 = arith.constant 32 : i32
        %add3A_911 = vector.broadcast %add3A_910 : i32 to vector<16xi32>
        %add3A_912 = arith.addi %add3A_911, %and3A_37 : vector<16xi32>
        %add3A_913 = arith.addi %mul3A_466, %add3A_912 : vector<16xi32>
        %gather3A_914 = tpu.vector_load_idx %arg7[%add3A_455, %add3A_913] : memref<512x128xf32, #tpu.memory_space<vmem>>[vector<16xi32>, vector<16xi32>], vector<16xf32>,
        %add3A_915 = arith.constant 32 : i32
        %add3A_916 = arith.addi %mul3A_414, %add3A_915 : i32
        %add3A_917 = vector.broadcast %add3A_916 : i32 to vector<16xi32>
        %add3A_918 = arith.addi %add3A_917, %and3A_37 : vector<16xi32>
        %mul3A_919 = arith.constant 8.000000e+00 : f32
        %mul3A_920 = vector.broadcast %mul3A_919 : f32 to vector<16xf32>
        %mul3A_921 = arith.mulf %gather3A_914, %mul3A_920 : vector<16xf32>
        tpu.vector_store_idx %arg8[%add3A_918, %add3A_457], %mul3A_921 : memref<128x128xf32, #tpu.memory_space<vmem>>[vector<16xi32>, vector<16xi32>], vector<16xf32>,
        %add3A_922 = arith.constant 32 : i32
        %add3A_923 = vector.broadcast %add3A_922 : i32 to vector<16xi32>
        %add3A_924 = arith.addi %add3A_923, %and3A_43 : vector<16xi32>
        %add3A_925 = arith.addi %mul3A_466, %add3A_924 : vector<16xi32>
        %gather3A_926 = tpu.vector_load_idx %arg7[%add3A_455, %add3A_925] : memref<512x128xf32, #tpu.memory_space<vmem>>[vector<16xi32>, vector<16xi32>], vector<16xf32>,
        %add3A_927 = arith.constant 32 : i32
        %add3A_928 = arith.addi %mul3A_414, %add3A_927 : i32
        %add3A_929 = vector.broadcast %add3A_928 : i32 to vector<16xi32>
        %add3A_930 = arith.addi %add3A_929, %and3A_43 : vector<16xi32>
        %mul3A_931 = arith.constant 8.000000e+00 : f32
        %mul3A_932 = vector.broadcast %mul3A_931 : f32 to vector<16xf32>
        %mul3A_933 = arith.mulf %gather3A_926, %mul3A_932 : vector<16xf32>
        tpu.vector_store_idx %arg8[%add3A_930, %add3A_457], %mul3A_933 : memref<128x128xf32, #tpu.memory_space<vmem>>[vector<16xi32>, vector<16xi32>], vector<16xf32>,
        %add3A_934 = arith.constant 32 : i32
        %add3A_935 = vector.broadcast %add3A_934 : i32 to vector<16xi32>
        %add3A_936 = arith.addi %add3A_935, %and3A_49 : vector<16xi32>
        %add3A_937 = arith.addi %mul3A_466, %add3A_936 : vector<16xi32>
        %gather3A_938 = tpu.vector_load_idx %arg7[%add3A_455, %add3A_937] : memref<512x128xf32, #tpu.memory_space<vmem>>[vector<16xi32>, vector<16xi32>], vector<16xf32>,
        %add3A_939 = arith.constant 32 : i32
        %add3A_940 = arith.addi %mul3A_414, %add3A_939 : i32
        %add3A_941 = vector.broadcast %add3A_940 : i32 to vector<16xi32>
        %add3A_942 = arith.addi %add3A_941, %and3A_49 : vector<16xi32>
        %mul3A_943 = arith.constant 8.000000e+00 : f32
        %mul3A_944 = vector.broadcast %mul3A_943 : f32 to vector<16xf32>
        %mul3A_945 = arith.mulf %gather3A_938, %mul3A_944 : vector<16xf32>
        tpu.vector_store_idx %arg8[%add3A_942, %add3A_457], %mul3A_945 : memref<128x128xf32, #tpu.memory_space<vmem>>[vector<16xi32>, vector<16xi32>], vector<16xf32>,
        %add3A_946 = arith.constant 32 : i32
        %add3A_947 = vector.broadcast %add3A_946 : i32 to vector<16xi32>
        %add3A_948 = arith.addi %add3A_947, %and3A_55 : vector<16xi32>
        %add3A_949 = arith.addi %mul3A_466, %add3A_948 : vector<16xi32>
        %gather3A_950 = tpu.vector_load_idx %arg7[%add3A_455, %add3A_949] : memref<512x128xf32, #tpu.memory_space<vmem>>[vector<16xi32>, vector<16xi32>], vector<16xf32>,
        %add3A_951 = arith.constant 32 : i32
        %add3A_952 = arith.addi %mul3A_414, %add3A_951 : i32
        %add3A_953 = vector.broadcast %add3A_952 : i32 to vector<16xi32>
        %add3A_954 = arith.addi %add3A_953, %and3A_55 : vector<16xi32>
        %mul3A_955 = arith.constant 8.000000e+00 : f32
        %mul3A_956 = vector.broadcast %mul3A_955 : f32 to vector<16xf32>
        %mul3A_957 = arith.mulf %gather3A_950, %mul3A_956 : vector<16xf32>
        tpu.vector_store_idx %arg8[%add3A_954, %add3A_457], %mul3A_957 : memref<128x128xf32, #tpu.memory_space<vmem>>[vector<16xi32>, vector<16xi32>], vector<16xf32>,
        %add3A_958 = arith.constant 32 : i32
        %add3A_959 = vector.broadcast %add3A_958 : i32 to vector<16xi32>
        %add3A_960 = arith.addi %add3A_959, %and3A_61 : vector<16xi32>
        %add3A_961 = arith.addi %mul3A_466, %add3A_960 : vector<16xi32>
        %gather3A_962 = tpu.vector_load_idx %arg7[%add3A_455, %add3A_961] : memref<512x128xf32, #tpu.memory_space<vmem>>[vector<16xi32>, vector<16xi32>], vector<16xf32>,
        %add3A_963 = arith.constant 32 : i32
        %add3A_964 = arith.addi %mul3A_414, %add3A_963 : i32
        %add3A_965 = vector.broadcast %add3A_964 : i32 to vector<16xi32>
        %add3A_966 = arith.addi %add3A_965, %and3A_61 : vector<16xi32>
        %mul3A_967 = arith.constant 8.000000e+00 : f32
        %mul3A_968 = vector.broadcast %mul3A_967 : f32 to vector<16xf32>
        %mul3A_969 = arith.mulf %gather3A_962, %mul3A_968 : vector<16xf32>
        tpu.vector_store_idx %arg8[%add3A_966, %add3A_457], %mul3A_969 : memref<128x128xf32, #tpu.memory_space<vmem>>[vector<16xi32>, vector<16xi32>], vector<16xf32>,
        %add3A_970 = arith.constant 32 : i32
        %add3A_971 = vector.broadcast %add3A_970 : i32 to vector<16xi32>
        %add3A_972 = arith.addi %add3A_971, %and3A_67 : vector<16xi32>
        %add3A_973 = arith.addi %mul3A_466, %add3A_972 : vector<16xi32>
        %gather3A_974 = tpu.vector_load_idx %arg7[%add3A_455, %add3A_973] : memref<512x128xf32, #tpu.memory_space<vmem>>[vector<16xi32>, vector<16xi32>], vector<16xf32>,
        %add3A_975 = arith.constant 32 : i32
        %add3A_976 = arith.addi %mul3A_414, %add3A_975 : i32
        %add3A_977 = vector.broadcast %add3A_976 : i32 to vector<16xi32>
        %add3A_978 = arith.addi %add3A_977, %and3A_67 : vector<16xi32>
        %mul3A_979 = arith.constant 8.000000e+00 : f32
        %mul3A_980 = vector.broadcast %mul3A_979 : f32 to vector<16xf32>
        %mul3A_981 = arith.mulf %gather3A_974, %mul3A_980 : vector<16xf32>
        tpu.vector_store_idx %arg8[%add3A_978, %add3A_457], %mul3A_981 : memref<128x128xf32, #tpu.memory_space<vmem>>[vector<16xi32>, vector<16xi32>], vector<16xf32>,
        %add3A_982 = arith.constant 32 : i32
        %add3A_983 = vector.broadcast %add3A_982 : i32 to vector<16xi32>
        %add3A_984 = arith.addi %add3A_983, %and3A_73 : vector<16xi32>
        %add3A_985 = arith.addi %mul3A_466, %add3A_984 : vector<16xi32>
        %gather3A_986 = tpu.vector_load_idx %arg7[%add3A_455, %add3A_985] : memref<512x128xf32, #tpu.memory_space<vmem>>[vector<16xi32>, vector<16xi32>], vector<16xf32>,
        %add3A_987 = arith.constant 32 : i32
        %add3A_988 = arith.addi %mul3A_414, %add3A_987 : i32
        %add3A_989 = vector.broadcast %add3A_988 : i32 to vector<16xi32>
        %add3A_990 = arith.addi %add3A_989, %and3A_73 : vector<16xi32>
        %mul3A_991 = arith.constant 8.000000e+00 : f32
        %mul3A_992 = vector.broadcast %mul3A_991 : f32 to vector<16xf32>
        %mul3A_993 = arith.mulf %gather3A_986, %mul3A_992 : vector<16xf32>
        tpu.vector_store_idx %arg8[%add3A_990, %add3A_457], %mul3A_993 : memref<128x128xf32, #tpu.memory_space<vmem>>[vector<16xi32>, vector<16xi32>], vector<16xf32>,
        %add3A_994 = arith.constant 32 : i32
        %add3A_995 = vector.broadcast %add3A_994 : i32 to vector<16xi32>
        %add3A_996 = arith.addi %add3A_995, %and3A_79 : vector<16xi32>
        %add3A_997 = arith.addi %mul3A_466, %add3A_996 : vector<16xi32>
        %gather3A_998 = tpu.vector_load_idx %arg7[%add3A_455, %add3A_997] : memref<512x128xf32, #tpu.memory_space<vmem>>[vector<16xi32>, vector<16xi32>], vector<16xf32>,
        %add3A_999 = arith.constant 32 : i32
        %add3A_1000 = arith.addi %mul3A_414, %add3A_999 : i32
        %add3A_1001 = vector.broadcast %add3A_1000 : i32 to vector<16xi32>
        %add3A_1002 = arith.addi %add3A_1001, %and3A_79 : vector<16xi32>
        %mul3A_1003 = arith.constant 8.000000e+00 : f32
        %mul3A_1004 = vector.broadcast %mul3A_1003 : f32 to vector<16xf32>
        %mul3A_1005 = arith.mulf %gather3A_998, %mul3A_1004 : vector<16xf32>
        tpu.vector_store_idx %arg8[%add3A_1002, %add3A_457], %mul3A_1005 : memref<128x128xf32, #tpu.memory_space<vmem>>[vector<16xi32>, vector<16xi32>], vector<16xf32>,
        %add3A_1006 = arith.constant 32 : i32
        %add3A_1007 = vector.broadcast %add3A_1006 : i32 to vector<16xi32>
        %add3A_1008 = arith.addi %add3A_1007, %and3A_85 : vector<16xi32>
        %add3A_1009 = arith.addi %mul3A_466, %add3A_1008 : vector<16xi32>
        %gather3A_1010 = tpu.vector_load_idx %arg7[%add3A_455, %add3A_1009] : memref<512x128xf32, #tpu.memory_space<vmem>>[vector<16xi32>, vector<16xi32>], vector<16xf32>,
        %add3A_1011 = arith.constant 32 : i32
        %add3A_1012 = arith.addi %mul3A_414, %add3A_1011 : i32
        %add3A_1013 = vector.broadcast %add3A_1012 : i32 to vector<16xi32>
        %add3A_1014 = arith.addi %add3A_1013, %and3A_85 : vector<16xi32>
        %mul3A_1015 = arith.constant 8.000000e+00 : f32
        %mul3A_1016 = vector.broadcast %mul3A_1015 : f32 to vector<16xf32>
        %mul3A_1017 = arith.mulf %gather3A_1010, %mul3A_1016 : vector<16xf32>
        tpu.vector_store_idx %arg8[%add3A_1014, %add3A_457], %mul3A_1017 : memref<128x128xf32, #tpu.memory_space<vmem>>[vector<16xi32>, vector<16xi32>], vector<16xf32>,
        %add3A_1018 = arith.constant 32 : i32
        %add3A_1019 = vector.broadcast %add3A_1018 : i32 to vector<16xi32>
        %add3A_1020 = arith.addi %add3A_1019, %and3A_91 : vector<16xi32>
        %add3A_1021 = arith.addi %mul3A_466, %add3A_1020 : vector<16xi32>
        %gather3A_1022 = tpu.vector_load_idx %arg7[%add3A_455, %add3A_1021] : memref<512x128xf32, #tpu.memory_space<vmem>>[vector<16xi32>, vector<16xi32>], vector<16xf32>,
        %add3A_1023 = arith.constant 32 : i32
        %add3A_1024 = arith.addi %mul3A_414, %add3A_1023 : i32
        %add3A_1025 = vector.broadcast %add3A_1024 : i32 to vector<16xi32>
        %add3A_1026 = arith.addi %add3A_1025, %and3A_91 : vector<16xi32>
        %mul3A_1027 = arith.constant 8.000000e+00 : f32
        %mul3A_1028 = vector.broadcast %mul3A_1027 : f32 to vector<16xf32>
        %mul3A_1029 = arith.mulf %gather3A_1022, %mul3A_1028 : vector<16xf32>
        tpu.vector_store_idx %arg8[%add3A_1026, %add3A_457], %mul3A_1029 : memref<128x128xf32, #tpu.memory_space<vmem>>[vector<16xi32>, vector<16xi32>], vector<16xf32>,
        %add3A_1030 = arith.constant 32 : i32
        %add3A_1031 = vector.broadcast %add3A_1030 : i32 to vector<16xi32>
        %add3A_1032 = arith.addi %add3A_1031, %and3A_97 : vector<16xi32>
        %add3A_1033 = arith.addi %mul3A_466, %add3A_1032 : vector<16xi32>
        %gather3A_1034 = tpu.vector_load_idx %arg7[%add3A_455, %add3A_1033] : memref<512x128xf32, #tpu.memory_space<vmem>>[vector<16xi32>, vector<16xi32>], vector<16xf32>,
        %add3A_1035 = arith.constant 32 : i32
        %add3A_1036 = arith.addi %mul3A_414, %add3A_1035 : i32
        %add3A_1037 = vector.broadcast %add3A_1036 : i32 to vector<16xi32>
        %add3A_1038 = arith.addi %add3A_1037, %and3A_97 : vector<16xi32>
        %mul3A_1039 = arith.constant 8.000000e+00 : f32
        %mul3A_1040 = vector.broadcast %mul3A_1039 : f32 to vector<16xf32>
        %mul3A_1041 = arith.mulf %gather3A_1034, %mul3A_1040 : vector<16xf32>
        tpu.vector_store_idx %arg8[%add3A_1038, %add3A_457], %mul3A_1041 : memref<128x128xf32, #tpu.memory_space<vmem>>[vector<16xi32>, vector<16xi32>], vector<16xf32>,
        %add3A_1042 = arith.constant 48 : i32
        %add3A_1043 = vector.broadcast %add3A_1042 : i32 to vector<16xi32>
        %add3A_1044 = arith.addi %add3A_1043, %and3A_7 : vector<16xi32>
        %add3A_1045 = arith.addi %mul3A_466, %add3A_1044 : vector<16xi32>
        %gather3A_1046 = tpu.vector_load_idx %arg7[%add3A_455, %add3A_1045] : memref<512x128xf32, #tpu.memory_space<vmem>>[vector<16xi32>, vector<16xi32>], vector<16xf32>,
        %add3A_1047 = arith.constant 48 : i32
        %add3A_1048 = arith.addi %mul3A_414, %add3A_1047 : i32
        %add3A_1049 = vector.broadcast %add3A_1048 : i32 to vector<16xi32>
        %add3A_1050 = arith.addi %add3A_1049, %and3A_7 : vector<16xi32>
        %mul3A_1051 = arith.constant 8.000000e+00 : f32
        %mul3A_1052 = vector.broadcast %mul3A_1051 : f32 to vector<16xf32>
        %mul3A_1053 = arith.mulf %gather3A_1046, %mul3A_1052 : vector<16xf32>
        tpu.vector_store_idx %arg8[%add3A_1050, %add3A_457], %mul3A_1053 : memref<128x128xf32, #tpu.memory_space<vmem>>[vector<16xi32>, vector<16xi32>], vector<16xf32>,
        %add3A_1054 = arith.constant 48 : i32
        %add3A_1055 = vector.broadcast %add3A_1054 : i32 to vector<16xi32>
        %add3A_1056 = arith.addi %add3A_1055, %and3A_13 : vector<16xi32>
        %add3A_1057 = arith.addi %mul3A_466, %add3A_1056 : vector<16xi32>
        %gather3A_1058 = tpu.vector_load_idx %arg7[%add3A_455, %add3A_1057] : memref<512x128xf32, #tpu.memory_space<vmem>>[vector<16xi32>, vector<16xi32>], vector<16xf32>,
        %add3A_1059 = arith.constant 48 : i32
        %add3A_1060 = arith.addi %mul3A_414, %add3A_1059 : i32
        %add3A_1061 = vector.broadcast %add3A_1060 : i32 to vector<16xi32>
        %add3A_1062 = arith.addi %add3A_1061, %and3A_13 : vector<16xi32>
        %mul3A_1063 = arith.constant 8.000000e+00 : f32
        %mul3A_1064 = vector.broadcast %mul3A_1063 : f32 to vector<16xf32>
        %mul3A_1065 = arith.mulf %gather3A_1058, %mul3A_1064 : vector<16xf32>
        tpu.vector_store_idx %arg8[%add3A_1062, %add3A_457], %mul3A_1065 : memref<128x128xf32, #tpu.memory_space<vmem>>[vector<16xi32>, vector<16xi32>], vector<16xf32>,
        %add3A_1066 = arith.constant 48 : i32
        %add3A_1067 = vector.broadcast %add3A_1066 : i32 to vector<16xi32>
        %add3A_1068 = arith.addi %add3A_1067, %and3A_19 : vector<16xi32>
        %add3A_1069 = arith.addi %mul3A_466, %add3A_1068 : vector<16xi32>
        %gather3A_1070 = tpu.vector_load_idx %arg7[%add3A_455, %add3A_1069] : memref<512x128xf32, #tpu.memory_space<vmem>>[vector<16xi32>, vector<16xi32>], vector<16xf32>,
        %add3A_1071 = arith.constant 48 : i32
        %add3A_1072 = arith.addi %mul3A_414, %add3A_1071 : i32
        %add3A_1073 = vector.broadcast %add3A_1072 : i32 to vector<16xi32>
        %add3A_1074 = arith.addi %add3A_1073, %and3A_19 : vector<16xi32>
        %mul3A_1075 = arith.constant 8.000000e+00 : f32
        %mul3A_1076 = vector.broadcast %mul3A_1075 : f32 to vector<16xf32>
        %mul3A_1077 = arith.mulf %gather3A_1070, %mul3A_1076 : vector<16xf32>
        tpu.vector_store_idx %arg8[%add3A_1074, %add3A_457], %mul3A_1077 : memref<128x128xf32, #tpu.memory_space<vmem>>[vector<16xi32>, vector<16xi32>], vector<16xf32>,
        %add3A_1078 = arith.constant 48 : i32
        %add3A_1079 = vector.broadcast %add3A_1078 : i32 to vector<16xi32>
        %add3A_1080 = arith.addi %add3A_1079, %and3A_25 : vector<16xi32>
        %add3A_1081 = arith.addi %mul3A_466, %add3A_1080 : vector<16xi32>
        %gather3A_1082 = tpu.vector_load_idx %arg7[%add3A_455, %add3A_1081] : memref<512x128xf32, #tpu.memory_space<vmem>>[vector<16xi32>, vector<16xi32>], vector<16xf32>,
        %add3A_1083 = arith.constant 48 : i32
        %add3A_1084 = arith.addi %mul3A_414, %add3A_1083 : i32
        %add3A_1085 = vector.broadcast %add3A_1084 : i32 to vector<16xi32>
        %add3A_1086 = arith.addi %add3A_1085, %and3A_25 : vector<16xi32>
        %mul3A_1087 = arith.constant 8.000000e+00 : f32
        %mul3A_1088 = vector.broadcast %mul3A_1087 : f32 to vector<16xf32>
        %mul3A_1089 = arith.mulf %gather3A_1082, %mul3A_1088 : vector<16xf32>
        tpu.vector_store_idx %arg8[%add3A_1086, %add3A_457], %mul3A_1089 : memref<128x128xf32, #tpu.memory_space<vmem>>[vector<16xi32>, vector<16xi32>], vector<16xf32>,
        %add3A_1090 = arith.constant 48 : i32
        %add3A_1091 = vector.broadcast %add3A_1090 : i32 to vector<16xi32>
        %add3A_1092 = arith.addi %add3A_1091, %and3A_31 : vector<16xi32>
        %add3A_1093 = arith.addi %mul3A_466, %add3A_1092 : vector<16xi32>
        %gather3A_1094 = tpu.vector_load_idx %arg7[%add3A_455, %add3A_1093] : memref<512x128xf32, #tpu.memory_space<vmem>>[vector<16xi32>, vector<16xi32>], vector<16xf32>,
        %add3A_1095 = arith.constant 48 : i32
        %add3A_1096 = arith.addi %mul3A_414, %add3A_1095 : i32
        %add3A_1097 = vector.broadcast %add3A_1096 : i32 to vector<16xi32>
        %add3A_1098 = arith.addi %add3A_1097, %and3A_31 : vector<16xi32>
        %mul3A_1099 = arith.constant 8.000000e+00 : f32
        %mul3A_1100 = vector.broadcast %mul3A_1099 : f32 to vector<16xf32>
        %mul3A_1101 = arith.mulf %gather3A_1094, %mul3A_1100 : vector<16xf32>
        tpu.vector_store_idx %arg8[%add3A_1098, %add3A_457], %mul3A_1101 : memref<128x128xf32, #tpu.memory_space<vmem>>[vector<16xi32>, vector<16xi32>], vector<16xf32>,
        %add3A_1102 = arith.constant 48 : i32
        %add3A_1103 = vector.broadcast %add3A_1102 : i32 to vector<16xi32>
        %add3A_1104 = arith.addi %add3A_1103, %and3A_37 : vector<16xi32>
        %add3A_1105 = arith.addi %mul3A_466, %add3A_1104 : vector<16xi32>
        %gather3A_1106 = tpu.vector_load_idx %arg7[%add3A_455, %add3A_1105] : memref<512x128xf32, #tpu.memory_space<vmem>>[vector<16xi32>, vector<16xi32>], vector<16xf32>,
        %add3A_1107 = arith.constant 48 : i32
        %add3A_1108 = arith.addi %mul3A_414, %add3A_1107 : i32
        %add3A_1109 = vector.broadcast %add3A_1108 : i32 to vector<16xi32>
        %add3A_1110 = arith.addi %add3A_1109, %and3A_37 : vector<16xi32>
        %mul3A_1111 = arith.constant 8.000000e+00 : f32
        %mul3A_1112 = vector.broadcast %mul3A_1111 : f32 to vector<16xf32>
        %mul3A_1113 = arith.mulf %gather3A_1106, %mul3A_1112 : vector<16xf32>
        tpu.vector_store_idx %arg8[%add3A_1110, %add3A_457], %mul3A_1113 : memref<128x128xf32, #tpu.memory_space<vmem>>[vector<16xi32>, vector<16xi32>], vector<16xf32>,
        %add3A_1114 = arith.constant 48 : i32
        %add3A_1115 = vector.broadcast %add3A_1114 : i32 to vector<16xi32>
        %add3A_1116 = arith.addi %add3A_1115, %and3A_43 : vector<16xi32>
        %add3A_1117 = arith.addi %mul3A_466, %add3A_1116 : vector<16xi32>
        %gather3A_1118 = tpu.vector_load_idx %arg7[%add3A_455, %add3A_1117] : memref<512x128xf32, #tpu.memory_space<vmem>>[vector<16xi32>, vector<16xi32>], vector<16xf32>,
        %add3A_1119 = arith.constant 48 : i32
        %add3A_1120 = arith.addi %mul3A_414, %add3A_1119 : i32
        %add3A_1121 = vector.broadcast %add3A_1120 : i32 to vector<16xi32>
        %add3A_1122 = arith.addi %add3A_1121, %and3A_43 : vector<16xi32>
        %mul3A_1123 = arith.constant 8.000000e+00 : f32
        %mul3A_1124 = vector.broadcast %mul3A_1123 : f32 to vector<16xf32>
        %mul3A_1125 = arith.mulf %gather3A_1118, %mul3A_1124 : vector<16xf32>
        tpu.vector_store_idx %arg8[%add3A_1122, %add3A_457], %mul3A_1125 : memref<128x128xf32, #tpu.memory_space<vmem>>[vector<16xi32>, vector<16xi32>], vector<16xf32>,
        %add3A_1126 = arith.constant 48 : i32
        %add3A_1127 = vector.broadcast %add3A_1126 : i32 to vector<16xi32>
        %add3A_1128 = arith.addi %add3A_1127, %and3A_49 : vector<16xi32>
        %add3A_1129 = arith.addi %mul3A_466, %add3A_1128 : vector<16xi32>
        %gather3A_1130 = tpu.vector_load_idx %arg7[%add3A_455, %add3A_1129] : memref<512x128xf32, #tpu.memory_space<vmem>>[vector<16xi32>, vector<16xi32>], vector<16xf32>,
        %add3A_1131 = arith.constant 48 : i32
        %add3A_1132 = arith.addi %mul3A_414, %add3A_1131 : i32
        %add3A_1133 = vector.broadcast %add3A_1132 : i32 to vector<16xi32>
        %add3A_1134 = arith.addi %add3A_1133, %and3A_49 : vector<16xi32>
        %mul3A_1135 = arith.constant 8.000000e+00 : f32
        %mul3A_1136 = vector.broadcast %mul3A_1135 : f32 to vector<16xf32>
        %mul3A_1137 = arith.mulf %gather3A_1130, %mul3A_1136 : vector<16xf32>
        tpu.vector_store_idx %arg8[%add3A_1134, %add3A_457], %mul3A_1137 : memref<128x128xf32, #tpu.memory_space<vmem>>[vector<16xi32>, vector<16xi32>], vector<16xf32>,
        %add3A_1138 = arith.constant 48 : i32
        %add3A_1139 = vector.broadcast %add3A_1138 : i32 to vector<16xi32>
        %add3A_1140 = arith.addi %add3A_1139, %and3A_55 : vector<16xi32>
        %add3A_1141 = arith.addi %mul3A_466, %add3A_1140 : vector<16xi32>
        %gather3A_1142 = tpu.vector_load_idx %arg7[%add3A_455, %add3A_1141] : memref<512x128xf32, #tpu.memory_space<vmem>>[vector<16xi32>, vector<16xi32>], vector<16xf32>,
        %add3A_1143 = arith.constant 48 : i32
        %add3A_1144 = arith.addi %mul3A_414, %add3A_1143 : i32
        %add3A_1145 = vector.broadcast %add3A_1144 : i32 to vector<16xi32>
        %add3A_1146 = arith.addi %add3A_1145, %and3A_55 : vector<16xi32>
        %mul3A_1147 = arith.constant 8.000000e+00 : f32
        %mul3A_1148 = vector.broadcast %mul3A_1147 : f32 to vector<16xf32>
        %mul3A_1149 = arith.mulf %gather3A_1142, %mul3A_1148 : vector<16xf32>
        tpu.vector_store_idx %arg8[%add3A_1146, %add3A_457], %mul3A_1149 : memref<128x128xf32, #tpu.memory_space<vmem>>[vector<16xi32>, vector<16xi32>], vector<16xf32>,
        %add3A_1150 = arith.constant 48 : i32
        %add3A_1151 = vector.broadcast %add3A_1150 : i32 to vector<16xi32>
        %add3A_1152 = arith.addi %add3A_1151, %and3A_61 : vector<16xi32>
        %add3A_1153 = arith.addi %mul3A_466, %add3A_1152 : vector<16xi32>
        %gather3A_1154 = tpu.vector_load_idx %arg7[%add3A_455, %add3A_1153] : memref<512x128xf32, #tpu.memory_space<vmem>>[vector<16xi32>, vector<16xi32>], vector<16xf32>,
        %add3A_1155 = arith.constant 48 : i32
        %add3A_1156 = arith.addi %mul3A_414, %add3A_1155 : i32
        %add3A_1157 = vector.broadcast %add3A_1156 : i32 to vector<16xi32>
        %add3A_1158 = arith.addi %add3A_1157, %and3A_61 : vector<16xi32>
        %mul3A_1159 = arith.constant 8.000000e+00 : f32
        %mul3A_1160 = vector.broadcast %mul3A_1159 : f32 to vector<16xf32>
        %mul3A_1161 = arith.mulf %gather3A_1154, %mul3A_1160 : vector<16xf32>
        tpu.vector_store_idx %arg8[%add3A_1158, %add3A_457], %mul3A_1161 : memref<128x128xf32, #tpu.memory_space<vmem>>[vector<16xi32>, vector<16xi32>], vector<16xf32>,
        %add3A_1162 = arith.constant 48 : i32
        %add3A_1163 = vector.broadcast %add3A_1162 : i32 to vector<16xi32>
        %add3A_1164 = arith.addi %add3A_1163, %and3A_67 : vector<16xi32>
        %add3A_1165 = arith.addi %mul3A_466, %add3A_1164 : vector<16xi32>
        %gather3A_1166 = tpu.vector_load_idx %arg7[%add3A_455, %add3A_1165] : memref<512x128xf32, #tpu.memory_space<vmem>>[vector<16xi32>, vector<16xi32>], vector<16xf32>,
        %add3A_1167 = arith.constant 48 : i32
        %add3A_1168 = arith.addi %mul3A_414, %add3A_1167 : i32
        %add3A_1169 = vector.broadcast %add3A_1168 : i32 to vector<16xi32>
        %add3A_1170 = arith.addi %add3A_1169, %and3A_67 : vector<16xi32>
        %mul3A_1171 = arith.constant 8.000000e+00 : f32
        %mul3A_1172 = vector.broadcast %mul3A_1171 : f32 to vector<16xf32>
        %mul3A_1173 = arith.mulf %gather3A_1166, %mul3A_1172 : vector<16xf32>
        tpu.vector_store_idx %arg8[%add3A_1170, %add3A_457], %mul3A_1173 : memref<128x128xf32, #tpu.memory_space<vmem>>[vector<16xi32>, vector<16xi32>], vector<16xf32>,
        %add3A_1174 = arith.constant 48 : i32
        %add3A_1175 = vector.broadcast %add3A_1174 : i32 to vector<16xi32>
        %add3A_1176 = arith.addi %add3A_1175, %and3A_73 : vector<16xi32>
        %add3A_1177 = arith.addi %mul3A_466, %add3A_1176 : vector<16xi32>
        %gather3A_1178 = tpu.vector_load_idx %arg7[%add3A_455, %add3A_1177] : memref<512x128xf32, #tpu.memory_space<vmem>>[vector<16xi32>, vector<16xi32>], vector<16xf32>,
        %add3A_1179 = arith.constant 48 : i32
        %add3A_1180 = arith.addi %mul3A_414, %add3A_1179 : i32
        %add3A_1181 = vector.broadcast %add3A_1180 : i32 to vector<16xi32>
        %add3A_1182 = arith.addi %add3A_1181, %and3A_73 : vector<16xi32>
        %mul3A_1183 = arith.constant 8.000000e+00 : f32
        %mul3A_1184 = vector.broadcast %mul3A_1183 : f32 to vector<16xf32>
        %mul3A_1185 = arith.mulf %gather3A_1178, %mul3A_1184 : vector<16xf32>
        tpu.vector_store_idx %arg8[%add3A_1182, %add3A_457], %mul3A_1185 : memref<128x128xf32, #tpu.memory_space<vmem>>[vector<16xi32>, vector<16xi32>], vector<16xf32>,
        %add3A_1186 = arith.constant 48 : i32
        %add3A_1187 = vector.broadcast %add3A_1186 : i32 to vector<16xi32>
        %add3A_1188 = arith.addi %add3A_1187, %and3A_79 : vector<16xi32>
        %add3A_1189 = arith.addi %mul3A_466, %add3A_1188 : vector<16xi32>
        %gather3A_1190 = tpu.vector_load_idx %arg7[%add3A_455, %add3A_1189] : memref<512x128xf32, #tpu.memory_space<vmem>>[vector<16xi32>, vector<16xi32>], vector<16xf32>,
        %add3A_1191 = arith.constant 48 : i32
        %add3A_1192 = arith.addi %mul3A_414, %add3A_1191 : i32
        %add3A_1193 = vector.broadcast %add3A_1192 : i32 to vector<16xi32>
        %add3A_1194 = arith.addi %add3A_1193, %and3A_79 : vector<16xi32>
        %mul3A_1195 = arith.constant 8.000000e+00 : f32
        %mul3A_1196 = vector.broadcast %mul3A_1195 : f32 to vector<16xf32>
        %mul3A_1197 = arith.mulf %gather3A_1190, %mul3A_1196 : vector<16xf32>
        tpu.vector_store_idx %arg8[%add3A_1194, %add3A_457], %mul3A_1197 : memref<128x128xf32, #tpu.memory_space<vmem>>[vector<16xi32>, vector<16xi32>], vector<16xf32>,
        %add3A_1198 = arith.constant 48 : i32
        %add3A_1199 = vector.broadcast %add3A_1198 : i32 to vector<16xi32>
        %add3A_1200 = arith.addi %add3A_1199, %and3A_85 : vector<16xi32>
        %add3A_1201 = arith.addi %mul3A_466, %add3A_1200 : vector<16xi32>
        %gather3A_1202 = tpu.vector_load_idx %arg7[%add3A_455, %add3A_1201] : memref<512x128xf32, #tpu.memory_space<vmem>>[vector<16xi32>, vector<16xi32>], vector<16xf32>,
        %add3A_1203 = arith.constant 48 : i32
        %add3A_1204 = arith.addi %mul3A_414, %add3A_1203 : i32
        %add3A_1205 = vector.broadcast %add3A_1204 : i32 to vector<16xi32>
        %add3A_1206 = arith.addi %add3A_1205, %and3A_85 : vector<16xi32>
        %mul3A_1207 = arith.constant 8.000000e+00 : f32
        %mul3A_1208 = vector.broadcast %mul3A_1207 : f32 to vector<16xf32>
        %mul3A_1209 = arith.mulf %gather3A_1202, %mul3A_1208 : vector<16xf32>
        tpu.vector_store_idx %arg8[%add3A_1206, %add3A_457], %mul3A_1209 : memref<128x128xf32, #tpu.memory_space<vmem>>[vector<16xi32>, vector<16xi32>], vector<16xf32>,
        %add3A_1210 = arith.constant 48 : i32
        %add3A_1211 = vector.broadcast %add3A_1210 : i32 to vector<16xi32>
        %add3A_1212 = arith.addi %add3A_1211, %and3A_91 : vector<16xi32>
        %add3A_1213 = arith.addi %mul3A_466, %add3A_1212 : vector<16xi32>
        %gather3A_1214 = tpu.vector_load_idx %arg7[%add3A_455, %add3A_1213] : memref<512x128xf32, #tpu.memory_space<vmem>>[vector<16xi32>, vector<16xi32>], vector<16xf32>,
        %add3A_1215 = arith.constant 48 : i32
        %add3A_1216 = arith.addi %mul3A_414, %add3A_1215 : i32
        %add3A_1217 = vector.broadcast %add3A_1216 : i32 to vector<16xi32>
        %add3A_1218 = arith.addi %add3A_1217, %and3A_91 : vector<16xi32>
        %mul3A_1219 = arith.constant 8.000000e+00 : f32
        %mul3A_1220 = vector.broadcast %mul3A_1219 : f32 to vector<16xf32>
        %mul3A_1221 = arith.mulf %gather3A_1214, %mul3A_1220 : vector<16xf32>
        tpu.vector_store_idx %arg8[%add3A_1218, %add3A_457], %mul3A_1221 : memref<128x128xf32, #tpu.memory_space<vmem>>[vector<16xi32>, vector<16xi32>], vector<16xf32>,
        %add3A_1222 = arith.constant 48 : i32
        %add3A_1223 = vector.broadcast %add3A_1222 : i32 to vector<16xi32>
        %add3A_1224 = arith.addi %add3A_1223, %and3A_97 : vector<16xi32>
        %add3A_1225 = arith.addi %mul3A_466, %add3A_1224 : vector<16xi32>
        %gather3A_1226 = tpu.vector_load_idx %arg7[%add3A_455, %add3A_1225] : memref<512x128xf32, #tpu.memory_space<vmem>>[vector<16xi32>, vector<16xi32>], vector<16xf32>,
        %add3A_1227 = arith.constant 48 : i32
        %add3A_1228 = arith.addi %mul3A_414, %add3A_1227 : i32
        %add3A_1229 = vector.broadcast %add3A_1228 : i32 to vector<16xi32>
        %add3A_1230 = arith.addi %add3A_1229, %and3A_97 : vector<16xi32>
        %mul3A_1231 = arith.constant 8.000000e+00 : f32
        %mul3A_1232 = vector.broadcast %mul3A_1231 : f32 to vector<16xf32>
        %mul3A_1233 = arith.mulf %gather3A_1226, %mul3A_1232 : vector<16xf32>
        tpu.vector_store_idx %arg8[%add3A_1230, %add3A_457], %mul3A_1233 : memref<128x128xf32, #tpu.memory_space<vmem>>[vector<16xi32>, vector<16xi32>], vector<16xf32>,
        %scan3A_1234 = arith.constant 1 : i32
        %scan3A_1235 = arith.addi %scan3A_450, %scan3A_1234 : i32
        %mul3A_1236 = arith.constant 16 : i32
        %mul3A_1237 = arith.muli %scan3A_1235, %mul3A_1236 : i32
        %add3A_1238 = arith.addi %mul3A_412, %mul3A_1237 : i32
        %add3A_1239 = vector.broadcast %add3A_1238 : i32 to vector<16xi32>
        %add3A_1240 = arith.addi %add3A_1239, %iota3A : vector<16xi32>
        %add3A_1241 = vector.broadcast %mul3A_1237 : i32 to vector<16xi32>
        %add3A_1242 = arith.addi %add3A_1241, %iota3A : vector<16xi32>
        %get3A_1243 = arith.index_cast %scan3A_406 : i32 to index
        %get3A_1244 = arith.index_cast %mul3A_1237 : i32 to index
        %get3A_1245 = tpu.vector_load %arg5[%get3A_1243, %get3A_1244] {strides = array<i32>} : memref<200x128xi32, #tpu.memory_space<vmem>>, vector<16xi32>,
        %and3A_1246 = arith.constant 1 : i32
        %and3A_1247 = vector.broadcast %and3A_1246 : i32 to vector<16xi32>
        %and3A_1248 = arith.andi %get3A_1245, %and3A_1247 : vector<16xi32>
        %mul3A_1249 = arith.constant 64 : i32
        %mul3A_1250 = vector.broadcast %mul3A_1249 : i32 to vector<16xi32>
        %mul3A_1251 = arith.muli %and3A_1248, %mul3A_1250 : vector<16xi32>
        %add3A_1252 = arith.constant 0 : i32
        %add3A_1253 = vector.broadcast %add3A_1252 : i32 to vector<16xi32>
        %add3A_1254 = arith.addi %add3A_1253, %and3A_7 : vector<16xi32>
        %add3A_1255 = arith.addi %mul3A_1251, %add3A_1254 : vector<16xi32>
        %gather3A_1256 = tpu.vector_load_idx %arg7[%add3A_1240, %add3A_1255] : memref<512x128xf32, #tpu.memory_space<vmem>>[vector<16xi32>, vector<16xi32>], vector<16xf32>,
        %add3A_1257 = arith.constant 0 : i32
        %add3A_1258 = arith.addi %mul3A_414, %add3A_1257 : i32
        %add3A_1259 = vector.broadcast %add3A_1258 : i32 to vector<16xi32>
        %add3A_1260 = arith.addi %add3A_1259, %and3A_7 : vector<16xi32>
        %mul3A_1261 = arith.constant 8.000000e+00 : f32
        %mul3A_1262 = vector.broadcast %mul3A_1261 : f32 to vector<16xf32>
        %mul3A_1263 = arith.mulf %gather3A_1256, %mul3A_1262 : vector<16xf32>
        tpu.vector_store_idx %arg8[%add3A_1260, %add3A_1242], %mul3A_1263 : memref<128x128xf32, #tpu.memory_space<vmem>>[vector<16xi32>, vector<16xi32>], vector<16xf32>,
        %add3A_1264 = arith.constant 0 : i32
        %add3A_1265 = vector.broadcast %add3A_1264 : i32 to vector<16xi32>
        %add3A_1266 = arith.addi %add3A_1265, %and3A_13 : vector<16xi32>
        %add3A_1267 = arith.addi %mul3A_1251, %add3A_1266 : vector<16xi32>
        %gather3A_1268 = tpu.vector_load_idx %arg7[%add3A_1240, %add3A_1267] : memref<512x128xf32, #tpu.memory_space<vmem>>[vector<16xi32>, vector<16xi32>], vector<16xf32>,
        %add3A_1269 = arith.constant 0 : i32
        %add3A_1270 = arith.addi %mul3A_414, %add3A_1269 : i32
        %add3A_1271 = vector.broadcast %add3A_1270 : i32 to vector<16xi32>
        %add3A_1272 = arith.addi %add3A_1271, %and3A_13 : vector<16xi32>
        %mul3A_1273 = arith.constant 8.000000e+00 : f32
        %mul3A_1274 = vector.broadcast %mul3A_1273 : f32 to vector<16xf32>
        %mul3A_1275 = arith.mulf %gather3A_1268, %mul3A_1274 : vector<16xf32>
        tpu.vector_store_idx %arg8[%add3A_1272, %add3A_1242], %mul3A_1275 : memref<128x128xf32, #tpu.memory_space<vmem>>[vector<16xi32>, vector<16xi32>], vector<16xf32>,
        %add3A_1276 = arith.constant 0 : i32
        %add3A_1277 = vector.broadcast %add3A_1276 : i32 to vector<16xi32>
        %add3A_1278 = arith.addi %add3A_1277, %and3A_19 : vector<16xi32>
        %add3A_1279 = arith.addi %mul3A_1251, %add3A_1278 : vector<16xi32>
        %gather3A_1280 = tpu.vector_load_idx %arg7[%add3A_1240, %add3A_1279] : memref<512x128xf32, #tpu.memory_space<vmem>>[vector<16xi32>, vector<16xi32>], vector<16xf32>,
        %add3A_1281 = arith.constant 0 : i32
        %add3A_1282 = arith.addi %mul3A_414, %add3A_1281 : i32
        %add3A_1283 = vector.broadcast %add3A_1282 : i32 to vector<16xi32>
        %add3A_1284 = arith.addi %add3A_1283, %and3A_19 : vector<16xi32>
        %mul3A_1285 = arith.constant 8.000000e+00 : f32
        %mul3A_1286 = vector.broadcast %mul3A_1285 : f32 to vector<16xf32>
        %mul3A_1287 = arith.mulf %gather3A_1280, %mul3A_1286 : vector<16xf32>
        tpu.vector_store_idx %arg8[%add3A_1284, %add3A_1242], %mul3A_1287 : memref<128x128xf32, #tpu.memory_space<vmem>>[vector<16xi32>, vector<16xi32>], vector<16xf32>,
        %add3A_1288 = arith.constant 0 : i32
        %add3A_1289 = vector.broadcast %add3A_1288 : i32 to vector<16xi32>
        %add3A_1290 = arith.addi %add3A_1289, %and3A_25 : vector<16xi32>
        %add3A_1291 = arith.addi %mul3A_1251, %add3A_1290 : vector<16xi32>
        %gather3A_1292 = tpu.vector_load_idx %arg7[%add3A_1240, %add3A_1291] : memref<512x128xf32, #tpu.memory_space<vmem>>[vector<16xi32>, vector<16xi32>], vector<16xf32>,
        %add3A_1293 = arith.constant 0 : i32
        %add3A_1294 = arith.addi %mul3A_414, %add3A_1293 : i32
        %add3A_1295 = vector.broadcast %add3A_1294 : i32 to vector<16xi32>
        %add3A_1296 = arith.addi %add3A_1295, %and3A_25 : vector<16xi32>
        %mul3A_1297 = arith.constant 8.000000e+00 : f32
        %mul3A_1298 = vector.broadcast %mul3A_1297 : f32 to vector<16xf32>
        %mul3A_1299 = arith.mulf %gather3A_1292, %mul3A_1298 : vector<16xf32>
        tpu.vector_store_idx %arg8[%add3A_1296, %add3A_1242], %mul3A_1299 : memref<128x128xf32, #tpu.memory_space<vmem>>[vector<16xi32>, vector<16xi32>], vector<16xf32>,
        %add3A_1300 = arith.constant 0 : i32
        %add3A_1301 = vector.broadcast %add3A_1300 : i32 to vector<16xi32>
        %add3A_1302 = arith.addi %add3A_1301, %and3A_31 : vector<16xi32>
        %add3A_1303 = arith.addi %mul3A_1251, %add3A_1302 : vector<16xi32>
        %gather3A_1304 = tpu.vector_load_idx %arg7[%add3A_1240, %add3A_1303] : memref<512x128xf32, #tpu.memory_space<vmem>>[vector<16xi32>, vector<16xi32>], vector<16xf32>,
        %add3A_1305 = arith.constant 0 : i32
        %add3A_1306 = arith.addi %mul3A_414, %add3A_1305 : i32
        %add3A_1307 = vector.broadcast %add3A_1306 : i32 to vector<16xi32>
        %add3A_1308 = arith.addi %add3A_1307, %and3A_31 : vector<16xi32>
        %mul3A_1309 = arith.constant 8.000000e+00 : f32
        %mul3A_1310 = vector.broadcast %mul3A_1309 : f32 to vector<16xf32>
        %mul3A_1311 = arith.mulf %gather3A_1304, %mul3A_1310 : vector<16xf32>
        tpu.vector_store_idx %arg8[%add3A_1308, %add3A_1242], %mul3A_1311 : memref<128x128xf32, #tpu.memory_space<vmem>>[vector<16xi32>, vector<16xi32>], vector<16xf32>,
        %add3A_1312 = arith.constant 0 : i32
        %add3A_1313 = vector.broadcast %add3A_1312 : i32 to vector<16xi32>
        %add3A_1314 = arith.addi %add3A_1313, %and3A_37 : vector<16xi32>
        %add3A_1315 = arith.addi %mul3A_1251, %add3A_1314 : vector<16xi32>
        %gather3A_1316 = tpu.vector_load_idx %arg7[%add3A_1240, %add3A_1315] : memref<512x128xf32, #tpu.memory_space<vmem>>[vector<16xi32>, vector<16xi32>], vector<16xf32>,
        %add3A_1317 = arith.constant 0 : i32
        %add3A_1318 = arith.addi %mul3A_414, %add3A_1317 : i32
        %add3A_1319 = vector.broadcast %add3A_1318 : i32 to vector<16xi32>
        %add3A_1320 = arith.addi %add3A_1319, %and3A_37 : vector<16xi32>
        %mul3A_1321 = arith.constant 8.000000e+00 : f32
        %mul3A_1322 = vector.broadcast %mul3A_1321 : f32 to vector<16xf32>
        %mul3A_1323 = arith.mulf %gather3A_1316, %mul3A_1322 : vector<16xf32>
        tpu.vector_store_idx %arg8[%add3A_1320, %add3A_1242], %mul3A_1323 : memref<128x128xf32, #tpu.memory_space<vmem>>[vector<16xi32>, vector<16xi32>], vector<16xf32>,
        %add3A_1324 = arith.constant 0 : i32
        %add3A_1325 = vector.broadcast %add3A_1324 : i32 to vector<16xi32>
        %add3A_1326 = arith.addi %add3A_1325, %and3A_43 : vector<16xi32>
        %add3A_1327 = arith.addi %mul3A_1251, %add3A_1326 : vector<16xi32>
        %gather3A_1328 = tpu.vector_load_idx %arg7[%add3A_1240, %add3A_1327] : memref<512x128xf32, #tpu.memory_space<vmem>>[vector<16xi32>, vector<16xi32>], vector<16xf32>,
        %add3A_1329 = arith.constant 0 : i32
        %add3A_1330 = arith.addi %mul3A_414, %add3A_1329 : i32
        %add3A_1331 = vector.broadcast %add3A_1330 : i32 to vector<16xi32>
        %add3A_1332 = arith.addi %add3A_1331, %and3A_43 : vector<16xi32>
        %mul3A_1333 = arith.constant 8.000000e+00 : f32
        %mul3A_1334 = vector.broadcast %mul3A_1333 : f32 to vector<16xf32>
        %mul3A_1335 = arith.mulf %gather3A_1328, %mul3A_1334 : vector<16xf32>
        tpu.vector_store_idx %arg8[%add3A_1332, %add3A_1242], %mul3A_1335 : memref<128x128xf32, #tpu.memory_space<vmem>>[vector<16xi32>, vector<16xi32>], vector<16xf32>,
        %add3A_1336 = arith.constant 0 : i32
        %add3A_1337 = vector.broadcast %add3A_1336 : i32 to vector<16xi32>
        %add3A_1338 = arith.addi %add3A_1337, %and3A_49 : vector<16xi32>
        %add3A_1339 = arith.addi %mul3A_1251, %add3A_1338 : vector<16xi32>
        %gather3A_1340 = tpu.vector_load_idx %arg7[%add3A_1240, %add3A_1339] : memref<512x128xf32, #tpu.memory_space<vmem>>[vector<16xi32>, vector<16xi32>], vector<16xf32>,
        %add3A_1341 = arith.constant 0 : i32
        %add3A_1342 = arith.addi %mul3A_414, %add3A_1341 : i32
        %add3A_1343 = vector.broadcast %add3A_1342 : i32 to vector<16xi32>
        %add3A_1344 = arith.addi %add3A_1343, %and3A_49 : vector<16xi32>
        %mul3A_1345 = arith.constant 8.000000e+00 : f32
        %mul3A_1346 = vector.broadcast %mul3A_1345 : f32 to vector<16xf32>
        %mul3A_1347 = arith.mulf %gather3A_1340, %mul3A_1346 : vector<16xf32>
        tpu.vector_store_idx %arg8[%add3A_1344, %add3A_1242], %mul3A_1347 : memref<128x128xf32, #tpu.memory_space<vmem>>[vector<16xi32>, vector<16xi32>], vector<16xf32>,
        %add3A_1348 = arith.constant 0 : i32
        %add3A_1349 = vector.broadcast %add3A_1348 : i32 to vector<16xi32>
        %add3A_1350 = arith.addi %add3A_1349, %and3A_55 : vector<16xi32>
        %add3A_1351 = arith.addi %mul3A_1251, %add3A_1350 : vector<16xi32>
        %gather3A_1352 = tpu.vector_load_idx %arg7[%add3A_1240, %add3A_1351] : memref<512x128xf32, #tpu.memory_space<vmem>>[vector<16xi32>, vector<16xi32>], vector<16xf32>,
        %add3A_1353 = arith.constant 0 : i32
        %add3A_1354 = arith.addi %mul3A_414, %add3A_1353 : i32
        %add3A_1355 = vector.broadcast %add3A_1354 : i32 to vector<16xi32>
        %add3A_1356 = arith.addi %add3A_1355, %and3A_55 : vector<16xi32>
        %mul3A_1357 = arith.constant 8.000000e+00 : f32
        %mul3A_1358 = vector.broadcast %mul3A_1357 : f32 to vector<16xf32>
        %mul3A_1359 = arith.mulf %gather3A_1352, %mul3A_1358 : vector<16xf32>
        tpu.vector_store_idx %arg8[%add3A_1356, %add3A_1242], %mul3A_1359 : memref<128x128xf32, #tpu.memory_space<vmem>>[vector<16xi32>, vector<16xi32>], vector<16xf32>,
        %add3A_1360 = arith.constant 0 : i32
        %add3A_1361 = vector.broadcast %add3A_1360 : i32 to vector<16xi32>
        %add3A_1362 = arith.addi %add3A_1361, %and3A_61 : vector<16xi32>
        %add3A_1363 = arith.addi %mul3A_1251, %add3A_1362 : vector<16xi32>
        %gather3A_1364 = tpu.vector_load_idx %arg7[%add3A_1240, %add3A_1363] : memref<512x128xf32, #tpu.memory_space<vmem>>[vector<16xi32>, vector<16xi32>], vector<16xf32>,
        %add3A_1365 = arith.constant 0 : i32
        %add3A_1366 = arith.addi %mul3A_414, %add3A_1365 : i32
        %add3A_1367 = vector.broadcast %add3A_1366 : i32 to vector<16xi32>
        %add3A_1368 = arith.addi %add3A_1367, %and3A_61 : vector<16xi32>
        %mul3A_1369 = arith.constant 8.000000e+00 : f32
        %mul3A_1370 = vector.broadcast %mul3A_1369 : f32 to vector<16xf32>
        %mul3A_1371 = arith.mulf %gather3A_1364, %mul3A_1370 : vector<16xf32>
        tpu.vector_store_idx %arg8[%add3A_1368, %add3A_1242], %mul3A_1371 : memref<128x128xf32, #tpu.memory_space<vmem>>[vector<16xi32>, vector<16xi32>], vector<16xf32>,
        %add3A_1372 = arith.constant 0 : i32
        %add3A_1373 = vector.broadcast %add3A_1372 : i32 to vector<16xi32>
        %add3A_1374 = arith.addi %add3A_1373, %and3A_67 : vector<16xi32>
        %add3A_1375 = arith.addi %mul3A_1251, %add3A_1374 : vector<16xi32>
        %gather3A_1376 = tpu.vector_load_idx %arg7[%add3A_1240, %add3A_1375] : memref<512x128xf32, #tpu.memory_space<vmem>>[vector<16xi32>, vector<16xi32>], vector<16xf32>,
        %add3A_1377 = arith.constant 0 : i32
        %add3A_1378 = arith.addi %mul3A_414, %add3A_1377 : i32
        %add3A_1379 = vector.broadcast %add3A_1378 : i32 to vector<16xi32>
        %add3A_1380 = arith.addi %add3A_1379, %and3A_67 : vector<16xi32>
        %mul3A_1381 = arith.constant 8.000000e+00 : f32
        %mul3A_1382 = vector.broadcast %mul3A_1381 : f32 to vector<16xf32>
        %mul3A_1383 = arith.mulf %gather3A_1376, %mul3A_1382 : vector<16xf32>
        tpu.vector_store_idx %arg8[%add3A_1380, %add3A_1242], %mul3A_1383 : memref<128x128xf32, #tpu.memory_space<vmem>>[vector<16xi32>, vector<16xi32>], vector<16xf32>,
        %add3A_1384 = arith.constant 0 : i32
        %add3A_1385 = vector.broadcast %add3A_1384 : i32 to vector<16xi32>
        %add3A_1386 = arith.addi %add3A_1385, %and3A_73 : vector<16xi32>
        %add3A_1387 = arith.addi %mul3A_1251, %add3A_1386 : vector<16xi32>
        %gather3A_1388 = tpu.vector_load_idx %arg7[%add3A_1240, %add3A_1387] : memref<512x128xf32, #tpu.memory_space<vmem>>[vector<16xi32>, vector<16xi32>], vector<16xf32>,
        %add3A_1389 = arith.constant 0 : i32
        %add3A_1390 = arith.addi %mul3A_414, %add3A_1389 : i32
        %add3A_1391 = vector.broadcast %add3A_1390 : i32 to vector<16xi32>
        %add3A_1392 = arith.addi %add3A_1391, %and3A_73 : vector<16xi32>
        %mul3A_1393 = arith.constant 8.000000e+00 : f32
        %mul3A_1394 = vector.broadcast %mul3A_1393 : f32 to vector<16xf32>
        %mul3A_1395 = arith.mulf %gather3A_1388, %mul3A_1394 : vector<16xf32>
        tpu.vector_store_idx %arg8[%add3A_1392, %add3A_1242], %mul3A_1395 : memref<128x128xf32, #tpu.memory_space<vmem>>[vector<16xi32>, vector<16xi32>], vector<16xf32>,
        %add3A_1396 = arith.constant 0 : i32
        %add3A_1397 = vector.broadcast %add3A_1396 : i32 to vector<16xi32>
        %add3A_1398 = arith.addi %add3A_1397, %and3A_79 : vector<16xi32>
        %add3A_1399 = arith.addi %mul3A_1251, %add3A_1398 : vector<16xi32>
        %gather3A_1400 = tpu.vector_load_idx %arg7[%add3A_1240, %add3A_1399] : memref<512x128xf32, #tpu.memory_space<vmem>>[vector<16xi32>, vector<16xi32>], vector<16xf32>,
        %add3A_1401 = arith.constant 0 : i32
        %add3A_1402 = arith.addi %mul3A_414, %add3A_1401 : i32
        %add3A_1403 = vector.broadcast %add3A_1402 : i32 to vector<16xi32>
        %add3A_1404 = arith.addi %add3A_1403, %and3A_79 : vector<16xi32>
        %mul3A_1405 = arith.constant 8.000000e+00 : f32
        %mul3A_1406 = vector.broadcast %mul3A_1405 : f32 to vector<16xf32>
        %mul3A_1407 = arith.mulf %gather3A_1400, %mul3A_1406 : vector<16xf32>
        tpu.vector_store_idx %arg8[%add3A_1404, %add3A_1242], %mul3A_1407 : memref<128x128xf32, #tpu.memory_space<vmem>>[vector<16xi32>, vector<16xi32>], vector<16xf32>,
        %add3A_1408 = arith.constant 0 : i32
        %add3A_1409 = vector.broadcast %add3A_1408 : i32 to vector<16xi32>
        %add3A_1410 = arith.addi %add3A_1409, %and3A_85 : vector<16xi32>
        %add3A_1411 = arith.addi %mul3A_1251, %add3A_1410 : vector<16xi32>
        %gather3A_1412 = tpu.vector_load_idx %arg7[%add3A_1240, %add3A_1411] : memref<512x128xf32, #tpu.memory_space<vmem>>[vector<16xi32>, vector<16xi32>], vector<16xf32>,
        %add3A_1413 = arith.constant 0 : i32
        %add3A_1414 = arith.addi %mul3A_414, %add3A_1413 : i32
        %add3A_1415 = vector.broadcast %add3A_1414 : i32 to vector<16xi32>
        %add3A_1416 = arith.addi %add3A_1415, %and3A_85 : vector<16xi32>
        %mul3A_1417 = arith.constant 8.000000e+00 : f32
        %mul3A_1418 = vector.broadcast %mul3A_1417 : f32 to vector<16xf32>
        %mul3A_1419 = arith.mulf %gather3A_1412, %mul3A_1418 : vector<16xf32>
        tpu.vector_store_idx %arg8[%add3A_1416, %add3A_1242], %mul3A_1419 : memref<128x128xf32, #tpu.memory_space<vmem>>[vector<16xi32>, vector<16xi32>], vector<16xf32>,
        %add3A_1420 = arith.constant 0 : i32
        %add3A_1421 = vector.broadcast %add3A_1420 : i32 to vector<16xi32>
        %add3A_1422 = arith.addi %add3A_1421, %and3A_91 : vector<16xi32>
        %add3A_1423 = arith.addi %mul3A_1251, %add3A_1422 : vector<16xi32>
        %gather3A_1424 = tpu.vector_load_idx %arg7[%add3A_1240, %add3A_1423] : memref<512x128xf32, #tpu.memory_space<vmem>>[vector<16xi32>, vector<16xi32>], vector<16xf32>,
        %add3A_1425 = arith.constant 0 : i32
        %add3A_1426 = arith.addi %mul3A_414, %add3A_1425 : i32
        %add3A_1427 = vector.broadcast %add3A_1426 : i32 to vector<16xi32>
        %add3A_1428 = arith.addi %add3A_1427, %and3A_91 : vector<16xi32>
        %mul3A_1429 = arith.constant 8.000000e+00 : f32
        %mul3A_1430 = vector.broadcast %mul3A_1429 : f32 to vector<16xf32>
        %mul3A_1431 = arith.mulf %gather3A_1424, %mul3A_1430 : vector<16xf32>
        tpu.vector_store_idx %arg8[%add3A_1428, %add3A_1242], %mul3A_1431 : memref<128x128xf32, #tpu.memory_space<vmem>>[vector<16xi32>, vector<16xi32>], vector<16xf32>,
        %add3A_1432 = arith.constant 0 : i32
        %add3A_1433 = vector.broadcast %add3A_1432 : i32 to vector<16xi32>
        %add3A_1434 = arith.addi %add3A_1433, %and3A_97 : vector<16xi32>
        %add3A_1435 = arith.addi %mul3A_1251, %add3A_1434 : vector<16xi32>
        %gather3A_1436 = tpu.vector_load_idx %arg7[%add3A_1240, %add3A_1435] : memref<512x128xf32, #tpu.memory_space<vmem>>[vector<16xi32>, vector<16xi32>], vector<16xf32>,
        %add3A_1437 = arith.constant 0 : i32
        %add3A_1438 = arith.addi %mul3A_414, %add3A_1437 : i32
        %add3A_1439 = vector.broadcast %add3A_1438 : i32 to vector<16xi32>
        %add3A_1440 = arith.addi %add3A_1439, %and3A_97 : vector<16xi32>
        %mul3A_1441 = arith.constant 8.000000e+00 : f32
        %mul3A_1442 = vector.broadcast %mul3A_1441 : f32 to vector<16xf32>
        %mul3A_1443 = arith.mulf %gather3A_1436, %mul3A_1442 : vector<16xf32>
        tpu.vector_store_idx %arg8[%add3A_1440, %add3A_1242], %mul3A_1443 : memref<128x128xf32, #tpu.memory_space<vmem>>[vector<16xi32>, vector<16xi32>], vector<16xf32>,
        %add3A_1444 = arith.constant 16 : i32
        %add3A_1445 = vector.broadcast %add3A_1444 : i32 to vector<16xi32>
        %add3A_1446 = arith.addi %add3A_1445, %and3A_7 : vector<16xi32>
        %add3A_1447 = arith.addi %mul3A_1251, %add3A_1446 : vector<16xi32>
        %gather3A_1448 = tpu.vector_load_idx %arg7[%add3A_1240, %add3A_1447] : memref<512x128xf32, #tpu.memory_space<vmem>>[vector<16xi32>, vector<16xi32>], vector<16xf32>,
        %add3A_1449 = arith.constant 16 : i32
        %add3A_1450 = arith.addi %mul3A_414, %add3A_1449 : i32
        %add3A_1451 = vector.broadcast %add3A_1450 : i32 to vector<16xi32>
        %add3A_1452 = arith.addi %add3A_1451, %and3A_7 : vector<16xi32>
        %mul3A_1453 = arith.constant 8.000000e+00 : f32
        %mul3A_1454 = vector.broadcast %mul3A_1453 : f32 to vector<16xf32>
        %mul3A_1455 = arith.mulf %gather3A_1448, %mul3A_1454 : vector<16xf32>
        tpu.vector_store_idx %arg8[%add3A_1452, %add3A_1242], %mul3A_1455 : memref<128x128xf32, #tpu.memory_space<vmem>>[vector<16xi32>, vector<16xi32>], vector<16xf32>,
        %add3A_1456 = arith.constant 16 : i32
        %add3A_1457 = vector.broadcast %add3A_1456 : i32 to vector<16xi32>
        %add3A_1458 = arith.addi %add3A_1457, %and3A_13 : vector<16xi32>
        %add3A_1459 = arith.addi %mul3A_1251, %add3A_1458 : vector<16xi32>
        %gather3A_1460 = tpu.vector_load_idx %arg7[%add3A_1240, %add3A_1459] : memref<512x128xf32, #tpu.memory_space<vmem>>[vector<16xi32>, vector<16xi32>], vector<16xf32>,
        %add3A_1461 = arith.constant 16 : i32
        %add3A_1462 = arith.addi %mul3A_414, %add3A_1461 : i32
        %add3A_1463 = vector.broadcast %add3A_1462 : i32 to vector<16xi32>
        %add3A_1464 = arith.addi %add3A_1463, %and3A_13 : vector<16xi32>
        %mul3A_1465 = arith.constant 8.000000e+00 : f32
        %mul3A_1466 = vector.broadcast %mul3A_1465 : f32 to vector<16xf32>
        %mul3A_1467 = arith.mulf %gather3A_1460, %mul3A_1466 : vector<16xf32>
        tpu.vector_store_idx %arg8[%add3A_1464, %add3A_1242], %mul3A_1467 : memref<128x128xf32, #tpu.memory_space<vmem>>[vector<16xi32>, vector<16xi32>], vector<16xf32>,
        %add3A_1468 = arith.constant 16 : i32
        %add3A_1469 = vector.broadcast %add3A_1468 : i32 to vector<16xi32>
        %add3A_1470 = arith.addi %add3A_1469, %and3A_19 : vector<16xi32>
        %add3A_1471 = arith.addi %mul3A_1251, %add3A_1470 : vector<16xi32>
        %gather3A_1472 = tpu.vector_load_idx %arg7[%add3A_1240, %add3A_1471] : memref<512x128xf32, #tpu.memory_space<vmem>>[vector<16xi32>, vector<16xi32>], vector<16xf32>,
        %add3A_1473 = arith.constant 16 : i32
        %add3A_1474 = arith.addi %mul3A_414, %add3A_1473 : i32
        %add3A_1475 = vector.broadcast %add3A_1474 : i32 to vector<16xi32>
        %add3A_1476 = arith.addi %add3A_1475, %and3A_19 : vector<16xi32>
        %mul3A_1477 = arith.constant 8.000000e+00 : f32
        %mul3A_1478 = vector.broadcast %mul3A_1477 : f32 to vector<16xf32>
        %mul3A_1479 = arith.mulf %gather3A_1472, %mul3A_1478 : vector<16xf32>
        tpu.vector_store_idx %arg8[%add3A_1476, %add3A_1242], %mul3A_1479 : memref<128x128xf32, #tpu.memory_space<vmem>>[vector<16xi32>, vector<16xi32>], vector<16xf32>,
        %add3A_1480 = arith.constant 16 : i32
        %add3A_1481 = vector.broadcast %add3A_1480 : i32 to vector<16xi32>
        %add3A_1482 = arith.addi %add3A_1481, %and3A_25 : vector<16xi32>
        %add3A_1483 = arith.addi %mul3A_1251, %add3A_1482 : vector<16xi32>
        %gather3A_1484 = tpu.vector_load_idx %arg7[%add3A_1240, %add3A_1483] : memref<512x128xf32, #tpu.memory_space<vmem>>[vector<16xi32>, vector<16xi32>], vector<16xf32>,
        %add3A_1485 = arith.constant 16 : i32
        %add3A_1486 = arith.addi %mul3A_414, %add3A_1485 : i32
        %add3A_1487 = vector.broadcast %add3A_1486 : i32 to vector<16xi32>
        %add3A_1488 = arith.addi %add3A_1487, %and3A_25 : vector<16xi32>
        %mul3A_1489 = arith.constant 8.000000e+00 : f32
        %mul3A_1490 = vector.broadcast %mul3A_1489 : f32 to vector<16xf32>
        %mul3A_1491 = arith.mulf %gather3A_1484, %mul3A_1490 : vector<16xf32>
        tpu.vector_store_idx %arg8[%add3A_1488, %add3A_1242], %mul3A_1491 : memref<128x128xf32, #tpu.memory_space<vmem>>[vector<16xi32>, vector<16xi32>], vector<16xf32>,
        %add3A_1492 = arith.constant 16 : i32
        %add3A_1493 = vector.broadcast %add3A_1492 : i32 to vector<16xi32>
        %add3A_1494 = arith.addi %add3A_1493, %and3A_31 : vector<16xi32>
        %add3A_1495 = arith.addi %mul3A_1251, %add3A_1494 : vector<16xi32>
        %gather3A_1496 = tpu.vector_load_idx %arg7[%add3A_1240, %add3A_1495] : memref<512x128xf32, #tpu.memory_space<vmem>>[vector<16xi32>, vector<16xi32>], vector<16xf32>,
        %add3A_1497 = arith.constant 16 : i32
        %add3A_1498 = arith.addi %mul3A_414, %add3A_1497 : i32
        %add3A_1499 = vector.broadcast %add3A_1498 : i32 to vector<16xi32>
        %add3A_1500 = arith.addi %add3A_1499, %and3A_31 : vector<16xi32>
        %mul3A_1501 = arith.constant 8.000000e+00 : f32
        %mul3A_1502 = vector.broadcast %mul3A_1501 : f32 to vector<16xf32>
        %mul3A_1503 = arith.mulf %gather3A_1496, %mul3A_1502 : vector<16xf32>
        tpu.vector_store_idx %arg8[%add3A_1500, %add3A_1242], %mul3A_1503 : memref<128x128xf32, #tpu.memory_space<vmem>>[vector<16xi32>, vector<16xi32>], vector<16xf32>,
        %add3A_1504 = arith.constant 16 : i32
        %add3A_1505 = vector.broadcast %add3A_1504 : i32 to vector<16xi32>
        %add3A_1506 = arith.addi %add3A_1505, %and3A_37 : vector<16xi32>
        %add3A_1507 = arith.addi %mul3A_1251, %add3A_1506 : vector<16xi32>
        %gather3A_1508 = tpu.vector_load_idx %arg7[%add3A_1240, %add3A_1507] : memref<512x128xf32, #tpu.memory_space<vmem>>[vector<16xi32>, vector<16xi32>], vector<16xf32>,
        %add3A_1509 = arith.constant 16 : i32
        %add3A_1510 = arith.addi %mul3A_414, %add3A_1509 : i32
        %add3A_1511 = vector.broadcast %add3A_1510 : i32 to vector<16xi32>
        %add3A_1512 = arith.addi %add3A_1511, %and3A_37 : vector<16xi32>
        %mul3A_1513 = arith.constant 8.000000e+00 : f32
        %mul3A_1514 = vector.broadcast %mul3A_1513 : f32 to vector<16xf32>
        %mul3A_1515 = arith.mulf %gather3A_1508, %mul3A_1514 : vector<16xf32>
        tpu.vector_store_idx %arg8[%add3A_1512, %add3A_1242], %mul3A_1515 : memref<128x128xf32, #tpu.memory_space<vmem>>[vector<16xi32>, vector<16xi32>], vector<16xf32>,
        %add3A_1516 = arith.constant 16 : i32
        %add3A_1517 = vector.broadcast %add3A_1516 : i32 to vector<16xi32>
        %add3A_1518 = arith.addi %add3A_1517, %and3A_43 : vector<16xi32>
        %add3A_1519 = arith.addi %mul3A_1251, %add3A_1518 : vector<16xi32>
        %gather3A_1520 = tpu.vector_load_idx %arg7[%add3A_1240, %add3A_1519] : memref<512x128xf32, #tpu.memory_space<vmem>>[vector<16xi32>, vector<16xi32>], vector<16xf32>,
        %add3A_1521 = arith.constant 16 : i32
        %add3A_1522 = arith.addi %mul3A_414, %add3A_1521 : i32
        %add3A_1523 = vector.broadcast %add3A_1522 : i32 to vector<16xi32>
        %add3A_1524 = arith.addi %add3A_1523, %and3A_43 : vector<16xi32>
        %mul3A_1525 = arith.constant 8.000000e+00 : f32
        %mul3A_1526 = vector.broadcast %mul3A_1525 : f32 to vector<16xf32>
        %mul3A_1527 = arith.mulf %gather3A_1520, %mul3A_1526 : vector<16xf32>
        tpu.vector_store_idx %arg8[%add3A_1524, %add3A_1242], %mul3A_1527 : memref<128x128xf32, #tpu.memory_space<vmem>>[vector<16xi32>, vector<16xi32>], vector<16xf32>,
        %add3A_1528 = arith.constant 16 : i32
        %add3A_1529 = vector.broadcast %add3A_1528 : i32 to vector<16xi32>
        %add3A_1530 = arith.addi %add3A_1529, %and3A_49 : vector<16xi32>
        %add3A_1531 = arith.addi %mul3A_1251, %add3A_1530 : vector<16xi32>
        %gather3A_1532 = tpu.vector_load_idx %arg7[%add3A_1240, %add3A_1531] : memref<512x128xf32, #tpu.memory_space<vmem>>[vector<16xi32>, vector<16xi32>], vector<16xf32>,
        %add3A_1533 = arith.constant 16 : i32
        %add3A_1534 = arith.addi %mul3A_414, %add3A_1533 : i32
        %add3A_1535 = vector.broadcast %add3A_1534 : i32 to vector<16xi32>
        %add3A_1536 = arith.addi %add3A_1535, %and3A_49 : vector<16xi32>
        %mul3A_1537 = arith.constant 8.000000e+00 : f32
        %mul3A_1538 = vector.broadcast %mul3A_1537 : f32 to vector<16xf32>
        %mul3A_1539 = arith.mulf %gather3A_1532, %mul3A_1538 : vector<16xf32>
        tpu.vector_store_idx %arg8[%add3A_1536, %add3A_1242], %mul3A_1539 : memref<128x128xf32, #tpu.memory_space<vmem>>[vector<16xi32>, vector<16xi32>], vector<16xf32>,
        %add3A_1540 = arith.constant 16 : i32
        %add3A_1541 = vector.broadcast %add3A_1540 : i32 to vector<16xi32>
        %add3A_1542 = arith.addi %add3A_1541, %and3A_55 : vector<16xi32>
        %add3A_1543 = arith.addi %mul3A_1251, %add3A_1542 : vector<16xi32>
        %gather3A_1544 = tpu.vector_load_idx %arg7[%add3A_1240, %add3A_1543] : memref<512x128xf32, #tpu.memory_space<vmem>>[vector<16xi32>, vector<16xi32>], vector<16xf32>,
        %add3A_1545 = arith.constant 16 : i32
        %add3A_1546 = arith.addi %mul3A_414, %add3A_1545 : i32
        %add3A_1547 = vector.broadcast %add3A_1546 : i32 to vector<16xi32>
        %add3A_1548 = arith.addi %add3A_1547, %and3A_55 : vector<16xi32>
        %mul3A_1549 = arith.constant 8.000000e+00 : f32
        %mul3A_1550 = vector.broadcast %mul3A_1549 : f32 to vector<16xf32>
        %mul3A_1551 = arith.mulf %gather3A_1544, %mul3A_1550 : vector<16xf32>
        tpu.vector_store_idx %arg8[%add3A_1548, %add3A_1242], %mul3A_1551 : memref<128x128xf32, #tpu.memory_space<vmem>>[vector<16xi32>, vector<16xi32>], vector<16xf32>,
        %add3A_1552 = arith.constant 16 : i32
        %add3A_1553 = vector.broadcast %add3A_1552 : i32 to vector<16xi32>
        %add3A_1554 = arith.addi %add3A_1553, %and3A_61 : vector<16xi32>
        %add3A_1555 = arith.addi %mul3A_1251, %add3A_1554 : vector<16xi32>
        %gather3A_1556 = tpu.vector_load_idx %arg7[%add3A_1240, %add3A_1555] : memref<512x128xf32, #tpu.memory_space<vmem>>[vector<16xi32>, vector<16xi32>], vector<16xf32>,
        %add3A_1557 = arith.constant 16 : i32
        %add3A_1558 = arith.addi %mul3A_414, %add3A_1557 : i32
        %add3A_1559 = vector.broadcast %add3A_1558 : i32 to vector<16xi32>
        %add3A_1560 = arith.addi %add3A_1559, %and3A_61 : vector<16xi32>
        %mul3A_1561 = arith.constant 8.000000e+00 : f32
        %mul3A_1562 = vector.broadcast %mul3A_1561 : f32 to vector<16xf32>
        %mul3A_1563 = arith.mulf %gather3A_1556, %mul3A_1562 : vector<16xf32>
        tpu.vector_store_idx %arg8[%add3A_1560, %add3A_1242], %mul3A_1563 : memref<128x128xf32, #tpu.memory_space<vmem>>[vector<16xi32>, vector<16xi32>], vector<16xf32>,
        %add3A_1564 = arith.constant 16 : i32
        %add3A_1565 = vector.broadcast %add3A_1564 : i32 to vector<16xi32>
        %add3A_1566 = arith.addi %add3A_1565, %and3A_67 : vector<16xi32>
        %add3A_1567 = arith.addi %mul3A_1251, %add3A_1566 : vector<16xi32>
        %gather3A_1568 = tpu.vector_load_idx %arg7[%add3A_1240, %add3A_1567] : memref<512x128xf32, #tpu.memory_space<vmem>>[vector<16xi32>, vector<16xi32>], vector<16xf32>,
        %add3A_1569 = arith.constant 16 : i32
        %add3A_1570 = arith.addi %mul3A_414, %add3A_1569 : i32
        %add3A_1571 = vector.broadcast %add3A_1570 : i32 to vector<16xi32>
        %add3A_1572 = arith.addi %add3A_1571, %and3A_67 : vector<16xi32>
        %mul3A_1573 = arith.constant 8.000000e+00 : f32
        %mul3A_1574 = vector.broadcast %mul3A_1573 : f32 to vector<16xf32>
        %mul3A_1575 = arith.mulf %gather3A_1568, %mul3A_1574 : vector<16xf32>
        tpu.vector_store_idx %arg8[%add3A_1572, %add3A_1242], %mul3A_1575 : memref<128x128xf32, #tpu.memory_space<vmem>>[vector<16xi32>, vector<16xi32>], vector<16xf32>,
        %add3A_1576 = arith.constant 16 : i32
        %add3A_1577 = vector.broadcast %add3A_1576 : i32 to vector<16xi32>
        %add3A_1578 = arith.addi %add3A_1577, %and3A_73 : vector<16xi32>
        %add3A_1579 = arith.addi %mul3A_1251, %add3A_1578 : vector<16xi32>
        %gather3A_1580 = tpu.vector_load_idx %arg7[%add3A_1240, %add3A_1579] : memref<512x128xf32, #tpu.memory_space<vmem>>[vector<16xi32>, vector<16xi32>], vector<16xf32>,
        %add3A_1581 = arith.constant 16 : i32
        %add3A_1582 = arith.addi %mul3A_414, %add3A_1581 : i32
        %add3A_1583 = vector.broadcast %add3A_1582 : i32 to vector<16xi32>
        %add3A_1584 = arith.addi %add3A_1583, %and3A_73 : vector<16xi32>
        %mul3A_1585 = arith.constant 8.000000e+00 : f32
        %mul3A_1586 = vector.broadcast %mul3A_1585 : f32 to vector<16xf32>
        %mul3A_1587 = arith.mulf %gather3A_1580, %mul3A_1586 : vector<16xf32>
        tpu.vector_store_idx %arg8[%add3A_1584, %add3A_1242], %mul3A_1587 : memref<128x128xf32, #tpu.memory_space<vmem>>[vector<16xi32>, vector<16xi32>], vector<16xf32>,
        %add3A_1588 = arith.constant 16 : i32
        %add3A_1589 = vector.broadcast %add3A_1588 : i32 to vector<16xi32>
        %add3A_1590 = arith.addi %add3A_1589, %and3A_79 : vector<16xi32>
        %add3A_1591 = arith.addi %mul3A_1251, %add3A_1590 : vector<16xi32>
        %gather3A_1592 = tpu.vector_load_idx %arg7[%add3A_1240, %add3A_1591] : memref<512x128xf32, #tpu.memory_space<vmem>>[vector<16xi32>, vector<16xi32>], vector<16xf32>,
        %add3A_1593 = arith.constant 16 : i32
        %add3A_1594 = arith.addi %mul3A_414, %add3A_1593 : i32
        %add3A_1595 = vector.broadcast %add3A_1594 : i32 to vector<16xi32>
        %add3A_1596 = arith.addi %add3A_1595, %and3A_79 : vector<16xi32>
        %mul3A_1597 = arith.constant 8.000000e+00 : f32
        %mul3A_1598 = vector.broadcast %mul3A_1597 : f32 to vector<16xf32>
        %mul3A_1599 = arith.mulf %gather3A_1592, %mul3A_1598 : vector<16xf32>
        tpu.vector_store_idx %arg8[%add3A_1596, %add3A_1242], %mul3A_1599 : memref<128x128xf32, #tpu.memory_space<vmem>>[vector<16xi32>, vector<16xi32>], vector<16xf32>,
        %add3A_1600 = arith.constant 16 : i32
        %add3A_1601 = vector.broadcast %add3A_1600 : i32 to vector<16xi32>
        %add3A_1602 = arith.addi %add3A_1601, %and3A_85 : vector<16xi32>
        %add3A_1603 = arith.addi %mul3A_1251, %add3A_1602 : vector<16xi32>
        %gather3A_1604 = tpu.vector_load_idx %arg7[%add3A_1240, %add3A_1603] : memref<512x128xf32, #tpu.memory_space<vmem>>[vector<16xi32>, vector<16xi32>], vector<16xf32>,
        %add3A_1605 = arith.constant 16 : i32
        %add3A_1606 = arith.addi %mul3A_414, %add3A_1605 : i32
        %add3A_1607 = vector.broadcast %add3A_1606 : i32 to vector<16xi32>
        %add3A_1608 = arith.addi %add3A_1607, %and3A_85 : vector<16xi32>
        %mul3A_1609 = arith.constant 8.000000e+00 : f32
        %mul3A_1610 = vector.broadcast %mul3A_1609 : f32 to vector<16xf32>
        %mul3A_1611 = arith.mulf %gather3A_1604, %mul3A_1610 : vector<16xf32>
        tpu.vector_store_idx %arg8[%add3A_1608, %add3A_1242], %mul3A_1611 : memref<128x128xf32, #tpu.memory_space<vmem>>[vector<16xi32>, vector<16xi32>], vector<16xf32>,
        %add3A_1612 = arith.constant 16 : i32
        %add3A_1613 = vector.broadcast %add3A_1612 : i32 to vector<16xi32>
        %add3A_1614 = arith.addi %add3A_1613, %and3A_91 : vector<16xi32>
        %add3A_1615 = arith.addi %mul3A_1251, %add3A_1614 : vector<16xi32>
        %gather3A_1616 = tpu.vector_load_idx %arg7[%add3A_1240, %add3A_1615] : memref<512x128xf32, #tpu.memory_space<vmem>>[vector<16xi32>, vector<16xi32>], vector<16xf32>,
        %add3A_1617 = arith.constant 16 : i32
        %add3A_1618 = arith.addi %mul3A_414, %add3A_1617 : i32
        %add3A_1619 = vector.broadcast %add3A_1618 : i32 to vector<16xi32>
        %add3A_1620 = arith.addi %add3A_1619, %and3A_91 : vector<16xi32>
        %mul3A_1621 = arith.constant 8.000000e+00 : f32
        %mul3A_1622 = vector.broadcast %mul3A_1621 : f32 to vector<16xf32>
        %mul3A_1623 = arith.mulf %gather3A_1616, %mul3A_1622 : vector<16xf32>
        tpu.vector_store_idx %arg8[%add3A_1620, %add3A_1242], %mul3A_1623 : memref<128x128xf32, #tpu.memory_space<vmem>>[vector<16xi32>, vector<16xi32>], vector<16xf32>,
        %add3A_1624 = arith.constant 16 : i32
        %add3A_1625 = vector.broadcast %add3A_1624 : i32 to vector<16xi32>
        %add3A_1626 = arith.addi %add3A_1625, %and3A_97 : vector<16xi32>
        %add3A_1627 = arith.addi %mul3A_1251, %add3A_1626 : vector<16xi32>
        %gather3A_1628 = tpu.vector_load_idx %arg7[%add3A_1240, %add3A_1627] : memref<512x128xf32, #tpu.memory_space<vmem>>[vector<16xi32>, vector<16xi32>], vector<16xf32>,
        %add3A_1629 = arith.constant 16 : i32
        %add3A_1630 = arith.addi %mul3A_414, %add3A_1629 : i32
        %add3A_1631 = vector.broadcast %add3A_1630 : i32 to vector<16xi32>
        %add3A_1632 = arith.addi %add3A_1631, %and3A_97 : vector<16xi32>
        %mul3A_1633 = arith.constant 8.000000e+00 : f32
        %mul3A_1634 = vector.broadcast %mul3A_1633 : f32 to vector<16xf32>
        %mul3A_1635 = arith.mulf %gather3A_1628, %mul3A_1634 : vector<16xf32>
        tpu.vector_store_idx %arg8[%add3A_1632, %add3A_1242], %mul3A_1635 : memref<128x128xf32, #tpu.memory_space<vmem>>[vector<16xi32>, vector<16xi32>], vector<16xf32>,
        %add3A_1636 = arith.constant 32 : i32
        %add3A_1637 = vector.broadcast %add3A_1636 : i32 to vector<16xi32>
        %add3A_1638 = arith.addi %add3A_1637, %and3A_7 : vector<16xi32>
        %add3A_1639 = arith.addi %mul3A_1251, %add3A_1638 : vector<16xi32>
        %gather3A_1640 = tpu.vector_load_idx %arg7[%add3A_1240, %add3A_1639] : memref<512x128xf32, #tpu.memory_space<vmem>>[vector<16xi32>, vector<16xi32>], vector<16xf32>,
        %add3A_1641 = arith.constant 32 : i32
        %add3A_1642 = arith.addi %mul3A_414, %add3A_1641 : i32
        %add3A_1643 = vector.broadcast %add3A_1642 : i32 to vector<16xi32>
        %add3A_1644 = arith.addi %add3A_1643, %and3A_7 : vector<16xi32>
        %mul3A_1645 = arith.constant 8.000000e+00 : f32
        %mul3A_1646 = vector.broadcast %mul3A_1645 : f32 to vector<16xf32>
        %mul3A_1647 = arith.mulf %gather3A_1640, %mul3A_1646 : vector<16xf32>
        tpu.vector_store_idx %arg8[%add3A_1644, %add3A_1242], %mul3A_1647 : memref<128x128xf32, #tpu.memory_space<vmem>>[vector<16xi32>, vector<16xi32>], vector<16xf32>,
        %add3A_1648 = arith.constant 32 : i32
        %add3A_1649 = vector.broadcast %add3A_1648 : i32 to vector<16xi32>
        %add3A_1650 = arith.addi %add3A_1649, %and3A_13 : vector<16xi32>
        %add3A_1651 = arith.addi %mul3A_1251, %add3A_1650 : vector<16xi32>
        %gather3A_1652 = tpu.vector_load_idx %arg7[%add3A_1240, %add3A_1651] : memref<512x128xf32, #tpu.memory_space<vmem>>[vector<16xi32>, vector<16xi32>], vector<16xf32>,
        %add3A_1653 = arith.constant 32 : i32
        %add3A_1654 = arith.addi %mul3A_414, %add3A_1653 : i32
        %add3A_1655 = vector.broadcast %add3A_1654 : i32 to vector<16xi32>
        %add3A_1656 = arith.addi %add3A_1655, %and3A_13 : vector<16xi32>
        %mul3A_1657 = arith.constant 8.000000e+00 : f32
        %mul3A_1658 = vector.broadcast %mul3A_1657 : f32 to vector<16xf32>
        %mul3A_1659 = arith.mulf %gather3A_1652, %mul3A_1658 : vector<16xf32>
        tpu.vector_store_idx %arg8[%add3A_1656, %add3A_1242], %mul3A_1659 : memref<128x128xf32, #tpu.memory_space<vmem>>[vector<16xi32>, vector<16xi32>], vector<16xf32>,
        %add3A_1660 = arith.constant 32 : i32
        %add3A_1661 = vector.broadcast %add3A_1660 : i32 to vector<16xi32>
        %add3A_1662 = arith.addi %add3A_1661, %and3A_19 : vector<16xi32>
        %add3A_1663 = arith.addi %mul3A_1251, %add3A_1662 : vector<16xi32>
        %gather3A_1664 = tpu.vector_load_idx %arg7[%add3A_1240, %add3A_1663] : memref<512x128xf32, #tpu.memory_space<vmem>>[vector<16xi32>, vector<16xi32>], vector<16xf32>,
        %add3A_1665 = arith.constant 32 : i32
        %add3A_1666 = arith.addi %mul3A_414, %add3A_1665 : i32
        %add3A_1667 = vector.broadcast %add3A_1666 : i32 to vector<16xi32>
        %add3A_1668 = arith.addi %add3A_1667, %and3A_19 : vector<16xi32>
        %mul3A_1669 = arith.constant 8.000000e+00 : f32
        %mul3A_1670 = vector.broadcast %mul3A_1669 : f32 to vector<16xf32>
        %mul3A_1671 = arith.mulf %gather3A_1664, %mul3A_1670 : vector<16xf32>
        tpu.vector_store_idx %arg8[%add3A_1668, %add3A_1242], %mul3A_1671 : memref<128x128xf32, #tpu.memory_space<vmem>>[vector<16xi32>, vector<16xi32>], vector<16xf32>,
        %add3A_1672 = arith.constant 32 : i32
        %add3A_1673 = vector.broadcast %add3A_1672 : i32 to vector<16xi32>
        %add3A_1674 = arith.addi %add3A_1673, %and3A_25 : vector<16xi32>
        %add3A_1675 = arith.addi %mul3A_1251, %add3A_1674 : vector<16xi32>
        %gather3A_1676 = tpu.vector_load_idx %arg7[%add3A_1240, %add3A_1675] : memref<512x128xf32, #tpu.memory_space<vmem>>[vector<16xi32>, vector<16xi32>], vector<16xf32>,
        %add3A_1677 = arith.constant 32 : i32
        %add3A_1678 = arith.addi %mul3A_414, %add3A_1677 : i32
        %add3A_1679 = vector.broadcast %add3A_1678 : i32 to vector<16xi32>
        %add3A_1680 = arith.addi %add3A_1679, %and3A_25 : vector<16xi32>
        %mul3A_1681 = arith.constant 8.000000e+00 : f32
        %mul3A_1682 = vector.broadcast %mul3A_1681 : f32 to vector<16xf32>
        %mul3A_1683 = arith.mulf %gather3A_1676, %mul3A_1682 : vector<16xf32>
        tpu.vector_store_idx %arg8[%add3A_1680, %add3A_1242], %mul3A_1683 : memref<128x128xf32, #tpu.memory_space<vmem>>[vector<16xi32>, vector<16xi32>], vector<16xf32>,
        %add3A_1684 = arith.constant 32 : i32
        %add3A_1685 = vector.broadcast %add3A_1684 : i32 to vector<16xi32>
        %add3A_1686 = arith.addi %add3A_1685, %and3A_31 : vector<16xi32>
        %add3A_1687 = arith.addi %mul3A_1251, %add3A_1686 : vector<16xi32>
        %gather3A_1688 = tpu.vector_load_idx %arg7[%add3A_1240, %add3A_1687] : memref<512x128xf32, #tpu.memory_space<vmem>>[vector<16xi32>, vector<16xi32>], vector<16xf32>,
        %add3A_1689 = arith.constant 32 : i32
        %add3A_1690 = arith.addi %mul3A_414, %add3A_1689 : i32
        %add3A_1691 = vector.broadcast %add3A_1690 : i32 to vector<16xi32>
        %add3A_1692 = arith.addi %add3A_1691, %and3A_31 : vector<16xi32>
        %mul3A_1693 = arith.constant 8.000000e+00 : f32
        %mul3A_1694 = vector.broadcast %mul3A_1693 : f32 to vector<16xf32>
        %mul3A_1695 = arith.mulf %gather3A_1688, %mul3A_1694 : vector<16xf32>
        tpu.vector_store_idx %arg8[%add3A_1692, %add3A_1242], %mul3A_1695 : memref<128x128xf32, #tpu.memory_space<vmem>>[vector<16xi32>, vector<16xi32>], vector<16xf32>,
        %add3A_1696 = arith.constant 32 : i32
        %add3A_1697 = vector.broadcast %add3A_1696 : i32 to vector<16xi32>
        %add3A_1698 = arith.addi %add3A_1697, %and3A_37 : vector<16xi32>
        %add3A_1699 = arith.addi %mul3A_1251, %add3A_1698 : vector<16xi32>
        %gather3A_1700 = tpu.vector_load_idx %arg7[%add3A_1240, %add3A_1699] : memref<512x128xf32, #tpu.memory_space<vmem>>[vector<16xi32>, vector<16xi32>], vector<16xf32>,
        %add3A_1701 = arith.constant 32 : i32
        %add3A_1702 = arith.addi %mul3A_414, %add3A_1701 : i32
        %add3A_1703 = vector.broadcast %add3A_1702 : i32 to vector<16xi32>
        %add3A_1704 = arith.addi %add3A_1703, %and3A_37 : vector<16xi32>
        %mul3A_1705 = arith.constant 8.000000e+00 : f32
        %mul3A_1706 = vector.broadcast %mul3A_1705 : f32 to vector<16xf32>
        %mul3A_1707 = arith.mulf %gather3A_1700, %mul3A_1706 : vector<16xf32>
        tpu.vector_store_idx %arg8[%add3A_1704, %add3A_1242], %mul3A_1707 : memref<128x128xf32, #tpu.memory_space<vmem>>[vector<16xi32>, vector<16xi32>], vector<16xf32>,
        %add3A_1708 = arith.constant 32 : i32
        %add3A_1709 = vector.broadcast %add3A_1708 : i32 to vector<16xi32>
        %add3A_1710 = arith.addi %add3A_1709, %and3A_43 : vector<16xi32>
        %add3A_1711 = arith.addi %mul3A_1251, %add3A_1710 : vector<16xi32>
        %gather3A_1712 = tpu.vector_load_idx %arg7[%add3A_1240, %add3A_1711] : memref<512x128xf32, #tpu.memory_space<vmem>>[vector<16xi32>, vector<16xi32>], vector<16xf32>,
        %add3A_1713 = arith.constant 32 : i32
        %add3A_1714 = arith.addi %mul3A_414, %add3A_1713 : i32
        %add3A_1715 = vector.broadcast %add3A_1714 : i32 to vector<16xi32>
        %add3A_1716 = arith.addi %add3A_1715, %and3A_43 : vector<16xi32>
        %mul3A_1717 = arith.constant 8.000000e+00 : f32
        %mul3A_1718 = vector.broadcast %mul3A_1717 : f32 to vector<16xf32>
        %mul3A_1719 = arith.mulf %gather3A_1712, %mul3A_1718 : vector<16xf32>
        tpu.vector_store_idx %arg8[%add3A_1716, %add3A_1242], %mul3A_1719 : memref<128x128xf32, #tpu.memory_space<vmem>>[vector<16xi32>, vector<16xi32>], vector<16xf32>,
        %add3A_1720 = arith.constant 32 : i32
        %add3A_1721 = vector.broadcast %add3A_1720 : i32 to vector<16xi32>
        %add3A_1722 = arith.addi %add3A_1721, %and3A_49 : vector<16xi32>
        %add3A_1723 = arith.addi %mul3A_1251, %add3A_1722 : vector<16xi32>
        %gather3A_1724 = tpu.vector_load_idx %arg7[%add3A_1240, %add3A_1723] : memref<512x128xf32, #tpu.memory_space<vmem>>[vector<16xi32>, vector<16xi32>], vector<16xf32>,
        %add3A_1725 = arith.constant 32 : i32
        %add3A_1726 = arith.addi %mul3A_414, %add3A_1725 : i32
        %add3A_1727 = vector.broadcast %add3A_1726 : i32 to vector<16xi32>
        %add3A_1728 = arith.addi %add3A_1727, %and3A_49 : vector<16xi32>
        %mul3A_1729 = arith.constant 8.000000e+00 : f32
        %mul3A_1730 = vector.broadcast %mul3A_1729 : f32 to vector<16xf32>
        %mul3A_1731 = arith.mulf %gather3A_1724, %mul3A_1730 : vector<16xf32>
        tpu.vector_store_idx %arg8[%add3A_1728, %add3A_1242], %mul3A_1731 : memref<128x128xf32, #tpu.memory_space<vmem>>[vector<16xi32>, vector<16xi32>], vector<16xf32>,
        %add3A_1732 = arith.constant 32 : i32
        %add3A_1733 = vector.broadcast %add3A_1732 : i32 to vector<16xi32>
        %add3A_1734 = arith.addi %add3A_1733, %and3A_55 : vector<16xi32>
        %add3A_1735 = arith.addi %mul3A_1251, %add3A_1734 : vector<16xi32>
        %gather3A_1736 = tpu.vector_load_idx %arg7[%add3A_1240, %add3A_1735] : memref<512x128xf32, #tpu.memory_space<vmem>>[vector<16xi32>, vector<16xi32>], vector<16xf32>,
        %add3A_1737 = arith.constant 32 : i32
        %add3A_1738 = arith.addi %mul3A_414, %add3A_1737 : i32
        %add3A_1739 = vector.broadcast %add3A_1738 : i32 to vector<16xi32>
        %add3A_1740 = arith.addi %add3A_1739, %and3A_55 : vector<16xi32>
        %mul3A_1741 = arith.constant 8.000000e+00 : f32
        %mul3A_1742 = vector.broadcast %mul3A_1741 : f32 to vector<16xf32>
        %mul3A_1743 = arith.mulf %gather3A_1736, %mul3A_1742 : vector<16xf32>
        tpu.vector_store_idx %arg8[%add3A_1740, %add3A_1242], %mul3A_1743 : memref<128x128xf32, #tpu.memory_space<vmem>>[vector<16xi32>, vector<16xi32>], vector<16xf32>,
        %add3A_1744 = arith.constant 32 : i32
        %add3A_1745 = vector.broadcast %add3A_1744 : i32 to vector<16xi32>
        %add3A_1746 = arith.addi %add3A_1745, %and3A_61 : vector<16xi32>
        %add3A_1747 = arith.addi %mul3A_1251, %add3A_1746 : vector<16xi32>
        %gather3A_1748 = tpu.vector_load_idx %arg7[%add3A_1240, %add3A_1747] : memref<512x128xf32, #tpu.memory_space<vmem>>[vector<16xi32>, vector<16xi32>], vector<16xf32>,
        %add3A_1749 = arith.constant 32 : i32
        %add3A_1750 = arith.addi %mul3A_414, %add3A_1749 : i32
        %add3A_1751 = vector.broadcast %add3A_1750 : i32 to vector<16xi32>
        %add3A_1752 = arith.addi %add3A_1751, %and3A_61 : vector<16xi32>
        %mul3A_1753 = arith.constant 8.000000e+00 : f32
        %mul3A_1754 = vector.broadcast %mul3A_1753 : f32 to vector<16xf32>
        %mul3A_1755 = arith.mulf %gather3A_1748, %mul3A_1754 : vector<16xf32>
        tpu.vector_store_idx %arg8[%add3A_1752, %add3A_1242], %mul3A_1755 : memref<128x128xf32, #tpu.memory_space<vmem>>[vector<16xi32>, vector<16xi32>], vector<16xf32>,
        %add3A_1756 = arith.constant 32 : i32
        %add3A_1757 = vector.broadcast %add3A_1756 : i32 to vector<16xi32>
        %add3A_1758 = arith.addi %add3A_1757, %and3A_67 : vector<16xi32>
        %add3A_1759 = arith.addi %mul3A_1251, %add3A_1758 : vector<16xi32>
        %gather3A_1760 = tpu.vector_load_idx %arg7[%add3A_1240, %add3A_1759] : memref<512x128xf32, #tpu.memory_space<vmem>>[vector<16xi32>, vector<16xi32>], vector<16xf32>,
        %add3A_1761 = arith.constant 32 : i32
        %add3A_1762 = arith.addi %mul3A_414, %add3A_1761 : i32
        %add3A_1763 = vector.broadcast %add3A_1762 : i32 to vector<16xi32>
        %add3A_1764 = arith.addi %add3A_1763, %and3A_67 : vector<16xi32>
        %mul3A_1765 = arith.constant 8.000000e+00 : f32
        %mul3A_1766 = vector.broadcast %mul3A_1765 : f32 to vector<16xf32>
        %mul3A_1767 = arith.mulf %gather3A_1760, %mul3A_1766 : vector<16xf32>
        tpu.vector_store_idx %arg8[%add3A_1764, %add3A_1242], %mul3A_1767 : memref<128x128xf32, #tpu.memory_space<vmem>>[vector<16xi32>, vector<16xi32>], vector<16xf32>,
        %add3A_1768 = arith.constant 32 : i32
        %add3A_1769 = vector.broadcast %add3A_1768 : i32 to vector<16xi32>
        %add3A_1770 = arith.addi %add3A_1769, %and3A_73 : vector<16xi32>
        %add3A_1771 = arith.addi %mul3A_1251, %add3A_1770 : vector<16xi32>
        %gather3A_1772 = tpu.vector_load_idx %arg7[%add3A_1240, %add3A_1771] : memref<512x128xf32, #tpu.memory_space<vmem>>[vector<16xi32>, vector<16xi32>], vector<16xf32>,
        %add3A_1773 = arith.constant 32 : i32
        %add3A_1774 = arith.addi %mul3A_414, %add3A_1773 : i32
        %add3A_1775 = vector.broadcast %add3A_1774 : i32 to vector<16xi32>
        %add3A_1776 = arith.addi %add3A_1775, %and3A_73 : vector<16xi32>
        %mul3A_1777 = arith.constant 8.000000e+00 : f32
        %mul3A_1778 = vector.broadcast %mul3A_1777 : f32 to vector<16xf32>
        %mul3A_1779 = arith.mulf %gather3A_1772, %mul3A_1778 : vector<16xf32>
        tpu.vector_store_idx %arg8[%add3A_1776, %add3A_1242], %mul3A_1779 : memref<128x128xf32, #tpu.memory_space<vmem>>[vector<16xi32>, vector<16xi32>], vector<16xf32>,
        %add3A_1780 = arith.constant 32 : i32
        %add3A_1781 = vector.broadcast %add3A_1780 : i32 to vector<16xi32>
        %add3A_1782 = arith.addi %add3A_1781, %and3A_79 : vector<16xi32>
        %add3A_1783 = arith.addi %mul3A_1251, %add3A_1782 : vector<16xi32>
        %gather3A_1784 = tpu.vector_load_idx %arg7[%add3A_1240, %add3A_1783] : memref<512x128xf32, #tpu.memory_space<vmem>>[vector<16xi32>, vector<16xi32>], vector<16xf32>,
        %add3A_1785 = arith.constant 32 : i32
        %add3A_1786 = arith.addi %mul3A_414, %add3A_1785 : i32
        %add3A_1787 = vector.broadcast %add3A_1786 : i32 to vector<16xi32>
        %add3A_1788 = arith.addi %add3A_1787, %and3A_79 : vector<16xi32>
        %mul3A_1789 = arith.constant 8.000000e+00 : f32
        %mul3A_1790 = vector.broadcast %mul3A_1789 : f32 to vector<16xf32>
        %mul3A_1791 = arith.mulf %gather3A_1784, %mul3A_1790 : vector<16xf32>
        tpu.vector_store_idx %arg8[%add3A_1788, %add3A_1242], %mul3A_1791 : memref<128x128xf32, #tpu.memory_space<vmem>>[vector<16xi32>, vector<16xi32>], vector<16xf32>,
        %add3A_1792 = arith.constant 32 : i32
        %add3A_1793 = vector.broadcast %add3A_1792 : i32 to vector<16xi32>
        %add3A_1794 = arith.addi %add3A_1793, %and3A_85 : vector<16xi32>
        %add3A_1795 = arith.addi %mul3A_1251, %add3A_1794 : vector<16xi32>
        %gather3A_1796 = tpu.vector_load_idx %arg7[%add3A_1240, %add3A_1795] : memref<512x128xf32, #tpu.memory_space<vmem>>[vector<16xi32>, vector<16xi32>], vector<16xf32>,
        %add3A_1797 = arith.constant 32 : i32
        %add3A_1798 = arith.addi %mul3A_414, %add3A_1797 : i32
        %add3A_1799 = vector.broadcast %add3A_1798 : i32 to vector<16xi32>
        %add3A_1800 = arith.addi %add3A_1799, %and3A_85 : vector<16xi32>
        %mul3A_1801 = arith.constant 8.000000e+00 : f32
        %mul3A_1802 = vector.broadcast %mul3A_1801 : f32 to vector<16xf32>
        %mul3A_1803 = arith.mulf %gather3A_1796, %mul3A_1802 : vector<16xf32>
        tpu.vector_store_idx %arg8[%add3A_1800, %add3A_1242], %mul3A_1803 : memref<128x128xf32, #tpu.memory_space<vmem>>[vector<16xi32>, vector<16xi32>], vector<16xf32>,
        %add3A_1804 = arith.constant 32 : i32
        %add3A_1805 = vector.broadcast %add3A_1804 : i32 to vector<16xi32>
        %add3A_1806 = arith.addi %add3A_1805, %and3A_91 : vector<16xi32>
        %add3A_1807 = arith.addi %mul3A_1251, %add3A_1806 : vector<16xi32>
        %gather3A_1808 = tpu.vector_load_idx %arg7[%add3A_1240, %add3A_1807] : memref<512x128xf32, #tpu.memory_space<vmem>>[vector<16xi32>, vector<16xi32>], vector<16xf32>,
        %add3A_1809 = arith.constant 32 : i32
        %add3A_1810 = arith.addi %mul3A_414, %add3A_1809 : i32
        %add3A_1811 = vector.broadcast %add3A_1810 : i32 to vector<16xi32>
        %add3A_1812 = arith.addi %add3A_1811, %and3A_91 : vector<16xi32>
        %mul3A_1813 = arith.constant 8.000000e+00 : f32
        %mul3A_1814 = vector.broadcast %mul3A_1813 : f32 to vector<16xf32>
        %mul3A_1815 = arith.mulf %gather3A_1808, %mul3A_1814 : vector<16xf32>
        tpu.vector_store_idx %arg8[%add3A_1812, %add3A_1242], %mul3A_1815 : memref<128x128xf32, #tpu.memory_space<vmem>>[vector<16xi32>, vector<16xi32>], vector<16xf32>,
        %add3A_1816 = arith.constant 32 : i32
        %add3A_1817 = vector.broadcast %add3A_1816 : i32 to vector<16xi32>
        %add3A_1818 = arith.addi %add3A_1817, %and3A_97 : vector<16xi32>
        %add3A_1819 = arith.addi %mul3A_1251, %add3A_1818 : vector<16xi32>
        %gather3A_1820 = tpu.vector_load_idx %arg7[%add3A_1240, %add3A_1819] : memref<512x128xf32, #tpu.memory_space<vmem>>[vector<16xi32>, vector<16xi32>], vector<16xf32>,
        %add3A_1821 = arith.constant 32 : i32
        %add3A_1822 = arith.addi %mul3A_414, %add3A_1821 : i32
        %add3A_1823 = vector.broadcast %add3A_1822 : i32 to vector<16xi32>
        %add3A_1824 = arith.addi %add3A_1823, %and3A_97 : vector<16xi32>
        %mul3A_1825 = arith.constant 8.000000e+00 : f32
        %mul3A_1826 = vector.broadcast %mul3A_1825 : f32 to vector<16xf32>
        %mul3A_1827 = arith.mulf %gather3A_1820, %mul3A_1826 : vector<16xf32>
        tpu.vector_store_idx %arg8[%add3A_1824, %add3A_1242], %mul3A_1827 : memref<128x128xf32, #tpu.memory_space<vmem>>[vector<16xi32>, vector<16xi32>], vector<16xf32>,
        %add3A_1828 = arith.constant 48 : i32
        %add3A_1829 = vector.broadcast %add3A_1828 : i32 to vector<16xi32>
        %add3A_1830 = arith.addi %add3A_1829, %and3A_7 : vector<16xi32>
        %add3A_1831 = arith.addi %mul3A_1251, %add3A_1830 : vector<16xi32>
        %gather3A_1832 = tpu.vector_load_idx %arg7[%add3A_1240, %add3A_1831] : memref<512x128xf32, #tpu.memory_space<vmem>>[vector<16xi32>, vector<16xi32>], vector<16xf32>,
        %add3A_1833 = arith.constant 48 : i32
        %add3A_1834 = arith.addi %mul3A_414, %add3A_1833 : i32
        %add3A_1835 = vector.broadcast %add3A_1834 : i32 to vector<16xi32>
        %add3A_1836 = arith.addi %add3A_1835, %and3A_7 : vector<16xi32>
        %mul3A_1837 = arith.constant 8.000000e+00 : f32
        %mul3A_1838 = vector.broadcast %mul3A_1837 : f32 to vector<16xf32>
        %mul3A_1839 = arith.mulf %gather3A_1832, %mul3A_1838 : vector<16xf32>
        tpu.vector_store_idx %arg8[%add3A_1836, %add3A_1242], %mul3A_1839 : memref<128x128xf32, #tpu.memory_space<vmem>>[vector<16xi32>, vector<16xi32>], vector<16xf32>,
        %add3A_1840 = arith.constant 48 : i32
        %add3A_1841 = vector.broadcast %add3A_1840 : i32 to vector<16xi32>
        %add3A_1842 = arith.addi %add3A_1841, %and3A_13 : vector<16xi32>
        %add3A_1843 = arith.addi %mul3A_1251, %add3A_1842 : vector<16xi32>
        %gather3A_1844 = tpu.vector_load_idx %arg7[%add3A_1240, %add3A_1843] : memref<512x128xf32, #tpu.memory_space<vmem>>[vector<16xi32>, vector<16xi32>], vector<16xf32>,
        %add3A_1845 = arith.constant 48 : i32
        %add3A_1846 = arith.addi %mul3A_414, %add3A_1845 : i32
        %add3A_1847 = vector.broadcast %add3A_1846 : i32 to vector<16xi32>
        %add3A_1848 = arith.addi %add3A_1847, %and3A_13 : vector<16xi32>
        %mul3A_1849 = arith.constant 8.000000e+00 : f32
        %mul3A_1850 = vector.broadcast %mul3A_1849 : f32 to vector<16xf32>
        %mul3A_1851 = arith.mulf %gather3A_1844, %mul3A_1850 : vector<16xf32>
        tpu.vector_store_idx %arg8[%add3A_1848, %add3A_1242], %mul3A_1851 : memref<128x128xf32, #tpu.memory_space<vmem>>[vector<16xi32>, vector<16xi32>], vector<16xf32>,
        %add3A_1852 = arith.constant 48 : i32
        %add3A_1853 = vector.broadcast %add3A_1852 : i32 to vector<16xi32>
        %add3A_1854 = arith.addi %add3A_1853, %and3A_19 : vector<16xi32>
        %add3A_1855 = arith.addi %mul3A_1251, %add3A_1854 : vector<16xi32>
        %gather3A_1856 = tpu.vector_load_idx %arg7[%add3A_1240, %add3A_1855] : memref<512x128xf32, #tpu.memory_space<vmem>>[vector<16xi32>, vector<16xi32>], vector<16xf32>,
        %add3A_1857 = arith.constant 48 : i32
        %add3A_1858 = arith.addi %mul3A_414, %add3A_1857 : i32
        %add3A_1859 = vector.broadcast %add3A_1858 : i32 to vector<16xi32>
        %add3A_1860 = arith.addi %add3A_1859, %and3A_19 : vector<16xi32>
        %mul3A_1861 = arith.constant 8.000000e+00 : f32
        %mul3A_1862 = vector.broadcast %mul3A_1861 : f32 to vector<16xf32>
        %mul3A_1863 = arith.mulf %gather3A_1856, %mul3A_1862 : vector<16xf32>
        tpu.vector_store_idx %arg8[%add3A_1860, %add3A_1242], %mul3A_1863 : memref<128x128xf32, #tpu.memory_space<vmem>>[vector<16xi32>, vector<16xi32>], vector<16xf32>,
        %add3A_1864 = arith.constant 48 : i32
        %add3A_1865 = vector.broadcast %add3A_1864 : i32 to vector<16xi32>
        %add3A_1866 = arith.addi %add3A_1865, %and3A_25 : vector<16xi32>
        %add3A_1867 = arith.addi %mul3A_1251, %add3A_1866 : vector<16xi32>
        %gather3A_1868 = tpu.vector_load_idx %arg7[%add3A_1240, %add3A_1867] : memref<512x128xf32, #tpu.memory_space<vmem>>[vector<16xi32>, vector<16xi32>], vector<16xf32>,
        %add3A_1869 = arith.constant 48 : i32
        %add3A_1870 = arith.addi %mul3A_414, %add3A_1869 : i32
        %add3A_1871 = vector.broadcast %add3A_1870 : i32 to vector<16xi32>
        %add3A_1872 = arith.addi %add3A_1871, %and3A_25 : vector<16xi32>
        %mul3A_1873 = arith.constant 8.000000e+00 : f32
        %mul3A_1874 = vector.broadcast %mul3A_1873 : f32 to vector<16xf32>
        %mul3A_1875 = arith.mulf %gather3A_1868, %mul3A_1874 : vector<16xf32>
        tpu.vector_store_idx %arg8[%add3A_1872, %add3A_1242], %mul3A_1875 : memref<128x128xf32, #tpu.memory_space<vmem>>[vector<16xi32>, vector<16xi32>], vector<16xf32>,
        %add3A_1876 = arith.constant 48 : i32
        %add3A_1877 = vector.broadcast %add3A_1876 : i32 to vector<16xi32>
        %add3A_1878 = arith.addi %add3A_1877, %and3A_31 : vector<16xi32>
        %add3A_1879 = arith.addi %mul3A_1251, %add3A_1878 : vector<16xi32>
        %gather3A_1880 = tpu.vector_load_idx %arg7[%add3A_1240, %add3A_1879] : memref<512x128xf32, #tpu.memory_space<vmem>>[vector<16xi32>, vector<16xi32>], vector<16xf32>,
        %add3A_1881 = arith.constant 48 : i32
        %add3A_1882 = arith.addi %mul3A_414, %add3A_1881 : i32
        %add3A_1883 = vector.broadcast %add3A_1882 : i32 to vector<16xi32>
        %add3A_1884 = arith.addi %add3A_1883, %and3A_31 : vector<16xi32>
        %mul3A_1885 = arith.constant 8.000000e+00 : f32
        %mul3A_1886 = vector.broadcast %mul3A_1885 : f32 to vector<16xf32>
        %mul3A_1887 = arith.mulf %gather3A_1880, %mul3A_1886 : vector<16xf32>
        tpu.vector_store_idx %arg8[%add3A_1884, %add3A_1242], %mul3A_1887 : memref<128x128xf32, #tpu.memory_space<vmem>>[vector<16xi32>, vector<16xi32>], vector<16xf32>,
        %add3A_1888 = arith.constant 48 : i32
        %add3A_1889 = vector.broadcast %add3A_1888 : i32 to vector<16xi32>
        %add3A_1890 = arith.addi %add3A_1889, %and3A_37 : vector<16xi32>
        %add3A_1891 = arith.addi %mul3A_1251, %add3A_1890 : vector<16xi32>
        %gather3A_1892 = tpu.vector_load_idx %arg7[%add3A_1240, %add3A_1891] : memref<512x128xf32, #tpu.memory_space<vmem>>[vector<16xi32>, vector<16xi32>], vector<16xf32>,
        %add3A_1893 = arith.constant 48 : i32
        %add3A_1894 = arith.addi %mul3A_414, %add3A_1893 : i32
        %add3A_1895 = vector.broadcast %add3A_1894 : i32 to vector<16xi32>
        %add3A_1896 = arith.addi %add3A_1895, %and3A_37 : vector<16xi32>
        %mul3A_1897 = arith.constant 8.000000e+00 : f32
        %mul3A_1898 = vector.broadcast %mul3A_1897 : f32 to vector<16xf32>
        %mul3A_1899 = arith.mulf %gather3A_1892, %mul3A_1898 : vector<16xf32>
        tpu.vector_store_idx %arg8[%add3A_1896, %add3A_1242], %mul3A_1899 : memref<128x128xf32, #tpu.memory_space<vmem>>[vector<16xi32>, vector<16xi32>], vector<16xf32>,
        %add3A_1900 = arith.constant 48 : i32
        %add3A_1901 = vector.broadcast %add3A_1900 : i32 to vector<16xi32>
        %add3A_1902 = arith.addi %add3A_1901, %and3A_43 : vector<16xi32>
        %add3A_1903 = arith.addi %mul3A_1251, %add3A_1902 : vector<16xi32>
        %gather3A_1904 = tpu.vector_load_idx %arg7[%add3A_1240, %add3A_1903] : memref<512x128xf32, #tpu.memory_space<vmem>>[vector<16xi32>, vector<16xi32>], vector<16xf32>,
        %add3A_1905 = arith.constant 48 : i32
        %add3A_1906 = arith.addi %mul3A_414, %add3A_1905 : i32
        %add3A_1907 = vector.broadcast %add3A_1906 : i32 to vector<16xi32>
        %add3A_1908 = arith.addi %add3A_1907, %and3A_43 : vector<16xi32>
        %mul3A_1909 = arith.constant 8.000000e+00 : f32
        %mul3A_1910 = vector.broadcast %mul3A_1909 : f32 to vector<16xf32>
        %mul3A_1911 = arith.mulf %gather3A_1904, %mul3A_1910 : vector<16xf32>
        tpu.vector_store_idx %arg8[%add3A_1908, %add3A_1242], %mul3A_1911 : memref<128x128xf32, #tpu.memory_space<vmem>>[vector<16xi32>, vector<16xi32>], vector<16xf32>,
        %add3A_1912 = arith.constant 48 : i32
        %add3A_1913 = vector.broadcast %add3A_1912 : i32 to vector<16xi32>
        %add3A_1914 = arith.addi %add3A_1913, %and3A_49 : vector<16xi32>
        %add3A_1915 = arith.addi %mul3A_1251, %add3A_1914 : vector<16xi32>
        %gather3A_1916 = tpu.vector_load_idx %arg7[%add3A_1240, %add3A_1915] : memref<512x128xf32, #tpu.memory_space<vmem>>[vector<16xi32>, vector<16xi32>], vector<16xf32>,
        %add3A_1917 = arith.constant 48 : i32
        %add3A_1918 = arith.addi %mul3A_414, %add3A_1917 : i32
        %add3A_1919 = vector.broadcast %add3A_1918 : i32 to vector<16xi32>
        %add3A_1920 = arith.addi %add3A_1919, %and3A_49 : vector<16xi32>
        %mul3A_1921 = arith.constant 8.000000e+00 : f32
        %mul3A_1922 = vector.broadcast %mul3A_1921 : f32 to vector<16xf32>
        %mul3A_1923 = arith.mulf %gather3A_1916, %mul3A_1922 : vector<16xf32>
        tpu.vector_store_idx %arg8[%add3A_1920, %add3A_1242], %mul3A_1923 : memref<128x128xf32, #tpu.memory_space<vmem>>[vector<16xi32>, vector<16xi32>], vector<16xf32>,
        %add3A_1924 = arith.constant 48 : i32
        %add3A_1925 = vector.broadcast %add3A_1924 : i32 to vector<16xi32>
        %add3A_1926 = arith.addi %add3A_1925, %and3A_55 : vector<16xi32>
        %add3A_1927 = arith.addi %mul3A_1251, %add3A_1926 : vector<16xi32>
        %gather3A_1928 = tpu.vector_load_idx %arg7[%add3A_1240, %add3A_1927] : memref<512x128xf32, #tpu.memory_space<vmem>>[vector<16xi32>, vector<16xi32>], vector<16xf32>,
        %add3A_1929 = arith.constant 48 : i32
        %add3A_1930 = arith.addi %mul3A_414, %add3A_1929 : i32
        %add3A_1931 = vector.broadcast %add3A_1930 : i32 to vector<16xi32>
        %add3A_1932 = arith.addi %add3A_1931, %and3A_55 : vector<16xi32>
        %mul3A_1933 = arith.constant 8.000000e+00 : f32
        %mul3A_1934 = vector.broadcast %mul3A_1933 : f32 to vector<16xf32>
        %mul3A_1935 = arith.mulf %gather3A_1928, %mul3A_1934 : vector<16xf32>
        tpu.vector_store_idx %arg8[%add3A_1932, %add3A_1242], %mul3A_1935 : memref<128x128xf32, #tpu.memory_space<vmem>>[vector<16xi32>, vector<16xi32>], vector<16xf32>,
        %add3A_1936 = arith.constant 48 : i32
        %add3A_1937 = vector.broadcast %add3A_1936 : i32 to vector<16xi32>
        %add3A_1938 = arith.addi %add3A_1937, %and3A_61 : vector<16xi32>
        %add3A_1939 = arith.addi %mul3A_1251, %add3A_1938 : vector<16xi32>
        %gather3A_1940 = tpu.vector_load_idx %arg7[%add3A_1240, %add3A_1939] : memref<512x128xf32, #tpu.memory_space<vmem>>[vector<16xi32>, vector<16xi32>], vector<16xf32>,
        %add3A_1941 = arith.constant 48 : i32
        %add3A_1942 = arith.addi %mul3A_414, %add3A_1941 : i32
        %add3A_1943 = vector.broadcast %add3A_1942 : i32 to vector<16xi32>
        %add3A_1944 = arith.addi %add3A_1943, %and3A_61 : vector<16xi32>
        %mul3A_1945 = arith.constant 8.000000e+00 : f32
        %mul3A_1946 = vector.broadcast %mul3A_1945 : f32 to vector<16xf32>
        %mul3A_1947 = arith.mulf %gather3A_1940, %mul3A_1946 : vector<16xf32>
        tpu.vector_store_idx %arg8[%add3A_1944, %add3A_1242], %mul3A_1947 : memref<128x128xf32, #tpu.memory_space<vmem>>[vector<16xi32>, vector<16xi32>], vector<16xf32>,
        %add3A_1948 = arith.constant 48 : i32
        %add3A_1949 = vector.broadcast %add3A_1948 : i32 to vector<16xi32>
        %add3A_1950 = arith.addi %add3A_1949, %and3A_67 : vector<16xi32>
        %add3A_1951 = arith.addi %mul3A_1251, %add3A_1950 : vector<16xi32>
        %gather3A_1952 = tpu.vector_load_idx %arg7[%add3A_1240, %add3A_1951] : memref<512x128xf32, #tpu.memory_space<vmem>>[vector<16xi32>, vector<16xi32>], vector<16xf32>,
        %add3A_1953 = arith.constant 48 : i32
        %add3A_1954 = arith.addi %mul3A_414, %add3A_1953 : i32
        %add3A_1955 = vector.broadcast %add3A_1954 : i32 to vector<16xi32>
        %add3A_1956 = arith.addi %add3A_1955, %and3A_67 : vector<16xi32>
        %mul3A_1957 = arith.constant 8.000000e+00 : f32
        %mul3A_1958 = vector.broadcast %mul3A_1957 : f32 to vector<16xf32>
        %mul3A_1959 = arith.mulf %gather3A_1952, %mul3A_1958 : vector<16xf32>
        tpu.vector_store_idx %arg8[%add3A_1956, %add3A_1242], %mul3A_1959 : memref<128x128xf32, #tpu.memory_space<vmem>>[vector<16xi32>, vector<16xi32>], vector<16xf32>,
        %add3A_1960 = arith.constant 48 : i32
        %add3A_1961 = vector.broadcast %add3A_1960 : i32 to vector<16xi32>
        %add3A_1962 = arith.addi %add3A_1961, %and3A_73 : vector<16xi32>
        %add3A_1963 = arith.addi %mul3A_1251, %add3A_1962 : vector<16xi32>
        %gather3A_1964 = tpu.vector_load_idx %arg7[%add3A_1240, %add3A_1963] : memref<512x128xf32, #tpu.memory_space<vmem>>[vector<16xi32>, vector<16xi32>], vector<16xf32>,
        %add3A_1965 = arith.constant 48 : i32
        %add3A_1966 = arith.addi %mul3A_414, %add3A_1965 : i32
        %add3A_1967 = vector.broadcast %add3A_1966 : i32 to vector<16xi32>
        %add3A_1968 = arith.addi %add3A_1967, %and3A_73 : vector<16xi32>
        %mul3A_1969 = arith.constant 8.000000e+00 : f32
        %mul3A_1970 = vector.broadcast %mul3A_1969 : f32 to vector<16xf32>
        %mul3A_1971 = arith.mulf %gather3A_1964, %mul3A_1970 : vector<16xf32>
        tpu.vector_store_idx %arg8[%add3A_1968, %add3A_1242], %mul3A_1971 : memref<128x128xf32, #tpu.memory_space<vmem>>[vector<16xi32>, vector<16xi32>], vector<16xf32>,
        %add3A_1972 = arith.constant 48 : i32
        %add3A_1973 = vector.broadcast %add3A_1972 : i32 to vector<16xi32>
        %add3A_1974 = arith.addi %add3A_1973, %and3A_79 : vector<16xi32>
        %add3A_1975 = arith.addi %mul3A_1251, %add3A_1974 : vector<16xi32>
        %gather3A_1976 = tpu.vector_load_idx %arg7[%add3A_1240, %add3A_1975] : memref<512x128xf32, #tpu.memory_space<vmem>>[vector<16xi32>, vector<16xi32>], vector<16xf32>,
        %add3A_1977 = arith.constant 48 : i32
        %add3A_1978 = arith.addi %mul3A_414, %add3A_1977 : i32
        %add3A_1979 = vector.broadcast %add3A_1978 : i32 to vector<16xi32>
        %add3A_1980 = arith.addi %add3A_1979, %and3A_79 : vector<16xi32>
        %mul3A_1981 = arith.constant 8.000000e+00 : f32
        %mul3A_1982 = vector.broadcast %mul3A_1981 : f32 to vector<16xf32>
        %mul3A_1983 = arith.mulf %gather3A_1976, %mul3A_1982 : vector<16xf32>
        tpu.vector_store_idx %arg8[%add3A_1980, %add3A_1242], %mul3A_1983 : memref<128x128xf32, #tpu.memory_space<vmem>>[vector<16xi32>, vector<16xi32>], vector<16xf32>,
        %add3A_1984 = arith.constant 48 : i32
        %add3A_1985 = vector.broadcast %add3A_1984 : i32 to vector<16xi32>
        %add3A_1986 = arith.addi %add3A_1985, %and3A_85 : vector<16xi32>
        %add3A_1987 = arith.addi %mul3A_1251, %add3A_1986 : vector<16xi32>
        %gather3A_1988 = tpu.vector_load_idx %arg7[%add3A_1240, %add3A_1987] : memref<512x128xf32, #tpu.memory_space<vmem>>[vector<16xi32>, vector<16xi32>], vector<16xf32>,
        %add3A_1989 = arith.constant 48 : i32
        %add3A_1990 = arith.addi %mul3A_414, %add3A_1989 : i32
        %add3A_1991 = vector.broadcast %add3A_1990 : i32 to vector<16xi32>
        %add3A_1992 = arith.addi %add3A_1991, %and3A_85 : vector<16xi32>
        %mul3A_1993 = arith.constant 8.000000e+00 : f32
        %mul3A_1994 = vector.broadcast %mul3A_1993 : f32 to vector<16xf32>
        %mul3A_1995 = arith.mulf %gather3A_1988, %mul3A_1994 : vector<16xf32>
        tpu.vector_store_idx %arg8[%add3A_1992, %add3A_1242], %mul3A_1995 : memref<128x128xf32, #tpu.memory_space<vmem>>[vector<16xi32>, vector<16xi32>], vector<16xf32>,
        %add3A_1996 = arith.constant 48 : i32
        %add3A_1997 = vector.broadcast %add3A_1996 : i32 to vector<16xi32>
        %add3A_1998 = arith.addi %add3A_1997, %and3A_91 : vector<16xi32>
        %add3A_1999 = arith.addi %mul3A_1251, %add3A_1998 : vector<16xi32>
        %gather3A_2000 = tpu.vector_load_idx %arg7[%add3A_1240, %add3A_1999] : memref<512x128xf32, #tpu.memory_space<vmem>>[vector<16xi32>, vector<16xi32>], vector<16xf32>,
        %add3A_2001 = arith.constant 48 : i32
        %add3A_2002 = arith.addi %mul3A_414, %add3A_2001 : i32
        %add3A_2003 = vector.broadcast %add3A_2002 : i32 to vector<16xi32>
        %add3A_2004 = arith.addi %add3A_2003, %and3A_91 : vector<16xi32>
        %mul3A_2005 = arith.constant 8.000000e+00 : f32
        %mul3A_2006 = vector.broadcast %mul3A_2005 : f32 to vector<16xf32>
        %mul3A_2007 = arith.mulf %gather3A_2000, %mul3A_2006 : vector<16xf32>
        tpu.vector_store_idx %arg8[%add3A_2004, %add3A_1242], %mul3A_2007 : memref<128x128xf32, #tpu.memory_space<vmem>>[vector<16xi32>, vector<16xi32>], vector<16xf32>,
        %add3A_2008 = arith.constant 48 : i32
        %add3A_2009 = vector.broadcast %add3A_2008 : i32 to vector<16xi32>
        %add3A_2010 = arith.addi %add3A_2009, %and3A_97 : vector<16xi32>
        %add3A_2011 = arith.addi %mul3A_1251, %add3A_2010 : vector<16xi32>
        %gather3A_2012 = tpu.vector_load_idx %arg7[%add3A_1240, %add3A_2011] : memref<512x128xf32, #tpu.memory_space<vmem>>[vector<16xi32>, vector<16xi32>], vector<16xf32>,
        %add3A_2013 = arith.constant 48 : i32
        %add3A_2014 = arith.addi %mul3A_414, %add3A_2013 : i32
        %add3A_2015 = vector.broadcast %add3A_2014 : i32 to vector<16xi32>
        %add3A_2016 = arith.addi %add3A_2015, %and3A_97 : vector<16xi32>
        %mul3A_2017 = arith.constant 8.000000e+00 : f32
        %mul3A_2018 = vector.broadcast %mul3A_2017 : f32 to vector<16xf32>
        %mul3A_2019 = arith.mulf %gather3A_2012, %mul3A_2018 : vector<16xf32>
        tpu.vector_store_idx %arg8[%add3A_2016, %add3A_1242], %mul3A_2019 : memref<128x128xf32, #tpu.memory_space<vmem>>[vector<16xi32>, vector<16xi32>], vector<16xf32>,
      }
      %scan3A_441 = arith.constant 8 : i32
      %mul3A_442 = arith.constant 64 : i32
      %mul3A_443 = arith.muli %scan3A_406, %mul3A_442 : i32
      %dma_start3A_444 = arith.constant 0 : i32
      %dma_start3A_445 = tpu.memref_slice %arg8[%mul3A_414, %dma_start3A_444] : memref<128x128xf32, #tpu.memory_space<vmem>> -> memref<64x128xf32, #tpu.memory_space<vmem>>
      %dma_start3A_446 = tpu.memref_slice %arg4[%mul3A_443, %mul3A_2] : memref<12800x4096xf32, #tpu.memory_space<hbm>> -> memref<64x128xf32, #tpu.memory_space<hbm>>
      %dma_start3A_447 = tpu.memref_slice %arg4[%mul3A_443, %mul3A_2] : memref<12800x4096xf32, #tpu.memory_space<hbm>> -> memref<64x128xf32, #tpu.memory_space<hbm>>
      %dma_start3A_448 = arith.constant 0 : i32
      %dma_start3A_449 = tpu.memref_slice %arg8[%mul3A_414, %dma_start3A_448] : memref<128x128xf32, #tpu.memory_space<vmem>> -> memref<64x128xf32, #tpu.memory_space<vmem>>
      tpu.enqueue_dma source(%dma_start3A_449 : memref<64x128xf32, #tpu.memory_space<vmem>>) target(%dma_start3A_447 : memref<64x128xf32, #tpu.memory_space<hbm>>) target_semaphore(%arg10 : memref<!tpu.dma_semaphore, #tpu.memory_space<semaphore_mem>>)
    }
    %scan3A_376 = arith.constant 200 : i32
    %rem3A_377 = arith.constant 200 : i32
    %rem3A_378 = arith.constant 2 : i32
    %rem3A_379 = arith.remsi %rem3A_377, %rem3A_378 : i32
    %mul3A_380 = arith.constant 64 : i32
    %mul3A_381 = arith.muli %rem3A_379, %mul3A_380 : i32
    %dma_wait3A = arith.constant 0 : i32
    %dma_wait3A_382 = tpu.memref_slice %arg8[%mul3A_381, %dma_wait3A] : memref<128x128xf32, #tpu.memory_space<vmem>> -> memref<64x128xf32, #tpu.memory_space<vmem>>
    %dma_wait3A_383 = arith.constant 0 : i32
    %dma_wait3A_384 = arith.constant 0 : i32
    %dma_wait3A_385 = tpu.memref_slice %arg4[%dma_wait3A_383, %dma_wait3A_384] : memref<12800x4096xf32, #tpu.memory_space<hbm>> -> memref<64x128xf32, #tpu.memory_space<hbm>>
    %dma_wait3A_386 = arith.constant 0 : i32
    %dma_wait3A_387 = arith.constant 0 : i32
    %dma_wait3A_388 = tpu.memref_slice %arg4[%dma_wait3A_386, %dma_wait3A_387] : memref<12800x4096xf32, #tpu.memory_space<hbm>> -> memref<64x128xf32, #tpu.memory_space<hbm>>
    %dma_wait3A_389 = arith.constant 0 : i32
    %dma_wait3A_390 = tpu.memref_slice %arg8[%mul3A_381, %dma_wait3A_389] : memref<128x128xf32, #tpu.memory_space<vmem>> -> memref<64x128xf32, #tpu.memory_space<vmem>>
    tpu.wait_dma2 semaphore(%arg10 : memref<!tpu.dma_semaphore, #tpu.memory_space<semaphore_mem>>) src(%dma_wait3A_390 : memref<64x128xf32, #tpu.memory_space<vmem>>) dst(%dma_wait3A_388 : memref<64x128xf32, #tpu.memory_space<hbm>>)
    %rem3A_391 = arith.constant 201 : i32
    %rem3A_392 = arith.constant 2 : i32
    %rem3A_393 = arith.remsi %rem3A_391, %rem3A_392 : i32
    %mul3A_394 = arith.constant 64 : i32
    %mul3A_395 = arith.muli %rem3A_393, %mul3A_394 : i32
    %dma_wait3A_396 = arith.constant 0 : i32
    %dma_wait3A_397 = tpu.memref_slice %arg8[%mul3A_395, %dma_wait3A_396] : memref<128x128xf32, #tpu.memory_space<vmem>> -> memref<64x128xf32, #tpu.memory_space<vmem>>
    %dma_wait3A_398 = arith.constant 0 : i32
    %dma_wait3A_399 = arith.constant 0 : i32
    %dma_wait3A_400 = tpu.memref_slice %arg4[%dma_wait3A_398, %dma_wait3A_399] : memref<12800x4096xf32, #tpu.memory_space<hbm>> -> memref<64x128xf32, #tpu.memory_space<hbm>>
    %dma_wait3A_401 = arith.constant 0 : i32
    %dma_wait3A_402 = arith.constant 0 : i32
    %dma_wait3A_403 = tpu.memref_slice %arg4[%dma_wait3A_401, %dma_wait3A_402] : memref<12800x4096xf32, #tpu.memory_space<hbm>> -> memref<64x128xf32, #tpu.memory_space<hbm>>
    %dma_wait3A_404 = arith.constant 0 : i32
    %dma_wait3A_405 = tpu.memref_slice %arg8[%mul3A_395, %dma_wait3A_404] : memref<128x128xf32, #tpu.memory_space<vmem>> -> memref<64x128xf32, #tpu.memory_space<vmem>>
    tpu.wait_dma2 semaphore(%arg10 : memref<!tpu.dma_semaphore, #tpu.memory_space<semaphore_mem>>) src(%dma_wait3A_405 : memref<64x128xf32, #tpu.memory_space<vmem>>) dst(%dma_wait3A_403 : memref<64x128xf32, #tpu.memory_space<hbm>>)
    return
  }
}

#map = affine_map<(d0, d1) -> (0, 0)>
module attributes {stable_mosaic.version = 14 : i64} {
  func.func @detile(%arg0: i32, %arg1: i32, %arg2: memref<64x1000000xf32, #tpu.memory_space<hbm>>, %arg3: memref<64x128xf32, #tpu.memory_space<hbm>>, %arg4: memref<500000x128xf32, #tpu.memory_space<hbm>>, %arg5: memref<128x128xf32, #tpu.memory_space<vmem>>, %arg6: memref<128x128xf32, #tpu.memory_space<vmem>>, %arg7: memref<!tpu.dma_semaphore, #tpu.memory_space<semaphore_mem>>, %arg8: memref<!tpu.dma_semaphore, #tpu.memory_space<semaphore_mem>>) attributes {dimension_semantics = [#tpu.dimension_semantics<core_parallel>, #tpu.dimension_semantics<subcore_parallel>], iteration_bounds = array<i64: 2, 16>, scalar_prefetch = 0 : i64, scratch_operands = 4 : i64, tpu.core_type = #tpu.core_type<sc_vector_subcore>, window_params = [{transform_indices = #map}, {transform_indices = #map}, {transform_indices = #map}]} {
    %mul3A = arith.constant 2 : i32
    %mul3A_0 = arith.muli %arg1, %mul3A : i32
    %add3A = arith.addi %mul3A_0, %arg0 : i32
    %lt3A = arith.constant 4 : i32
    %lt3A_1 = arith.cmpi slt, %add3A, %lt3A : i32
    %jit3A = arith.constant 245 : i32
    %jit3A_2 = arith.constant 244 : i32
    %select_n3A = arith.select %lt3A_1, %jit3A, %jit3A_2 : i32
    %mul3A_3 = arith.constant 244 : i32
    %mul3A_4 = arith.muli %add3A, %mul3A_3 : i32
    %min3A = arith.constant 4 : i32
    %min3A_5 = arith.minsi %add3A, %min3A : i32
    %add3A_6 = arith.addi %mul3A_4, %min3A_5 : i32
    %iota3A = tpu.iota {dimensions = array<i32: 0>} : vector<16xi32>
    %add3A_7 = arith.constant 0 : i32
    %add3A_8 = vector.broadcast %add3A_7 : i32 to vector<16xi32>
    %add3A_9 = arith.addi %iota3A, %add3A_8 : vector<16xi32>
    %and3A = arith.constant 15 : i32
    %and3A_10 = vector.broadcast %and3A : i32 to vector<16xi32>
    %and3A_11 = arith.andi %add3A_9, %and3A_10 : vector<16xi32>
    %add3A_12 = arith.constant 1 : i32
    %add3A_13 = vector.broadcast %add3A_12 : i32 to vector<16xi32>
    %add3A_14 = arith.addi %iota3A, %add3A_13 : vector<16xi32>
    %and3A_15 = arith.constant 15 : i32
    %and3A_16 = vector.broadcast %and3A_15 : i32 to vector<16xi32>
    %and3A_17 = arith.andi %add3A_14, %and3A_16 : vector<16xi32>
    %add3A_18 = arith.constant 2 : i32
    %add3A_19 = vector.broadcast %add3A_18 : i32 to vector<16xi32>
    %add3A_20 = arith.addi %iota3A, %add3A_19 : vector<16xi32>
    %and3A_21 = arith.constant 15 : i32
    %and3A_22 = vector.broadcast %and3A_21 : i32 to vector<16xi32>
    %and3A_23 = arith.andi %add3A_20, %and3A_22 : vector<16xi32>
    %add3A_24 = arith.constant 3 : i32
    %add3A_25 = vector.broadcast %add3A_24 : i32 to vector<16xi32>
    %add3A_26 = arith.addi %iota3A, %add3A_25 : vector<16xi32>
    %and3A_27 = arith.constant 15 : i32
    %and3A_28 = vector.broadcast %and3A_27 : i32 to vector<16xi32>
    %and3A_29 = arith.andi %add3A_26, %and3A_28 : vector<16xi32>
    %add3A_30 = arith.constant 4 : i32
    %add3A_31 = vector.broadcast %add3A_30 : i32 to vector<16xi32>
    %add3A_32 = arith.addi %iota3A, %add3A_31 : vector<16xi32>
    %and3A_33 = arith.constant 15 : i32
    %and3A_34 = vector.broadcast %and3A_33 : i32 to vector<16xi32>
    %and3A_35 = arith.andi %add3A_32, %and3A_34 : vector<16xi32>
    %add3A_36 = arith.constant 5 : i32
    %add3A_37 = vector.broadcast %add3A_36 : i32 to vector<16xi32>
    %add3A_38 = arith.addi %iota3A, %add3A_37 : vector<16xi32>
    %and3A_39 = arith.constant 15 : i32
    %and3A_40 = vector.broadcast %and3A_39 : i32 to vector<16xi32>
    %and3A_41 = arith.andi %add3A_38, %and3A_40 : vector<16xi32>
    %add3A_42 = arith.constant 6 : i32
    %add3A_43 = vector.broadcast %add3A_42 : i32 to vector<16xi32>
    %add3A_44 = arith.addi %iota3A, %add3A_43 : vector<16xi32>
    %and3A_45 = arith.constant 15 : i32
    %and3A_46 = vector.broadcast %and3A_45 : i32 to vector<16xi32>
    %and3A_47 = arith.andi %add3A_44, %and3A_46 : vector<16xi32>
    %add3A_48 = arith.constant 7 : i32
    %add3A_49 = vector.broadcast %add3A_48 : i32 to vector<16xi32>
    %add3A_50 = arith.addi %iota3A, %add3A_49 : vector<16xi32>
    %and3A_51 = arith.constant 15 : i32
    %and3A_52 = vector.broadcast %and3A_51 : i32 to vector<16xi32>
    %and3A_53 = arith.andi %add3A_50, %and3A_52 : vector<16xi32>
    %add3A_54 = arith.constant 8 : i32
    %add3A_55 = vector.broadcast %add3A_54 : i32 to vector<16xi32>
    %add3A_56 = arith.addi %iota3A, %add3A_55 : vector<16xi32>
    %and3A_57 = arith.constant 15 : i32
    %and3A_58 = vector.broadcast %and3A_57 : i32 to vector<16xi32>
    %and3A_59 = arith.andi %add3A_56, %and3A_58 : vector<16xi32>
    %add3A_60 = arith.constant 9 : i32
    %add3A_61 = vector.broadcast %add3A_60 : i32 to vector<16xi32>
    %add3A_62 = arith.addi %iota3A, %add3A_61 : vector<16xi32>
    %and3A_63 = arith.constant 15 : i32
    %and3A_64 = vector.broadcast %and3A_63 : i32 to vector<16xi32>
    %and3A_65 = arith.andi %add3A_62, %and3A_64 : vector<16xi32>
    %add3A_66 = arith.constant 10 : i32
    %add3A_67 = vector.broadcast %add3A_66 : i32 to vector<16xi32>
    %add3A_68 = arith.addi %iota3A, %add3A_67 : vector<16xi32>
    %and3A_69 = arith.constant 15 : i32
    %and3A_70 = vector.broadcast %and3A_69 : i32 to vector<16xi32>
    %and3A_71 = arith.andi %add3A_68, %and3A_70 : vector<16xi32>
    %add3A_72 = arith.constant 11 : i32
    %add3A_73 = vector.broadcast %add3A_72 : i32 to vector<16xi32>
    %add3A_74 = arith.addi %iota3A, %add3A_73 : vector<16xi32>
    %and3A_75 = arith.constant 15 : i32
    %and3A_76 = vector.broadcast %and3A_75 : i32 to vector<16xi32>
    %and3A_77 = arith.andi %add3A_74, %and3A_76 : vector<16xi32>
    %add3A_78 = arith.constant 12 : i32
    %add3A_79 = vector.broadcast %add3A_78 : i32 to vector<16xi32>
    %add3A_80 = arith.addi %iota3A, %add3A_79 : vector<16xi32>
    %and3A_81 = arith.constant 15 : i32
    %and3A_82 = vector.broadcast %and3A_81 : i32 to vector<16xi32>
    %and3A_83 = arith.andi %add3A_80, %and3A_82 : vector<16xi32>
    %add3A_84 = arith.constant 13 : i32
    %add3A_85 = vector.broadcast %add3A_84 : i32 to vector<16xi32>
    %add3A_86 = arith.addi %iota3A, %add3A_85 : vector<16xi32>
    %and3A_87 = arith.constant 15 : i32
    %and3A_88 = vector.broadcast %and3A_87 : i32 to vector<16xi32>
    %and3A_89 = arith.andi %add3A_86, %and3A_88 : vector<16xi32>
    %add3A_90 = arith.constant 14 : i32
    %add3A_91 = vector.broadcast %add3A_90 : i32 to vector<16xi32>
    %add3A_92 = arith.addi %iota3A, %add3A_91 : vector<16xi32>
    %and3A_93 = arith.constant 15 : i32
    %and3A_94 = vector.broadcast %and3A_93 : i32 to vector<16xi32>
    %and3A_95 = arith.andi %add3A_92, %and3A_94 : vector<16xi32>
    %add3A_96 = arith.constant 15 : i32
    %add3A_97 = vector.broadcast %add3A_96 : i32 to vector<16xi32>
    %add3A_98 = arith.addi %iota3A, %add3A_97 : vector<16xi32>
    %and3A_99 = arith.constant 15 : i32
    %and3A_100 = vector.broadcast %and3A_99 : i32 to vector<16xi32>
    %and3A_101 = arith.andi %add3A_98, %and3A_100 : vector<16xi32>
    %shift_right_arithmetic3A = arith.constant 1 : i32
    %shift_right_arithmetic3A_102 = vector.broadcast %shift_right_arithmetic3A : i32 to vector<16xi32>
    %shift_right_arithmetic3A_103 = arith.shrsi %and3A_11, %shift_right_arithmetic3A_102 : vector<16xi32>
    %shift_right_arithmetic3A_104 = arith.constant 1 : i32
    %shift_right_arithmetic3A_105 = vector.broadcast %shift_right_arithmetic3A_104 : i32 to vector<16xi32>
    %shift_right_arithmetic3A_106 = arith.shrsi %and3A_17, %shift_right_arithmetic3A_105 : vector<16xi32>
    %shift_right_arithmetic3A_107 = arith.constant 1 : i32
    %shift_right_arithmetic3A_108 = vector.broadcast %shift_right_arithmetic3A_107 : i32 to vector<16xi32>
    %shift_right_arithmetic3A_109 = arith.shrsi %and3A_23, %shift_right_arithmetic3A_108 : vector<16xi32>
    %shift_right_arithmetic3A_110 = arith.constant 1 : i32
    %shift_right_arithmetic3A_111 = vector.broadcast %shift_right_arithmetic3A_110 : i32 to vector<16xi32>
    %shift_right_arithmetic3A_112 = arith.shrsi %and3A_29, %shift_right_arithmetic3A_111 : vector<16xi32>
    %shift_right_arithmetic3A_113 = arith.constant 1 : i32
    %shift_right_arithmetic3A_114 = vector.broadcast %shift_right_arithmetic3A_113 : i32 to vector<16xi32>
    %shift_right_arithmetic3A_115 = arith.shrsi %and3A_35, %shift_right_arithmetic3A_114 : vector<16xi32>
    %shift_right_arithmetic3A_116 = arith.constant 1 : i32
    %shift_right_arithmetic3A_117 = vector.broadcast %shift_right_arithmetic3A_116 : i32 to vector<16xi32>
    %shift_right_arithmetic3A_118 = arith.shrsi %and3A_41, %shift_right_arithmetic3A_117 : vector<16xi32>
    %shift_right_arithmetic3A_119 = arith.constant 1 : i32
    %shift_right_arithmetic3A_120 = vector.broadcast %shift_right_arithmetic3A_119 : i32 to vector<16xi32>
    %shift_right_arithmetic3A_121 = arith.shrsi %and3A_47, %shift_right_arithmetic3A_120 : vector<16xi32>
    %shift_right_arithmetic3A_122 = arith.constant 1 : i32
    %shift_right_arithmetic3A_123 = vector.broadcast %shift_right_arithmetic3A_122 : i32 to vector<16xi32>
    %shift_right_arithmetic3A_124 = arith.shrsi %and3A_53, %shift_right_arithmetic3A_123 : vector<16xi32>
    %shift_right_arithmetic3A_125 = arith.constant 1 : i32
    %shift_right_arithmetic3A_126 = vector.broadcast %shift_right_arithmetic3A_125 : i32 to vector<16xi32>
    %shift_right_arithmetic3A_127 = arith.shrsi %and3A_59, %shift_right_arithmetic3A_126 : vector<16xi32>
    %shift_right_arithmetic3A_128 = arith.constant 1 : i32
    %shift_right_arithmetic3A_129 = vector.broadcast %shift_right_arithmetic3A_128 : i32 to vector<16xi32>
    %shift_right_arithmetic3A_130 = arith.shrsi %and3A_65, %shift_right_arithmetic3A_129 : vector<16xi32>
    %shift_right_arithmetic3A_131 = arith.constant 1 : i32
    %shift_right_arithmetic3A_132 = vector.broadcast %shift_right_arithmetic3A_131 : i32 to vector<16xi32>
    %shift_right_arithmetic3A_133 = arith.shrsi %and3A_71, %shift_right_arithmetic3A_132 : vector<16xi32>
    %shift_right_arithmetic3A_134 = arith.constant 1 : i32
    %shift_right_arithmetic3A_135 = vector.broadcast %shift_right_arithmetic3A_134 : i32 to vector<16xi32>
    %shift_right_arithmetic3A_136 = arith.shrsi %and3A_77, %shift_right_arithmetic3A_135 : vector<16xi32>
    %shift_right_arithmetic3A_137 = arith.constant 1 : i32
    %shift_right_arithmetic3A_138 = vector.broadcast %shift_right_arithmetic3A_137 : i32 to vector<16xi32>
    %shift_right_arithmetic3A_139 = arith.shrsi %and3A_83, %shift_right_arithmetic3A_138 : vector<16xi32>
    %shift_right_arithmetic3A_140 = arith.constant 1 : i32
    %shift_right_arithmetic3A_141 = vector.broadcast %shift_right_arithmetic3A_140 : i32 to vector<16xi32>
    %shift_right_arithmetic3A_142 = arith.shrsi %and3A_89, %shift_right_arithmetic3A_141 : vector<16xi32>
    %shift_right_arithmetic3A_143 = arith.constant 1 : i32
    %shift_right_arithmetic3A_144 = vector.broadcast %shift_right_arithmetic3A_143 : i32 to vector<16xi32>
    %shift_right_arithmetic3A_145 = arith.shrsi %and3A_95, %shift_right_arithmetic3A_144 : vector<16xi32>
    %shift_right_arithmetic3A_146 = arith.constant 1 : i32
    %shift_right_arithmetic3A_147 = vector.broadcast %shift_right_arithmetic3A_146 : i32 to vector<16xi32>
    %shift_right_arithmetic3A_148 = arith.shrsi %and3A_101, %shift_right_arithmetic3A_147 : vector<16xi32>
    %and3A_149 = arith.constant 1 : i32
    %and3A_150 = vector.broadcast %and3A_149 : i32 to vector<16xi32>
    %and3A_151 = arith.andi %and3A_11, %and3A_150 : vector<16xi32>
    %mul3A_152 = arith.constant 64 : i32
    %mul3A_153 = vector.broadcast %mul3A_152 : i32 to vector<16xi32>
    %mul3A_154 = arith.muli %and3A_151, %mul3A_153 : vector<16xi32>
    %add3A_155 = arith.addi %mul3A_154, %iota3A : vector<16xi32>
    %and3A_156 = arith.constant 1 : i32
    %and3A_157 = vector.broadcast %and3A_156 : i32 to vector<16xi32>
    %and3A_158 = arith.andi %and3A_17, %and3A_157 : vector<16xi32>
    %mul3A_159 = arith.constant 64 : i32
    %mul3A_160 = vector.broadcast %mul3A_159 : i32 to vector<16xi32>
    %mul3A_161 = arith.muli %and3A_158, %mul3A_160 : vector<16xi32>
    %add3A_162 = arith.addi %mul3A_161, %iota3A : vector<16xi32>
    %and3A_163 = arith.constant 1 : i32
    %and3A_164 = vector.broadcast %and3A_163 : i32 to vector<16xi32>
    %and3A_165 = arith.andi %and3A_23, %and3A_164 : vector<16xi32>
    %mul3A_166 = arith.constant 64 : i32
    %mul3A_167 = vector.broadcast %mul3A_166 : i32 to vector<16xi32>
    %mul3A_168 = arith.muli %and3A_165, %mul3A_167 : vector<16xi32>
    %add3A_169 = arith.addi %mul3A_168, %iota3A : vector<16xi32>
    %and3A_170 = arith.constant 1 : i32
    %and3A_171 = vector.broadcast %and3A_170 : i32 to vector<16xi32>
    %and3A_172 = arith.andi %and3A_29, %and3A_171 : vector<16xi32>
    %mul3A_173 = arith.constant 64 : i32
    %mul3A_174 = vector.broadcast %mul3A_173 : i32 to vector<16xi32>
    %mul3A_175 = arith.muli %and3A_172, %mul3A_174 : vector<16xi32>
    %add3A_176 = arith.addi %mul3A_175, %iota3A : vector<16xi32>
    %and3A_177 = arith.constant 1 : i32
    %and3A_178 = vector.broadcast %and3A_177 : i32 to vector<16xi32>
    %and3A_179 = arith.andi %and3A_35, %and3A_178 : vector<16xi32>
    %mul3A_180 = arith.constant 64 : i32
    %mul3A_181 = vector.broadcast %mul3A_180 : i32 to vector<16xi32>
    %mul3A_182 = arith.muli %and3A_179, %mul3A_181 : vector<16xi32>
    %add3A_183 = arith.addi %mul3A_182, %iota3A : vector<16xi32>
    %and3A_184 = arith.constant 1 : i32
    %and3A_185 = vector.broadcast %and3A_184 : i32 to vector<16xi32>
    %and3A_186 = arith.andi %and3A_41, %and3A_185 : vector<16xi32>
    %mul3A_187 = arith.constant 64 : i32
    %mul3A_188 = vector.broadcast %mul3A_187 : i32 to vector<16xi32>
    %mul3A_189 = arith.muli %and3A_186, %mul3A_188 : vector<16xi32>
    %add3A_190 = arith.addi %mul3A_189, %iota3A : vector<16xi32>
    %and3A_191 = arith.constant 1 : i32
    %and3A_192 = vector.broadcast %and3A_191 : i32 to vector<16xi32>
    %and3A_193 = arith.andi %and3A_47, %and3A_192 : vector<16xi32>
    %mul3A_194 = arith.constant 64 : i32
    %mul3A_195 = vector.broadcast %mul3A_194 : i32 to vector<16xi32>
    %mul3A_196 = arith.muli %and3A_193, %mul3A_195 : vector<16xi32>
    %add3A_197 = arith.addi %mul3A_196, %iota3A : vector<16xi32>
    %and3A_198 = arith.constant 1 : i32
    %and3A_199 = vector.broadcast %and3A_198 : i32 to vector<16xi32>
    %and3A_200 = arith.andi %and3A_53, %and3A_199 : vector<16xi32>
    %mul3A_201 = arith.constant 64 : i32
    %mul3A_202 = vector.broadcast %mul3A_201 : i32 to vector<16xi32>
    %mul3A_203 = arith.muli %and3A_200, %mul3A_202 : vector<16xi32>
    %add3A_204 = arith.addi %mul3A_203, %iota3A : vector<16xi32>
    %and3A_205 = arith.constant 1 : i32
    %and3A_206 = vector.broadcast %and3A_205 : i32 to vector<16xi32>
    %and3A_207 = arith.andi %and3A_59, %and3A_206 : vector<16xi32>
    %mul3A_208 = arith.constant 64 : i32
    %mul3A_209 = vector.broadcast %mul3A_208 : i32 to vector<16xi32>
    %mul3A_210 = arith.muli %and3A_207, %mul3A_209 : vector<16xi32>
    %add3A_211 = arith.addi %mul3A_210, %iota3A : vector<16xi32>
    %and3A_212 = arith.constant 1 : i32
    %and3A_213 = vector.broadcast %and3A_212 : i32 to vector<16xi32>
    %and3A_214 = arith.andi %and3A_65, %and3A_213 : vector<16xi32>
    %mul3A_215 = arith.constant 64 : i32
    %mul3A_216 = vector.broadcast %mul3A_215 : i32 to vector<16xi32>
    %mul3A_217 = arith.muli %and3A_214, %mul3A_216 : vector<16xi32>
    %add3A_218 = arith.addi %mul3A_217, %iota3A : vector<16xi32>
    %and3A_219 = arith.constant 1 : i32
    %and3A_220 = vector.broadcast %and3A_219 : i32 to vector<16xi32>
    %and3A_221 = arith.andi %and3A_71, %and3A_220 : vector<16xi32>
    %mul3A_222 = arith.constant 64 : i32
    %mul3A_223 = vector.broadcast %mul3A_222 : i32 to vector<16xi32>
    %mul3A_224 = arith.muli %and3A_221, %mul3A_223 : vector<16xi32>
    %add3A_225 = arith.addi %mul3A_224, %iota3A : vector<16xi32>
    %and3A_226 = arith.constant 1 : i32
    %and3A_227 = vector.broadcast %and3A_226 : i32 to vector<16xi32>
    %and3A_228 = arith.andi %and3A_77, %and3A_227 : vector<16xi32>
    %mul3A_229 = arith.constant 64 : i32
    %mul3A_230 = vector.broadcast %mul3A_229 : i32 to vector<16xi32>
    %mul3A_231 = arith.muli %and3A_228, %mul3A_230 : vector<16xi32>
    %add3A_232 = arith.addi %mul3A_231, %iota3A : vector<16xi32>
    %and3A_233 = arith.constant 1 : i32
    %and3A_234 = vector.broadcast %and3A_233 : i32 to vector<16xi32>
    %and3A_235 = arith.andi %and3A_83, %and3A_234 : vector<16xi32>
    %mul3A_236 = arith.constant 64 : i32
    %mul3A_237 = vector.broadcast %mul3A_236 : i32 to vector<16xi32>
    %mul3A_238 = arith.muli %and3A_235, %mul3A_237 : vector<16xi32>
    %add3A_239 = arith.addi %mul3A_238, %iota3A : vector<16xi32>
    %and3A_240 = arith.constant 1 : i32
    %and3A_241 = vector.broadcast %and3A_240 : i32 to vector<16xi32>
    %and3A_242 = arith.andi %and3A_89, %and3A_241 : vector<16xi32>
    %mul3A_243 = arith.constant 64 : i32
    %mul3A_244 = vector.broadcast %mul3A_243 : i32 to vector<16xi32>
    %mul3A_245 = arith.muli %and3A_242, %mul3A_244 : vector<16xi32>
    %add3A_246 = arith.addi %mul3A_245, %iota3A : vector<16xi32>
    %and3A_247 = arith.constant 1 : i32
    %and3A_248 = vector.broadcast %and3A_247 : i32 to vector<16xi32>
    %and3A_249 = arith.andi %and3A_95, %and3A_248 : vector<16xi32>
    %mul3A_250 = arith.constant 64 : i32
    %mul3A_251 = vector.broadcast %mul3A_250 : i32 to vector<16xi32>
    %mul3A_252 = arith.muli %and3A_249, %mul3A_251 : vector<16xi32>
    %add3A_253 = arith.addi %mul3A_252, %iota3A : vector<16xi32>
    %and3A_254 = arith.constant 1 : i32
    %and3A_255 = vector.broadcast %and3A_254 : i32 to vector<16xi32>
    %and3A_256 = arith.andi %and3A_101, %and3A_255 : vector<16xi32>
    %mul3A_257 = arith.constant 64 : i32
    %mul3A_258 = vector.broadcast %mul3A_257 : i32 to vector<16xi32>
    %mul3A_259 = arith.muli %and3A_256, %mul3A_258 : vector<16xi32>
    %add3A_260 = arith.addi %mul3A_259, %iota3A : vector<16xi32>
    %gt3A = arith.constant 0 : i32
    %gt3A_261 = arith.cmpi sgt, %select_n3A, %gt3A : i32
    %convert_element_type3A = arith.extui %gt3A_261 : i1 to i32
    %cond3A = arith.constant 0 : i32
    %cond3A_262 = arith.cmpi ne, %convert_element_type3A, %cond3A : i32
    scf.if %cond3A_262 {
      %mul3A_285 = arith.constant 128 : i32
      %mul3A_286 = arith.muli %add3A_6, %mul3A_285 : i32
      %dma_start3A = arith.constant 0 : i32
      %dma_start3A_287 = arith.constant 0 : i32
      %dma_start3A_288 = tpu.memref_slice %arg5[%dma_start3A, %dma_start3A_287] : memref<128x128xf32, #tpu.memory_space<vmem>> -> memref<64x128xf32, #tpu.memory_space<vmem>>
      %dma_start3A_289 = arith.constant 0 : i32
      %dma_start3A_290 = tpu.memref_slice %arg2[%dma_start3A_289, %mul3A_286] : memref<64x1000000xf32, #tpu.memory_space<hbm>> -> memref<64x128xf32, #tpu.memory_space<hbm>>
      %dma_start3A_291 = arith.constant 0 : i32
      %dma_start3A_292 = arith.constant 0 : i32
      %dma_start3A_293 = tpu.memref_slice %arg5[%dma_start3A_291, %dma_start3A_292] : memref<128x128xf32, #tpu.memory_space<vmem>> -> memref<64x128xf32, #tpu.memory_space<vmem>>
      %dma_start3A_294 = arith.constant 0 : i32
      %dma_start3A_295 = tpu.memref_slice %arg2[%dma_start3A_294, %mul3A_286] : memref<64x1000000xf32, #tpu.memory_space<hbm>> -> memref<64x128xf32, #tpu.memory_space<hbm>>
      tpu.enqueue_dma source(%dma_start3A_295 : memref<64x128xf32, #tpu.memory_space<hbm>>) target(%dma_start3A_293 : memref<64x128xf32, #tpu.memory_space<vmem>>) target_semaphore(%arg7 : memref<!tpu.dma_semaphore, #tpu.memory_space<semaphore_mem>>)
    } else {
    }
    %while3A = arith.constant 0 : i32
    %while3A_263 = arith.constant 0 : i32
    %while3A_264 = arith.subi %select_n3A, %while3A_263 : i32
    %while3A_265 = arith.addi %while3A_263, %while3A_264 : i32
    %while3A_266 = arith.constant 1 : i32
    %while3A_267 = arith.divsi %while3A_264, %while3A_266 : i32
    %while3A_268 = arith.muli %while3A_267, %while3A_266 : i32
    %while3A_269 = arith.addi %while3A_263, %while3A_268 : i32
    %while3A_270 = arith.constant 1 : i32
    scf.for %while3A_285 = %while3A_263 to %while3A_269 step %while3A_270  : i32 {
      %rem3A = arith.constant 2 : i32
      %rem3A_286 = arith.remsi %while3A_285, %rem3A : i32
      %mul3A_287 = arith.constant 64 : i32
      %mul3A_288 = arith.muli %rem3A_286, %mul3A_287 : i32
      %add3A_289 = arith.constant 1 : i32
      %add3A_290 = arith.addi %while3A_285, %add3A_289 : i32
      %lt3A_291 = arith.cmpi slt, %add3A_290, %select_n3A : i32
      %convert_element_type3A_292 = arith.extui %lt3A_291 : i1 to i32
      %cond3A_293 = arith.constant 0 : i32
      %cond3A_294 = arith.cmpi ne, %convert_element_type3A_292, %cond3A_293 : i32
      scf.if %cond3A_294 {
        %add3A_328 = arith.addi %add3A_6, %while3A_285 : i32
        %add3A_329 = arith.constant 1 : i32
        %add3A_330 = arith.addi %add3A_328, %add3A_329 : i32
        %sub3A = arith.constant 1 : i32
        %sub3A_331 = arith.subi %sub3A, %rem3A_286 : i32
        %mul3A_332 = arith.constant 128 : i32
        %mul3A_333 = arith.muli %add3A_330, %mul3A_332 : i32
        %mul3A_334 = arith.constant 64 : i32
        %mul3A_335 = arith.muli %sub3A_331, %mul3A_334 : i32
        %dma_start3A_336 = arith.constant 0 : i32
        %dma_start3A_337 = tpu.memref_slice %arg5[%mul3A_335, %dma_start3A_336] : memref<128x128xf32, #tpu.memory_space<vmem>> -> memref<64x128xf32, #tpu.memory_space<vmem>>
        %dma_start3A_338 = arith.constant 0 : i32
        %dma_start3A_339 = tpu.memref_slice %arg2[%dma_start3A_338, %mul3A_333] : memref<64x1000000xf32, #tpu.memory_space<hbm>> -> memref<64x128xf32, #tpu.memory_space<hbm>>
        %dma_start3A_340 = arith.constant 0 : i32
        %dma_start3A_341 = tpu.memref_slice %arg5[%mul3A_335, %dma_start3A_340] : memref<128x128xf32, #tpu.memory_space<vmem>> -> memref<64x128xf32, #tpu.memory_space<vmem>>
        %dma_start3A_342 = arith.constant 0 : i32
        %dma_start3A_343 = tpu.memref_slice %arg2[%dma_start3A_342, %mul3A_333] : memref<64x1000000xf32, #tpu.memory_space<hbm>> -> memref<64x128xf32, #tpu.memory_space<hbm>>
        tpu.enqueue_dma source(%dma_start3A_343 : memref<64x128xf32, #tpu.memory_space<hbm>>) target(%dma_start3A_341 : memref<64x128xf32, #tpu.memory_space<vmem>>) target_semaphore(%arg7 : memref<!tpu.dma_semaphore, #tpu.memory_space<semaphore_mem>>)
      } else {
      }
      %mul3A_295 = arith.constant 64 : i32
      %mul3A_296 = arith.muli %rem3A_286, %mul3A_295 : i32
      %dma_wait3A = arith.constant 0 : i32
      %dma_wait3A_297 = tpu.memref_slice %arg5[%mul3A_296, %dma_wait3A] : memref<128x128xf32, #tpu.memory_space<vmem>> -> memref<64x128xf32, #tpu.memory_space<vmem>>
      %dma_wait3A_298 = arith.constant 0 : i32
      %dma_wait3A_299 = arith.constant 0 : i32
      %dma_wait3A_300 = tpu.memref_slice %arg2[%dma_wait3A_298, %dma_wait3A_299] : memref<64x1000000xf32, #tpu.memory_space<hbm>> -> memref<64x128xf32, #tpu.memory_space<hbm>>
      %dma_wait3A_301 = arith.constant 0 : i32
      %dma_wait3A_302 = tpu.memref_slice %arg5[%mul3A_296, %dma_wait3A_301] : memref<128x128xf32, #tpu.memory_space<vmem>> -> memref<64x128xf32, #tpu.memory_space<vmem>>
      %dma_wait3A_303 = arith.constant 0 : i32
      %dma_wait3A_304 = arith.constant 0 : i32
      %dma_wait3A_305 = tpu.memref_slice %arg2[%dma_wait3A_303, %dma_wait3A_304] : memref<64x1000000xf32, #tpu.memory_space<hbm>> -> memref<64x128xf32, #tpu.memory_space<hbm>>
      tpu.wait_dma2 semaphore(%arg7 : memref<!tpu.dma_semaphore, #tpu.memory_space<semaphore_mem>>) src(%dma_wait3A_305 : memref<64x128xf32, #tpu.memory_space<hbm>>) dst(%dma_wait3A_302 : memref<64x128xf32, #tpu.memory_space<vmem>>)
      %ge3A_306 = arith.constant 2 : i32
      %ge3A_307 = arith.cmpi sge, %while3A_285, %ge3A_306 : i32
      %convert_element_type3A_308 = arith.extui %ge3A_307 : i1 to i32
      %cond3A_309 = arith.constant 0 : i32
      %cond3A_310 = arith.cmpi ne, %convert_element_type3A_308, %cond3A_309 : i32
      scf.if %cond3A_310 {
        %mul3A_328 = arith.constant 64 : i32
        %mul3A_329 = arith.muli %rem3A_286, %mul3A_328 : i32
        %dma_wait3A_330 = arith.constant 0 : i32
        %dma_wait3A_331 = tpu.memref_slice %arg6[%mul3A_329, %dma_wait3A_330] : memref<128x128xf32, #tpu.memory_space<vmem>> -> memref<64x128xf32, #tpu.memory_space<vmem>>
        %dma_wait3A_332 = arith.constant 0 : i32
        %dma_wait3A_333 = arith.constant 0 : i32
        %dma_wait3A_334 = tpu.memref_slice %arg4[%dma_wait3A_332, %dma_wait3A_333] : memref<500000x128xf32, #tpu.memory_space<hbm>> -> memref<64x128xf32, #tpu.memory_space<hbm>>
        %dma_wait3A_335 = arith.constant 0 : i32
        %dma_wait3A_336 = arith.constant 0 : i32
        %dma_wait3A_337 = tpu.memref_slice %arg4[%dma_wait3A_335, %dma_wait3A_336] : memref<500000x128xf32, #tpu.memory_space<hbm>> -> memref<64x128xf32, #tpu.memory_space<hbm>>
        %dma_wait3A_338 = arith.constant 0 : i32
        %dma_wait3A_339 = tpu.memref_slice %arg6[%mul3A_329, %dma_wait3A_338] : memref<128x128xf32, #tpu.memory_space<vmem>> -> memref<64x128xf32, #tpu.memory_space<vmem>>
        tpu.wait_dma2 semaphore(%arg8 : memref<!tpu.dma_semaphore, #tpu.memory_space<semaphore_mem>>) src(%dma_wait3A_339 : memref<64x128xf32, #tpu.memory_space<vmem>>) dst(%dma_wait3A_337 : memref<64x128xf32, #tpu.memory_space<hbm>>)
      } else {
      }
      %scan3A = arith.constant 0 : i32
      %scan3A_311 = arith.constant 0 : i32
      %scan3A_312 = arith.constant 4 : i32
      %scan3A_313 = arith.addi %scan3A_311, %scan3A_312 : i32
      %scan3A_314 = arith.constant 1 : i32
      scf.for %scan3A_328 = %scan3A_311 to %scan3A_313 step %scan3A_314  : i32 {
        %mul3A_329 = arith.constant 16 : i32
        %mul3A_330 = arith.muli %scan3A_328, %mul3A_329 : i32
        %add3A_331 = vector.broadcast %mul3A_330 : i32 to vector<16xi32>
        %add3A_332 = arith.addi %add3A_155, %add3A_331 : vector<16xi32>
        %add3A_333 = vector.broadcast %mul3A_330 : i32 to vector<16xi32>
        %add3A_334 = arith.addi %add3A_162, %add3A_333 : vector<16xi32>
        %add3A_335 = vector.broadcast %mul3A_330 : i32 to vector<16xi32>
        %add3A_336 = arith.addi %add3A_169, %add3A_335 : vector<16xi32>
        %add3A_337 = vector.broadcast %mul3A_330 : i32 to vector<16xi32>
        %add3A_338 = arith.addi %add3A_176, %add3A_337 : vector<16xi32>
        %add3A_339 = vector.broadcast %mul3A_330 : i32 to vector<16xi32>
        %add3A_340 = arith.addi %add3A_183, %add3A_339 : vector<16xi32>
        %add3A_341 = vector.broadcast %mul3A_330 : i32 to vector<16xi32>
        %add3A_342 = arith.addi %add3A_190, %add3A_341 : vector<16xi32>
        %add3A_343 = vector.broadcast %mul3A_330 : i32 to vector<16xi32>
        %add3A_344 = arith.addi %add3A_197, %add3A_343 : vector<16xi32>
        %add3A_345 = vector.broadcast %mul3A_330 : i32 to vector<16xi32>
        %add3A_346 = arith.addi %add3A_204, %add3A_345 : vector<16xi32>
        %add3A_347 = vector.broadcast %mul3A_330 : i32 to vector<16xi32>
        %add3A_348 = arith.addi %add3A_211, %add3A_347 : vector<16xi32>
        %add3A_349 = vector.broadcast %mul3A_330 : i32 to vector<16xi32>
        %add3A_350 = arith.addi %add3A_218, %add3A_349 : vector<16xi32>
        %add3A_351 = vector.broadcast %mul3A_330 : i32 to vector<16xi32>
        %add3A_352 = arith.addi %add3A_225, %add3A_351 : vector<16xi32>
        %add3A_353 = vector.broadcast %mul3A_330 : i32 to vector<16xi32>
        %add3A_354 = arith.addi %add3A_232, %add3A_353 : vector<16xi32>
        %add3A_355 = vector.broadcast %mul3A_330 : i32 to vector<16xi32>
        %add3A_356 = arith.addi %add3A_239, %add3A_355 : vector<16xi32>
        %add3A_357 = vector.broadcast %mul3A_330 : i32 to vector<16xi32>
        %add3A_358 = arith.addi %add3A_246, %add3A_357 : vector<16xi32>
        %add3A_359 = vector.broadcast %mul3A_330 : i32 to vector<16xi32>
        %add3A_360 = arith.addi %add3A_253, %add3A_359 : vector<16xi32>
        %add3A_361 = vector.broadcast %mul3A_330 : i32 to vector<16xi32>
        %add3A_362 = arith.addi %add3A_260, %add3A_361 : vector<16xi32>
        %scan3A_363 = arith.constant 0 : i32
        %scan3A_364 = arith.constant 8 : i32
        %scan3A_365 = arith.addi %scan3A_363, %scan3A_364 : i32
        %scan3A_366 = arith.constant 2 : i32
        scf.for %scan3A_368 = %scan3A_363 to %scan3A_365 step %scan3A_366  : i32 {
          %mul3A_369 = arith.constant 16 : i32
          %mul3A_370 = arith.muli %scan3A_368, %mul3A_369 : i32
          %add3A_371 = arith.addi %mul3A_288, %mul3A_330 : i32
          %jit3A_372 = arith.constant 2 : i32
          %div3A = arith.divsi %mul3A_370, %jit3A_372 : i32
          %sign3A = arith.constant 0 : i32
          %sign3A_373 = arith.cmpi sgt, %mul3A_370, %sign3A : i32
          %sign3A_374 = arith.extui %sign3A_373 : i1 to i32
          %sign3A_375 = arith.constant 0 : i32
          %sign3A_376 = arith.cmpi slt, %mul3A_370, %sign3A_375 : i32
          %sign3A_377 = arith.extui %sign3A_376 : i1 to i32
          %sign3A_378 = arith.subi %sign3A_374, %sign3A_377 : i32
          %sign3A_379 = arith.constant 0 : i32
          %sign3A_380 = arith.cmpi sgt, %jit3A_372, %sign3A_379 : i32
          %sign3A_381 = arith.extui %sign3A_380 : i1 to i32
          %sign3A_382 = arith.constant 0 : i32
          %sign3A_383 = arith.cmpi slt, %jit3A_372, %sign3A_382 : i32
          %sign3A_384 = arith.extui %sign3A_383 : i1 to i32
          %sign3A_385 = arith.subi %sign3A_381, %sign3A_384 : i32
          %ne3A = arith.cmpi ne, %sign3A_378, %sign3A_385 : i32
          %rem3A_386 = arith.remsi %mul3A_370, %jit3A_372 : i32
          %ne3A_387 = arith.constant 0 : i32
          %ne3A_388 = arith.cmpi ne, %rem3A_386, %ne3A_387 : i32
          %and3A_389 = arith.andi %ne3A, %ne3A_388 : i1
          %sub3A = arith.constant 1 : i32
          %sub3A_390 = arith.subi %div3A, %sub3A : i32
          %select_n3A_391 = arith.select %and3A_389, %sub3A_390, %div3A : i32
          %add3A_392 = arith.addi %mul3A_288, %select_n3A_391 : i32
          %add3A_393 = vector.broadcast %mul3A_370 : i32 to vector<16xi32>
          %add3A_394 = arith.addi %add3A_393, %and3A_11 : vector<16xi32>
          %gather3A = arith.constant 0 : i32
          %gather3A_395 = tpu.memref_slice %arg5[%add3A_371, %gather3A] : memref<128x128xf32, #tpu.memory_space<vmem>> -> memref<16x128xf32, #tpu.memory_space<vmem>>
          %gather3A_396 = tpu.vector_load_idx %gather3A_395[%iota3A, %add3A_394] : memref<16x128xf32, #tpu.memory_space<vmem>>[vector<16xi32>, vector<16xi32>], vector<16xf32>,
          %scatter3A = arith.constant 0 : i32
          %scatter3A_397 = tpu.memref_slice %arg6[%add3A_392, %scatter3A] : memref<128x128xf32, #tpu.memory_space<vmem>> -> memref<8x128xf32, #tpu.memory_space<vmem>>
          tpu.vector_store_idx %scatter3A_397[%shift_right_arithmetic3A_103, %add3A_332], %gather3A_396 : memref<8x128xf32, #tpu.memory_space<vmem>>[vector<16xi32>, vector<16xi32>], vector<16xf32>,
          %add3A_398 = vector.broadcast %mul3A_370 : i32 to vector<16xi32>
          %add3A_399 = arith.addi %add3A_398, %and3A_17 : vector<16xi32>
          %gather3A_400 = arith.constant 0 : i32
          %gather3A_401 = tpu.memref_slice %arg5[%add3A_371, %gather3A_400] : memref<128x128xf32, #tpu.memory_space<vmem>> -> memref<16x128xf32, #tpu.memory_space<vmem>>
          %gather3A_402 = tpu.vector_load_idx %gather3A_401[%iota3A, %add3A_399] : memref<16x128xf32, #tpu.memory_space<vmem>>[vector<16xi32>, vector<16xi32>], vector<16xf32>,
          %scatter3A_403 = arith.constant 0 : i32
          %scatter3A_404 = tpu.memref_slice %arg6[%add3A_392, %scatter3A_403] : memref<128x128xf32, #tpu.memory_space<vmem>> -> memref<8x128xf32, #tpu.memory_space<vmem>>
          tpu.vector_store_idx %scatter3A_404[%shift_right_arithmetic3A_106, %add3A_334], %gather3A_402 : memref<8x128xf32, #tpu.memory_space<vmem>>[vector<16xi32>, vector<16xi32>], vector<16xf32>,
          %add3A_405 = vector.broadcast %mul3A_370 : i32 to vector<16xi32>
          %add3A_406 = arith.addi %add3A_405, %and3A_23 : vector<16xi32>
          %gather3A_407 = arith.constant 0 : i32
          %gather3A_408 = tpu.memref_slice %arg5[%add3A_371, %gather3A_407] : memref<128x128xf32, #tpu.memory_space<vmem>> -> memref<16x128xf32, #tpu.memory_space<vmem>>
          %gather3A_409 = tpu.vector_load_idx %gather3A_408[%iota3A, %add3A_406] : memref<16x128xf32, #tpu.memory_space<vmem>>[vector<16xi32>, vector<16xi32>], vector<16xf32>,
          %scatter3A_410 = arith.constant 0 : i32
          %scatter3A_411 = tpu.memref_slice %arg6[%add3A_392, %scatter3A_410] : memref<128x128xf32, #tpu.memory_space<vmem>> -> memref<8x128xf32, #tpu.memory_space<vmem>>
          tpu.vector_store_idx %scatter3A_411[%shift_right_arithmetic3A_109, %add3A_336], %gather3A_409 : memref<8x128xf32, #tpu.memory_space<vmem>>[vector<16xi32>, vector<16xi32>], vector<16xf32>,
          %add3A_412 = vector.broadcast %mul3A_370 : i32 to vector<16xi32>
          %add3A_413 = arith.addi %add3A_412, %and3A_29 : vector<16xi32>
          %gather3A_414 = arith.constant 0 : i32
          %gather3A_415 = tpu.memref_slice %arg5[%add3A_371, %gather3A_414] : memref<128x128xf32, #tpu.memory_space<vmem>> -> memref<16x128xf32, #tpu.memory_space<vmem>>
          %gather3A_416 = tpu.vector_load_idx %gather3A_415[%iota3A, %add3A_413] : memref<16x128xf32, #tpu.memory_space<vmem>>[vector<16xi32>, vector<16xi32>], vector<16xf32>,
          %scatter3A_417 = arith.constant 0 : i32
          %scatter3A_418 = tpu.memref_slice %arg6[%add3A_392, %scatter3A_417] : memref<128x128xf32, #tpu.memory_space<vmem>> -> memref<8x128xf32, #tpu.memory_space<vmem>>
          tpu.vector_store_idx %scatter3A_418[%shift_right_arithmetic3A_112, %add3A_338], %gather3A_416 : memref<8x128xf32, #tpu.memory_space<vmem>>[vector<16xi32>, vector<16xi32>], vector<16xf32>,
          %add3A_419 = vector.broadcast %mul3A_370 : i32 to vector<16xi32>
          %add3A_420 = arith.addi %add3A_419, %and3A_35 : vector<16xi32>
          %gather3A_421 = arith.constant 0 : i32
          %gather3A_422 = tpu.memref_slice %arg5[%add3A_371, %gather3A_421] : memref<128x128xf32, #tpu.memory_space<vmem>> -> memref<16x128xf32, #tpu.memory_space<vmem>>
          %gather3A_423 = tpu.vector_load_idx %gather3A_422[%iota3A, %add3A_420] : memref<16x128xf32, #tpu.memory_space<vmem>>[vector<16xi32>, vector<16xi32>], vector<16xf32>,
          %scatter3A_424 = arith.constant 0 : i32
          %scatter3A_425 = tpu.memref_slice %arg6[%add3A_392, %scatter3A_424] : memref<128x128xf32, #tpu.memory_space<vmem>> -> memref<8x128xf32, #tpu.memory_space<vmem>>
          tpu.vector_store_idx %scatter3A_425[%shift_right_arithmetic3A_115, %add3A_340], %gather3A_423 : memref<8x128xf32, #tpu.memory_space<vmem>>[vector<16xi32>, vector<16xi32>], vector<16xf32>,
          %add3A_426 = vector.broadcast %mul3A_370 : i32 to vector<16xi32>
          %add3A_427 = arith.addi %add3A_426, %and3A_41 : vector<16xi32>
          %gather3A_428 = arith.constant 0 : i32
          %gather3A_429 = tpu.memref_slice %arg5[%add3A_371, %gather3A_428] : memref<128x128xf32, #tpu.memory_space<vmem>> -> memref<16x128xf32, #tpu.memory_space<vmem>>
          %gather3A_430 = tpu.vector_load_idx %gather3A_429[%iota3A, %add3A_427] : memref<16x128xf32, #tpu.memory_space<vmem>>[vector<16xi32>, vector<16xi32>], vector<16xf32>,
          %scatter3A_431 = arith.constant 0 : i32
          %scatter3A_432 = tpu.memref_slice %arg6[%add3A_392, %scatter3A_431] : memref<128x128xf32, #tpu.memory_space<vmem>> -> memref<8x128xf32, #tpu.memory_space<vmem>>
          tpu.vector_store_idx %scatter3A_432[%shift_right_arithmetic3A_118, %add3A_342], %gather3A_430 : memref<8x128xf32, #tpu.memory_space<vmem>>[vector<16xi32>, vector<16xi32>], vector<16xf32>,
          %add3A_433 = vector.broadcast %mul3A_370 : i32 to vector<16xi32>
          %add3A_434 = arith.addi %add3A_433, %and3A_47 : vector<16xi32>
          %gather3A_435 = arith.constant 0 : i32
          %gather3A_436 = tpu.memref_slice %arg5[%add3A_371, %gather3A_435] : memref<128x128xf32, #tpu.memory_space<vmem>> -> memref<16x128xf32, #tpu.memory_space<vmem>>
          %gather3A_437 = tpu.vector_load_idx %gather3A_436[%iota3A, %add3A_434] : memref<16x128xf32, #tpu.memory_space<vmem>>[vector<16xi32>, vector<16xi32>], vector<16xf32>,
          %scatter3A_438 = arith.constant 0 : i32
          %scatter3A_439 = tpu.memref_slice %arg6[%add3A_392, %scatter3A_438] : memref<128x128xf32, #tpu.memory_space<vmem>> -> memref<8x128xf32, #tpu.memory_space<vmem>>
          tpu.vector_store_idx %scatter3A_439[%shift_right_arithmetic3A_121, %add3A_344], %gather3A_437 : memref<8x128xf32, #tpu.memory_space<vmem>>[vector<16xi32>, vector<16xi32>], vector<16xf32>,
          %add3A_440 = vector.broadcast %mul3A_370 : i32 to vector<16xi32>
          %add3A_441 = arith.addi %add3A_440, %and3A_53 : vector<16xi32>
          %gather3A_442 = arith.constant 0 : i32
          %gather3A_443 = tpu.memref_slice %arg5[%add3A_371, %gather3A_442] : memref<128x128xf32, #tpu.memory_space<vmem>> -> memref<16x128xf32, #tpu.memory_space<vmem>>
          %gather3A_444 = tpu.vector_load_idx %gather3A_443[%iota3A, %add3A_441] : memref<16x128xf32, #tpu.memory_space<vmem>>[vector<16xi32>, vector<16xi32>], vector<16xf32>,
          %scatter3A_445 = arith.constant 0 : i32
          %scatter3A_446 = tpu.memref_slice %arg6[%add3A_392, %scatter3A_445] : memref<128x128xf32, #tpu.memory_space<vmem>> -> memref<8x128xf32, #tpu.memory_space<vmem>>
          tpu.vector_store_idx %scatter3A_446[%shift_right_arithmetic3A_124, %add3A_346], %gather3A_444 : memref<8x128xf32, #tpu.memory_space<vmem>>[vector<16xi32>, vector<16xi32>], vector<16xf32>,
          %add3A_447 = vector.broadcast %mul3A_370 : i32 to vector<16xi32>
          %add3A_448 = arith.addi %add3A_447, %and3A_59 : vector<16xi32>
          %gather3A_449 = arith.constant 0 : i32
          %gather3A_450 = tpu.memref_slice %arg5[%add3A_371, %gather3A_449] : memref<128x128xf32, #tpu.memory_space<vmem>> -> memref<16x128xf32, #tpu.memory_space<vmem>>
          %gather3A_451 = tpu.vector_load_idx %gather3A_450[%iota3A, %add3A_448] : memref<16x128xf32, #tpu.memory_space<vmem>>[vector<16xi32>, vector<16xi32>], vector<16xf32>,
          %scatter3A_452 = arith.constant 0 : i32
          %scatter3A_453 = tpu.memref_slice %arg6[%add3A_392, %scatter3A_452] : memref<128x128xf32, #tpu.memory_space<vmem>> -> memref<8x128xf32, #tpu.memory_space<vmem>>
          tpu.vector_store_idx %scatter3A_453[%shift_right_arithmetic3A_127, %add3A_348], %gather3A_451 : memref<8x128xf32, #tpu.memory_space<vmem>>[vector<16xi32>, vector<16xi32>], vector<16xf32>,
          %add3A_454 = vector.broadcast %mul3A_370 : i32 to vector<16xi32>
          %add3A_455 = arith.addi %add3A_454, %and3A_65 : vector<16xi32>
          %gather3A_456 = arith.constant 0 : i32
          %gather3A_457 = tpu.memref_slice %arg5[%add3A_371, %gather3A_456] : memref<128x128xf32, #tpu.memory_space<vmem>> -> memref<16x128xf32, #tpu.memory_space<vmem>>
          %gather3A_458 = tpu.vector_load_idx %gather3A_457[%iota3A, %add3A_455] : memref<16x128xf32, #tpu.memory_space<vmem>>[vector<16xi32>, vector<16xi32>], vector<16xf32>,
          %scatter3A_459 = arith.constant 0 : i32
          %scatter3A_460 = tpu.memref_slice %arg6[%add3A_392, %scatter3A_459] : memref<128x128xf32, #tpu.memory_space<vmem>> -> memref<8x128xf32, #tpu.memory_space<vmem>>
          tpu.vector_store_idx %scatter3A_460[%shift_right_arithmetic3A_130, %add3A_350], %gather3A_458 : memref<8x128xf32, #tpu.memory_space<vmem>>[vector<16xi32>, vector<16xi32>], vector<16xf32>,
          %add3A_461 = vector.broadcast %mul3A_370 : i32 to vector<16xi32>
          %add3A_462 = arith.addi %add3A_461, %and3A_71 : vector<16xi32>
          %gather3A_463 = arith.constant 0 : i32
          %gather3A_464 = tpu.memref_slice %arg5[%add3A_371, %gather3A_463] : memref<128x128xf32, #tpu.memory_space<vmem>> -> memref<16x128xf32, #tpu.memory_space<vmem>>
          %gather3A_465 = tpu.vector_load_idx %gather3A_464[%iota3A, %add3A_462] : memref<16x128xf32, #tpu.memory_space<vmem>>[vector<16xi32>, vector<16xi32>], vector<16xf32>,
          %scatter3A_466 = arith.constant 0 : i32
          %scatter3A_467 = tpu.memref_slice %arg6[%add3A_392, %scatter3A_466] : memref<128x128xf32, #tpu.memory_space<vmem>> -> memref<8x128xf32, #tpu.memory_space<vmem>>
          tpu.vector_store_idx %scatter3A_467[%shift_right_arithmetic3A_133, %add3A_352], %gather3A_465 : memref<8x128xf32, #tpu.memory_space<vmem>>[vector<16xi32>, vector<16xi32>], vector<16xf32>,
          %add3A_468 = vector.broadcast %mul3A_370 : i32 to vector<16xi32>
          %add3A_469 = arith.addi %add3A_468, %and3A_77 : vector<16xi32>
          %gather3A_470 = arith.constant 0 : i32
          %gather3A_471 = tpu.memref_slice %arg5[%add3A_371, %gather3A_470] : memref<128x128xf32, #tpu.memory_space<vmem>> -> memref<16x128xf32, #tpu.memory_space<vmem>>
          %gather3A_472 = tpu.vector_load_idx %gather3A_471[%iota3A, %add3A_469] : memref<16x128xf32, #tpu.memory_space<vmem>>[vector<16xi32>, vector<16xi32>], vector<16xf32>,
          %scatter3A_473 = arith.constant 0 : i32
          %scatter3A_474 = tpu.memref_slice %arg6[%add3A_392, %scatter3A_473] : memref<128x128xf32, #tpu.memory_space<vmem>> -> memref<8x128xf32, #tpu.memory_space<vmem>>
          tpu.vector_store_idx %scatter3A_474[%shift_right_arithmetic3A_136, %add3A_354], %gather3A_472 : memref<8x128xf32, #tpu.memory_space<vmem>>[vector<16xi32>, vector<16xi32>], vector<16xf32>,
          %add3A_475 = vector.broadcast %mul3A_370 : i32 to vector<16xi32>
          %add3A_476 = arith.addi %add3A_475, %and3A_83 : vector<16xi32>
          %gather3A_477 = arith.constant 0 : i32
          %gather3A_478 = tpu.memref_slice %arg5[%add3A_371, %gather3A_477] : memref<128x128xf32, #tpu.memory_space<vmem>> -> memref<16x128xf32, #tpu.memory_space<vmem>>
          %gather3A_479 = tpu.vector_load_idx %gather3A_478[%iota3A, %add3A_476] : memref<16x128xf32, #tpu.memory_space<vmem>>[vector<16xi32>, vector<16xi32>], vector<16xf32>,
          %scatter3A_480 = arith.constant 0 : i32
          %scatter3A_481 = tpu.memref_slice %arg6[%add3A_392, %scatter3A_480] : memref<128x128xf32, #tpu.memory_space<vmem>> -> memref<8x128xf32, #tpu.memory_space<vmem>>
          tpu.vector_store_idx %scatter3A_481[%shift_right_arithmetic3A_139, %add3A_356], %gather3A_479 : memref<8x128xf32, #tpu.memory_space<vmem>>[vector<16xi32>, vector<16xi32>], vector<16xf32>,
          %add3A_482 = vector.broadcast %mul3A_370 : i32 to vector<16xi32>
          %add3A_483 = arith.addi %add3A_482, %and3A_89 : vector<16xi32>
          %gather3A_484 = arith.constant 0 : i32
          %gather3A_485 = tpu.memref_slice %arg5[%add3A_371, %gather3A_484] : memref<128x128xf32, #tpu.memory_space<vmem>> -> memref<16x128xf32, #tpu.memory_space<vmem>>
          %gather3A_486 = tpu.vector_load_idx %gather3A_485[%iota3A, %add3A_483] : memref<16x128xf32, #tpu.memory_space<vmem>>[vector<16xi32>, vector<16xi32>], vector<16xf32>,
          %scatter3A_487 = arith.constant 0 : i32
          %scatter3A_488 = tpu.memref_slice %arg6[%add3A_392, %scatter3A_487] : memref<128x128xf32, #tpu.memory_space<vmem>> -> memref<8x128xf32, #tpu.memory_space<vmem>>
          tpu.vector_store_idx %scatter3A_488[%shift_right_arithmetic3A_142, %add3A_358], %gather3A_486 : memref<8x128xf32, #tpu.memory_space<vmem>>[vector<16xi32>, vector<16xi32>], vector<16xf32>,
          %add3A_489 = vector.broadcast %mul3A_370 : i32 to vector<16xi32>
          %add3A_490 = arith.addi %add3A_489, %and3A_95 : vector<16xi32>
          %gather3A_491 = arith.constant 0 : i32
          %gather3A_492 = tpu.memref_slice %arg5[%add3A_371, %gather3A_491] : memref<128x128xf32, #tpu.memory_space<vmem>> -> memref<16x128xf32, #tpu.memory_space<vmem>>
          %gather3A_493 = tpu.vector_load_idx %gather3A_492[%iota3A, %add3A_490] : memref<16x128xf32, #tpu.memory_space<vmem>>[vector<16xi32>, vector<16xi32>], vector<16xf32>,
          %scatter3A_494 = arith.constant 0 : i32
          %scatter3A_495 = tpu.memref_slice %arg6[%add3A_392, %scatter3A_494] : memref<128x128xf32, #tpu.memory_space<vmem>> -> memref<8x128xf32, #tpu.memory_space<vmem>>
          tpu.vector_store_idx %scatter3A_495[%shift_right_arithmetic3A_145, %add3A_360], %gather3A_493 : memref<8x128xf32, #tpu.memory_space<vmem>>[vector<16xi32>, vector<16xi32>], vector<16xf32>,
          %add3A_496 = vector.broadcast %mul3A_370 : i32 to vector<16xi32>
          %add3A_497 = arith.addi %add3A_496, %and3A_101 : vector<16xi32>
          %gather3A_498 = arith.constant 0 : i32
          %gather3A_499 = tpu.memref_slice %arg5[%add3A_371, %gather3A_498] : memref<128x128xf32, #tpu.memory_space<vmem>> -> memref<16x128xf32, #tpu.memory_space<vmem>>
          %gather3A_500 = tpu.vector_load_idx %gather3A_499[%iota3A, %add3A_497] : memref<16x128xf32, #tpu.memory_space<vmem>>[vector<16xi32>, vector<16xi32>], vector<16xf32>,
          %scatter3A_501 = arith.constant 0 : i32
          %scatter3A_502 = tpu.memref_slice %arg6[%add3A_392, %scatter3A_501] : memref<128x128xf32, #tpu.memory_space<vmem>> -> memref<8x128xf32, #tpu.memory_space<vmem>>
          tpu.vector_store_idx %scatter3A_502[%shift_right_arithmetic3A_148, %add3A_362], %gather3A_500 : memref<8x128xf32, #tpu.memory_space<vmem>>[vector<16xi32>, vector<16xi32>], vector<16xf32>,
          %scan3A_503 = arith.constant 1 : i32
          %scan3A_504 = arith.addi %scan3A_368, %scan3A_503 : i32
          %mul3A_505 = arith.constant 16 : i32
          %mul3A_506 = arith.muli %scan3A_504, %mul3A_505 : i32
          %add3A_507 = arith.addi %mul3A_288, %mul3A_330 : i32
          %jit3A_508 = arith.constant 2 : i32
          %div3A_509 = arith.divsi %mul3A_506, %jit3A_508 : i32
          %sign3A_510 = arith.constant 0 : i32
          %sign3A_511 = arith.cmpi sgt, %mul3A_506, %sign3A_510 : i32
          %sign3A_512 = arith.extui %sign3A_511 : i1 to i32
          %sign3A_513 = arith.constant 0 : i32
          %sign3A_514 = arith.cmpi slt, %mul3A_506, %sign3A_513 : i32
          %sign3A_515 = arith.extui %sign3A_514 : i1 to i32
          %sign3A_516 = arith.subi %sign3A_512, %sign3A_515 : i32
          %sign3A_517 = arith.constant 0 : i32
          %sign3A_518 = arith.cmpi sgt, %jit3A_508, %sign3A_517 : i32
          %sign3A_519 = arith.extui %sign3A_518 : i1 to i32
          %sign3A_520 = arith.constant 0 : i32
          %sign3A_521 = arith.cmpi slt, %jit3A_508, %sign3A_520 : i32
          %sign3A_522 = arith.extui %sign3A_521 : i1 to i32
          %sign3A_523 = arith.subi %sign3A_519, %sign3A_522 : i32
          %ne3A_524 = arith.cmpi ne, %sign3A_516, %sign3A_523 : i32
          %rem3A_525 = arith.remsi %mul3A_506, %jit3A_508 : i32
          %ne3A_526 = arith.constant 0 : i32
          %ne3A_527 = arith.cmpi ne, %rem3A_525, %ne3A_526 : i32
          %and3A_528 = arith.andi %ne3A_524, %ne3A_527 : i1
          %sub3A_529 = arith.constant 1 : i32
          %sub3A_530 = arith.subi %div3A_509, %sub3A_529 : i32
          %select_n3A_531 = arith.select %and3A_528, %sub3A_530, %div3A_509 : i32
          %add3A_532 = arith.addi %mul3A_288, %select_n3A_531 : i32
          %add3A_533 = vector.broadcast %mul3A_506 : i32 to vector<16xi32>
          %add3A_534 = arith.addi %add3A_533, %and3A_11 : vector<16xi32>
          %gather3A_535 = arith.constant 0 : i32
          %gather3A_536 = tpu.memref_slice %arg5[%add3A_507, %gather3A_535] : memref<128x128xf32, #tpu.memory_space<vmem>> -> memref<16x128xf32, #tpu.memory_space<vmem>>
          %gather3A_537 = tpu.vector_load_idx %gather3A_536[%iota3A, %add3A_534] : memref<16x128xf32, #tpu.memory_space<vmem>>[vector<16xi32>, vector<16xi32>], vector<16xf32>,
          %scatter3A_538 = arith.constant 0 : i32
          %scatter3A_539 = tpu.memref_slice %arg6[%add3A_532, %scatter3A_538] : memref<128x128xf32, #tpu.memory_space<vmem>> -> memref<8x128xf32, #tpu.memory_space<vmem>>
          tpu.vector_store_idx %scatter3A_539[%shift_right_arithmetic3A_103, %add3A_332], %gather3A_537 : memref<8x128xf32, #tpu.memory_space<vmem>>[vector<16xi32>, vector<16xi32>], vector<16xf32>,
          %add3A_540 = vector.broadcast %mul3A_506 : i32 to vector<16xi32>
          %add3A_541 = arith.addi %add3A_540, %and3A_17 : vector<16xi32>
          %gather3A_542 = arith.constant 0 : i32
          %gather3A_543 = tpu.memref_slice %arg5[%add3A_507, %gather3A_542] : memref<128x128xf32, #tpu.memory_space<vmem>> -> memref<16x128xf32, #tpu.memory_space<vmem>>
          %gather3A_544 = tpu.vector_load_idx %gather3A_543[%iota3A, %add3A_541] : memref<16x128xf32, #tpu.memory_space<vmem>>[vector<16xi32>, vector<16xi32>], vector<16xf32>,
          %scatter3A_545 = arith.constant 0 : i32
          %scatter3A_546 = tpu.memref_slice %arg6[%add3A_532, %scatter3A_545] : memref<128x128xf32, #tpu.memory_space<vmem>> -> memref<8x128xf32, #tpu.memory_space<vmem>>
          tpu.vector_store_idx %scatter3A_546[%shift_right_arithmetic3A_106, %add3A_334], %gather3A_544 : memref<8x128xf32, #tpu.memory_space<vmem>>[vector<16xi32>, vector<16xi32>], vector<16xf32>,
          %add3A_547 = vector.broadcast %mul3A_506 : i32 to vector<16xi32>
          %add3A_548 = arith.addi %add3A_547, %and3A_23 : vector<16xi32>
          %gather3A_549 = arith.constant 0 : i32
          %gather3A_550 = tpu.memref_slice %arg5[%add3A_507, %gather3A_549] : memref<128x128xf32, #tpu.memory_space<vmem>> -> memref<16x128xf32, #tpu.memory_space<vmem>>
          %gather3A_551 = tpu.vector_load_idx %gather3A_550[%iota3A, %add3A_548] : memref<16x128xf32, #tpu.memory_space<vmem>>[vector<16xi32>, vector<16xi32>], vector<16xf32>,
          %scatter3A_552 = arith.constant 0 : i32
          %scatter3A_553 = tpu.memref_slice %arg6[%add3A_532, %scatter3A_552] : memref<128x128xf32, #tpu.memory_space<vmem>> -> memref<8x128xf32, #tpu.memory_space<vmem>>
          tpu.vector_store_idx %scatter3A_553[%shift_right_arithmetic3A_109, %add3A_336], %gather3A_551 : memref<8x128xf32, #tpu.memory_space<vmem>>[vector<16xi32>, vector<16xi32>], vector<16xf32>,
          %add3A_554 = vector.broadcast %mul3A_506 : i32 to vector<16xi32>
          %add3A_555 = arith.addi %add3A_554, %and3A_29 : vector<16xi32>
          %gather3A_556 = arith.constant 0 : i32
          %gather3A_557 = tpu.memref_slice %arg5[%add3A_507, %gather3A_556] : memref<128x128xf32, #tpu.memory_space<vmem>> -> memref<16x128xf32, #tpu.memory_space<vmem>>
          %gather3A_558 = tpu.vector_load_idx %gather3A_557[%iota3A, %add3A_555] : memref<16x128xf32, #tpu.memory_space<vmem>>[vector<16xi32>, vector<16xi32>], vector<16xf32>,
          %scatter3A_559 = arith.constant 0 : i32
          %scatter3A_560 = tpu.memref_slice %arg6[%add3A_532, %scatter3A_559] : memref<128x128xf32, #tpu.memory_space<vmem>> -> memref<8x128xf32, #tpu.memory_space<vmem>>
          tpu.vector_store_idx %scatter3A_560[%shift_right_arithmetic3A_112, %add3A_338], %gather3A_558 : memref<8x128xf32, #tpu.memory_space<vmem>>[vector<16xi32>, vector<16xi32>], vector<16xf32>,
          %add3A_561 = vector.broadcast %mul3A_506 : i32 to vector<16xi32>
          %add3A_562 = arith.addi %add3A_561, %and3A_35 : vector<16xi32>
          %gather3A_563 = arith.constant 0 : i32
          %gather3A_564 = tpu.memref_slice %arg5[%add3A_507, %gather3A_563] : memref<128x128xf32, #tpu.memory_space<vmem>> -> memref<16x128xf32, #tpu.memory_space<vmem>>
          %gather3A_565 = tpu.vector_load_idx %gather3A_564[%iota3A, %add3A_562] : memref<16x128xf32, #tpu.memory_space<vmem>>[vector<16xi32>, vector<16xi32>], vector<16xf32>,
          %scatter3A_566 = arith.constant 0 : i32
          %scatter3A_567 = tpu.memref_slice %arg6[%add3A_532, %scatter3A_566] : memref<128x128xf32, #tpu.memory_space<vmem>> -> memref<8x128xf32, #tpu.memory_space<vmem>>
          tpu.vector_store_idx %scatter3A_567[%shift_right_arithmetic3A_115, %add3A_340], %gather3A_565 : memref<8x128xf32, #tpu.memory_space<vmem>>[vector<16xi32>, vector<16xi32>], vector<16xf32>,
          %add3A_568 = vector.broadcast %mul3A_506 : i32 to vector<16xi32>
          %add3A_569 = arith.addi %add3A_568, %and3A_41 : vector<16xi32>
          %gather3A_570 = arith.constant 0 : i32
          %gather3A_571 = tpu.memref_slice %arg5[%add3A_507, %gather3A_570] : memref<128x128xf32, #tpu.memory_space<vmem>> -> memref<16x128xf32, #tpu.memory_space<vmem>>
          %gather3A_572 = tpu.vector_load_idx %gather3A_571[%iota3A, %add3A_569] : memref<16x128xf32, #tpu.memory_space<vmem>>[vector<16xi32>, vector<16xi32>], vector<16xf32>,
          %scatter3A_573 = arith.constant 0 : i32
          %scatter3A_574 = tpu.memref_slice %arg6[%add3A_532, %scatter3A_573] : memref<128x128xf32, #tpu.memory_space<vmem>> -> memref<8x128xf32, #tpu.memory_space<vmem>>
          tpu.vector_store_idx %scatter3A_574[%shift_right_arithmetic3A_118, %add3A_342], %gather3A_572 : memref<8x128xf32, #tpu.memory_space<vmem>>[vector<16xi32>, vector<16xi32>], vector<16xf32>,
          %add3A_575 = vector.broadcast %mul3A_506 : i32 to vector<16xi32>
          %add3A_576 = arith.addi %add3A_575, %and3A_47 : vector<16xi32>
          %gather3A_577 = arith.constant 0 : i32
          %gather3A_578 = tpu.memref_slice %arg5[%add3A_507, %gather3A_577] : memref<128x128xf32, #tpu.memory_space<vmem>> -> memref<16x128xf32, #tpu.memory_space<vmem>>
          %gather3A_579 = tpu.vector_load_idx %gather3A_578[%iota3A, %add3A_576] : memref<16x128xf32, #tpu.memory_space<vmem>>[vector<16xi32>, vector<16xi32>], vector<16xf32>,
          %scatter3A_580 = arith.constant 0 : i32
          %scatter3A_581 = tpu.memref_slice %arg6[%add3A_532, %scatter3A_580] : memref<128x128xf32, #tpu.memory_space<vmem>> -> memref<8x128xf32, #tpu.memory_space<vmem>>
          tpu.vector_store_idx %scatter3A_581[%shift_right_arithmetic3A_121, %add3A_344], %gather3A_579 : memref<8x128xf32, #tpu.memory_space<vmem>>[vector<16xi32>, vector<16xi32>], vector<16xf32>,
          %add3A_582 = vector.broadcast %mul3A_506 : i32 to vector<16xi32>
          %add3A_583 = arith.addi %add3A_582, %and3A_53 : vector<16xi32>
          %gather3A_584 = arith.constant 0 : i32
          %gather3A_585 = tpu.memref_slice %arg5[%add3A_507, %gather3A_584] : memref<128x128xf32, #tpu.memory_space<vmem>> -> memref<16x128xf32, #tpu.memory_space<vmem>>
          %gather3A_586 = tpu.vector_load_idx %gather3A_585[%iota3A, %add3A_583] : memref<16x128xf32, #tpu.memory_space<vmem>>[vector<16xi32>, vector<16xi32>], vector<16xf32>,
          %scatter3A_587 = arith.constant 0 : i32
          %scatter3A_588 = tpu.memref_slice %arg6[%add3A_532, %scatter3A_587] : memref<128x128xf32, #tpu.memory_space<vmem>> -> memref<8x128xf32, #tpu.memory_space<vmem>>
          tpu.vector_store_idx %scatter3A_588[%shift_right_arithmetic3A_124, %add3A_346], %gather3A_586 : memref<8x128xf32, #tpu.memory_space<vmem>>[vector<16xi32>, vector<16xi32>], vector<16xf32>,
          %add3A_589 = vector.broadcast %mul3A_506 : i32 to vector<16xi32>
          %add3A_590 = arith.addi %add3A_589, %and3A_59 : vector<16xi32>
          %gather3A_591 = arith.constant 0 : i32
          %gather3A_592 = tpu.memref_slice %arg5[%add3A_507, %gather3A_591] : memref<128x128xf32, #tpu.memory_space<vmem>> -> memref<16x128xf32, #tpu.memory_space<vmem>>
          %gather3A_593 = tpu.vector_load_idx %gather3A_592[%iota3A, %add3A_590] : memref<16x128xf32, #tpu.memory_space<vmem>>[vector<16xi32>, vector<16xi32>], vector<16xf32>,
          %scatter3A_594 = arith.constant 0 : i32
          %scatter3A_595 = tpu.memref_slice %arg6[%add3A_532, %scatter3A_594] : memref<128x128xf32, #tpu.memory_space<vmem>> -> memref<8x128xf32, #tpu.memory_space<vmem>>
          tpu.vector_store_idx %scatter3A_595[%shift_right_arithmetic3A_127, %add3A_348], %gather3A_593 : memref<8x128xf32, #tpu.memory_space<vmem>>[vector<16xi32>, vector<16xi32>], vector<16xf32>,
          %add3A_596 = vector.broadcast %mul3A_506 : i32 to vector<16xi32>
          %add3A_597 = arith.addi %add3A_596, %and3A_65 : vector<16xi32>
          %gather3A_598 = arith.constant 0 : i32
          %gather3A_599 = tpu.memref_slice %arg5[%add3A_507, %gather3A_598] : memref<128x128xf32, #tpu.memory_space<vmem>> -> memref<16x128xf32, #tpu.memory_space<vmem>>
          %gather3A_600 = tpu.vector_load_idx %gather3A_599[%iota3A, %add3A_597] : memref<16x128xf32, #tpu.memory_space<vmem>>[vector<16xi32>, vector<16xi32>], vector<16xf32>,
          %scatter3A_601 = arith.constant 0 : i32
          %scatter3A_602 = tpu.memref_slice %arg6[%add3A_532, %scatter3A_601] : memref<128x128xf32, #tpu.memory_space<vmem>> -> memref<8x128xf32, #tpu.memory_space<vmem>>
          tpu.vector_store_idx %scatter3A_602[%shift_right_arithmetic3A_130, %add3A_350], %gather3A_600 : memref<8x128xf32, #tpu.memory_space<vmem>>[vector<16xi32>, vector<16xi32>], vector<16xf32>,
          %add3A_603 = vector.broadcast %mul3A_506 : i32 to vector<16xi32>
          %add3A_604 = arith.addi %add3A_603, %and3A_71 : vector<16xi32>
          %gather3A_605 = arith.constant 0 : i32
          %gather3A_606 = tpu.memref_slice %arg5[%add3A_507, %gather3A_605] : memref<128x128xf32, #tpu.memory_space<vmem>> -> memref<16x128xf32, #tpu.memory_space<vmem>>
          %gather3A_607 = tpu.vector_load_idx %gather3A_606[%iota3A, %add3A_604] : memref<16x128xf32, #tpu.memory_space<vmem>>[vector<16xi32>, vector<16xi32>], vector<16xf32>,
          %scatter3A_608 = arith.constant 0 : i32
          %scatter3A_609 = tpu.memref_slice %arg6[%add3A_532, %scatter3A_608] : memref<128x128xf32, #tpu.memory_space<vmem>> -> memref<8x128xf32, #tpu.memory_space<vmem>>
          tpu.vector_store_idx %scatter3A_609[%shift_right_arithmetic3A_133, %add3A_352], %gather3A_607 : memref<8x128xf32, #tpu.memory_space<vmem>>[vector<16xi32>, vector<16xi32>], vector<16xf32>,
          %add3A_610 = vector.broadcast %mul3A_506 : i32 to vector<16xi32>
          %add3A_611 = arith.addi %add3A_610, %and3A_77 : vector<16xi32>
          %gather3A_612 = arith.constant 0 : i32
          %gather3A_613 = tpu.memref_slice %arg5[%add3A_507, %gather3A_612] : memref<128x128xf32, #tpu.memory_space<vmem>> -> memref<16x128xf32, #tpu.memory_space<vmem>>
          %gather3A_614 = tpu.vector_load_idx %gather3A_613[%iota3A, %add3A_611] : memref<16x128xf32, #tpu.memory_space<vmem>>[vector<16xi32>, vector<16xi32>], vector<16xf32>,
          %scatter3A_615 = arith.constant 0 : i32
          %scatter3A_616 = tpu.memref_slice %arg6[%add3A_532, %scatter3A_615] : memref<128x128xf32, #tpu.memory_space<vmem>> -> memref<8x128xf32, #tpu.memory_space<vmem>>
          tpu.vector_store_idx %scatter3A_616[%shift_right_arithmetic3A_136, %add3A_354], %gather3A_614 : memref<8x128xf32, #tpu.memory_space<vmem>>[vector<16xi32>, vector<16xi32>], vector<16xf32>,
          %add3A_617 = vector.broadcast %mul3A_506 : i32 to vector<16xi32>
          %add3A_618 = arith.addi %add3A_617, %and3A_83 : vector<16xi32>
          %gather3A_619 = arith.constant 0 : i32
          %gather3A_620 = tpu.memref_slice %arg5[%add3A_507, %gather3A_619] : memref<128x128xf32, #tpu.memory_space<vmem>> -> memref<16x128xf32, #tpu.memory_space<vmem>>
          %gather3A_621 = tpu.vector_load_idx %gather3A_620[%iota3A, %add3A_618] : memref<16x128xf32, #tpu.memory_space<vmem>>[vector<16xi32>, vector<16xi32>], vector<16xf32>,
          %scatter3A_622 = arith.constant 0 : i32
          %scatter3A_623 = tpu.memref_slice %arg6[%add3A_532, %scatter3A_622] : memref<128x128xf32, #tpu.memory_space<vmem>> -> memref<8x128xf32, #tpu.memory_space<vmem>>
          tpu.vector_store_idx %scatter3A_623[%shift_right_arithmetic3A_139, %add3A_356], %gather3A_621 : memref<8x128xf32, #tpu.memory_space<vmem>>[vector<16xi32>, vector<16xi32>], vector<16xf32>,
          %add3A_624 = vector.broadcast %mul3A_506 : i32 to vector<16xi32>
          %add3A_625 = arith.addi %add3A_624, %and3A_89 : vector<16xi32>
          %gather3A_626 = arith.constant 0 : i32
          %gather3A_627 = tpu.memref_slice %arg5[%add3A_507, %gather3A_626] : memref<128x128xf32, #tpu.memory_space<vmem>> -> memref<16x128xf32, #tpu.memory_space<vmem>>
          %gather3A_628 = tpu.vector_load_idx %gather3A_627[%iota3A, %add3A_625] : memref<16x128xf32, #tpu.memory_space<vmem>>[vector<16xi32>, vector<16xi32>], vector<16xf32>,
          %scatter3A_629 = arith.constant 0 : i32
          %scatter3A_630 = tpu.memref_slice %arg6[%add3A_532, %scatter3A_629] : memref<128x128xf32, #tpu.memory_space<vmem>> -> memref<8x128xf32, #tpu.memory_space<vmem>>
          tpu.vector_store_idx %scatter3A_630[%shift_right_arithmetic3A_142, %add3A_358], %gather3A_628 : memref<8x128xf32, #tpu.memory_space<vmem>>[vector<16xi32>, vector<16xi32>], vector<16xf32>,
          %add3A_631 = vector.broadcast %mul3A_506 : i32 to vector<16xi32>
          %add3A_632 = arith.addi %add3A_631, %and3A_95 : vector<16xi32>
          %gather3A_633 = arith.constant 0 : i32
          %gather3A_634 = tpu.memref_slice %arg5[%add3A_507, %gather3A_633] : memref<128x128xf32, #tpu.memory_space<vmem>> -> memref<16x128xf32, #tpu.memory_space<vmem>>
          %gather3A_635 = tpu.vector_load_idx %gather3A_634[%iota3A, %add3A_632] : memref<16x128xf32, #tpu.memory_space<vmem>>[vector<16xi32>, vector<16xi32>], vector<16xf32>,
          %scatter3A_636 = arith.constant 0 : i32
          %scatter3A_637 = tpu.memref_slice %arg6[%add3A_532, %scatter3A_636] : memref<128x128xf32, #tpu.memory_space<vmem>> -> memref<8x128xf32, #tpu.memory_space<vmem>>
          tpu.vector_store_idx %scatter3A_637[%shift_right_arithmetic3A_145, %add3A_360], %gather3A_635 : memref<8x128xf32, #tpu.memory_space<vmem>>[vector<16xi32>, vector<16xi32>], vector<16xf32>,
          %add3A_638 = vector.broadcast %mul3A_506 : i32 to vector<16xi32>
          %add3A_639 = arith.addi %add3A_638, %and3A_101 : vector<16xi32>
          %gather3A_640 = arith.constant 0 : i32
          %gather3A_641 = tpu.memref_slice %arg5[%add3A_507, %gather3A_640] : memref<128x128xf32, #tpu.memory_space<vmem>> -> memref<16x128xf32, #tpu.memory_space<vmem>>
          %gather3A_642 = tpu.vector_load_idx %gather3A_641[%iota3A, %add3A_639] : memref<16x128xf32, #tpu.memory_space<vmem>>[vector<16xi32>, vector<16xi32>], vector<16xf32>,
          %scatter3A_643 = arith.constant 0 : i32
          %scatter3A_644 = tpu.memref_slice %arg6[%add3A_532, %scatter3A_643] : memref<128x128xf32, #tpu.memory_space<vmem>> -> memref<8x128xf32, #tpu.memory_space<vmem>>
          tpu.vector_store_idx %scatter3A_644[%shift_right_arithmetic3A_148, %add3A_362], %gather3A_642 : memref<8x128xf32, #tpu.memory_space<vmem>>[vector<16xi32>, vector<16xi32>], vector<16xf32>,
        }
        %scan3A_367 = arith.constant 8 : i32
      }
      %scan3A_315 = arith.constant 4 : i32
      %mul3A_316 = arith.constant 64 : i32
      %mul3A_317 = arith.muli %rem3A_286, %mul3A_316 : i32
      %add3A_318 = arith.addi %add3A_6, %while3A_285 : i32
      %mul3A_319 = arith.constant 64 : i32
      %mul3A_320 = arith.muli %add3A_318, %mul3A_319 : i32
      %dma_start3A = arith.constant 0 : i32
      %dma_start3A_321 = tpu.memref_slice %arg6[%mul3A_317, %dma_start3A] : memref<128x128xf32, #tpu.memory_space<vmem>> -> memref<64x128xf32, #tpu.memory_space<vmem>>
      %dma_start3A_322 = arith.constant 0 : i32
      %dma_start3A_323 = tpu.memref_slice %arg4[%mul3A_320, %dma_start3A_322] : memref<500000x128xf32, #tpu.memory_space<hbm>> -> memref<64x128xf32, #tpu.memory_space<hbm>>
      %dma_start3A_324 = arith.constant 0 : i32
      %dma_start3A_325 = tpu.memref_slice %arg4[%mul3A_320, %dma_start3A_324] : memref<500000x128xf32, #tpu.memory_space<hbm>> -> memref<64x128xf32, #tpu.memory_space<hbm>>
      %dma_start3A_326 = arith.constant 0 : i32
      %dma_start3A_327 = tpu.memref_slice %arg6[%mul3A_317, %dma_start3A_326] : memref<128x128xf32, #tpu.memory_space<vmem>> -> memref<64x128xf32, #tpu.memory_space<vmem>>
      tpu.enqueue_dma source(%dma_start3A_327 : memref<64x128xf32, #tpu.memory_space<vmem>>) target(%dma_start3A_325 : memref<64x128xf32, #tpu.memory_space<hbm>>) target_semaphore(%arg8 : memref<!tpu.dma_semaphore, #tpu.memory_space<semaphore_mem>>)
    }
    %while3A_271 = arith.constant 1 : i32
    scf.for %while3A_285 = %while3A_269 to %while3A_265 step %while3A_271  : i32 {
      %rem3A = arith.constant 2 : i32
      %rem3A_286 = arith.remsi %while3A_285, %rem3A : i32
      %mul3A_287 = arith.constant 64 : i32
      %mul3A_288 = arith.muli %rem3A_286, %mul3A_287 : i32
      %add3A_289 = arith.constant 1 : i32
      %add3A_290 = arith.addi %while3A_285, %add3A_289 : i32
      %lt3A_291 = arith.cmpi slt, %add3A_290, %select_n3A : i32
      %convert_element_type3A_292 = arith.extui %lt3A_291 : i1 to i32
      %cond3A_293 = arith.constant 0 : i32
      %cond3A_294 = arith.cmpi ne, %convert_element_type3A_292, %cond3A_293 : i32
      scf.if %cond3A_294 {
        %add3A_328 = arith.addi %add3A_6, %while3A_285 : i32
        %add3A_329 = arith.constant 1 : i32
        %add3A_330 = arith.addi %add3A_328, %add3A_329 : i32
        %sub3A = arith.constant 1 : i32
        %sub3A_331 = arith.subi %sub3A, %rem3A_286 : i32
        %mul3A_332 = arith.constant 128 : i32
        %mul3A_333 = arith.muli %add3A_330, %mul3A_332 : i32
        %mul3A_334 = arith.constant 64 : i32
        %mul3A_335 = arith.muli %sub3A_331, %mul3A_334 : i32
        %dma_start3A_336 = arith.constant 0 : i32
        %dma_start3A_337 = tpu.memref_slice %arg5[%mul3A_335, %dma_start3A_336] : memref<128x128xf32, #tpu.memory_space<vmem>> -> memref<64x128xf32, #tpu.memory_space<vmem>>
        %dma_start3A_338 = arith.constant 0 : i32
        %dma_start3A_339 = tpu.memref_slice %arg2[%dma_start3A_338, %mul3A_333] : memref<64x1000000xf32, #tpu.memory_space<hbm>> -> memref<64x128xf32, #tpu.memory_space<hbm>>
        %dma_start3A_340 = arith.constant 0 : i32
        %dma_start3A_341 = tpu.memref_slice %arg5[%mul3A_335, %dma_start3A_340] : memref<128x128xf32, #tpu.memory_space<vmem>> -> memref<64x128xf32, #tpu.memory_space<vmem>>
        %dma_start3A_342 = arith.constant 0 : i32
        %dma_start3A_343 = tpu.memref_slice %arg2[%dma_start3A_342, %mul3A_333] : memref<64x1000000xf32, #tpu.memory_space<hbm>> -> memref<64x128xf32, #tpu.memory_space<hbm>>
        tpu.enqueue_dma source(%dma_start3A_343 : memref<64x128xf32, #tpu.memory_space<hbm>>) target(%dma_start3A_341 : memref<64x128xf32, #tpu.memory_space<vmem>>) target_semaphore(%arg7 : memref<!tpu.dma_semaphore, #tpu.memory_space<semaphore_mem>>)
      } else {
      }
      %mul3A_295 = arith.constant 64 : i32
      %mul3A_296 = arith.muli %rem3A_286, %mul3A_295 : i32
      %dma_wait3A = arith.constant 0 : i32
      %dma_wait3A_297 = tpu.memref_slice %arg5[%mul3A_296, %dma_wait3A] : memref<128x128xf32, #tpu.memory_space<vmem>> -> memref<64x128xf32, #tpu.memory_space<vmem>>
      %dma_wait3A_298 = arith.constant 0 : i32
      %dma_wait3A_299 = arith.constant 0 : i32
      %dma_wait3A_300 = tpu.memref_slice %arg2[%dma_wait3A_298, %dma_wait3A_299] : memref<64x1000000xf32, #tpu.memory_space<hbm>> -> memref<64x128xf32, #tpu.memory_space<hbm>>
      %dma_wait3A_301 = arith.constant 0 : i32
      %dma_wait3A_302 = tpu.memref_slice %arg5[%mul3A_296, %dma_wait3A_301] : memref<128x128xf32, #tpu.memory_space<vmem>> -> memref<64x128xf32, #tpu.memory_space<vmem>>
      %dma_wait3A_303 = arith.constant 0 : i32
      %dma_wait3A_304 = arith.constant 0 : i32
      %dma_wait3A_305 = tpu.memref_slice %arg2[%dma_wait3A_303, %dma_wait3A_304] : memref<64x1000000xf32, #tpu.memory_space<hbm>> -> memref<64x128xf32, #tpu.memory_space<hbm>>
      tpu.wait_dma2 semaphore(%arg7 : memref<!tpu.dma_semaphore, #tpu.memory_space<semaphore_mem>>) src(%dma_wait3A_305 : memref<64x128xf32, #tpu.memory_space<hbm>>) dst(%dma_wait3A_302 : memref<64x128xf32, #tpu.memory_space<vmem>>)
      %ge3A_306 = arith.constant 2 : i32
      %ge3A_307 = arith.cmpi sge, %while3A_285, %ge3A_306 : i32
      %convert_element_type3A_308 = arith.extui %ge3A_307 : i1 to i32
      %cond3A_309 = arith.constant 0 : i32
      %cond3A_310 = arith.cmpi ne, %convert_element_type3A_308, %cond3A_309 : i32
      scf.if %cond3A_310 {
        %mul3A_328 = arith.constant 64 : i32
        %mul3A_329 = arith.muli %rem3A_286, %mul3A_328 : i32
        %dma_wait3A_330 = arith.constant 0 : i32
        %dma_wait3A_331 = tpu.memref_slice %arg6[%mul3A_329, %dma_wait3A_330] : memref<128x128xf32, #tpu.memory_space<vmem>> -> memref<64x128xf32, #tpu.memory_space<vmem>>
        %dma_wait3A_332 = arith.constant 0 : i32
        %dma_wait3A_333 = arith.constant 0 : i32
        %dma_wait3A_334 = tpu.memref_slice %arg4[%dma_wait3A_332, %dma_wait3A_333] : memref<500000x128xf32, #tpu.memory_space<hbm>> -> memref<64x128xf32, #tpu.memory_space<hbm>>
        %dma_wait3A_335 = arith.constant 0 : i32
        %dma_wait3A_336 = arith.constant 0 : i32
        %dma_wait3A_337 = tpu.memref_slice %arg4[%dma_wait3A_335, %dma_wait3A_336] : memref<500000x128xf32, #tpu.memory_space<hbm>> -> memref<64x128xf32, #tpu.memory_space<hbm>>
        %dma_wait3A_338 = arith.constant 0 : i32
        %dma_wait3A_339 = tpu.memref_slice %arg6[%mul3A_329, %dma_wait3A_338] : memref<128x128xf32, #tpu.memory_space<vmem>> -> memref<64x128xf32, #tpu.memory_space<vmem>>
        tpu.wait_dma2 semaphore(%arg8 : memref<!tpu.dma_semaphore, #tpu.memory_space<semaphore_mem>>) src(%dma_wait3A_339 : memref<64x128xf32, #tpu.memory_space<vmem>>) dst(%dma_wait3A_337 : memref<64x128xf32, #tpu.memory_space<hbm>>)
      } else {
      }
      %scan3A = arith.constant 0 : i32
      %scan3A_311 = arith.constant 0 : i32
      %scan3A_312 = arith.constant 4 : i32
      %scan3A_313 = arith.addi %scan3A_311, %scan3A_312 : i32
      %scan3A_314 = arith.constant 1 : i32
      scf.for %scan3A_328 = %scan3A_311 to %scan3A_313 step %scan3A_314  : i32 {
        %mul3A_329 = arith.constant 16 : i32
        %mul3A_330 = arith.muli %scan3A_328, %mul3A_329 : i32
        %add3A_331 = vector.broadcast %mul3A_330 : i32 to vector<16xi32>
        %add3A_332 = arith.addi %add3A_155, %add3A_331 : vector<16xi32>
        %add3A_333 = vector.broadcast %mul3A_330 : i32 to vector<16xi32>
        %add3A_334 = arith.addi %add3A_162, %add3A_333 : vector<16xi32>
        %add3A_335 = vector.broadcast %mul3A_330 : i32 to vector<16xi32>
        %add3A_336 = arith.addi %add3A_169, %add3A_335 : vector<16xi32>
        %add3A_337 = vector.broadcast %mul3A_330 : i32 to vector<16xi32>
        %add3A_338 = arith.addi %add3A_176, %add3A_337 : vector<16xi32>
        %add3A_339 = vector.broadcast %mul3A_330 : i32 to vector<16xi32>
        %add3A_340 = arith.addi %add3A_183, %add3A_339 : vector<16xi32>
        %add3A_341 = vector.broadcast %mul3A_330 : i32 to vector<16xi32>
        %add3A_342 = arith.addi %add3A_190, %add3A_341 : vector<16xi32>
        %add3A_343 = vector.broadcast %mul3A_330 : i32 to vector<16xi32>
        %add3A_344 = arith.addi %add3A_197, %add3A_343 : vector<16xi32>
        %add3A_345 = vector.broadcast %mul3A_330 : i32 to vector<16xi32>
        %add3A_346 = arith.addi %add3A_204, %add3A_345 : vector<16xi32>
        %add3A_347 = vector.broadcast %mul3A_330 : i32 to vector<16xi32>
        %add3A_348 = arith.addi %add3A_211, %add3A_347 : vector<16xi32>
        %add3A_349 = vector.broadcast %mul3A_330 : i32 to vector<16xi32>
        %add3A_350 = arith.addi %add3A_218, %add3A_349 : vector<16xi32>
        %add3A_351 = vector.broadcast %mul3A_330 : i32 to vector<16xi32>
        %add3A_352 = arith.addi %add3A_225, %add3A_351 : vector<16xi32>
        %add3A_353 = vector.broadcast %mul3A_330 : i32 to vector<16xi32>
        %add3A_354 = arith.addi %add3A_232, %add3A_353 : vector<16xi32>
        %add3A_355 = vector.broadcast %mul3A_330 : i32 to vector<16xi32>
        %add3A_356 = arith.addi %add3A_239, %add3A_355 : vector<16xi32>
        %add3A_357 = vector.broadcast %mul3A_330 : i32 to vector<16xi32>
        %add3A_358 = arith.addi %add3A_246, %add3A_357 : vector<16xi32>
        %add3A_359 = vector.broadcast %mul3A_330 : i32 to vector<16xi32>
        %add3A_360 = arith.addi %add3A_253, %add3A_359 : vector<16xi32>
        %add3A_361 = vector.broadcast %mul3A_330 : i32 to vector<16xi32>
        %add3A_362 = arith.addi %add3A_260, %add3A_361 : vector<16xi32>
        %scan3A_363 = arith.constant 0 : i32
        %scan3A_364 = arith.constant 8 : i32
        %scan3A_365 = arith.addi %scan3A_363, %scan3A_364 : i32
        %scan3A_366 = arith.constant 2 : i32
        scf.for %scan3A_368 = %scan3A_363 to %scan3A_365 step %scan3A_366  : i32 {
          %mul3A_369 = arith.constant 16 : i32
          %mul3A_370 = arith.muli %scan3A_368, %mul3A_369 : i32
          %add3A_371 = arith.addi %mul3A_288, %mul3A_330 : i32
          %jit3A_372 = arith.constant 2 : i32
          %div3A = arith.divsi %mul3A_370, %jit3A_372 : i32
          %sign3A = arith.constant 0 : i32
          %sign3A_373 = arith.cmpi sgt, %mul3A_370, %sign3A : i32
          %sign3A_374 = arith.extui %sign3A_373 : i1 to i32
          %sign3A_375 = arith.constant 0 : i32
          %sign3A_376 = arith.cmpi slt, %mul3A_370, %sign3A_375 : i32
          %sign3A_377 = arith.extui %sign3A_376 : i1 to i32
          %sign3A_378 = arith.subi %sign3A_374, %sign3A_377 : i32
          %sign3A_379 = arith.constant 0 : i32
          %sign3A_380 = arith.cmpi sgt, %jit3A_372, %sign3A_379 : i32
          %sign3A_381 = arith.extui %sign3A_380 : i1 to i32
          %sign3A_382 = arith.constant 0 : i32
          %sign3A_383 = arith.cmpi slt, %jit3A_372, %sign3A_382 : i32
          %sign3A_384 = arith.extui %sign3A_383 : i1 to i32
          %sign3A_385 = arith.subi %sign3A_381, %sign3A_384 : i32
          %ne3A = arith.cmpi ne, %sign3A_378, %sign3A_385 : i32
          %rem3A_386 = arith.remsi %mul3A_370, %jit3A_372 : i32
          %ne3A_387 = arith.constant 0 : i32
          %ne3A_388 = arith.cmpi ne, %rem3A_386, %ne3A_387 : i32
          %and3A_389 = arith.andi %ne3A, %ne3A_388 : i1
          %sub3A = arith.constant 1 : i32
          %sub3A_390 = arith.subi %div3A, %sub3A : i32
          %select_n3A_391 = arith.select %and3A_389, %sub3A_390, %div3A : i32
          %add3A_392 = arith.addi %mul3A_288, %select_n3A_391 : i32
          %add3A_393 = vector.broadcast %mul3A_370 : i32 to vector<16xi32>
          %add3A_394 = arith.addi %add3A_393, %and3A_11 : vector<16xi32>
          %gather3A = arith.constant 0 : i32
          %gather3A_395 = tpu.memref_slice %arg5[%add3A_371, %gather3A] : memref<128x128xf32, #tpu.memory_space<vmem>> -> memref<16x128xf32, #tpu.memory_space<vmem>>
          %gather3A_396 = tpu.vector_load_idx %gather3A_395[%iota3A, %add3A_394] : memref<16x128xf32, #tpu.memory_space<vmem>>[vector<16xi32>, vector<16xi32>], vector<16xf32>,
          %scatter3A = arith.constant 0 : i32
          %scatter3A_397 = tpu.memref_slice %arg6[%add3A_392, %scatter3A] : memref<128x128xf32, #tpu.memory_space<vmem>> -> memref<8x128xf32, #tpu.memory_space<vmem>>
          tpu.vector_store_idx %scatter3A_397[%shift_right_arithmetic3A_103, %add3A_332], %gather3A_396 : memref<8x128xf32, #tpu.memory_space<vmem>>[vector<16xi32>, vector<16xi32>], vector<16xf32>,
          %add3A_398 = vector.broadcast %mul3A_370 : i32 to vector<16xi32>
          %add3A_399 = arith.addi %add3A_398, %and3A_17 : vector<16xi32>
          %gather3A_400 = arith.constant 0 : i32
          %gather3A_401 = tpu.memref_slice %arg5[%add3A_371, %gather3A_400] : memref<128x128xf32, #tpu.memory_space<vmem>> -> memref<16x128xf32, #tpu.memory_space<vmem>>
          %gather3A_402 = tpu.vector_load_idx %gather3A_401[%iota3A, %add3A_399] : memref<16x128xf32, #tpu.memory_space<vmem>>[vector<16xi32>, vector<16xi32>], vector<16xf32>,
          %scatter3A_403 = arith.constant 0 : i32
          %scatter3A_404 = tpu.memref_slice %arg6[%add3A_392, %scatter3A_403] : memref<128x128xf32, #tpu.memory_space<vmem>> -> memref<8x128xf32, #tpu.memory_space<vmem>>
          tpu.vector_store_idx %scatter3A_404[%shift_right_arithmetic3A_106, %add3A_334], %gather3A_402 : memref<8x128xf32, #tpu.memory_space<vmem>>[vector<16xi32>, vector<16xi32>], vector<16xf32>,
          %add3A_405 = vector.broadcast %mul3A_370 : i32 to vector<16xi32>
          %add3A_406 = arith.addi %add3A_405, %and3A_23 : vector<16xi32>
          %gather3A_407 = arith.constant 0 : i32
          %gather3A_408 = tpu.memref_slice %arg5[%add3A_371, %gather3A_407] : memref<128x128xf32, #tpu.memory_space<vmem>> -> memref<16x128xf32, #tpu.memory_space<vmem>>
          %gather3A_409 = tpu.vector_load_idx %gather3A_408[%iota3A, %add3A_406] : memref<16x128xf32, #tpu.memory_space<vmem>>[vector<16xi32>, vector<16xi32>], vector<16xf32>,
          %scatter3A_410 = arith.constant 0 : i32
          %scatter3A_411 = tpu.memref_slice %arg6[%add3A_392, %scatter3A_410] : memref<128x128xf32, #tpu.memory_space<vmem>> -> memref<8x128xf32, #tpu.memory_space<vmem>>
          tpu.vector_store_idx %scatter3A_411[%shift_right_arithmetic3A_109, %add3A_336], %gather3A_409 : memref<8x128xf32, #tpu.memory_space<vmem>>[vector<16xi32>, vector<16xi32>], vector<16xf32>,
          %add3A_412 = vector.broadcast %mul3A_370 : i32 to vector<16xi32>
          %add3A_413 = arith.addi %add3A_412, %and3A_29 : vector<16xi32>
          %gather3A_414 = arith.constant 0 : i32
          %gather3A_415 = tpu.memref_slice %arg5[%add3A_371, %gather3A_414] : memref<128x128xf32, #tpu.memory_space<vmem>> -> memref<16x128xf32, #tpu.memory_space<vmem>>
          %gather3A_416 = tpu.vector_load_idx %gather3A_415[%iota3A, %add3A_413] : memref<16x128xf32, #tpu.memory_space<vmem>>[vector<16xi32>, vector<16xi32>], vector<16xf32>,
          %scatter3A_417 = arith.constant 0 : i32
          %scatter3A_418 = tpu.memref_slice %arg6[%add3A_392, %scatter3A_417] : memref<128x128xf32, #tpu.memory_space<vmem>> -> memref<8x128xf32, #tpu.memory_space<vmem>>
          tpu.vector_store_idx %scatter3A_418[%shift_right_arithmetic3A_112, %add3A_338], %gather3A_416 : memref<8x128xf32, #tpu.memory_space<vmem>>[vector<16xi32>, vector<16xi32>], vector<16xf32>,
          %add3A_419 = vector.broadcast %mul3A_370 : i32 to vector<16xi32>
          %add3A_420 = arith.addi %add3A_419, %and3A_35 : vector<16xi32>
          %gather3A_421 = arith.constant 0 : i32
          %gather3A_422 = tpu.memref_slice %arg5[%add3A_371, %gather3A_421] : memref<128x128xf32, #tpu.memory_space<vmem>> -> memref<16x128xf32, #tpu.memory_space<vmem>>
          %gather3A_423 = tpu.vector_load_idx %gather3A_422[%iota3A, %add3A_420] : memref<16x128xf32, #tpu.memory_space<vmem>>[vector<16xi32>, vector<16xi32>], vector<16xf32>,
          %scatter3A_424 = arith.constant 0 : i32
          %scatter3A_425 = tpu.memref_slice %arg6[%add3A_392, %scatter3A_424] : memref<128x128xf32, #tpu.memory_space<vmem>> -> memref<8x128xf32, #tpu.memory_space<vmem>>
          tpu.vector_store_idx %scatter3A_425[%shift_right_arithmetic3A_115, %add3A_340], %gather3A_423 : memref<8x128xf32, #tpu.memory_space<vmem>>[vector<16xi32>, vector<16xi32>], vector<16xf32>,
          %add3A_426 = vector.broadcast %mul3A_370 : i32 to vector<16xi32>
          %add3A_427 = arith.addi %add3A_426, %and3A_41 : vector<16xi32>
          %gather3A_428 = arith.constant 0 : i32
          %gather3A_429 = tpu.memref_slice %arg5[%add3A_371, %gather3A_428] : memref<128x128xf32, #tpu.memory_space<vmem>> -> memref<16x128xf32, #tpu.memory_space<vmem>>
          %gather3A_430 = tpu.vector_load_idx %gather3A_429[%iota3A, %add3A_427] : memref<16x128xf32, #tpu.memory_space<vmem>>[vector<16xi32>, vector<16xi32>], vector<16xf32>,
          %scatter3A_431 = arith.constant 0 : i32
          %scatter3A_432 = tpu.memref_slice %arg6[%add3A_392, %scatter3A_431] : memref<128x128xf32, #tpu.memory_space<vmem>> -> memref<8x128xf32, #tpu.memory_space<vmem>>
          tpu.vector_store_idx %scatter3A_432[%shift_right_arithmetic3A_118, %add3A_342], %gather3A_430 : memref<8x128xf32, #tpu.memory_space<vmem>>[vector<16xi32>, vector<16xi32>], vector<16xf32>,
          %add3A_433 = vector.broadcast %mul3A_370 : i32 to vector<16xi32>
          %add3A_434 = arith.addi %add3A_433, %and3A_47 : vector<16xi32>
          %gather3A_435 = arith.constant 0 : i32
          %gather3A_436 = tpu.memref_slice %arg5[%add3A_371, %gather3A_435] : memref<128x128xf32, #tpu.memory_space<vmem>> -> memref<16x128xf32, #tpu.memory_space<vmem>>
          %gather3A_437 = tpu.vector_load_idx %gather3A_436[%iota3A, %add3A_434] : memref<16x128xf32, #tpu.memory_space<vmem>>[vector<16xi32>, vector<16xi32>], vector<16xf32>,
          %scatter3A_438 = arith.constant 0 : i32
          %scatter3A_439 = tpu.memref_slice %arg6[%add3A_392, %scatter3A_438] : memref<128x128xf32, #tpu.memory_space<vmem>> -> memref<8x128xf32, #tpu.memory_space<vmem>>
          tpu.vector_store_idx %scatter3A_439[%shift_right_arithmetic3A_121, %add3A_344], %gather3A_437 : memref<8x128xf32, #tpu.memory_space<vmem>>[vector<16xi32>, vector<16xi32>], vector<16xf32>,
          %add3A_440 = vector.broadcast %mul3A_370 : i32 to vector<16xi32>
          %add3A_441 = arith.addi %add3A_440, %and3A_53 : vector<16xi32>
          %gather3A_442 = arith.constant 0 : i32
          %gather3A_443 = tpu.memref_slice %arg5[%add3A_371, %gather3A_442] : memref<128x128xf32, #tpu.memory_space<vmem>> -> memref<16x128xf32, #tpu.memory_space<vmem>>
          %gather3A_444 = tpu.vector_load_idx %gather3A_443[%iota3A, %add3A_441] : memref<16x128xf32, #tpu.memory_space<vmem>>[vector<16xi32>, vector<16xi32>], vector<16xf32>,
          %scatter3A_445 = arith.constant 0 : i32
          %scatter3A_446 = tpu.memref_slice %arg6[%add3A_392, %scatter3A_445] : memref<128x128xf32, #tpu.memory_space<vmem>> -> memref<8x128xf32, #tpu.memory_space<vmem>>
          tpu.vector_store_idx %scatter3A_446[%shift_right_arithmetic3A_124, %add3A_346], %gather3A_444 : memref<8x128xf32, #tpu.memory_space<vmem>>[vector<16xi32>, vector<16xi32>], vector<16xf32>,
          %add3A_447 = vector.broadcast %mul3A_370 : i32 to vector<16xi32>
          %add3A_448 = arith.addi %add3A_447, %and3A_59 : vector<16xi32>
          %gather3A_449 = arith.constant 0 : i32
          %gather3A_450 = tpu.memref_slice %arg5[%add3A_371, %gather3A_449] : memref<128x128xf32, #tpu.memory_space<vmem>> -> memref<16x128xf32, #tpu.memory_space<vmem>>
          %gather3A_451 = tpu.vector_load_idx %gather3A_450[%iota3A, %add3A_448] : memref<16x128xf32, #tpu.memory_space<vmem>>[vector<16xi32>, vector<16xi32>], vector<16xf32>,
          %scatter3A_452 = arith.constant 0 : i32
          %scatter3A_453 = tpu.memref_slice %arg6[%add3A_392, %scatter3A_452] : memref<128x128xf32, #tpu.memory_space<vmem>> -> memref<8x128xf32, #tpu.memory_space<vmem>>
          tpu.vector_store_idx %scatter3A_453[%shift_right_arithmetic3A_127, %add3A_348], %gather3A_451 : memref<8x128xf32, #tpu.memory_space<vmem>>[vector<16xi32>, vector<16xi32>], vector<16xf32>,
          %add3A_454 = vector.broadcast %mul3A_370 : i32 to vector<16xi32>
          %add3A_455 = arith.addi %add3A_454, %and3A_65 : vector<16xi32>
          %gather3A_456 = arith.constant 0 : i32
          %gather3A_457 = tpu.memref_slice %arg5[%add3A_371, %gather3A_456] : memref<128x128xf32, #tpu.memory_space<vmem>> -> memref<16x128xf32, #tpu.memory_space<vmem>>
          %gather3A_458 = tpu.vector_load_idx %gather3A_457[%iota3A, %add3A_455] : memref<16x128xf32, #tpu.memory_space<vmem>>[vector<16xi32>, vector<16xi32>], vector<16xf32>,
          %scatter3A_459 = arith.constant 0 : i32
          %scatter3A_460 = tpu.memref_slice %arg6[%add3A_392, %scatter3A_459] : memref<128x128xf32, #tpu.memory_space<vmem>> -> memref<8x128xf32, #tpu.memory_space<vmem>>
          tpu.vector_store_idx %scatter3A_460[%shift_right_arithmetic3A_130, %add3A_350], %gather3A_458 : memref<8x128xf32, #tpu.memory_space<vmem>>[vector<16xi32>, vector<16xi32>], vector<16xf32>,
          %add3A_461 = vector.broadcast %mul3A_370 : i32 to vector<16xi32>
          %add3A_462 = arith.addi %add3A_461, %and3A_71 : vector<16xi32>
          %gather3A_463 = arith.constant 0 : i32
          %gather3A_464 = tpu.memref_slice %arg5[%add3A_371, %gather3A_463] : memref<128x128xf32, #tpu.memory_space<vmem>> -> memref<16x128xf32, #tpu.memory_space<vmem>>
          %gather3A_465 = tpu.vector_load_idx %gather3A_464[%iota3A, %add3A_462] : memref<16x128xf32, #tpu.memory_space<vmem>>[vector<16xi32>, vector<16xi32>], vector<16xf32>,
          %scatter3A_466 = arith.constant 0 : i32
          %scatter3A_467 = tpu.memref_slice %arg6[%add3A_392, %scatter3A_466] : memref<128x128xf32, #tpu.memory_space<vmem>> -> memref<8x128xf32, #tpu.memory_space<vmem>>
          tpu.vector_store_idx %scatter3A_467[%shift_right_arithmetic3A_133, %add3A_352], %gather3A_465 : memref<8x128xf32, #tpu.memory_space<vmem>>[vector<16xi32>, vector<16xi32>], vector<16xf32>,
          %add3A_468 = vector.broadcast %mul3A_370 : i32 to vector<16xi32>
          %add3A_469 = arith.addi %add3A_468, %and3A_77 : vector<16xi32>
          %gather3A_470 = arith.constant 0 : i32
          %gather3A_471 = tpu.memref_slice %arg5[%add3A_371, %gather3A_470] : memref<128x128xf32, #tpu.memory_space<vmem>> -> memref<16x128xf32, #tpu.memory_space<vmem>>
          %gather3A_472 = tpu.vector_load_idx %gather3A_471[%iota3A, %add3A_469] : memref<16x128xf32, #tpu.memory_space<vmem>>[vector<16xi32>, vector<16xi32>], vector<16xf32>,
          %scatter3A_473 = arith.constant 0 : i32
          %scatter3A_474 = tpu.memref_slice %arg6[%add3A_392, %scatter3A_473] : memref<128x128xf32, #tpu.memory_space<vmem>> -> memref<8x128xf32, #tpu.memory_space<vmem>>
          tpu.vector_store_idx %scatter3A_474[%shift_right_arithmetic3A_136, %add3A_354], %gather3A_472 : memref<8x128xf32, #tpu.memory_space<vmem>>[vector<16xi32>, vector<16xi32>], vector<16xf32>,
          %add3A_475 = vector.broadcast %mul3A_370 : i32 to vector<16xi32>
          %add3A_476 = arith.addi %add3A_475, %and3A_83 : vector<16xi32>
          %gather3A_477 = arith.constant 0 : i32
          %gather3A_478 = tpu.memref_slice %arg5[%add3A_371, %gather3A_477] : memref<128x128xf32, #tpu.memory_space<vmem>> -> memref<16x128xf32, #tpu.memory_space<vmem>>
          %gather3A_479 = tpu.vector_load_idx %gather3A_478[%iota3A, %add3A_476] : memref<16x128xf32, #tpu.memory_space<vmem>>[vector<16xi32>, vector<16xi32>], vector<16xf32>,
          %scatter3A_480 = arith.constant 0 : i32
          %scatter3A_481 = tpu.memref_slice %arg6[%add3A_392, %scatter3A_480] : memref<128x128xf32, #tpu.memory_space<vmem>> -> memref<8x128xf32, #tpu.memory_space<vmem>>
          tpu.vector_store_idx %scatter3A_481[%shift_right_arithmetic3A_139, %add3A_356], %gather3A_479 : memref<8x128xf32, #tpu.memory_space<vmem>>[vector<16xi32>, vector<16xi32>], vector<16xf32>,
          %add3A_482 = vector.broadcast %mul3A_370 : i32 to vector<16xi32>
          %add3A_483 = arith.addi %add3A_482, %and3A_89 : vector<16xi32>
          %gather3A_484 = arith.constant 0 : i32
          %gather3A_485 = tpu.memref_slice %arg5[%add3A_371, %gather3A_484] : memref<128x128xf32, #tpu.memory_space<vmem>> -> memref<16x128xf32, #tpu.memory_space<vmem>>
          %gather3A_486 = tpu.vector_load_idx %gather3A_485[%iota3A, %add3A_483] : memref<16x128xf32, #tpu.memory_space<vmem>>[vector<16xi32>, vector<16xi32>], vector<16xf32>,
          %scatter3A_487 = arith.constant 0 : i32
          %scatter3A_488 = tpu.memref_slice %arg6[%add3A_392, %scatter3A_487] : memref<128x128xf32, #tpu.memory_space<vmem>> -> memref<8x128xf32, #tpu.memory_space<vmem>>
          tpu.vector_store_idx %scatter3A_488[%shift_right_arithmetic3A_142, %add3A_358], %gather3A_486 : memref<8x128xf32, #tpu.memory_space<vmem>>[vector<16xi32>, vector<16xi32>], vector<16xf32>,
          %add3A_489 = vector.broadcast %mul3A_370 : i32 to vector<16xi32>
          %add3A_490 = arith.addi %add3A_489, %and3A_95 : vector<16xi32>
          %gather3A_491 = arith.constant 0 : i32
          %gather3A_492 = tpu.memref_slice %arg5[%add3A_371, %gather3A_491] : memref<128x128xf32, #tpu.memory_space<vmem>> -> memref<16x128xf32, #tpu.memory_space<vmem>>
          %gather3A_493 = tpu.vector_load_idx %gather3A_492[%iota3A, %add3A_490] : memref<16x128xf32, #tpu.memory_space<vmem>>[vector<16xi32>, vector<16xi32>], vector<16xf32>,
          %scatter3A_494 = arith.constant 0 : i32
          %scatter3A_495 = tpu.memref_slice %arg6[%add3A_392, %scatter3A_494] : memref<128x128xf32, #tpu.memory_space<vmem>> -> memref<8x128xf32, #tpu.memory_space<vmem>>
          tpu.vector_store_idx %scatter3A_495[%shift_right_arithmetic3A_145, %add3A_360], %gather3A_493 : memref<8x128xf32, #tpu.memory_space<vmem>>[vector<16xi32>, vector<16xi32>], vector<16xf32>,
          %add3A_496 = vector.broadcast %mul3A_370 : i32 to vector<16xi32>
          %add3A_497 = arith.addi %add3A_496, %and3A_101 : vector<16xi32>
          %gather3A_498 = arith.constant 0 : i32
          %gather3A_499 = tpu.memref_slice %arg5[%add3A_371, %gather3A_498] : memref<128x128xf32, #tpu.memory_space<vmem>> -> memref<16x128xf32, #tpu.memory_space<vmem>>
          %gather3A_500 = tpu.vector_load_idx %gather3A_499[%iota3A, %add3A_497] : memref<16x128xf32, #tpu.memory_space<vmem>>[vector<16xi32>, vector<16xi32>], vector<16xf32>,
          %scatter3A_501 = arith.constant 0 : i32
          %scatter3A_502 = tpu.memref_slice %arg6[%add3A_392, %scatter3A_501] : memref<128x128xf32, #tpu.memory_space<vmem>> -> memref<8x128xf32, #tpu.memory_space<vmem>>
          tpu.vector_store_idx %scatter3A_502[%shift_right_arithmetic3A_148, %add3A_362], %gather3A_500 : memref<8x128xf32, #tpu.memory_space<vmem>>[vector<16xi32>, vector<16xi32>], vector<16xf32>,
          %scan3A_503 = arith.constant 1 : i32
          %scan3A_504 = arith.addi %scan3A_368, %scan3A_503 : i32
          %mul3A_505 = arith.constant 16 : i32
          %mul3A_506 = arith.muli %scan3A_504, %mul3A_505 : i32
          %add3A_507 = arith.addi %mul3A_288, %mul3A_330 : i32
          %jit3A_508 = arith.constant 2 : i32
          %div3A_509 = arith.divsi %mul3A_506, %jit3A_508 : i32
          %sign3A_510 = arith.constant 0 : i32
          %sign3A_511 = arith.cmpi sgt, %mul3A_506, %sign3A_510 : i32
          %sign3A_512 = arith.extui %sign3A_511 : i1 to i32
          %sign3A_513 = arith.constant 0 : i32
          %sign3A_514 = arith.cmpi slt, %mul3A_506, %sign3A_513 : i32
          %sign3A_515 = arith.extui %sign3A_514 : i1 to i32
          %sign3A_516 = arith.subi %sign3A_512, %sign3A_515 : i32
          %sign3A_517 = arith.constant 0 : i32
          %sign3A_518 = arith.cmpi sgt, %jit3A_508, %sign3A_517 : i32
          %sign3A_519 = arith.extui %sign3A_518 : i1 to i32
          %sign3A_520 = arith.constant 0 : i32
          %sign3A_521 = arith.cmpi slt, %jit3A_508, %sign3A_520 : i32
          %sign3A_522 = arith.extui %sign3A_521 : i1 to i32
          %sign3A_523 = arith.subi %sign3A_519, %sign3A_522 : i32
          %ne3A_524 = arith.cmpi ne, %sign3A_516, %sign3A_523 : i32
          %rem3A_525 = arith.remsi %mul3A_506, %jit3A_508 : i32
          %ne3A_526 = arith.constant 0 : i32
          %ne3A_527 = arith.cmpi ne, %rem3A_525, %ne3A_526 : i32
          %and3A_528 = arith.andi %ne3A_524, %ne3A_527 : i1
          %sub3A_529 = arith.constant 1 : i32
          %sub3A_530 = arith.subi %div3A_509, %sub3A_529 : i32
          %select_n3A_531 = arith.select %and3A_528, %sub3A_530, %div3A_509 : i32
          %add3A_532 = arith.addi %mul3A_288, %select_n3A_531 : i32
          %add3A_533 = vector.broadcast %mul3A_506 : i32 to vector<16xi32>
          %add3A_534 = arith.addi %add3A_533, %and3A_11 : vector<16xi32>
          %gather3A_535 = arith.constant 0 : i32
          %gather3A_536 = tpu.memref_slice %arg5[%add3A_507, %gather3A_535] : memref<128x128xf32, #tpu.memory_space<vmem>> -> memref<16x128xf32, #tpu.memory_space<vmem>>
          %gather3A_537 = tpu.vector_load_idx %gather3A_536[%iota3A, %add3A_534] : memref<16x128xf32, #tpu.memory_space<vmem>>[vector<16xi32>, vector<16xi32>], vector<16xf32>,
          %scatter3A_538 = arith.constant 0 : i32
          %scatter3A_539 = tpu.memref_slice %arg6[%add3A_532, %scatter3A_538] : memref<128x128xf32, #tpu.memory_space<vmem>> -> memref<8x128xf32, #tpu.memory_space<vmem>>
          tpu.vector_store_idx %scatter3A_539[%shift_right_arithmetic3A_103, %add3A_332], %gather3A_537 : memref<8x128xf32, #tpu.memory_space<vmem>>[vector<16xi32>, vector<16xi32>], vector<16xf32>,
          %add3A_540 = vector.broadcast %mul3A_506 : i32 to vector<16xi32>
          %add3A_541 = arith.addi %add3A_540, %and3A_17 : vector<16xi32>
          %gather3A_542 = arith.constant 0 : i32
          %gather3A_543 = tpu.memref_slice %arg5[%add3A_507, %gather3A_542] : memref<128x128xf32, #tpu.memory_space<vmem>> -> memref<16x128xf32, #tpu.memory_space<vmem>>
          %gather3A_544 = tpu.vector_load_idx %gather3A_543[%iota3A, %add3A_541] : memref<16x128xf32, #tpu.memory_space<vmem>>[vector<16xi32>, vector<16xi32>], vector<16xf32>,
          %scatter3A_545 = arith.constant 0 : i32
          %scatter3A_546 = tpu.memref_slice %arg6[%add3A_532, %scatter3A_545] : memref<128x128xf32, #tpu.memory_space<vmem>> -> memref<8x128xf32, #tpu.memory_space<vmem>>
          tpu.vector_store_idx %scatter3A_546[%shift_right_arithmetic3A_106, %add3A_334], %gather3A_544 : memref<8x128xf32, #tpu.memory_space<vmem>>[vector<16xi32>, vector<16xi32>], vector<16xf32>,
          %add3A_547 = vector.broadcast %mul3A_506 : i32 to vector<16xi32>
          %add3A_548 = arith.addi %add3A_547, %and3A_23 : vector<16xi32>
          %gather3A_549 = arith.constant 0 : i32
          %gather3A_550 = tpu.memref_slice %arg5[%add3A_507, %gather3A_549] : memref<128x128xf32, #tpu.memory_space<vmem>> -> memref<16x128xf32, #tpu.memory_space<vmem>>
          %gather3A_551 = tpu.vector_load_idx %gather3A_550[%iota3A, %add3A_548] : memref<16x128xf32, #tpu.memory_space<vmem>>[vector<16xi32>, vector<16xi32>], vector<16xf32>,
          %scatter3A_552 = arith.constant 0 : i32
          %scatter3A_553 = tpu.memref_slice %arg6[%add3A_532, %scatter3A_552] : memref<128x128xf32, #tpu.memory_space<vmem>> -> memref<8x128xf32, #tpu.memory_space<vmem>>
          tpu.vector_store_idx %scatter3A_553[%shift_right_arithmetic3A_109, %add3A_336], %gather3A_551 : memref<8x128xf32, #tpu.memory_space<vmem>>[vector<16xi32>, vector<16xi32>], vector<16xf32>,
          %add3A_554 = vector.broadcast %mul3A_506 : i32 to vector<16xi32>
          %add3A_555 = arith.addi %add3A_554, %and3A_29 : vector<16xi32>
          %gather3A_556 = arith.constant 0 : i32
          %gather3A_557 = tpu.memref_slice %arg5[%add3A_507, %gather3A_556] : memref<128x128xf32, #tpu.memory_space<vmem>> -> memref<16x128xf32, #tpu.memory_space<vmem>>
          %gather3A_558 = tpu.vector_load_idx %gather3A_557[%iota3A, %add3A_555] : memref<16x128xf32, #tpu.memory_space<vmem>>[vector<16xi32>, vector<16xi32>], vector<16xf32>,
          %scatter3A_559 = arith.constant 0 : i32
          %scatter3A_560 = tpu.memref_slice %arg6[%add3A_532, %scatter3A_559] : memref<128x128xf32, #tpu.memory_space<vmem>> -> memref<8x128xf32, #tpu.memory_space<vmem>>
          tpu.vector_store_idx %scatter3A_560[%shift_right_arithmetic3A_112, %add3A_338], %gather3A_558 : memref<8x128xf32, #tpu.memory_space<vmem>>[vector<16xi32>, vector<16xi32>], vector<16xf32>,
          %add3A_561 = vector.broadcast %mul3A_506 : i32 to vector<16xi32>
          %add3A_562 = arith.addi %add3A_561, %and3A_35 : vector<16xi32>
          %gather3A_563 = arith.constant 0 : i32
          %gather3A_564 = tpu.memref_slice %arg5[%add3A_507, %gather3A_563] : memref<128x128xf32, #tpu.memory_space<vmem>> -> memref<16x128xf32, #tpu.memory_space<vmem>>
          %gather3A_565 = tpu.vector_load_idx %gather3A_564[%iota3A, %add3A_562] : memref<16x128xf32, #tpu.memory_space<vmem>>[vector<16xi32>, vector<16xi32>], vector<16xf32>,
          %scatter3A_566 = arith.constant 0 : i32
          %scatter3A_567 = tpu.memref_slice %arg6[%add3A_532, %scatter3A_566] : memref<128x128xf32, #tpu.memory_space<vmem>> -> memref<8x128xf32, #tpu.memory_space<vmem>>
          tpu.vector_store_idx %scatter3A_567[%shift_right_arithmetic3A_115, %add3A_340], %gather3A_565 : memref<8x128xf32, #tpu.memory_space<vmem>>[vector<16xi32>, vector<16xi32>], vector<16xf32>,
          %add3A_568 = vector.broadcast %mul3A_506 : i32 to vector<16xi32>
          %add3A_569 = arith.addi %add3A_568, %and3A_41 : vector<16xi32>
          %gather3A_570 = arith.constant 0 : i32
          %gather3A_571 = tpu.memref_slice %arg5[%add3A_507, %gather3A_570] : memref<128x128xf32, #tpu.memory_space<vmem>> -> memref<16x128xf32, #tpu.memory_space<vmem>>
          %gather3A_572 = tpu.vector_load_idx %gather3A_571[%iota3A, %add3A_569] : memref<16x128xf32, #tpu.memory_space<vmem>>[vector<16xi32>, vector<16xi32>], vector<16xf32>,
          %scatter3A_573 = arith.constant 0 : i32
          %scatter3A_574 = tpu.memref_slice %arg6[%add3A_532, %scatter3A_573] : memref<128x128xf32, #tpu.memory_space<vmem>> -> memref<8x128xf32, #tpu.memory_space<vmem>>
          tpu.vector_store_idx %scatter3A_574[%shift_right_arithmetic3A_118, %add3A_342], %gather3A_572 : memref<8x128xf32, #tpu.memory_space<vmem>>[vector<16xi32>, vector<16xi32>], vector<16xf32>,
          %add3A_575 = vector.broadcast %mul3A_506 : i32 to vector<16xi32>
          %add3A_576 = arith.addi %add3A_575, %and3A_47 : vector<16xi32>
          %gather3A_577 = arith.constant 0 : i32
          %gather3A_578 = tpu.memref_slice %arg5[%add3A_507, %gather3A_577] : memref<128x128xf32, #tpu.memory_space<vmem>> -> memref<16x128xf32, #tpu.memory_space<vmem>>
          %gather3A_579 = tpu.vector_load_idx %gather3A_578[%iota3A, %add3A_576] : memref<16x128xf32, #tpu.memory_space<vmem>>[vector<16xi32>, vector<16xi32>], vector<16xf32>,
          %scatter3A_580 = arith.constant 0 : i32
          %scatter3A_581 = tpu.memref_slice %arg6[%add3A_532, %scatter3A_580] : memref<128x128xf32, #tpu.memory_space<vmem>> -> memref<8x128xf32, #tpu.memory_space<vmem>>
          tpu.vector_store_idx %scatter3A_581[%shift_right_arithmetic3A_121, %add3A_344], %gather3A_579 : memref<8x128xf32, #tpu.memory_space<vmem>>[vector<16xi32>, vector<16xi32>], vector<16xf32>,
          %add3A_582 = vector.broadcast %mul3A_506 : i32 to vector<16xi32>
          %add3A_583 = arith.addi %add3A_582, %and3A_53 : vector<16xi32>
          %gather3A_584 = arith.constant 0 : i32
          %gather3A_585 = tpu.memref_slice %arg5[%add3A_507, %gather3A_584] : memref<128x128xf32, #tpu.memory_space<vmem>> -> memref<16x128xf32, #tpu.memory_space<vmem>>
          %gather3A_586 = tpu.vector_load_idx %gather3A_585[%iota3A, %add3A_583] : memref<16x128xf32, #tpu.memory_space<vmem>>[vector<16xi32>, vector<16xi32>], vector<16xf32>,
          %scatter3A_587 = arith.constant 0 : i32
          %scatter3A_588 = tpu.memref_slice %arg6[%add3A_532, %scatter3A_587] : memref<128x128xf32, #tpu.memory_space<vmem>> -> memref<8x128xf32, #tpu.memory_space<vmem>>
          tpu.vector_store_idx %scatter3A_588[%shift_right_arithmetic3A_124, %add3A_346], %gather3A_586 : memref<8x128xf32, #tpu.memory_space<vmem>>[vector<16xi32>, vector<16xi32>], vector<16xf32>,
          %add3A_589 = vector.broadcast %mul3A_506 : i32 to vector<16xi32>
          %add3A_590 = arith.addi %add3A_589, %and3A_59 : vector<16xi32>
          %gather3A_591 = arith.constant 0 : i32
          %gather3A_592 = tpu.memref_slice %arg5[%add3A_507, %gather3A_591] : memref<128x128xf32, #tpu.memory_space<vmem>> -> memref<16x128xf32, #tpu.memory_space<vmem>>
          %gather3A_593 = tpu.vector_load_idx %gather3A_592[%iota3A, %add3A_590] : memref<16x128xf32, #tpu.memory_space<vmem>>[vector<16xi32>, vector<16xi32>], vector<16xf32>,
          %scatter3A_594 = arith.constant 0 : i32
          %scatter3A_595 = tpu.memref_slice %arg6[%add3A_532, %scatter3A_594] : memref<128x128xf32, #tpu.memory_space<vmem>> -> memref<8x128xf32, #tpu.memory_space<vmem>>
          tpu.vector_store_idx %scatter3A_595[%shift_right_arithmetic3A_127, %add3A_348], %gather3A_593 : memref<8x128xf32, #tpu.memory_space<vmem>>[vector<16xi32>, vector<16xi32>], vector<16xf32>,
          %add3A_596 = vector.broadcast %mul3A_506 : i32 to vector<16xi32>
          %add3A_597 = arith.addi %add3A_596, %and3A_65 : vector<16xi32>
          %gather3A_598 = arith.constant 0 : i32
          %gather3A_599 = tpu.memref_slice %arg5[%add3A_507, %gather3A_598] : memref<128x128xf32, #tpu.memory_space<vmem>> -> memref<16x128xf32, #tpu.memory_space<vmem>>
          %gather3A_600 = tpu.vector_load_idx %gather3A_599[%iota3A, %add3A_597] : memref<16x128xf32, #tpu.memory_space<vmem>>[vector<16xi32>, vector<16xi32>], vector<16xf32>,
          %scatter3A_601 = arith.constant 0 : i32
          %scatter3A_602 = tpu.memref_slice %arg6[%add3A_532, %scatter3A_601] : memref<128x128xf32, #tpu.memory_space<vmem>> -> memref<8x128xf32, #tpu.memory_space<vmem>>
          tpu.vector_store_idx %scatter3A_602[%shift_right_arithmetic3A_130, %add3A_350], %gather3A_600 : memref<8x128xf32, #tpu.memory_space<vmem>>[vector<16xi32>, vector<16xi32>], vector<16xf32>,
          %add3A_603 = vector.broadcast %mul3A_506 : i32 to vector<16xi32>
          %add3A_604 = arith.addi %add3A_603, %and3A_71 : vector<16xi32>
          %gather3A_605 = arith.constant 0 : i32
          %gather3A_606 = tpu.memref_slice %arg5[%add3A_507, %gather3A_605] : memref<128x128xf32, #tpu.memory_space<vmem>> -> memref<16x128xf32, #tpu.memory_space<vmem>>
          %gather3A_607 = tpu.vector_load_idx %gather3A_606[%iota3A, %add3A_604] : memref<16x128xf32, #tpu.memory_space<vmem>>[vector<16xi32>, vector<16xi32>], vector<16xf32>,
          %scatter3A_608 = arith.constant 0 : i32
          %scatter3A_609 = tpu.memref_slice %arg6[%add3A_532, %scatter3A_608] : memref<128x128xf32, #tpu.memory_space<vmem>> -> memref<8x128xf32, #tpu.memory_space<vmem>>
          tpu.vector_store_idx %scatter3A_609[%shift_right_arithmetic3A_133, %add3A_352], %gather3A_607 : memref<8x128xf32, #tpu.memory_space<vmem>>[vector<16xi32>, vector<16xi32>], vector<16xf32>,
          %add3A_610 = vector.broadcast %mul3A_506 : i32 to vector<16xi32>
          %add3A_611 = arith.addi %add3A_610, %and3A_77 : vector<16xi32>
          %gather3A_612 = arith.constant 0 : i32
          %gather3A_613 = tpu.memref_slice %arg5[%add3A_507, %gather3A_612] : memref<128x128xf32, #tpu.memory_space<vmem>> -> memref<16x128xf32, #tpu.memory_space<vmem>>
          %gather3A_614 = tpu.vector_load_idx %gather3A_613[%iota3A, %add3A_611] : memref<16x128xf32, #tpu.memory_space<vmem>>[vector<16xi32>, vector<16xi32>], vector<16xf32>,
          %scatter3A_615 = arith.constant 0 : i32
          %scatter3A_616 = tpu.memref_slice %arg6[%add3A_532, %scatter3A_615] : memref<128x128xf32, #tpu.memory_space<vmem>> -> memref<8x128xf32, #tpu.memory_space<vmem>>
          tpu.vector_store_idx %scatter3A_616[%shift_right_arithmetic3A_136, %add3A_354], %gather3A_614 : memref<8x128xf32, #tpu.memory_space<vmem>>[vector<16xi32>, vector<16xi32>], vector<16xf32>,
          %add3A_617 = vector.broadcast %mul3A_506 : i32 to vector<16xi32>
          %add3A_618 = arith.addi %add3A_617, %and3A_83 : vector<16xi32>
          %gather3A_619 = arith.constant 0 : i32
          %gather3A_620 = tpu.memref_slice %arg5[%add3A_507, %gather3A_619] : memref<128x128xf32, #tpu.memory_space<vmem>> -> memref<16x128xf32, #tpu.memory_space<vmem>>
          %gather3A_621 = tpu.vector_load_idx %gather3A_620[%iota3A, %add3A_618] : memref<16x128xf32, #tpu.memory_space<vmem>>[vector<16xi32>, vector<16xi32>], vector<16xf32>,
          %scatter3A_622 = arith.constant 0 : i32
          %scatter3A_623 = tpu.memref_slice %arg6[%add3A_532, %scatter3A_622] : memref<128x128xf32, #tpu.memory_space<vmem>> -> memref<8x128xf32, #tpu.memory_space<vmem>>
          tpu.vector_store_idx %scatter3A_623[%shift_right_arithmetic3A_139, %add3A_356], %gather3A_621 : memref<8x128xf32, #tpu.memory_space<vmem>>[vector<16xi32>, vector<16xi32>], vector<16xf32>,
          %add3A_624 = vector.broadcast %mul3A_506 : i32 to vector<16xi32>
          %add3A_625 = arith.addi %add3A_624, %and3A_89 : vector<16xi32>
          %gather3A_626 = arith.constant 0 : i32
          %gather3A_627 = tpu.memref_slice %arg5[%add3A_507, %gather3A_626] : memref<128x128xf32, #tpu.memory_space<vmem>> -> memref<16x128xf32, #tpu.memory_space<vmem>>
          %gather3A_628 = tpu.vector_load_idx %gather3A_627[%iota3A, %add3A_625] : memref<16x128xf32, #tpu.memory_space<vmem>>[vector<16xi32>, vector<16xi32>], vector<16xf32>,
          %scatter3A_629 = arith.constant 0 : i32
          %scatter3A_630 = tpu.memref_slice %arg6[%add3A_532, %scatter3A_629] : memref<128x128xf32, #tpu.memory_space<vmem>> -> memref<8x128xf32, #tpu.memory_space<vmem>>
          tpu.vector_store_idx %scatter3A_630[%shift_right_arithmetic3A_142, %add3A_358], %gather3A_628 : memref<8x128xf32, #tpu.memory_space<vmem>>[vector<16xi32>, vector<16xi32>], vector<16xf32>,
          %add3A_631 = vector.broadcast %mul3A_506 : i32 to vector<16xi32>
          %add3A_632 = arith.addi %add3A_631, %and3A_95 : vector<16xi32>
          %gather3A_633 = arith.constant 0 : i32
          %gather3A_634 = tpu.memref_slice %arg5[%add3A_507, %gather3A_633] : memref<128x128xf32, #tpu.memory_space<vmem>> -> memref<16x128xf32, #tpu.memory_space<vmem>>
          %gather3A_635 = tpu.vector_load_idx %gather3A_634[%iota3A, %add3A_632] : memref<16x128xf32, #tpu.memory_space<vmem>>[vector<16xi32>, vector<16xi32>], vector<16xf32>,
          %scatter3A_636 = arith.constant 0 : i32
          %scatter3A_637 = tpu.memref_slice %arg6[%add3A_532, %scatter3A_636] : memref<128x128xf32, #tpu.memory_space<vmem>> -> memref<8x128xf32, #tpu.memory_space<vmem>>
          tpu.vector_store_idx %scatter3A_637[%shift_right_arithmetic3A_145, %add3A_360], %gather3A_635 : memref<8x128xf32, #tpu.memory_space<vmem>>[vector<16xi32>, vector<16xi32>], vector<16xf32>,
          %add3A_638 = vector.broadcast %mul3A_506 : i32 to vector<16xi32>
          %add3A_639 = arith.addi %add3A_638, %and3A_101 : vector<16xi32>
          %gather3A_640 = arith.constant 0 : i32
          %gather3A_641 = tpu.memref_slice %arg5[%add3A_507, %gather3A_640] : memref<128x128xf32, #tpu.memory_space<vmem>> -> memref<16x128xf32, #tpu.memory_space<vmem>>
          %gather3A_642 = tpu.vector_load_idx %gather3A_641[%iota3A, %add3A_639] : memref<16x128xf32, #tpu.memory_space<vmem>>[vector<16xi32>, vector<16xi32>], vector<16xf32>,
          %scatter3A_643 = arith.constant 0 : i32
          %scatter3A_644 = tpu.memref_slice %arg6[%add3A_532, %scatter3A_643] : memref<128x128xf32, #tpu.memory_space<vmem>> -> memref<8x128xf32, #tpu.memory_space<vmem>>
          tpu.vector_store_idx %scatter3A_644[%shift_right_arithmetic3A_148, %add3A_362], %gather3A_642 : memref<8x128xf32, #tpu.memory_space<vmem>>[vector<16xi32>, vector<16xi32>], vector<16xf32>,
        }
        %scan3A_367 = arith.constant 8 : i32
      }
      %scan3A_315 = arith.constant 4 : i32
      %mul3A_316 = arith.constant 64 : i32
      %mul3A_317 = arith.muli %rem3A_286, %mul3A_316 : i32
      %add3A_318 = arith.addi %add3A_6, %while3A_285 : i32
      %mul3A_319 = arith.constant 64 : i32
      %mul3A_320 = arith.muli %add3A_318, %mul3A_319 : i32
      %dma_start3A = arith.constant 0 : i32
      %dma_start3A_321 = tpu.memref_slice %arg6[%mul3A_317, %dma_start3A] : memref<128x128xf32, #tpu.memory_space<vmem>> -> memref<64x128xf32, #tpu.memory_space<vmem>>
      %dma_start3A_322 = arith.constant 0 : i32
      %dma_start3A_323 = tpu.memref_slice %arg4[%mul3A_320, %dma_start3A_322] : memref<500000x128xf32, #tpu.memory_space<hbm>> -> memref<64x128xf32, #tpu.memory_space<hbm>>
      %dma_start3A_324 = arith.constant 0 : i32
      %dma_start3A_325 = tpu.memref_slice %arg4[%mul3A_320, %dma_start3A_324] : memref<500000x128xf32, #tpu.memory_space<hbm>> -> memref<64x128xf32, #tpu.memory_space<hbm>>
      %dma_start3A_326 = arith.constant 0 : i32
      %dma_start3A_327 = tpu.memref_slice %arg6[%mul3A_317, %dma_start3A_326] : memref<128x128xf32, #tpu.memory_space<vmem>> -> memref<64x128xf32, #tpu.memory_space<vmem>>
      tpu.enqueue_dma source(%dma_start3A_327 : memref<64x128xf32, #tpu.memory_space<vmem>>) target(%dma_start3A_325 : memref<64x128xf32, #tpu.memory_space<hbm>>) target_semaphore(%arg8 : memref<!tpu.dma_semaphore, #tpu.memory_space<semaphore_mem>>)
    }
    %ge3A = arith.constant 2 : i32
    %ge3A_272 = arith.cmpi sge, %select_n3A, %ge3A : i32
    %convert_element_type3A_273 = arith.extui %ge3A_272 : i1 to i32
    %cond3A_274 = arith.constant 0 : i32
    %cond3A_275 = arith.cmpi ne, %convert_element_type3A_273, %cond3A_274 : i32
    scf.if %cond3A_275 {
      %rem3A = arith.constant 2 : i32
      %rem3A_285 = arith.remsi %select_n3A, %rem3A : i32
      %mul3A_286 = arith.constant 64 : i32
      %mul3A_287 = arith.muli %rem3A_285, %mul3A_286 : i32
      %dma_wait3A = arith.constant 0 : i32
      %dma_wait3A_288 = tpu.memref_slice %arg6[%mul3A_287, %dma_wait3A] : memref<128x128xf32, #tpu.memory_space<vmem>> -> memref<64x128xf32, #tpu.memory_space<vmem>>
      %dma_wait3A_289 = arith.constant 0 : i32
      %dma_wait3A_290 = arith.constant 0 : i32
      %dma_wait3A_291 = tpu.memref_slice %arg4[%dma_wait3A_289, %dma_wait3A_290] : memref<500000x128xf32, #tpu.memory_space<hbm>> -> memref<64x128xf32, #tpu.memory_space<hbm>>
      %dma_wait3A_292 = arith.constant 0 : i32
      %dma_wait3A_293 = arith.constant 0 : i32
      %dma_wait3A_294 = tpu.memref_slice %arg4[%dma_wait3A_292, %dma_wait3A_293] : memref<500000x128xf32, #tpu.memory_space<hbm>> -> memref<64x128xf32, #tpu.memory_space<hbm>>
      %dma_wait3A_295 = arith.constant 0 : i32
      %dma_wait3A_296 = tpu.memref_slice %arg6[%mul3A_287, %dma_wait3A_295] : memref<128x128xf32, #tpu.memory_space<vmem>> -> memref<64x128xf32, #tpu.memory_space<vmem>>
      tpu.wait_dma2 semaphore(%arg8 : memref<!tpu.dma_semaphore, #tpu.memory_space<semaphore_mem>>) src(%dma_wait3A_296 : memref<64x128xf32, #tpu.memory_space<vmem>>) dst(%dma_wait3A_294 : memref<64x128xf32, #tpu.memory_space<hbm>>)
    } else {
    }
    %ge3A_276 = arith.constant 1 : i32
    %ge3A_277 = arith.cmpi sge, %select_n3A, %ge3A_276 : i32
    %convert_element_type3A_278 = arith.extui %ge3A_277 : i1 to i32
    %cond3A_279 = arith.constant 0 : i32
    %cond3A_280 = arith.cmpi ne, %convert_element_type3A_278, %cond3A_279 : i32
    scf.if %cond3A_280 {
      %add3A_285 = arith.constant 1 : i32
      %add3A_286 = arith.addi %select_n3A, %add3A_285 : i32
      %rem3A = arith.constant 2 : i32
      %rem3A_287 = arith.remsi %add3A_286, %rem3A : i32
      %mul3A_288 = arith.constant 64 : i32
      %mul3A_289 = arith.muli %rem3A_287, %mul3A_288 : i32
      %dma_wait3A = arith.constant 0 : i32
      %dma_wait3A_290 = tpu.memref_slice %arg6[%mul3A_289, %dma_wait3A] : memref<128x128xf32, #tpu.memory_space<vmem>> -> memref<64x128xf32, #tpu.memory_space<vmem>>
      %dma_wait3A_291 = arith.constant 0 : i32
      %dma_wait3A_292 = arith.constant 0 : i32
      %dma_wait3A_293 = tpu.memref_slice %arg4[%dma_wait3A_291, %dma_wait3A_292] : memref<500000x128xf32, #tpu.memory_space<hbm>> -> memref<64x128xf32, #tpu.memory_space<hbm>>
      %dma_wait3A_294 = arith.constant 0 : i32
      %dma_wait3A_295 = arith.constant 0 : i32
      %dma_wait3A_296 = tpu.memref_slice %arg4[%dma_wait3A_294, %dma_wait3A_295] : memref<500000x128xf32, #tpu.memory_space<hbm>> -> memref<64x128xf32, #tpu.memory_space<hbm>>
      %dma_wait3A_297 = arith.constant 0 : i32
      %dma_wait3A_298 = tpu.memref_slice %arg6[%mul3A_289, %dma_wait3A_297] : memref<128x128xf32, #tpu.memory_space<vmem>> -> memref<64x128xf32, #tpu.memory_space<vmem>>
      tpu.wait_dma2 semaphore(%arg8 : memref<!tpu.dma_semaphore, #tpu.memory_space<semaphore_mem>>) src(%dma_wait3A_298 : memref<64x128xf32, #tpu.memory_space<vmem>>) dst(%dma_wait3A_296 : memref<64x128xf32, #tpu.memory_space<hbm>>)
    } else {
    }
    %eq3A = arith.constant 31 : i32
    %eq3A_281 = arith.cmpi eq, %add3A, %eq3A : i32
    %convert_element_type3A_282 = arith.extui %eq3A_281 : i1 to i32
    %cond3A_283 = arith.constant 0 : i32
    %cond3A_284 = arith.cmpi ne, %convert_element_type3A_282, %cond3A_283 : i32
    scf.if %cond3A_284 {
      "tpu.region"() ({
        %run_scoped3A = tpu.sem_alloc : memref<!tpu.dma_semaphore, #tpu.memory_space<semaphore_mem>>
        %dma_start3A = arith.constant 0 : i32
        %dma_start3A_290 = arith.constant 0 : i32
        %dma_start3A_291 = tpu.memref_slice %arg5[%dma_start3A, %dma_start3A_290] : memref<128x128xf32, #tpu.memory_space<vmem>> -> memref<64x128xf32, #tpu.memory_space<vmem>>
        %dma_start3A_292 = arith.constant 0 : i32
        %dma_start3A_293 = arith.constant 0 : i32
        %dma_start3A_294 = tpu.memref_slice %arg5[%dma_start3A_292, %dma_start3A_293] : memref<128x128xf32, #tpu.memory_space<vmem>> -> memref<64x128xf32, #tpu.memory_space<vmem>>
        tpu.enqueue_dma source(%arg3 : memref<64x128xf32, #tpu.memory_space<hbm>>) target(%dma_start3A_294 : memref<64x128xf32, #tpu.memory_space<vmem>>) target_semaphore(%run_scoped3A : memref<!tpu.dma_semaphore, #tpu.memory_space<semaphore_mem>>)
        %dma_wait3A = arith.constant 0 : i32
        %dma_wait3A_295 = arith.constant 0 : i32
        %dma_wait3A_296 = tpu.memref_slice %arg5[%dma_wait3A, %dma_wait3A_295] : memref<128x128xf32, #tpu.memory_space<vmem>> -> memref<64x128xf32, #tpu.memory_space<vmem>>
        %dma_wait3A_297 = arith.constant 0 : i32
        %dma_wait3A_298 = arith.constant 0 : i32
        %dma_wait3A_299 = tpu.memref_slice %arg5[%dma_wait3A_297, %dma_wait3A_298] : memref<128x128xf32, #tpu.memory_space<vmem>> -> memref<64x128xf32, #tpu.memory_space<vmem>>
        tpu.wait_dma2 semaphore(%run_scoped3A : memref<!tpu.dma_semaphore, #tpu.memory_space<semaphore_mem>>) src(%arg3 : memref<64x128xf32, #tpu.memory_space<hbm>>) dst(%dma_wait3A_299 : memref<64x128xf32, #tpu.memory_space<vmem>>)
        tpu.yield
      }) : () -> ()
      %scan3A = arith.constant 0 : i32
      %scan3A_285 = arith.constant 0 : i32
      %scan3A_286 = arith.constant 64 : i32
      %scan3A_287 = arith.addi %scan3A_285, %scan3A_286 : i32
      %scan3A_288 = arith.constant 1 : i32
      scf.for %scan3A_290 = %scan3A_285 to %scan3A_287 step %scan3A_288  : i32 {
        %rem3A = arith.constant 2 : i32
        %rem3A_291 = arith.remsi %scan3A_290, %rem3A : i32
        %mul3A_292 = arith.constant 64 : i32
        %mul3A_293 = arith.muli %rem3A_291, %mul3A_292 : i32
        %get3A = arith.index_cast %scan3A_290 : i32 to index
        %get3A_294 = arith.constant 0 : index
        %get3A_295 = tpu.vector_load %arg5[%get3A, %get3A_294] {strides = array<i32>} : memref<128x128xf32, #tpu.memory_space<vmem>>, vector<16xf32>,
        %div3A = arith.constant 2 : i32
        %div3A_296 = arith.divsi %scan3A_290, %div3A : i32
        %add3A_297 = arith.constant 0 : i32
        %add3A_298 = arith.addi %mul3A_293, %add3A_297 : i32
        %swap3A = arith.index_cast %div3A_296 : i32 to index
        %swap3A_299 = arith.index_cast %add3A_298 : i32 to index
        %swap3A_300 = tpu.vector_load %arg6[%swap3A, %swap3A_299] {strides = array<i32>} : memref<128x128xf32, #tpu.memory_space<vmem>>, vector<16xf32>,
        tpu.vector_store %arg6[%swap3A, %swap3A_299], %get3A_295 {strides = array<i32>} : memref<128x128xf32, #tpu.memory_space<vmem>>, vector<16xf32>,
        %get3A_301 = arith.index_cast %scan3A_290 : i32 to index
        %get3A_302 = arith.constant 16 : index
        %get3A_303 = tpu.vector_load %arg5[%get3A_301, %get3A_302] {strides = array<i32>} : memref<128x128xf32, #tpu.memory_space<vmem>>, vector<16xf32>,
        %div3A_304 = arith.constant 2 : i32
        %div3A_305 = arith.divsi %scan3A_290, %div3A_304 : i32
        %add3A_306 = arith.constant 16 : i32
        %add3A_307 = arith.addi %mul3A_293, %add3A_306 : i32
        %swap3A_308 = arith.index_cast %div3A_305 : i32 to index
        %swap3A_309 = arith.index_cast %add3A_307 : i32 to index
        %swap3A_310 = tpu.vector_load %arg6[%swap3A_308, %swap3A_309] {strides = array<i32>} : memref<128x128xf32, #tpu.memory_space<vmem>>, vector<16xf32>,
        tpu.vector_store %arg6[%swap3A_308, %swap3A_309], %get3A_303 {strides = array<i32>} : memref<128x128xf32, #tpu.memory_space<vmem>>, vector<16xf32>,
        %get3A_311 = arith.index_cast %scan3A_290 : i32 to index
        %get3A_312 = arith.constant 32 : index
        %get3A_313 = tpu.vector_load %arg5[%get3A_311, %get3A_312] {strides = array<i32>} : memref<128x128xf32, #tpu.memory_space<vmem>>, vector<16xf32>,
        %div3A_314 = arith.constant 2 : i32
        %div3A_315 = arith.divsi %scan3A_290, %div3A_314 : i32
        %add3A_316 = arith.constant 32 : i32
        %add3A_317 = arith.addi %mul3A_293, %add3A_316 : i32
        %swap3A_318 = arith.index_cast %div3A_315 : i32 to index
        %swap3A_319 = arith.index_cast %add3A_317 : i32 to index
        %swap3A_320 = tpu.vector_load %arg6[%swap3A_318, %swap3A_319] {strides = array<i32>} : memref<128x128xf32, #tpu.memory_space<vmem>>, vector<16xf32>,
        tpu.vector_store %arg6[%swap3A_318, %swap3A_319], %get3A_313 {strides = array<i32>} : memref<128x128xf32, #tpu.memory_space<vmem>>, vector<16xf32>,
        %get3A_321 = arith.index_cast %scan3A_290 : i32 to index
        %get3A_322 = arith.constant 48 : index
        %get3A_323 = tpu.vector_load %arg5[%get3A_321, %get3A_322] {strides = array<i32>} : memref<128x128xf32, #tpu.memory_space<vmem>>, vector<16xf32>,
        %div3A_324 = arith.constant 2 : i32
        %div3A_325 = arith.divsi %scan3A_290, %div3A_324 : i32
        %add3A_326 = arith.constant 48 : i32
        %add3A_327 = arith.addi %mul3A_293, %add3A_326 : i32
        %swap3A_328 = arith.index_cast %div3A_325 : i32 to index
        %swap3A_329 = arith.index_cast %add3A_327 : i32 to index
        %swap3A_330 = tpu.vector_load %arg6[%swap3A_328, %swap3A_329] {strides = array<i32>} : memref<128x128xf32, #tpu.memory_space<vmem>>, vector<16xf32>,
        tpu.vector_store %arg6[%swap3A_328, %swap3A_329], %get3A_323 {strides = array<i32>} : memref<128x128xf32, #tpu.memory_space<vmem>>, vector<16xf32>,
      }
      %scan3A_289 = arith.constant 64 : i32
      "tpu.region"() ({
        %run_scoped3A = tpu.sem_alloc : memref<!tpu.dma_semaphore, #tpu.memory_space<semaphore_mem>>
        %dma_start3A = arith.constant 0 : i32
        %dma_start3A_290 = arith.constant 0 : i32
        %dma_start3A_291 = tpu.memref_slice %arg6[%dma_start3A, %dma_start3A_290] : memref<128x128xf32, #tpu.memory_space<vmem>> -> memref<32x128xf32, #tpu.memory_space<vmem>>
        %dma_start3A_292 = arith.constant 499968 : i32
        %dma_start3A_293 = arith.constant 0 : i32
        %dma_start3A_294 = tpu.memref_slice %arg4[%dma_start3A_292, %dma_start3A_293] : memref<500000x128xf32, #tpu.memory_space<hbm>> -> memref<32x128xf32, #tpu.memory_space<hbm>>
        %dma_start3A_295 = arith.constant 499968 : i32
        %dma_start3A_296 = arith.constant 0 : i32
        %dma_start3A_297 = tpu.memref_slice %arg4[%dma_start3A_295, %dma_start3A_296] : memref<500000x128xf32, #tpu.memory_space<hbm>> -> memref<32x128xf32, #tpu.memory_space<hbm>>
        %dma_start3A_298 = arith.constant 0 : i32
        %dma_start3A_299 = arith.constant 0 : i32
        %dma_start3A_300 = tpu.memref_slice %arg6[%dma_start3A_298, %dma_start3A_299] : memref<128x128xf32, #tpu.memory_space<vmem>> -> memref<32x128xf32, #tpu.memory_space<vmem>>
        tpu.enqueue_dma source(%dma_start3A_300 : memref<32x128xf32, #tpu.memory_space<vmem>>) target(%dma_start3A_297 : memref<32x128xf32, #tpu.memory_space<hbm>>) target_semaphore(%run_scoped3A : memref<!tpu.dma_semaphore, #tpu.memory_space<semaphore_mem>>)
        %dma_wait3A = arith.constant 0 : i32
        %dma_wait3A_301 = arith.constant 0 : i32
        %dma_wait3A_302 = tpu.memref_slice %arg6[%dma_wait3A, %dma_wait3A_301] : memref<128x128xf32, #tpu.memory_space<vmem>> -> memref<32x128xf32, #tpu.memory_space<vmem>>
        %dma_wait3A_303 = arith.constant 499968 : i32
        %dma_wait3A_304 = arith.constant 0 : i32
        %dma_wait3A_305 = tpu.memref_slice %arg4[%dma_wait3A_303, %dma_wait3A_304] : memref<500000x128xf32, #tpu.memory_space<hbm>> -> memref<32x128xf32, #tpu.memory_space<hbm>>
        %dma_wait3A_306 = arith.constant 499968 : i32
        %dma_wait3A_307 = arith.constant 0 : i32
        %dma_wait3A_308 = tpu.memref_slice %arg4[%dma_wait3A_306, %dma_wait3A_307] : memref<500000x128xf32, #tpu.memory_space<hbm>> -> memref<32x128xf32, #tpu.memory_space<hbm>>
        %dma_wait3A_309 = arith.constant 0 : i32
        %dma_wait3A_310 = arith.constant 0 : i32
        %dma_wait3A_311 = tpu.memref_slice %arg6[%dma_wait3A_309, %dma_wait3A_310] : memref<128x128xf32, #tpu.memory_space<vmem>> -> memref<32x128xf32, #tpu.memory_space<vmem>>
        tpu.wait_dma2 semaphore(%run_scoped3A : memref<!tpu.dma_semaphore, #tpu.memory_space<semaphore_mem>>) src(%dma_wait3A_311 : memref<32x128xf32, #tpu.memory_space<vmem>>) dst(%dma_wait3A_308 : memref<32x128xf32, #tpu.memory_space<hbm>>)
        tpu.yield
      }) : () -> ()
    } else {
    }
    return
  }
}

</mosaic_0001>

<sc_bundles>
// kernel: kernel.4.cloned.1.call-start
scs
__scs_entry_jumppad:
0x0: {  	(pc) =	sbr.rel $0x88, $3  }
0x1: {  	(tag) =	ssettag $0x0;
	lr =	simm.s32 $0x1  }
0x2: {  	[smem:$0x3F9F] =	sst lr;
	_ =	strace $0xD0000000  }
0x3: {  	_ = 	snop  }
0x4: {  	_ = 	snop  }
0x5: {  	_ = 	snop  }
0x6: {  	_ = 	snop  }
0x7: {  	_ = 	snop  }
__scs_overlays_trampoline_lowered:
0x8: {  	[smem:$0x3FAE] =	sst s0  }
0x9: {  	[smem:$0x3FAF] =	sst s1  }
0xa: {  	[smem:$0x3FB0] =	sst s2  }
0xb: {  	[smem:$0x3FB1] =	sst s3  }
0xc: {  	[smem:$0x3FB2] =	sst s4  }
0xd: {  	[smem:$0x3FB3] =	sst s5  }
0xe: {  	[smem:$0x3FB4] =	sst s6  }
0xf: {  	[smem:$0x3FB5] =	sst s7  }
0x10: {  	[smem:$0x3FB6] =	sst s8  }
0x11: {  	[smem:$0x3FB7] =	sst s9;
	s0 =	simm.s32 @!p0 $0x0  }
0x12: {  	s1 =	sld [smem:$0x3F9D];
	s0 =	simm.s32 @p0 $0x1  }
0x13: {  	[smem:$0x3FB8] =	sst s0;
	s0 =	simm.s32 @!p1 $0x0  }
0x14: {  	s2 =	sld [smem:$0x3F9C];
	s0 =	simm.s32 @p1 $0x1  }
0x15: {  	[smem:$0x3FB9] =	sst s0;
	s0 =	simm.s32 @!p2 $0x0  }
0x16: {  	s3 =	sld [smem:$0x3FDB];
	s0 =	simm.s32 @p2 $0x1  }
0x17: {  	s4 =	simm.s32 $0x1BF5;
	[smem:$0x3FBB] =	sst s0  }
0x18: {  	s0 =	sld [smem:$0x3F9E];
	_ =	swait.ge [sflag:s4], $0x0  }
0x19: {  	s7 =	sld [smem:$0x3F9F]  }
0x1a: {  	s8 =	sadd.s32 $0xFFFFE003, lr  }
0x1b: {  	s9 =	sadd.s32 $0xFFFFFEF7, lr;
	s5 =	simm.s32 $0xFFFFFFFF;
	p2 =	slt.u32 s8, $0xFFFFF086  }
0x1c: {  	p1 =	slt.u32 s9, $0xF7A;
	s5 =	simm.s32 @!p2 $0x0  }
0x1d: {  	s5 =	simm.s32 @p1 $0x1;
	p0 =	seq.s32 s7, s2  }
0x1e: {  	s7 =	smul.u32 @!p0 $0xF7A, s2;
	p2 =	seq.s32 @!p0 s5, $0x0  }
0x1f: {  	s9 =	smul.u32 $0xF7A, s1;
	s8 =	simm.s32 @!p0 $0x1BF5;
	p2 =	por !p2, p0  }
0x20: {  	[sflag:s8] =	ssyncset.s32 @!p0 $0xFFFFF086;
	s6 =	sadd.s32 @!p0 s3, s7;
	s7 =	simm.s32 @!p0 $0x108  }
0x21: {  	s3 =	sadd.s32 s3, s9;
	s6 =	sadd.s32 @!p0 $0x88, s6;
	s7 =	simm.s32 @p2 $0x1082  }
0x22: {  	[simem:s7], [sflag:s8] =	dma.local @!p0 [hbm:s6], $0xF7A  }
0x23: {  	s9 =	sor.u32 $0xD0000000, s2;
	s6 =	simm.s32 $0x108;
	_ =	swait.ge @!p0 [sflag:s8], $0x0  }
0x24: {  	s3 =	sadd.s32 $0x88, s3;
	s6 =	simm.s32 @!p1 $0x1082;
	[sflag:s4] =	ssyncset.s32 $0xFFFFF086  }
0x25: {  	[simem:s6], [sflag:s4] =	dma.local [hbm:s3], $0xF7A  }
0x26: {  	[smem:$0x3F9F] =	sst s1;
	(tag) =	ssettag s2;
	_ =	strace s9  }
0x27: {  	s1 =	sld [smem:$0x3FAF]  }
0x28: {  	s2 =	sld [smem:$0x3FB0]  }
0x29: {  	s4 =	sld [smem:$0x3FB2]  }
0x2a: {  	p0 =	seq.s32 s5, $0x0;
	s5 =	sld [smem:$0x3FB3]  }
0x2b: {  	s6 =	sld [smem:$0x3FB4]  }
0x2c: {  	s7 =	sld [smem:$0x3FB5]  }
0x2d: {  	s3 =	simm.s32 $0x108;
	s8 =	sld [smem:$0x3FB6]  }
0x2e: {  	s3 =	simm.s32 @!p0 $0x1082;
	s9 =	sld [smem:$0x3FB7]  }
0x2f: {  	lr =	sadd.s32 s0, s3;
	s0 =	sld [smem:$0x3FAE]  }
0x30: {  	s3 =	sld [smem:$0x3FB1]  }
0x31: {  	[smem:$0x3FBA] =	sst s10  }
0x32: {  	s10 =	sld [smem:$0x3FB8];
	_ =	sdelay $0x3  }
0x33: {  	p0 =	seq.s32 s10, $0x1;
	s10 =	sld [smem:$0x3FBA];
	_ =	sdelay $0x3  }
0x34: {  	[smem:$0x3FBA] =	sst s10  }
0x35: {  	s10 =	sld [smem:$0x3FB9];
	_ =	sdelay $0x3  }
0x36: {  	p1 =	seq.s32 s10, $0x1;
	s10 =	sld [smem:$0x3FBA];
	_ =	sdelay $0x3  }
0x37: {  	[smem:$0x3FBA] =	sst s10  }
0x38: {  	s10 =	sld [smem:$0x3FBB]  }
0x39: {  	_ = 	snop;
	(pc) =	sbr.ind lr, $3  }
0x3a: {  	_ = 	snop  }
0x3b: {  	_ = 	snop  }
0x3c: {  	p2 =	seq.s32 s10, $0x1;
	s10 =	sld [smem:$0x3FBA]  }
0x3d: {  	_ =	shalt  }
0x3e: {  	_ =	shalt  }
0x3f: {  	_ =	shalt  }
0x40: {  	_ =	shalt  }
0x41: {  	_ =	shalt  }
0x42: {  	_ =	shalt  }
0x43: {  	_ =	shalt  }
0x44: {  	_ =	shalt  }
0x45: {  	_ =	shalt  }
0x46: {  	_ =	shalt  }
0x47: {  	_ =	shalt  }
0x48: {  	_ =	shalt  }
0x49: {  	_ =	shalt  }
0x4a: {  	_ =	shalt  }
0x4b: {  	_ =	shalt  }
0x4c: {  	_ =	shalt  }
0x4d: {  	_ =	shalt  }
0x4e: {  	_ =	shalt  }
0x4f: {  	_ =	shalt  }
0x50: {  	_ =	shalt  }
0x51: {  	_ =	shalt  }
0x52: {  	_ =	shalt  }
0x53: {  	_ =	shalt  }
0x54: {  	_ =	shalt  }
0x55: {  	_ =	shalt  }
0x56: {  	_ =	shalt  }
0x57: {  	_ =	shalt  }
0x58: {  	_ =	shalt  }
0x59: {  	_ =	shalt  }
0x5a: {  	_ =	shalt  }
0x5b: {  	_ =	shalt  }
0x5c: {  	_ =	shalt  }
0x5d: {  	_ =	shalt  }
0x5e: {  	_ =	shalt  }
0x5f: {  	_ =	shalt  }
0x60: {  	_ =	shalt  }
0x61: {  	_ =	shalt  }
0x62: {  	_ =	shalt  }
0x63: {  	_ =	shalt  }
0x64: {  	_ =	shalt  }
0x65: {  	_ =	shalt  }
0x66: {  	_ =	shalt  }
0x67: {  	_ =	shalt  }
0x68: {  	_ =	shalt  }
0x69: {  	_ =	shalt  }
0x6a: {  	_ =	shalt  }
0x6b: {  	_ =	shalt  }
0x6c: {  	_ =	shalt  }
0x6d: {  	_ =	shalt  }
0x6e: {  	_ =	shalt  }
0x6f: {  	_ =	shalt  }
0x70: {  	_ =	shalt  }
0x71: {  	_ =	shalt  }
0x72: {  	_ =	shalt  }
0x73: {  	_ =	shalt  }
0x74: {  	_ =	shalt  }
0x75: {  	_ =	shalt  }
0x76: {  	_ =	shalt  }
0x77: {  	_ =	shalt  }
0x78: {  	_ =	shalt  }
0x79: {  	_ =	shalt  }
0x7a: {  	_ =	shalt  }
0x7b: {  	_ =	shalt  }
0x7c: {  	_ =	shalt  }
0x7d: {  	_ =	shalt  }
0x7e: {  	_ =	shalt  }
0x7f: {  	_ =	shalt  }
0x80: {  	_ =	shalt  }
0x81: {  	_ =	shalt  }
0x82: {  	_ =	shalt  }
0x83: {  	_ =	shalt  }
0x84: {  	_ =	shalt  }
0x85: {  	_ =	shalt  }
0x86: {  	_ =	shalt  }
0x87: {  	_ =	shalt  }
.Lfunc_end0:
.L_simem_size_0:
called_computation_lowered:
.L_overlay_start_0:
0x88: {  	s2 =	sld [smem:$0x3FD9]  }
0x89: {  	s3 =	sld [smem:$0x3FFE];
	_ =	sdelay $0x1  }
0x8a: {  	s1 =	srdreg.scid  }
0x8b: {  	s0 =	sand.u32 $0x1, s1  }
0x8c: {  	s17 =	sshll.u32 s0, $0xA;
	s2 =	sadd.s32 s3, s2  }
0x8d: {  	s2 =	sadd.s32 s2, s17  }
0x8e: {  	[smem:$0x3FC6] =	sst s2  }
0x8f: {  	_ = 	snop  }
0x90: {  	s2 =	sld [smem:$0x3FC8]  }
0x91: {  	s18 =	sld [smem:$0x3FD0];
	(tm) =	ssettm $0x1  }
0x92: {  	s4 =	sld [smem:$0x3FFB];
	_ =	sdelay $0x3  }
0x93: {  	_ =	strace s4  }
0x94: {  	s4 =	sld [smem:$0x3FFC];
	_ =	sdelay $0x3  }
0x95: {  	_ =	strace s4  }
0x96: {  	s4 =	sld [smem:$0x3FFD];
	_ =	sdelay $0x3  }
0x97: {  	_ =	strace s4  }
0x98: {  	_ =	strace $0x8FFFFFFF  }
0x99: {  	s19 =	sld [smem:$0x3FDB];
	_ =	sdelay $0x1  }
0x9a: {  	s5 =	simm.s32 $_scs_section_size  }
0x9b: {  	s6 =	simm.s32 $_size__tile_overlayer_lowered;
	s7 =	simm.s32 $_tile_overlayer_lowered  }
0x9c: {  	s22 =	simm.s32 $0x1BFF;
	s21 =	sshll.u32 s7, $0x1;
	s4 =	sadd.s32 s5, s19  }
0x9d: {  	s8 =	simm.s32 $0x0;
	s20 =	sshll.u32 s6, $0x1;
	s6 =	sadd.s32 s21, s4  }
0x9e: {  	[timem:s8], [sflag:s22] =	dma.local [hbm:s6], s20  }
0x9f: {  	_ =	swait.ge [sflag:s22], s20  }
0xa0: {  	s5 =	ssub.s32 $0x0, s20;
	[sflag:s22] =	ssyncset.done $0x0  }
0xa1: {  	[sflag:s22] =	ssyncadd.s32 s5;
	_ =	sdelay $0x1  }
0xa2: {  	s23 =	simm.s32 $0x1B8B  }
0xa3: {  	_ =	swait.ge [sflag:s23], $0x1  }
0xa4: {  	[sflag:s23] =	ssyncset.done $0x0  }
0xa5: {  	s25 =	simm.s32 $0x1B8E;
	s24 =	sld [smem:$0x3FFE];
	[sflag:s23] =	ssyncadd.s32 $0xFFFFFFFF  }
0xa6: {  	s26 =	simm.s32 $execute0_lowered;
	[smem:$0x3FD2] =	sst s25  }
0xa7: {  	s6 =	sshll.u32 s26, $0x1;
	_ =	strace $0x80000046;
	[dreg:$0x1] =	wrdreg $0xFFFFFFFF  }
0xa8: {  	s28 =	simm.s32 $_size_execute0_lowered;
	s4 =	sadd.s32 s4, s6;
	[dreg:$0x0] =	wrdreg $0x0  }
0xa9: {  	s6 =	sshll.u32 s28, $0x1;
	[dreg:$0x2] =	wrdreg s4  }
0xaa: {  	[dreg:$0x3] =	wrdreg s6  }
0xab: {  	[dreg:$0x4] =	wrdreg $0xC0  }
0xac: {  	_ =	task [dreg:s8], $0x5FFFF  }
0xad: {  	[dreg:$0x1] =	wrdreg $0xFFFFFFFF  }
0xae: {  	[dreg:$0x0] =	wrdreg $0x60  }
0xaf: {  	[dreg:$0x2] =	wrdreg s2  }
0xb0: {  	[dreg:$0x3] =	wrdreg s18  }
0xb1: {  	[dreg:$0x4] =	wrdreg s24  }
0xb2: {  	[dreg:$0x5] =	wrdreg $0x9  }
0xb3: {  	_ =	task.clear_ibuf [dreg:s8], $0x6FFFF;
	_ =	strace $0x90000046  }
0xb4: {  	s29 =	simm.s32 $0x9;
	_ =	strace $0x80000048  }
0xb5: {  	_ =	swait.ge [sflag:s29], $0x1  }
0xb6: {  	[sflag:s29] =	ssyncadd.s32 $0xFFFFFFFF  }
0xb7: {  	_ =	strace $0x90000048  }
0xb8: {  	_ =	sfence  }
0xb9: {  	s30 =	sld [smem:$0x0];
	_ =	sdelay $0x2  }
0xba: {  	s31 =	sshll.u32 s1, $0xD;
	s1 =	sshrl.u32 s1, $0x2  }
0xbb: {  	s3 =	sand.u32 $0x4000, s31;
	s1 =	sadd.s32 s1, s30  }
0xbc: {  	s0 =	sor.u32 s3, s0;
	s1 =	sshll.u32 s1, $0x11  }
0xbd: {  	s0 =	sor.u32 s1, s0  }
0xbe: {  	s0 =	sadd.s32 $0x8F2B, s0  }
0xbf: {  	[sflag:s0] =	ssyncadd.remote.s32 $0x1  }
0xc0: {  	_ =	sfence.sel $0xFFFF  }
0xc1: {  	[dreg:$0x0] =	wrdreg $0xFFFFFFFF;
	(pc) =	sbr.abs _section_cstart, $3  }
0xc2: {  	[dreg:$0x1] =	wrdreg $0xFFFFFFFF  }
0xc3: {  	_ =	task.clear_ibuf [dreg:s8], $0x2FFFF;
	_ =	strace $0x9FFFFFFF  }
0xc4: {  	(tm) =	ssettm $0x7FFFFFFF  }
0xc5: {  	_ =	shalt  }
tec
execute0_lowered:
.L_overlay_start_1:
0x0: {  	(tag) =	ssettag $0x1  }
0x1: {  	v0 =	vimm.s32 $0xC28140  }
0x2: {  	vm0 =	vcmask $0xB00;
	vm7 =	vcmask $0xF0C;
	vm6 =	vcmask $0x1310  }
0x3: {  	vm5 =	vcmask $0x1714;
	vm10 =	vcmask $0x300;
	vm4 =	vcmask $0x1B18  }
0x4: {  	vm9 =	vcmask $0x704;
	vm3 =	vcmask $0x1F1C;
	vm8 =	vcmask $0xB08  }
0x5: {  	vm2 =	vcmask $0x2320;
	vm1 =	vcmask $0x2724;
	v1 =	vimm.s32 $0x308  }
0x6: {  	v11 =	vimm.s32 $0x4F;
	v2 =	vimm.s32 $0x14F;
	v5 =	vimm.s32 $0xCF8E4D0C  }
0x7: {  	vm11 =	vcmask $0x3B2C;
	v3 =	vimm.s32 $0x18F;
	v4 =	vimm.s32 $0x4B0ACD8C  }
0x8: {  	vm14 =	vcmask $0x3728;
	v6 =	vimm.s32 $0x8B4A09CC;
	vm15 =	vcmask $0x3324  }
0x9: {  	vm12 =	vcmask $0x2F20;
	v10 =	vimm.s32 $0x24F;
	vm13 =	vcmask $0x2B1C  }
0xa: {  	v12 =	vimm.s32 $0x28F;
	v14 =	vimm.s32 $0x3C68544;
	v15 =	vimm.s32 $0x781  }
0xb: {  	v16 =	vimm.s32 $0x782;
	v17 =	vimm.s32 $0x783;
	v18 =	vimm.s32 $0x784  }
0xc: {  	v19 =	vimm.s32 $0x785;
	v20 =	vimm.s32 $0x786;
	v21 =	vimm.s32 $0x787  }
0xd: {  	v22 =	vimm.s32 $0x788;
	v23 =	vimm.s32 $0x789;
	v24 =	vimm.s32 $0x78A  }
0xe: {  	v25 =	vimm.s32 $0x78B;
	v26 =	vimm.s32 $0x78C;
	v27 =	vimm.s32 $0x78D  }
0xf: {  	v28 =	vimm.s32 $0x78E;
	v30 =	vimm.s32 $0x100;
	v0 =	vunpack.c.0.s8.s32 v0  }
0x10: {  	v1 =	vsel vm9, $0x349, v1;
	v3 =	vsel vm10, $0x1C0, v3;
	v4 =	vunpack.c.0.s8.s32 v4  }
0x11: {  	v6 =	vunpack.c.0.s8.s32 v6;
	v10 =	vsel vm10, $0x280, v10;
	v12 =	vsel vm10, $0x2C0, v12  }
0x12: {  	v13 =	vunpack.c.0.s8.s32 v5;
	v14 =	vunpack.c.0.s8.s32 v14;
	v11 =	vsel vm10, $0x80, v11  }
0x13: {  	v15 =	vsel vm10, $0x2, v15;
	v16 =	vsel vm10, $0x3, v16;
	v17 =	vsel vm10, $0x4, v17  }
0x14: {  	v18 =	vsel vm10, $0x5, v18;
	v19 =	vsel vm10, $0x6, v19;
	v20 =	vsel vm10, $0x7, v20  }
0x15: {  	v21 =	vsel vm10, $0x8, v21;
	v22 =	vsel vm10, $0x9, v22;
	v23 =	vsel vm10, $0xA, v23  }
0x16: {  	v24 =	vsel vm10, $0xB, v24;
	v25 =	vsel vm10, $0xC, v25;
	v26 =	vsel vm10, $0xD, v26  }
0x17: {  	v27 =	vsel vm10, $0xE, v27;
	v28 =	vsel vm10, $0xF, v28;
	v30 =	vsel vm9, $0x141, v30  }
0x18: {  	v1 =	vsel vm8, $0x38A, v1;
	v3 =	vsel vm9, $0x201, v3;
	v11 =	vsel vm9, $0xC1, v11  }
0x19: {  	v15 =	vsel vm9, $0x83, v15;
	v16 =	vsel vm9, $0x84, v16;
	v17 =	vsel vm9, $0x85, v17  }
0x1a: {  	v18 =	vsel vm9, $0x86, v18;
	v19 =	vsel vm9, $0x87, v19;
	v20 =	vsel vm9, $0x88, v20  }
0x1b: {  	v21 =	vsel vm9, $0x89, v21;
	v22 =	vsel vm9, $0x8A, v22;
	v23 =	vsel vm9, $0x8B, v23  }
0x1c: {  	v24 =	vsel vm9, $0x8C, v24;
	v25 =	vsel vm9, $0x8D, v25;
	v26 =	vsel vm9, $0x8E, v26  }
0x1d: {  	v27 =	vsel vm9, $0x8F, v27;
	v28 =	vsel vm9, $0x80, v28;
	v30 =	vsel vm8, $0x182, v30  }
0x1e: {  	v0 =	vand.u32 $0xFF, v0;
	v8 =	vsel vm7, $0x3CB, v1;
	v1 =	vsel vm10, $0x180, v2  }
0x1f: {  	v2 =	vimm.s32 $0xBCE8D4C;
	v11 =	vsel vm8, $0x102, v11;
	v15 =	vsel vm8, $0x104, v15  }
0x20: {  	v16 =	vsel vm8, $0x105, v16;
	v17 =	vsel vm8, $0x106, v17;
	v18 =	vsel vm8, $0x107, v18  }
0x21: {  	v19 =	vsel vm8, $0x108, v19;
	v20 =	vsel vm8, $0x109, v20;
	v21 =	vsel vm8, $0x10A, v21  }
0x22: {  	v22 =	vsel vm8, $0x10B, v22;
	v23 =	vsel vm8, $0x10C, v23;
	v24 =	vsel vm8, $0x10D, v24  }
0x23: {  	v25 =	vsel vm8, $0x10E, v25;
	v26 =	vsel vm8, $0x10F, v26;
	v27 =	vsel vm8, $0x100, v27  }
0x24: {  	v28 =	vsel vm8, $0x101, v28;
	v30 =	vsel vm7, $0x1C3, v30;
	v7 =	vnsel vm0, $0xF, v0  }
0x25: {  	v0 =	vimm.s32 $0x10F;
	vm0 =	vcmask $0x2B28;
	v1 =	vsel vm9, $0x1C1, v1  }
0x26: {  	v2 =	vunpack.c.0.s8.s32 v2;
	v11 =	vsel vm7, $0x143, v11;
	v15 =	vsel vm7, $0x185, v15  }
0x27: {  	v16 =	vsel vm7, $0x186, v16;
	v17 =	vsel vm7, $0x187, v17;
	v18 =	vsel vm7, $0x188, v18  }
0x28: {  	v19 =	vsel vm7, $0x189, v19;
	v20 =	vsel vm7, $0x18A, v20;
	v21 =	vsel vm7, $0x18B, v21  }
0x29: {  	v22 =	vsel vm7, $0x18C, v22;
	v23 =	vsel vm7, $0x18D, v23;
	v24 =	vsel vm7, $0x18E, v24  }
0x2a: {  	v25 =	vsel vm7, $0x18F, v25;
	v26 =	vsel vm7, $0x180, v26;
	v27 =	vsel vm7, $0x181, v27  }
0x2b: {  	v28 =	vsel vm7, $0x182, v28;
	v30 =	vsel vm6, $0x204, v30;
	v0 =	vsel vm10, $0x140, v0  }
0x2c: {  	v1 =	vsel vm8, $0x202, v1;
	v7 =	vsel vm7, $0x103, v7;
	v11 =	vsel vm6, $0x184, v11  }
0x2d: {  	v15 =	vsel vm6, $0x206, v15;
	v16 =	vsel vm6, $0x207, v16;
	v17 =	vsel vm6, $0x208, v17  }
0x2e: {  	v18 =	vsel vm6, $0x209, v18;
	v19 =	vsel vm6, $0x20A, v19;
	v20 =	vsel vm6, $0x20B, v20  }
0x2f: {  	v21 =	vsel vm6, $0x20C, v21;
	v22 =	vsel vm6, $0x20D, v22;
	v23 =	vsel vm6, $0x20E, v23  }
0x30: {  	v24 =	vsel vm6, $0x20F, v24;
	v25 =	vsel vm6, $0x200, v25;
	v26 =	vsel vm6, $0x201, v26  }
0x31: {  	v27 =	vsel vm6, $0x202, v27;
	v28 =	vsel vm6, $0x203, v28;
	v30 =	vsel vm5, $0x245, v30  }
0x32: {  	v0 =	vsel vm9, $0x181, v0;
	v1 =	vsel vm7, $0x243, v1;
	v2 =	vand.u32 $0xFF, v2  }
0x33: {  	v7 =	vsel vm6, $0x144, v7;
	v11 =	vsel vm5, $0x1C5, v11;
	v15 =	vsel vm5, $0x287, v15  }
0x34: {  	v16 =	vsel vm5, $0x288, v16;
	v17 =	vsel vm5, $0x289, v17;
	v18 =	vsel vm5, $0x28A, v18  }
0x35: {  	v19 =	vsel vm5, $0x28B, v19;
	v20 =	vsel vm5, $0x28C, v20;
	v21 =	vsel vm5, $0x28D, v21  }
0x36: {  	v22 =	vsel vm5, $0x28E, v22;
	v23 =	vsel vm5, $0x28F, v23;
	v24 =	vsel vm5, $0x280, v24  }
0x37: {  	v25 =	vsel vm5, $0x281, v25;
	v26 =	vsel vm5, $0x282, v26;
	v27 =	vsel vm5, $0x283, v27  }
0x38: {  	v28 =	vsel vm5, $0x284, v28;
	v30 =	vsel vm4, $0x286, v30;
	v0 =	vsel vm8, $0x1C2, v0  }
0x39: {  	v1 =	vsel vm6, $0x284, v1;
	v7 =	vsel vm5, $0x185, v7;
	v11 =	vsel vm4, $0x206, v11  }
0x3a: {  	v15 =	vsel vm4, $0x308, v15;
	v16 =	vsel vm4, $0x309, v16;
	v17 =	vsel vm4, $0x30A, v17  }
0x3b: {  	v18 =	vsel vm4, $0x30B, v18;
	v19 =	vsel vm4, $0x30C, v19;
	v20 =	vsel vm4, $0x30D, v20  }
0x3c: {  	v21 =	vsel vm4, $0x30E, v21;
	v22 =	vsel vm4, $0x30F, v22;
	v23 =	vsel vm4, $0x300, v23  }
0x3d: {  	v24 =	vsel vm4, $0x301, v24;
	v25 =	vsel vm4, $0x302, v25;
	v26 =	vsel vm4, $0x303, v26  }
0x3e: {  	v27 =	vsel vm4, $0x304, v27;
	v28 =	vsel vm4, $0x305, v28;
	v30 =	vsel vm3, $0x2C7, v30  }
0x3f: {  	v0 =	vsel vm7, $0x203, v0;
	v1 =	vsel vm5, $0x2C5, v1;
	v7 =	vsel vm4, $0x1C6, v7  }
0x40: {  	v11 =	vsel vm3, $0x247, v11;
	v15 =	vsel vm3, $0x389, v15;
	v16 =	vsel vm3, $0x38A, v16  }
0x41: {  	v17 =	vsel vm3, $0x38B, v17;
	v18 =	vsel vm3, $0x38C, v18;
	v19 =	vsel vm3, $0x38D, v19  }
0x42: {  	v20 =	vsel vm3, $0x38E, v20;
	v21 =	vsel vm3, $0x38F, v21;
	v22 =	vsel vm3, $0x380, v22  }
0x43: {  	v23 =	vsel vm3, $0x381, v23;
	v24 =	vsel vm3, $0x382, v24;
	v25 =	vsel vm3, $0x383, v25  }
0x44: {  	v26 =	vsel vm3, $0x384, v26;
	v27 =	vsel vm3, $0x385, v27;
	v28 =	vsel vm3, $0x386, v28  }
0x45: {  	v0 =	vsel vm6, $0x244, v0;
	v1 =	vsel vm4, $0x306, v1;
	v7 =	vsel vm3, $0x207, v7  }
0x46: {  	v11 =	vsel vm2, $0x288, v11;
	v15 =	vsel vm2, $0x40A, v15;
	v16 =	vsel vm2, $0x40B, v16  }
0x47: {  	v17 =	vsel vm2, $0x40C, v17;
	v18 =	vsel vm2, $0x40D, v18;
	v19 =	vsel vm2, $0x40E, v19  }
0x48: {  	v20 =	vsel vm2, $0x40F, v20;
	v21 =	vsel vm2, $0x400, v21;
	v22 =	vsel vm2, $0x401, v22  }
0x49: {  	v23 =	vsel vm2, $0x402, v23;
	v24 =	vsel vm2, $0x403, v24;
	v25 =	vsel vm2, $0x404, v25  }
0x4a: {  	v26 =	vsel vm2, $0x405, v26;
	v27 =	vsel vm2, $0x406, v27;
	v28 =	vsel vm2, $0x407, v28  }
0x4b: {  	v0 =	vsel vm5, $0x285, v0;
	v1 =	vsel vm3, $0x347, v1;
	v7 =	vsel vm2, $0x248, v7  }
0x4c: {  	v11 =	vsel vm1, $0x2C9, v11;
	v15 =	vsel vm1, $0x48B, v15;
	v16 =	vsel vm1, $0x48C, v16  }
0x4d: {  	v17 =	vsel vm1, $0x48D, v17;
	v18 =	vsel vm1, $0x48E, v18;
	v19 =	vsel vm1, $0x48F, v19  }
0x4e: {  	v20 =	vsel vm1, $0x480, v20;
	v21 =	vsel vm1, $0x481, v21;
	v22 =	vsel vm1, $0x482, v22  }
0x4f: {  	v23 =	vsel vm1, $0x483, v23;
	v24 =	vsel vm1, $0x484, v24;
	v25 =	vsel vm1, $0x485, v25  }
0x50: {  	v26 =	vsel vm1, $0x486, v26;
	v27 =	vsel vm1, $0x487, v27;
	v28 =	vsel vm1, $0x488, v28  }
0x51: {  	v0 =	vsel vm4, $0x2C6, v0;
	v1 =	vsel vm2, $0x388, v1;
	v7 =	vsel vm1, $0x289, v7  }
0x52: {  	v11 =	vsel vm0, $0x30A, v11;
	v15 =	vsel vm0, $0x50C, v15;
	v16 =	vsel vm0, $0x50D, v16  }
0x53: {  	v17 =	vsel vm0, $0x50E, v17;
	v18 =	vsel vm0, $0x50F, v18;
	v19 =	vsel vm0, $0x500, v19  }
0x54: {  	v20 =	vsel vm0, $0x501, v20;
	v21 =	vsel vm0, $0x502, v21;
	v0 =	vsel vm3, $0x307, v0  }
0x55: {  	v22 =	vsel vm0, $0x503, v22;
	v23 =	vsel vm0, $0x504, v23;
	v0 =	vsel vm2, $0x348, v0  }
0x56: {  	v24 =	vsel vm0, $0x505, v24;
	v25 =	vsel vm0, $0x506, v25;
	v0 =	vsel vm1, $0x389, v0  }
0x57: {  	v26 =	vsel vm0, $0x507, v26;
	v27 =	vsel vm0, $0x508, v27;
	v0 =	vsel vm0, $0x3CA, v0  }
0x58: {  	v28 =	vsel vm0, $0x509, v28;
	v1 =	vsel vm1, $0x3C9, v1;
	v0 =	vsel vm11, v2, v0  }
0x59: {  	v2 =	vsel vm8, $0x242, v3;
	v3 =	vand.u32 $0xFF, v4;
	v4 =	vimm.s32 $0x1CF  }
0x5a: {  	v7 =	vsel vm0, $0x2CA, v7;
	v2 =	vsel vm7, $0x283, v2;
	v4 =	vsel vm10, $0x200, v4  }
0x5b: {  	v2 =	vsel vm6, $0x2C4, v2;
	v9 =	vsel vm9, $0x241, v4;
	v4 =	vsel vm14, v3, v1  }
0x5c: {  	v3 =	vand.u32 $0xFF, v6;
	v6 =	vimm.s32 $0x20F;
	v2 =	vsel vm5, $0x305, v2  }
0x5d: {  	vm14 =	vcmask $0x2718;
	v6 =	vsel vm10, $0x240, v6;
	v2 =	vsel vm4, $0x346, v2  }
0x5e: {  	v1 =	vsel vm3, $0x387, v2;
	v2 =	vsel vm8, $0x282, v9;
	v9 =	vimm.s32 $0xCB8A4908  }
0x5f: {  	v1 =	vsel vm2, $0x3C8, v1;
	v2 =	vsel vm7, $0x2C3, v2;
	v9 =	vunpack.c.0.s8.s32 v9  }
0x60: {  	v6 =	vsel vm9, $0x281, v6;
	v2 =	vsel vm6, $0x304, v2;
	v1 =	vsel vm15, v3, v1  }
0x61: {  	v3 =	vsel vm8, $0x2C2, v6;
	v2 =	vsel vm5, $0x345, v2;
	v6 =	vand.u32 $0xFF, v9  }
0x62: {  	v3 =	vsel vm7, $0x303, v3;
	v9 =	vimm.s32 $0x7CA8948;
	v2 =	vsel vm4, $0x386, v2  }
0x63: {  	v3 =	vsel vm6, $0x344, v3;
	v9 =	vunpack.c.0.s8.s32 v9;
	v2 =	vsel vm3, $0x3C7, v2  }
0x64: {  	vm15 =	vcmask $0x2314;
	v3 =	vsel vm5, $0x385, v3;
	v2 =	vsel vm12, v6, v2  }
0x65: {  	v3 =	vsel vm4, $0x3C6, v3;
	v6 =	vsel vm9, $0x2C1, v10;
	v9 =	vand.u32 $0xFF, v9  }
0x66: {  	v10 =	vimm.s32 $0x4706C988;
	vm12 =	vcmask $0x1F10;
	v6 =	vsel vm8, $0x302, v6  }
0x67: {  	v10 =	vunpack.c.0.s8.s32 v10;
	v3 =	vsel vm13, v9, v3;
	v9 =	vsel vm9, $0x301, v12  }
0x68: {  	v12 =	vimm.s32 $0x874605C8;
	vm13 =	vcmask $0x1B0C;
	v6 =	vsel vm7, $0x343, v6  }
0x69: {  	v9 =	vsel vm8, $0x342, v9;
	v12 =	vunpack.c.0.s8.s32 v12;
	v6 =	vsel vm6, $0x384, v6  }
0x6a: {  	v10 =	vand.u32 $0xFF, v10;
	v9 =	vsel vm7, $0x383, v9;
	v6 =	vsel vm5, $0x3C5, v6  }
0x6b: {  	v5 =	vsel vm14, v10, v6;
	v6 =	vsel vm6, $0x3C4, v9;
	v9 =	vand.u32 $0xFF, v12  }
0x6c: {  	v10 =	vimm.s32 $0x2CF;
	v12 =	vand.u32 $0xFF, v13;
	v13 =	vimm.s32 $0x30F  }
0x6d: {  	vm14 =	vcmask $0x1708;
	v6 =	vsel vm15, v9, v6;
	v9 =	vsel vm10, $0x300, v10  }
0x6e: {  	v10 =	vimm.s32 $0xC7864504;
	v13 =	vsel vm10, $0x340, v13;
	v29 =	vsel vm12, v12, v8  }
0x6f: {  	v12 =	vimm.s32 $0x34F;
	vm15 =	vcmask $0x1304;
	v5 =	vsel vm0, $0x10A, v5  }
0x70: {  	v9 =	vsel vm9, $0x341, v9;
	v10 =	vunpack.c.0.s8.s32 v10;
	v13 =	vsel vm9, $0x381, v13  }
0x71: {  	v12 =	vsel vm10, $0x380, v12;
	v6 =	vsel vm1, $0x109, v6;
	v9 =	vsel vm8, $0x382, v9  }
0x72: {  	v29 =	vcombine.low v30, v29;
	v9 =	vsel vm7, $0x3C3, v9;
	v10 =	vand.u32 $0xFF, v10  }
0x73: {  	v6 =	vsel vm0, $0x14A, v6;
	v8 =	vsel vm12, v10, v9;
	v9 =	vsel vm8, $0x3C2, v13  }
0x74: {  	v10 =	vand.u32 $0xFF, v14;
	v13 =	vimm.s32 $0x4302C584;
	v14 =	vimm.s32 $0x8F  }
0x75: {  	vm12 =	vcmask $0x2F2C;
	v13 =	vunpack.c.0.s8.s32 v13;
	v9 =	vsel vm13, v10, v9  }
0x76: {  	v10 =	vsel vm9, $0x3C1, v12;
	v12 =	vimm.s32 $0x834201C4;
	v7 =	vsel vm12, $0x30B, v7  }
0x77: {  	v8 =	vsel vm2, $0x108, v8;
	vm13 =	vcmask $0x3330;
	v11 =	vsel vm12, $0x34B, v11  }
0x78: {  	v3 =	vsel vm12, $0x10B, v3;
	v5 =	vsel vm12, $0x14B, v5;
	v6 =	vsel vm12, $0x18B, v6  }
0x79: {  	v15 =	vsel vm12, $0x58D, v15;
	v16 =	vsel vm12, $0x58E, v16;
	v17 =	vsel vm12, $0x58F, v17  }
0x7a: {  	v18 =	vsel vm12, $0x580, v18;
	v19 =	vsel vm12, $0x581, v19;
	v20 =	vsel vm12, $0x582, v20  }
0x7b: {  	v21 =	vsel vm12, $0x583, v21;
	v22 =	vsel vm12, $0x584, v22;
	v23 =	vsel vm12, $0x585, v23  }
0x7c: {  	v24 =	vsel vm12, $0x586, v24;
	v25 =	vsel vm12, $0x587, v25;
	v26 =	vsel vm12, $0x588, v26  }
0x7d: {  	v27 =	vsel vm12, $0x589, v27;
	v28 =	vsel vm12, $0x58A, v28;
	v12 =	vunpack.c.0.s8.s32 v12  }
0x7e: {  	v9 =	vsel vm3, $0x107, v9;
	v8 =	vsel vm1, $0x149, v8;
	v7 =	vsel vm13, $0x34C, v7  }
0x7f: {  	v11 =	vsel vm13, $0x38C, v11;
	v2 =	vsel vm13, $0x10C, v2;
	v3 =	vsel vm13, $0x14C, v3  }
0x80: {  	v5 =	vsel vm13, $0x18C, v5;
	v6 =	vsel vm13, $0x1CC, v6;
	v15 =	vsel vm13, $0x60E, v15  }
0x81: {  	v16 =	vsel vm13, $0x60F, v16;
	v17 =	vsel vm13, $0x600, v17;
	v18 =	vsel vm13, $0x601, v18  }
0x82: {  	v19 =	vsel vm13, $0x602, v19;
	v20 =	vsel vm13, $0x603, v20;
	v21 =	vsel vm13, $0x604, v21  }
0x83: {  	v22 =	vsel vm13, $0x605, v22;
	v23 =	vsel vm13, $0x606, v23;
	v24 =	vsel vm13, $0x607, v24  }
0x84: {  	v25 =	vsel vm13, $0x608, v25;
	v26 =	vsel vm13, $0x609, v26;
	v27 =	vsel vm13, $0x60A, v27  }
0x85: {  	v28 =	vsel vm13, $0x60B, v28;
	v13 =	vand.u32 $0xFF, v13;
	v9 =	vsel vm2, $0x148, v9  }
0x86: {  	v8 =	vsel vm0, $0x18A, v8;
	v10 =	vsel vm14, v13, v10;
	v13 =	vimm.s32 $0x38F  }
0x87: {  	v12 =	vand.u32 $0xFF, v12;
	v9 =	vsel vm1, $0x189, v9;
	vm14 =	vcmask $0x3734  }
0x88: {  	v8 =	vsel vm12, $0x1CB, v8;
	v13 =	vsel vm10, $0x3C0, v13;
	v10 =	vsel vm4, $0x106, v10  }
0x89: {  	v9 =	vsel vm0, $0x1CA, v9;
	v7 =	vsel vm14, $0x38D, v7;
	v8 =	vsel vm13, $0x20C, v8  }
0x8a: {  	v11 =	vsel vm14, $0x3CD, v11;
	v31 =	vsel vm14, $0x10D, v1;
	v32 =	vsel vm14, $0x14D, v2  }
0x8b: {  	v33 =	vsel vm14, $0x18D, v3;
	v34 =	vsel vm14, $0x1CD, v5;
	v35 =	vsel vm14, $0x20D, v6  }
0x8c: {  	v15 =	vsel vm14, $0x68F, v15;
	v16 =	vsel vm14, $0x680, v16;
	v17 =	vsel vm14, $0x681, v17  }
0x8d: {  	v18 =	vsel vm14, $0x682, v18;
	v19 =	vsel vm14, $0x683, v19;
	v20 =	vsel vm14, $0x684, v20  }
0x8e: {  	v21 =	vsel vm14, $0x685, v21;
	v22 =	vsel vm14, $0x686, v22;
	v23 =	vsel vm14, $0x687, v23  }
0x8f: {  	v24 =	vsel vm14, $0x688, v24;
	v25 =	vsel vm14, $0x689, v25;
	v26 =	vsel vm14, $0x68A, v26  }
0x90: {  	v27 =	vsel vm14, $0x68B, v27;
	v28 =	vsel vm14, $0x68C, v28;
	v12 =	vsel vm15, v12, v13  }
0x91: {  	v13 =	vsel vm10, $0xC0, v14;
	v14 =	vimm.s32 $0x780;
	v10 =	vsel vm3, $0x147, v10  }
0x92: {  	v9 =	vsel vm12, $0x20B, v9;
	vm15 =	vcmask $0x3B38;
	v36 =	vsel vm14, $0x24D, v8  }
0x93: {  	v14 =	vsel vm10, $0x1, v14;
	v13 =	vsel vm9, $0x101, v13;
	v12 =	vsel vm5, $0x105, v12  }
0x94: {  	v10 =	vsel vm2, $0x188, v10;
	v9 =	vsel vm13, $0x24C, v9;
	v1 =	vsel vm15, $0x3CE, v7  }
0x95: {  	v2 =	vsel vm15, $0xE, v11;
	v4 =	vsel vm15, $0x10E, v4;
	v5 =	vsel vm15, $0x14E, v31  }
0x96: {  	v6 =	vsel vm15, $0x18E, v32;
	v7 =	vsel vm15, $0x1CE, v33;
	v8 =	vsel vm15, $0x20E, v34  }
0x97: {  	v15 =	vsel vm15, $0x700, v15;
	v16 =	vsel vm15, $0x701, v16;
	v17 =	vsel vm15, $0x702, v17  }
0x98: {  	v18 =	vsel vm15, $0x703, v18;
	v19 =	vsel vm15, $0x704, v19;
	v20 =	vsel vm15, $0x705, v20  }
0x99: {  	v21 =	vsel vm15, $0x706, v21;
	v22 =	vsel vm15, $0x707, v22;
	v23 =	vsel vm15, $0x708, v23  }
0x9a: {  	v24 =	vsel vm15, $0x709, v24;
	v25 =	vsel vm15, $0x70A, v25;
	v26 =	vsel vm15, $0x70B, v26  }
0x9b: {  	v27 =	vsel vm15, $0x70C, v27;
	v28 =	vsel vm15, $0x70D, v28;
	v31 =	vlaneseq.u32  }
0x9c: {  	v14 =	vsel vm9, $0x82, v14;
	v13 =	vsel vm8, $0x142, v13;
	v12 =	vsel vm4, $0x146, v12  }
0x9d: {  	v10 =	vsel vm1, $0x1C9, v10;
	v37 =	vsel vm14, $0x28D, v9;
	v9 =	vsel vm15, $0x24E, v35  }
0x9e: {  	v30 =	vmul.u32 $0x41, v31;
	v31 =	vmul.u32 $0x81, v31;
	v14 =	vsel vm8, $0x103, v14  }
0x9f: {  	s0 =	rddreg [dreg:$0x0];
	v13 =	vsel vm7, $0x183, v13;
	v12 =	vsel vm3, $0x187, v12;
	v10 =	vsel vm0, $0x20A, v10  }
0xa0: {  	s1 =	rddreg [dreg:$0x1];
	s3 =	srdreg.scid;
	v11 =	vsel vm15, $0x2CE, v37;
	v14 =	vsel vm7, $0x184, v14;
	v13 =	vsel vm6, $0x1C4, v13  }
0xa1: {  	s2 =	stileid.u32;
	s9 =	rddreg [dreg:$0x2];
	v12 =	vsel vm2, $0x1C8, v12;
	v10 =	vsel vm12, $0x24B, v10;
	v14 =	vsel vm6, $0x205, v14  }
0xa2: {  	s4 =	simm.s32 $0x0;
	s12 =	simm.s32 $0x7A1400;
	s13 =	simm.s32 $0x1;
	v13 =	vsel vm5, $0x205, v13;
	v12 =	vsel vm1, $0x209, v12;
	v14 =	vsel vm5, $0x286, v14  }
0xa3: {  	s15 =	simm.s32 $0x3;
	s16 =	simm.s32 $0x4000;
	s17 =	simm.s32 $0x0;
	v10 =	vsel vm13, $0x28C, v10;
	v13 =	vsel vm4, $0x246, v13;
	v14 =	vsel vm4, $0x307, v14  }
0xa4: {  	s5 =	sand.u32 $0x1, s3;
	s6 =	sshll.u32 s2, $0x1;
	s3 =	rddreg [dreg:$0x3];
	v12 =	vsel vm0, $0x24A, v12;
	v13 =	vsel vm3, $0x287, v13;
	v14 =	vsel vm3, $0x388, v14  }
0xa5: {  	[smem:$0x7FF] =	sst s4;
	p0 =	slt.u32 s2, $0x2;
	s14 =	sor.u32 s5, s6;
	v38 =	vsel vm14, $0x2CD, v10;
	v13 =	vsel vm2, $0x2C8, v13;
	v14 =	vsel vm2, $0x409, v14  }
0xa6: {  	s30 =	ssub.s32 $0x2, s5;
	_ =	strace $0x80000047;
	s7 =	smul.u32 $0xF4, s14;
	v10 =	vsel vm15, $0x28E, v36;
	v13 =	vsel vm1, $0x309, v13;
	v14 =	vsel vm1, $0x48A, v14  }
.Ltmp0:
0xa7: {  	s5 =	sadd.s32 $0x800, s9;
	s8 =	sshrl.u32 s30, $0x1;
	v12 =	vsel vm12, $0x28B, v12;
	v13 =	vsel vm0, $0x34A, v13;
	v14 =	vsel vm0, $0x50B, v14;
	(pc) =	sbr.rel .LBB2_1-.Ltmp0, $4  }
0xa8: {  	s9 =	sadd.s32 $0x7A1800, s9;
	s10 =	smin.u32 s14, $0x4;
	s11 =	ssub.s32 s30, s8;
	v12 =	vsel vm13, $0x2CC, v12;
	v13 =	vsel vm12, $0x38B, v13;
	v14 =	vsel vm12, $0x58C, v14  }
0xa9: {  	s6 =	sadd.s32 s10, s7;
	s7 =	simm.s32 $0xF5;
	s10 =	smax.u32 s11, $0x1;
	v39 =	vsel vm14, $0x30D, v12;
	v13 =	vsel vm13, $0x3CC, v13;
	v14 =	vsel vm13, $0x60D, v14  }
0xaa: {  	s11 =	simm.s32 $0x400;
	s31 =	sshll.u32 s6, $0x7;
	s7 =	simm.s32 @!p0 $0xF4;
	v12 =	vsel vm15, $0x30E, v38;
	v13 =	vsel vm14, $0xD, v13;
	v14 =	vsel vm14, $0x68E, v14  }
0xab: {  	p0 =	sne.s32 s14, $0x1F;
	s14 =	simm.s32 $0x2;
	s8 =	sadd.s32 s0, s31;
	v3 =	vsel vm15, $0x4E, v13;
	v13 =	vsel vm15, $0x34E, v39;
	v14 =	vsel vm15, $0x70F, v14  }
.LBB2_11:
0xac: {  	s17 =	sadd.s32 $0x1, s17  }
0xad: {  	p1 =	sne.s32 s17, s10  }
.Ltmp1:
0xae: {  	_ = 	snop;
	(pc) =	sbr.rel @!p1 .LBB2_12-.Ltmp1, $1  }
0xaf: {  	_ =	sdelay $0x3  }
.LBB2_1:
0xb0: {  	[tilespmem:s4], [sflag:$0x1] =	stream.strided.gather [hbm4b:s8+s11], $0x2000, s12, s11, $0x38;
	[tilespmem:$0x8000] =	vst v63  }
0xb1: {  	p1 =	por $0x0, $0x0;
	s19 =	simm.s32 $0x0  }
.LBB2_2:
0xb2: {  	s18 =	sadd.s32 $0x1, s19  }
0xb3: {  	p2 =	sge.u32 s18, s7  }
0xb4: {  	s20 =	sadd.s32 @!p2 s6, s19  }
0xb5: {  	s20 =	sshll.u32 @!p2 s20, $0x7  }
0xb6: {  	s21 =	sand.u32 $0x1, s19;
	s20 =	sand.u32 @!p2 $0x1FFFFF80, s20  }
0xb7: {  	s22 =	sshll.u32 @!p2 s21, $0xD;
	s23 =	simm.s32 @!p2 $0x400;
	s20 =	sadd.s32 @!p2 s0, s20  }
0xb8: {  	s24 =	simm.s32 @!p2 $0x7A1400;
	s22 =	sxor.u32 @!p2 $0x2000, s22;
	s20 =	sadd.s32 @!p2 $0x80, s20  }
0xb9: {  	[tilespmem:s22], [sflag:$0x1] =	stream.strided.gather @!p2 [hbm4b:s20+s23], $0x2000, s24, s23, $0x38;
	[tilespmem:$0x8000] =	vst v63  }
0xba: {  	_ =	swait.ge [sflag:s13], $0x2000  }
0xbb: {  	s20 =	simm.s32 $0x1;
	p2 =	slt.u32 s19, $0x2;
	[sflag:s13] =	ssyncset.done $0x0  }
0xbc: {  	s22 =	sshll.u32 s21, $0x6;
	s23 =	simm.s32 @!p2 $0x2;
	[sflag:s13] =	ssyncadd.s32 $0xFFFFE000  }
0xbd: {  	s21 =	sshll.u32 s21, $0xD;
	s20 =	simm.s32 @!p1 $0x0;
	_ =	swait.ge @!p2 [sflag:s23], $0x2000  }
0xbe: {  	s21 =	sor.u32 $0x4000, s21;
	s20 =	sshll.u32 s20, $0xD;
	[sflag:s23] =	ssyncset.done @!p2 $0x0  }
0xbf: {  	s20 =	sor.u32 $0x4400, s20;
	[sflag:s23] =	ssyncadd.s32 @!p2 $0xFFFFE000;
	s23 =	simm.s32 $0x0  }
.LBB2_3:
0xc0: {  	s26 =	simm.s32 $0x0  }
0xc1: {  	v33 =	vor.u32 s26, v31  }
0xc2: {  	s25 =	sshll.u32 s23, $0x4  }
0xc3: {  	s24 =	sadd.s32 s22, s25  }
0xc4: {  	s24 =	sshll.u32 s24, $0x7  }
0xc5: {  	s24 =	sand.u32 $0x3FFFFF80, s24  }
0xc6: {  	v32 =	vor.u32 s25, v30;
	v33 =	vld.idx.msk [tilespmem:v33+s24+$0x0], $0xffff  }
0xc7: {  	v34 =	vor.u32 s26, v14;
	_ =	sdelay $0x3  }
0xc8: {  	[tilespmem:v32+s20+$0xFFFFFC00] =	vst.idx.msk $0xffff, v33  }
0xc9: {  	v33 =	vor.u32 s25, v1;
	v34 =	vld.idx.msk [tilespmem:v34+s24+$0x0], $0xffff  }
0xca: {  	v35 =	vor.u32 s26, v15;
	_ =	sdelay $0x3  }
0xcb: {  	[tilespmem:v33+s20+$0xFFFFFC00] =	vst.idx.msk $0xffff, v34  }
0xcc: {  	v34 =	vor.u32 s25, v2;
	v35 =	vld.idx.msk [tilespmem:v35+s24+$0x0], $0xffff  }
0xcd: {  	v36 =	vor.u32 s26, v16;
	_ =	sdelay $0x3  }
0xce: {  	[tilespmem:v34+s20+$0xFFFFFC00] =	vst.idx.msk $0xffff, v35  }
0xcf: {  	v35 =	vor.u32 s25, v3;
	v36 =	vld.idx.msk [tilespmem:v36+s24+$0x0], $0xffff  }
0xd0: {  	v37 =	vor.u32 s26, v17;
	_ =	sdelay $0x3  }
0xd1: {  	[tilespmem:v35+s20+$0xFFFFFC00] =	vst.idx.msk $0xffff, v36  }
0xd2: {  	v36 =	vor.u32 s25, v29;
	v37 =	vld.idx.msk [tilespmem:v37+s24+$0x0], $0xffff  }
0xd3: {  	v38 =	vor.u32 s26, v18;
	_ =	sdelay $0x3  }
0xd4: {  	[tilespmem:v36+s20+$0xFFFFFC00] =	vst.idx.msk $0xffff, v37  }
0xd5: {  	v37 =	vor.u32 s25, v0;
	v38 =	vld.idx.msk [tilespmem:v38+s24+$0x0], $0xffff  }
0xd6: {  	v39 =	vor.u32 s26, v19;
	_ =	sdelay $0x3  }
0xd7: {  	[tilespmem:v37+s20+$0xFFFFFC00] =	vst.idx.msk $0xffff, v38  }
0xd8: {  	v38 =	vor.u32 s25, v4;
	v39 =	vld.idx.msk [tilespmem:v39+s24+$0x0], $0xffff  }
0xd9: {  	v40 =	vor.u32 s26, v20;
	_ =	sdelay $0x3  }
0xda: {  	[tilespmem:v38+s20+$0xFFFFFC00] =	vst.idx.msk $0xffff, v39  }
0xdb: {  	v39 =	vor.u32 s25, v5;
	v40 =	vld.idx.msk [tilespmem:v40+s24+$0x0], $0xffff  }
0xdc: {  	v41 =	vor.u32 s26, v21;
	_ =	sdelay $0x3  }
0xdd: {  	[tilespmem:v39+s20+$0xFFFFFC00] =	vst.idx.msk $0xffff, v40  }
0xde: {  	v40 =	vor.u32 s25, v6;
	v41 =	vld.idx.msk [tilespmem:v41+s24+$0x0], $0xffff  }
0xdf: {  	v42 =	vor.u32 s26, v22;
	_ =	sdelay $0x3  }
0xe0: {  	[tilespmem:v40+s20+$0xFFFFFC00] =	vst.idx.msk $0xffff, v41  }
0xe1: {  	v41 =	vor.u32 s25, v7;
	v42 =	vld.idx.msk [tilespmem:v42+s24+$0x0], $0xffff  }
0xe2: {  	v43 =	vor.u32 s26, v23;
	_ =	sdelay $0x3  }
0xe3: {  	[tilespmem:v41+s20+$0xFFFFFC00] =	vst.idx.msk $0xffff, v42  }
0xe4: {  	v42 =	vor.u32 s25, v8;
	v43 =	vld.idx.msk [tilespmem:v43+s24+$0x0], $0xffff  }
0xe5: {  	v44 =	vor.u32 s26, v24;
	_ =	sdelay $0x3  }
0xe6: {  	[tilespmem:v42+s20+$0xFFFFFC00] =	vst.idx.msk $0xffff, v43  }
0xe7: {  	v43 =	vor.u32 s25, v9;
	v44 =	vld.idx.msk [tilespmem:v44+s24+$0x0], $0xffff  }
0xe8: {  	v45 =	vor.u32 s26, v25;
	_ =	sdelay $0x3  }
0xe9: {  	[tilespmem:v43+s20+$0xFFFFFC00] =	vst.idx.msk $0xffff, v44  }
0xea: {  	v44 =	vor.u32 s25, v10;
	v45 =	vld.idx.msk [tilespmem:v45+s24+$0x0], $0xffff  }
0xeb: {  	v46 =	vor.u32 s26, v26;
	_ =	sdelay $0x3  }
0xec: {  	[tilespmem:v44+s20+$0xFFFFFC00] =	vst.idx.msk $0xffff, v45  }
0xed: {  	v45 =	vor.u32 s25, v11;
	v46 =	vld.idx.msk [tilespmem:v46+s24+$0x0], $0xffff  }
0xee: {  	v47 =	vor.u32 s26, v27;
	_ =	sdelay $0x3  }
0xef: {  	[tilespmem:v45+s20+$0xFFFFFC00] =	vst.idx.msk $0xffff, v46  }
0xf0: {  	v46 =	vor.u32 s25, v12;
	v47 =	vld.idx.msk [tilespmem:v47+s24+$0x0], $0xffff  }
0xf1: {  	v48 =	vor.u32 s26, v28;
	_ =	sdelay $0x3  }
0xf2: {  	[tilespmem:v46+s20+$0xFFFFFC00] =	vst.idx.msk $0xffff, v47  }
0xf3: {  	s31 =	simm.s32 $0x10;
	v47 =	vor.u32 s25, v13;
	v48 =	vld.idx.msk [tilespmem:v48+s24+$0x0], $0xffff  }
0xf4: {  	v49 =	vor.u32 s31, v31;
	_ =	sdelay $0x3  }
0xf5: {  	[tilespmem:v47+s20+$0xFFFFFC00] =	vst.idx.msk $0xffff, v48  }
0xf6: {  	v48 =	vld.idx.msk [tilespmem:v49+s24+$0x0], $0xffff  }
0xf7: {  	v61 =	vor.u32 s31, v14;
	_ =	sdelay $0x3  }
0xf8: {  	[tilespmem:v32+s20+$0x0] =	vst.idx.msk $0xffff, v48  }
0xf9: {  	v48 =	vld.idx.msk [tilespmem:v61+s24+$0x0], $0xffff  }
0xfa: {  	v62 =	vor.u32 s31, v15;
	_ =	sdelay $0x3  }
0xfb: {  	[tilespmem:v33+s20+$0x0] =	vst.idx.msk $0xffff, v48  }
0xfc: {  	v48 =	vld.idx.msk [tilespmem:v62+s24+$0x0], $0xffff  }
0xfd: {  	v63 =	vor.u32 s31, v16;
	_ =	sdelay $0x3  }
0xfe: {  	[tilespmem:v34+s20+$0x0] =	vst.idx.msk $0xffff, v48  }
0xff: {  	v48 =	vld.idx.msk [tilespmem:v63+s24+$0x0], $0xffff  }
0x100: {  	v52 =	vor.u32 s31, v17;
	_ =	sdelay $0x3  }
0x101: {  	[tilespmem:v35+s20+$0x0] =	vst.idx.msk $0xffff, v48  }
0x102: {  	v48 =	vld.idx.msk [tilespmem:v52+s24+$0x0], $0xffff  }
0x103: {  	v53 =	vor.u32 s31, v18;
	_ =	sdelay $0x3  }
0x104: {  	[tilespmem:v36+s20+$0x0] =	vst.idx.msk $0xffff, v48  }
0x105: {  	v48 =	vld.idx.msk [tilespmem:v53+s24+$0x0], $0xffff  }
0x106: {  	v54 =	vor.u32 s31, v19;
	_ =	sdelay $0x3  }
0x107: {  	[tilespmem:v37+s20+$0x0] =	vst.idx.msk $0xffff, v48  }
0x108: {  	v48 =	vld.idx.msk [tilespmem:v54+s24+$0x0], $0xffff  }
0x109: {  	v55 =	vor.u32 s31, v20;
	_ =	sdelay $0x3  }
0x10a: {  	[tilespmem:v38+s20+$0x0] =	vst.idx.msk $0xffff, v48  }
0x10b: {  	v48 =	vld.idx.msk [tilespmem:v55+s24+$0x0], $0xffff  }
0x10c: {  	v56 =	vor.u32 s31, v21;
	_ =	sdelay $0x3  }
0x10d: {  	[tilespmem:v39+s20+$0x0] =	vst.idx.msk $0xffff, v48  }
0x10e: {  	v48 =	vld.idx.msk [tilespmem:v56+s24+$0x0], $0xffff  }
0x10f: {  	v57 =	vor.u32 s31, v22;
	_ =	sdelay $0x3  }
0x110: {  	[tilespmem:v40+s20+$0x0] =	vst.idx.msk $0xffff, v48  }
0x111: {  	v48 =	vld.idx.msk [tilespmem:v57+s24+$0x0], $0xffff  }
0x112: {  	v58 =	vor.u32 s31, v23;
	_ =	sdelay $0x3  }
0x113: {  	[tilespmem:v41+s20+$0x0] =	vst.idx.msk $0xffff, v48  }
0x114: {  	v48 =	vld.idx.msk [tilespmem:v58+s24+$0x0], $0xffff  }
0x115: {  	v59 =	vor.u32 s31, v24;
	_ =	sdelay $0x3  }
0x116: {  	[tilespmem:v42+s20+$0x0] =	vst.idx.msk $0xffff, v48  }
0x117: {  	v48 =	vld.idx.msk [tilespmem:v59+s24+$0x0], $0xffff  }
0x118: {  	v60 =	vor.u32 s31, v25;
	_ =	sdelay $0x3  }
0x119: {  	[tilespmem:v43+s20+$0x0] =	vst.idx.msk $0xffff, v48  }
0x11a: {  	v48 =	vld.idx.msk [tilespmem:v60+s24+$0x0], $0xffff  }
0x11b: {  	v61 =	vor.u32 s31, v26;
	_ =	sdelay $0x3  }
0x11c: {  	[tilespmem:v44+s20+$0x0] =	vst.idx.msk $0xffff, v48  }
0x11d: {  	v48 =	vld.idx.msk [tilespmem:v61+s24+$0x0], $0xffff  }
0x11e: {  	v62 =	vor.u32 s31, v27;
	_ =	sdelay $0x3  }
0x11f: {  	[tilespmem:v45+s20+$0x0] =	vst.idx.msk $0xffff, v48  }
0x120: {  	v48 =	vld.idx.msk [tilespmem:v62+s24+$0x0], $0xffff  }
0x121: {  	v63 =	vor.u32 s31, v28;
	_ =	sdelay $0x3  }
0x122: {  	[tilespmem:v46+s20+$0x0] =	vst.idx.msk $0xffff, v48  }
0x123: {  	s28 =	simm.s32 $0x30;
	s26 =	simm.s32 $0x0;
	s25 =	smov.u32 s20;
	v48 =	vld.idx.msk [tilespmem:v63+s24+$0x0], $0xffff  }
.LBB2_4:
0x124: {  	s29 =	sadd.s32 $0xFFFFFFF0, s28;
	s26 =	sadd.s32 $0x2, s26  }
0x125: {  	v49 =	vor.u32 s29, v31;
	p2 =	slt.u32 s26, $0x6;
	_ =	sdelay $0x3  }
0x126: {  	[tilespmem:v47+s25+$0x0] =	vst.idx.msk $0xffff, v48  }
0x127: {  	v48 =	vld.idx.msk [tilespmem:v49+s24+$0x0], $0xffff;
	_ =	sdelay $0x1  }
0x128: {  	v49 =	vor.u32 s29, v14;
	_ =	sdelay $0x2  }
0x129: {  	s25 =	sadd.s32 $0x800, s25  }
0x12a: {  	[tilespmem:v32+s25+$0xFFFFFC00] =	vst.idx.msk $0xffff, v48  }
0x12b: {  	v48 =	vld.idx.msk [tilespmem:v49+s24+$0x0], $0xffff;
	_ =	sdelay $0x1  }
0x12c: {  	v49 =	vor.u32 s29, v15;
	_ =	sdelay $0x3  }
0x12d: {  	[tilespmem:v33+s25+$0xFFFFFC00] =	vst.idx.msk $0xffff, v48  }
0x12e: {  	v48 =	vld.idx.msk [tilespmem:v49+s24+$0x0], $0xffff;
	_ =	sdelay $0x1  }
0x12f: {  	v49 =	vor.u32 s29, v16;
	_ =	sdelay $0x3  }
0x130: {  	[tilespmem:v34+s25+$0xFFFFFC00] =	vst.idx.msk $0xffff, v48  }
0x131: {  	v48 =	vld.idx.msk [tilespmem:v49+s24+$0x0], $0xffff;
	_ =	sdelay $0x1  }
0x132: {  	v49 =	vor.u32 s29, v17;
	_ =	sdelay $0x3  }
0x133: {  	[tilespmem:v35+s25+$0xFFFFFC00] =	vst.idx.msk $0xffff, v48  }
0x134: {  	v48 =	vld.idx.msk [tilespmem:v49+s24+$0x0], $0xffff;
	_ =	sdelay $0x1  }
0x135: {  	v49 =	vor.u32 s29, v18;
	_ =	sdelay $0x3  }
0x136: {  	[tilespmem:v36+s25+$0xFFFFFC00] =	vst.idx.msk $0xffff, v48  }
0x137: {  	v48 =	vld.idx.msk [tilespmem:v49+s24+$0x0], $0xffff;
	_ =	sdelay $0x1  }
0x138: {  	v49 =	vor.u32 s29, v19;
	_ =	sdelay $0x3  }
0x139: {  	[tilespmem:v37+s25+$0xFFFFFC00] =	vst.idx.msk $0xffff, v48  }
0x13a: {  	v48 =	vld.idx.msk [tilespmem:v49+s24+$0x0], $0xffff;
	_ =	sdelay $0x1  }
0x13b: {  	v49 =	vor.u32 s29, v20;
	_ =	sdelay $0x3  }
0x13c: {  	[tilespmem:v38+s25+$0xFFFFFC00] =	vst.idx.msk $0xffff, v48  }
0x13d: {  	v48 =	vld.idx.msk [tilespmem:v49+s24+$0x0], $0xffff;
	_ =	sdelay $0x1  }
0x13e: {  	v49 =	vor.u32 s29, v21;
	_ =	sdelay $0x3  }
0x13f: {  	[tilespmem:v39+s25+$0xFFFFFC00] =	vst.idx.msk $0xffff, v48  }
0x140: {  	v48 =	vld.idx.msk [tilespmem:v49+s24+$0x0], $0xffff;
	_ =	sdelay $0x1  }
0x141: {  	v49 =	vor.u32 s29, v22;
	_ =	sdelay $0x3  }
0x142: {  	[tilespmem:v40+s25+$0xFFFFFC00] =	vst.idx.msk $0xffff, v48  }
0x143: {  	v48 =	vld.idx.msk [tilespmem:v49+s24+$0x0], $0xffff;
	_ =	sdelay $0x1  }
0x144: {  	v49 =	vor.u32 s29, v23;
	_ =	sdelay $0x3  }
0x145: {  	[tilespmem:v41+s25+$0xFFFFFC00] =	vst.idx.msk $0xffff, v48  }
0x146: {  	v48 =	vld.idx.msk [tilespmem:v49+s24+$0x0], $0xffff;
	_ =	sdelay $0x1  }
0x147: {  	v49 =	vor.u32 s29, v24;
	_ =	sdelay $0x3  }
0x148: {  	[tilespmem:v42+s25+$0xFFFFFC00] =	vst.idx.msk $0xffff, v48  }
0x149: {  	v48 =	vld.idx.msk [tilespmem:v49+s24+$0x0], $0xffff;
	_ =	sdelay $0x1  }
0x14a: {  	v49 =	vor.u32 s29, v25;
	_ =	sdelay $0x3  }
0x14b: {  	[tilespmem:v43+s25+$0xFFFFFC00] =	vst.idx.msk $0xffff, v48  }
0x14c: {  	v48 =	vld.idx.msk [tilespmem:v49+s24+$0x0], $0xffff;
	_ =	sdelay $0x1  }
0x14d: {  	v49 =	vor.u32 s29, v26;
	_ =	sdelay $0x3  }
0x14e: {  	[tilespmem:v44+s25+$0xFFFFFC00] =	vst.idx.msk $0xffff, v48  }
0x14f: {  	v48 =	vld.idx.msk [tilespmem:v49+s24+$0x0], $0xffff;
	_ =	sdelay $0x1  }
0x150: {  	v49 =	vor.u32 s29, v27;
	_ =	sdelay $0x3  }
0x151: {  	[tilespmem:v45+s25+$0xFFFFFC00] =	vst.idx.msk $0xffff, v48  }
0x152: {  	v48 =	vld.idx.msk [tilespmem:v49+s24+$0x0], $0xffff;
	_ =	sdelay $0x1  }
0x153: {  	v49 =	vor.u32 s29, v28;
	_ =	sdelay $0x3  }
0x154: {  	[tilespmem:v46+s25+$0xFFFFFC00] =	vst.idx.msk $0xffff, v48  }
0x155: {  	v48 =	vld.idx.msk [tilespmem:v49+s24+$0x0], $0xffff;
	_ =	sdelay $0x1  }
0x156: {  	v49 =	vor.u32 s28, v31;
	_ =	sdelay $0x3  }
0x157: {  	[tilespmem:v47+s25+$0xFFFFFC00] =	vst.idx.msk $0xffff, v48  }
0x158: {  	v48 =	vld.idx.msk [tilespmem:v49+s24+$0x0], $0xffff;
	_ =	sdelay $0x1  }
0x159: {  	v49 =	vor.u32 s28, v14;
	_ =	sdelay $0x3  }
0x15a: {  	[tilespmem:v32+s25+$0x0] =	vst.idx.msk $0xffff, v48  }
0x15b: {  	v48 =	vld.idx.msk [tilespmem:v49+s24+$0x0], $0xffff;
	_ =	sdelay $0x1  }
0x15c: {  	v49 =	vor.u32 s28, v15;
	_ =	sdelay $0x3  }
0x15d: {  	[tilespmem:v33+s25+$0x0] =	vst.idx.msk $0xffff, v48  }
0x15e: {  	v48 =	vld.idx.msk [tilespmem:v49+s24+$0x0], $0xffff;
	_ =	sdelay $0x1  }
0x15f: {  	v49 =	vor.u32 s28, v16;
	_ =	sdelay $0x3  }
0x160: {  	[tilespmem:v34+s25+$0x0] =	vst.idx.msk $0xffff, v48  }
0x161: {  	v48 =	vld.idx.msk [tilespmem:v49+s24+$0x0], $0xffff;
	_ =	sdelay $0x1  }
0x162: {  	v49 =	vor.u32 s28, v17;
	_ =	sdelay $0x3  }
0x163: {  	[tilespmem:v35+s25+$0x0] =	vst.idx.msk $0xffff, v48  }
0x164: {  	v48 =	vld.idx.msk [tilespmem:v49+s24+$0x0], $0xffff;
	_ =	sdelay $0x1  }
0x165: {  	v49 =	vor.u32 s28, v18;
	_ =	sdelay $0x3  }
0x166: {  	[tilespmem:v36+s25+$0x0] =	vst.idx.msk $0xffff, v48  }
0x167: {  	v48 =	vld.idx.msk [tilespmem:v49+s24+$0x0], $0xffff;
	_ =	sdelay $0x1  }
0x168: {  	v49 =	vor.u32 s28, v19;
	_ =	sdelay $0x3  }
0x169: {  	[tilespmem:v37+s25+$0x0] =	vst.idx.msk $0xffff, v48  }
0x16a: {  	v48 =	vld.idx.msk [tilespmem:v49+s24+$0x0], $0xffff;
	_ =	sdelay $0x1  }
0x16b: {  	v49 =	vor.u32 s28, v20;
	_ =	sdelay $0x3  }
0x16c: {  	[tilespmem:v38+s25+$0x0] =	vst.idx.msk $0xffff, v48  }
0x16d: {  	v48 =	vld.idx.msk [tilespmem:v49+s24+$0x0], $0xffff;
	_ =	sdelay $0x1  }
0x16e: {  	v49 =	vor.u32 s28, v21;
	_ =	sdelay $0x3  }
0x16f: {  	[tilespmem:v39+s25+$0x0] =	vst.idx.msk $0xffff, v48  }
0x170: {  	v48 =	vld.idx.msk [tilespmem:v49+s24+$0x0], $0xffff;
	_ =	sdelay $0x1  }
0x171: {  	v49 =	vor.u32 s28, v22;
	_ =	sdelay $0x3  }
0x172: {  	[tilespmem:v40+s25+$0x0] =	vst.idx.msk $0xffff, v48  }
0x173: {  	v48 =	vld.idx.msk [tilespmem:v49+s24+$0x0], $0xffff;
	_ =	sdelay $0x1  }
0x174: {  	v49 =	vor.u32 s28, v23;
	_ =	sdelay $0x3  }
0x175: {  	[tilespmem:v41+s25+$0x0] =	vst.idx.msk $0xffff, v48  }
0x176: {  	v48 =	vld.idx.msk [tilespmem:v49+s24+$0x0], $0xffff;
	_ =	sdelay $0x1  }
0x177: {  	v49 =	vor.u32 s28, v24;
	_ =	sdelay $0x3  }
0x178: {  	[tilespmem:v42+s25+$0x0] =	vst.idx.msk $0xffff, v48  }
0x179: {  	v48 =	vld.idx.msk [tilespmem:v49+s24+$0x0], $0xffff;
	_ =	sdelay $0x1  }
0x17a: {  	v49 =	vor.u32 s28, v25;
	_ =	sdelay $0x3  }
0x17b: {  	[tilespmem:v43+s25+$0x0] =	vst.idx.msk $0xffff, v48  }
0x17c: {  	v48 =	vld.idx.msk [tilespmem:v49+s24+$0x0], $0xffff;
	_ =	sdelay $0x1  }
0x17d: {  	v49 =	vor.u32 s28, v26;
	_ =	sdelay $0x3  }
0x17e: {  	[tilespmem:v44+s25+$0x0] =	vst.idx.msk $0xffff, v48  }
0x17f: {  	v48 =	vld.idx.msk [tilespmem:v49+s24+$0x0], $0xffff;
	_ =	sdelay $0x1  }
0x180: {  	v49 =	vor.u32 s28, v27;
	_ =	sdelay $0x3  }
0x181: {  	[tilespmem:v45+s25+$0x0] =	vst.idx.msk $0xffff, v48  }
0x182: {  	v48 =	vld.idx.msk [tilespmem:v49+s24+$0x0], $0xffff;
	_ =	sdelay $0x1  }
0x183: {  	v49 =	vor.u32 s28, v28  }
.Ltmp2:
0x184: {  	(pc) =	sbr.rel @p2 .LBB2_4-.Ltmp2, $3  }
0x185: {  	_ =	sdelay $0x1  }
0x186: {  	[tilespmem:v46+s25+$0x0] =	vst.idx.msk $0xffff, v48  }
0x187: {  	s28 =	sadd.s32 $0x20, s28;
	v48 =	vld.idx.msk [tilespmem:v49+s24+$0x0], $0xffff  }
0x188: {  	s23 =	sadd.s32 $0x1, s23  }
0x189: {  	p2 =	sne.s32 s23, $0x4  }
.Ltmp3:
0x18a: {  	_ = 	snop;
	(pc) =	sbr.rel @p2 .LBB2_3-.Ltmp3, $2  }
0x18b: {  	_ =	sdelay $0x2  }
0x18c: {  	[tilespmem:v47+s25+$0x0] =	vst.idx.msk $0xffff, v48  }
0x18d: {  	s19 =	sadd.s32 s6, s19;
	p2 =	sne.s32 s18, s7  }
.Ltmp4:
0x18e: {  	s19 =	sshll.u32 s19, $0xA;
	(pc) =	sbr.rel @p2 .LBB2_2-.Ltmp4, $4  }
0x18f: {  	s19 =	sand.u32 $0x1FFFFC00, s19  }
0x190: {  	s19 =	sadd.s32 s5, s19  }
0x191: {  	[hbm4b:s19+s4] =	stream.linear.scatter [tilespmem:s21], [sflag:$0x2], $0x2000, $0x38;
	[tilespmem:$0x8000] =	vst v63  }
0x192: {  	p1 =	por !p1, !p1;
	s19 =	smov.u32 s18  }
0x193: {  	_ =	swait.ge [sflag:s14], $0x2000  }
.Ltmp5:
0x194: {  	[sflag:s14] =	ssyncset.done $0x0;
	(pc) =	sbr.rel @p0 .LBB2_11-.Ltmp5, $4  }
0x195: {  	[sflag:s14] =	ssyncadd.s32 $0xFFFFE000  }
0x196: {  	_ =	swait.ge [sflag:s14], $0x2000  }
0x197: {  	[sflag:s14] =	ssyncset.done $0x0  }
0x198: {  	[sflag:s14] =	ssyncadd.s32 $0xFFFFE000  }
0x199: {  	s19 =	simm.s32 $0x0  }
0x19a: {  	[tilespmem:s19], [sflag:$0x3] =	stream.linear.gather [hbm4b:s1+s19], $0x2000, $0x38;
	[tilespmem:$0x8000] =	vst v63  }
0x19b: {  	_ =	swait.ge [sflag:s15], $0x2000  }
0x19c: {  	[sflag:s15] =	ssyncset.done $0x0  }
0x19d: {  	s18 =	simm.s32 $0x20;
	[sflag:s15] =	ssyncadd.s32 $0xFFFFE000  }
0x19e: {  	s20 =	simm.s32 $0x40;
	v32 =	vld [tilespmem:s18+$0xFFFFFFE0]  }
.LBB2_9:
0x19f: {  	p1 =	sne.s32 s20, $0xFC0;
	_ =	sdelay $0x2  }
0x1a0: {  	s21 =	sand.u32 $0xFC0, s19;
	s19 =	smov.u32 s20  }
0x1a1: {  	[tilespmem:s21+$0x4000] =	vst v32  }
0x1a2: {  	v32 =	vld [tilespmem:s18+$0xFFFFFFF0];
	_ =	sdelay $0x4  }
0x1a3: {  	[tilespmem:s21+$0x4010] =	vst v32  }
0x1a4: {  	v32 =	vld [tilespmem:s18+$0x0];
	_ =	sdelay $0x4  }
0x1a5: {  	[tilespmem:s21+$0x4020] =	vst v32  }
0x1a6: {  	v32 =	vld [tilespmem:s18+$0x10];
	_ =	sdelay $0x1  }
.Ltmp6:
0x1a7: {  	(pc) =	sbr.rel @p1 .LBB2_9-.Ltmp6, $3  }
0x1a8: {  	_ =	sdelay $0x1  }
0x1a9: {  	s18 =	sadd.s32 $0x80, s18;
	[tilespmem:s21+$0x4030] =	vst v32  }
0x1aa: {  	s20 =	sadd.s32 $0x40, s20;
	v32 =	vld [tilespmem:s18+$0xFFFFFFE0]  }
0x1ab: {  	_ =	sdelay $0x2  }
0x1ac: {  	s19 =	sand.u32 $0xFC0, s19  }
0x1ad: {  	[tilespmem:s19+$0x4000] =	vst v32  }
0x1ae: {  	v32 =	vld [tilespmem:s18+$0xFFFFFFF0];
	_ =	sdelay $0x4  }
0x1af: {  	[tilespmem:s19+$0x4010] =	vst v32  }
0x1b0: {  	v32 =	vld [tilespmem:s18+$0x0];
	_ =	sdelay $0x4  }
0x1b1: {  	[tilespmem:s19+$0x4020] =	vst v32  }
0x1b2: {  	v32 =	vld [tilespmem:s18+$0x10];
	_ =	sdelay $0x4  }
.Ltmp7:
0x1b3: {  	[tilespmem:s19+$0x4030] =	vst v32;
	(pc) =	sbr.rel .LBB2_11-.Ltmp7, $4  }
0x1b4: {  	[hbm4b:s9+s4] =	stream.linear.scatter [tilespmem:s16], [sflag:$0x3], $0x1000, $0x38;
	[tilespmem:$0x8000] =	vst v63  }
0x1b5: {  	_ =	swait.ge [sflag:s15], $0x1000  }
0x1b6: {  	[sflag:s15] =	ssyncset.done $0x0  }
0x1b7: {  	[sflag:s15] =	ssyncadd.s32 $0xFFFFF000  }
.LBB2_12:
0x1b8: {  	_ =	sfence.sel $0x180000  }
0x1b9: {  	[bflag:$0x0] =	sbarrier.arrive $0xFFFF  }
0x1ba: {  	p0 =	sne.s32 s2, $0x0;
	_ =	strace $0x90000047  }
0x1bb: {  	s0 =	sadd.s32 @!p0 $0x100000, s3;
	[bflag:$0x2] =	sbarrier.arrive $0xFFFF  }
0x1bc: {  	[sflag:s0] =	ssyncadd.tile.s32 @!p0 $0x1;
	_ =	shalt  }
.Lfunc_end2:
_tile_overlayer_lowered:
.L_overlay_start_2:
0x1bd: {  	(tag) =	ssettag $0x2  }
0x1be: {  	s0 =	rddreg [dreg:$0x0];
	s2 =	stileid.u32  }
0x1bf: {  	s1 =	rddreg [dreg:$0x1];
	p0 =	sne.s32 s2, $0x0  }
0x1c0: {  	s3 =	rddreg [dreg:$0x2];
	[bflag:$0x3] =	sbarrier.arrive $0xFFFF;
	s2 =	simm.s32 @!p0 $0x1C03  }
0x1c1: {  	[timem:s3], [sflag:s2] =	dma.local @!p0 [hbm:s0], s1  }
0x1c2: {  	s0 =	simm.s32 @!p0 $0x3  }
0x1c3: {  	_ =	swait.ge @!p0 [sflag:s0], s1  }
0x1c4: {  	s1 =	ssub.s32 @!p0 $0x0, s1;
	[sflag:s0] =	ssyncset.done @!p0 $0x0  }
0x1c5: {  	[sflag:s0] =	ssyncadd.s32 @!p0 s1  }
0x1c6: {  	[bflag:$0x3] =	sbarrier.arrive $0xFFFF  }
0x1c7: {  	_ =	shalt  }

// kernel: kernel.7.cloned.1.call-start
scs
__scs_entry_jumppad:
0x0: {  	(pc) =	sbr.rel $0x88, $3  }
0x1: {  	(tag) =	ssettag $0x0;
	lr =	simm.s32 $0x1  }
0x2: {  	[smem:$0x3F9F] =	sst lr;
	_ =	strace $0xD0000000  }
0x3: {  	_ = 	snop  }
0x4: {  	_ = 	snop  }
0x5: {  	_ = 	snop  }
0x6: {  	_ = 	snop  }
0x7: {  	_ = 	snop  }
__scs_overlays_trampoline_lowered:
0x8: {  	[smem:$0x3FAE] =	sst s0  }
0x9: {  	[smem:$0x3FAF] =	sst s1  }
0xa: {  	[smem:$0x3FB0] =	sst s2  }
0xb: {  	[smem:$0x3FB1] =	sst s3  }
0xc: {  	[smem:$0x3FB2] =	sst s4  }
0xd: {  	[smem:$0x3FB3] =	sst s5  }
0xe: {  	[smem:$0x3FB4] =	sst s6  }
0xf: {  	[smem:$0x3FB5] =	sst s7  }
0x10: {  	[smem:$0x3FB6] =	sst s8  }
0x11: {  	[smem:$0x3FB7] =	sst s9;
	s0 =	simm.s32 @!p0 $0x0  }
0x12: {  	s1 =	sld [smem:$0x3F9D];
	s0 =	simm.s32 @p0 $0x1  }
0x13: {  	[smem:$0x3FB8] =	sst s0;
	s0 =	simm.s32 @!p1 $0x0  }
0x14: {  	s2 =	sld [smem:$0x3F9C];
	s0 =	simm.s32 @p1 $0x1  }
0x15: {  	[smem:$0x3FB9] =	sst s0;
	s0 =	simm.s32 @!p2 $0x0  }
0x16: {  	s3 =	sld [smem:$0x3FDB];
	s0 =	simm.s32 @p2 $0x1  }
0x17: {  	s4 =	simm.s32 $0x1BF5;
	[smem:$0x3FBB] =	sst s0  }
0x18: {  	s0 =	sld [smem:$0x3F9E];
	_ =	swait.ge [sflag:s4], $0x0  }
0x19: {  	s7 =	sld [smem:$0x3F9F]  }
0x1a: {  	s8 =	sadd.s32 $0xFFFFE003, lr  }
0x1b: {  	s9 =	sadd.s32 $0xFFFFFEF7, lr;
	s5 =	simm.s32 $0xFFFFFFFF;
	p2 =	slt.u32 s8, $0xFFFFF086  }
0x1c: {  	p1 =	slt.u32 s9, $0xF7A;
	s5 =	simm.s32 @!p2 $0x0  }
0x1d: {  	s5 =	simm.s32 @p1 $0x1;
	p0 =	seq.s32 s7, s2  }
0x1e: {  	s7 =	smul.u32 @!p0 $0xF7A, s2;
	p2 =	seq.s32 @!p0 s5, $0x0  }
0x1f: {  	s9 =	smul.u32 $0xF7A, s1;
	s8 =	simm.s32 @!p0 $0x1BF5;
	p2 =	por !p2, p0  }
0x20: {  	[sflag:s8] =	ssyncset.s32 @!p0 $0xFFFFF086;
	s6 =	sadd.s32 @!p0 s3, s7;
	s7 =	simm.s32 @!p0 $0x108  }
0x21: {  	s3 =	sadd.s32 s3, s9;
	s6 =	sadd.s32 @!p0 $0x88, s6;
	s7 =	simm.s32 @p2 $0x1082  }
0x22: {  	[simem:s7], [sflag:s8] =	dma.local @!p0 [hbm:s6], $0xF7A  }
0x23: {  	s9 =	sor.u32 $0xD0000000, s2;
	s6 =	simm.s32 $0x108;
	_ =	swait.ge @!p0 [sflag:s8], $0x0  }
0x24: {  	s3 =	sadd.s32 $0x88, s3;
	s6 =	simm.s32 @!p1 $0x1082;
	[sflag:s4] =	ssyncset.s32 $0xFFFFF086  }
0x25: {  	[simem:s6], [sflag:s4] =	dma.local [hbm:s3], $0xF7A  }
0x26: {  	[smem:$0x3F9F] =	sst s1;
	(tag) =	ssettag s2;
	_ =	strace s9  }
0x27: {  	s1 =	sld [smem:$0x3FAF]  }
0x28: {  	s2 =	sld [smem:$0x3FB0]  }
0x29: {  	s4 =	sld [smem:$0x3FB2]  }
0x2a: {  	p0 =	seq.s32 s5, $0x0;
	s5 =	sld [smem:$0x3FB3]  }
0x2b: {  	s6 =	sld [smem:$0x3FB4]  }
0x2c: {  	s7 =	sld [smem:$0x3FB5]  }
0x2d: {  	s3 =	simm.s32 $0x108;
	s8 =	sld [smem:$0x3FB6]  }
0x2e: {  	s3 =	simm.s32 @!p0 $0x1082;
	s9 =	sld [smem:$0x3FB7]  }
0x2f: {  	lr =	sadd.s32 s0, s3;
	s0 =	sld [smem:$0x3FAE]  }
0x30: {  	s3 =	sld [smem:$0x3FB1]  }
0x31: {  	[smem:$0x3FBA] =	sst s10  }
0x32: {  	s10 =	sld [smem:$0x3FB8];
	_ =	sdelay $0x3  }
0x33: {  	p0 =	seq.s32 s10, $0x1;
	s10 =	sld [smem:$0x3FBA];
	_ =	sdelay $0x3  }
0x34: {  	[smem:$0x3FBA] =	sst s10  }
0x35: {  	s10 =	sld [smem:$0x3FB9];
	_ =	sdelay $0x3  }
0x36: {  	p1 =	seq.s32 s10, $0x1;
	s10 =	sld [smem:$0x3FBA];
	_ =	sdelay $0x3  }
0x37: {  	[smem:$0x3FBA] =	sst s10  }
0x38: {  	s10 =	sld [smem:$0x3FBB]  }
0x39: {  	_ = 	snop;
	(pc) =	sbr.ind lr, $3  }
0x3a: {  	_ = 	snop  }
0x3b: {  	_ = 	snop  }
0x3c: {  	p2 =	seq.s32 s10, $0x1;
	s10 =	sld [smem:$0x3FBA]  }
0x3d: {  	_ =	shalt  }
0x3e: {  	_ =	shalt  }
0x3f: {  	_ =	shalt  }
0x40: {  	_ =	shalt  }
0x41: {  	_ =	shalt  }
0x42: {  	_ =	shalt  }
0x43: {  	_ =	shalt  }
0x44: {  	_ =	shalt  }
0x45: {  	_ =	shalt  }
0x46: {  	_ =	shalt  }
0x47: {  	_ =	shalt  }
0x48: {  	_ =	shalt  }
0x49: {  	_ =	shalt  }
0x4a: {  	_ =	shalt  }
0x4b: {  	_ =	shalt  }
0x4c: {  	_ =	shalt  }
0x4d: {  	_ =	shalt  }
0x4e: {  	_ =	shalt  }
0x4f: {  	_ =	shalt  }
0x50: {  	_ =	shalt  }
0x51: {  	_ =	shalt  }
0x52: {  	_ =	shalt  }
0x53: {  	_ =	shalt  }
0x54: {  	_ =	shalt  }
0x55: {  	_ =	shalt  }
0x56: {  	_ =	shalt  }
0x57: {  	_ =	shalt  }
0x58: {  	_ =	shalt  }
0x59: {  	_ =	shalt  }
0x5a: {  	_ =	shalt  }
0x5b: {  	_ =	shalt  }
0x5c: {  	_ =	shalt  }
0x5d: {  	_ =	shalt  }
0x5e: {  	_ =	shalt  }
0x5f: {  	_ =	shalt  }
0x60: {  	_ =	shalt  }
0x61: {  	_ =	shalt  }
0x62: {  	_ =	shalt  }
0x63: {  	_ =	shalt  }
0x64: {  	_ =	shalt  }
0x65: {  	_ =	shalt  }
0x66: {  	_ =	shalt  }
0x67: {  	_ =	shalt  }
0x68: {  	_ =	shalt  }
0x69: {  	_ =	shalt  }
0x6a: {  	_ =	shalt  }
0x6b: {  	_ =	shalt  }
0x6c: {  	_ =	shalt  }
0x6d: {  	_ =	shalt  }
0x6e: {  	_ =	shalt  }
0x6f: {  	_ =	shalt  }
0x70: {  	_ =	shalt  }
0x71: {  	_ =	shalt  }
0x72: {  	_ =	shalt  }
0x73: {  	_ =	shalt  }
0x74: {  	_ =	shalt  }
0x75: {  	_ =	shalt  }
0x76: {  	_ =	shalt  }
0x77: {  	_ =	shalt  }
0x78: {  	_ =	shalt  }
0x79: {  	_ =	shalt  }
0x7a: {  	_ =	shalt  }
0x7b: {  	_ =	shalt  }
0x7c: {  	_ =	shalt  }
0x7d: {  	_ =	shalt  }
0x7e: {  	_ =	shalt  }
0x7f: {  	_ =	shalt  }
0x80: {  	_ =	shalt  }
0x81: {  	_ =	shalt  }
0x82: {  	_ =	shalt  }
0x83: {  	_ =	shalt  }
0x84: {  	_ =	shalt  }
0x85: {  	_ =	shalt  }
0x86: {  	_ =	shalt  }
0x87: {  	_ =	shalt  }
.Lfunc_end0:
.L_simem_size_0:
called_computation.1_lowered:
.L_overlay_start_0:
0x88: {  	s2 =	sld [smem:$0x3FD9]  }
0x89: {  	s3 =	sld [smem:$0x3FFE];
	_ =	sdelay $0x1  }
0x8a: {  	s1 =	srdreg.scid  }
0x8b: {  	s0 =	sand.u32 $0x1, s1  }
0x8c: {  	s17 =	sshll.u32 s0, $0xA;
	s2 =	sadd.s32 s3, s2  }
0x8d: {  	s2 =	sadd.s32 s2, s17  }
0x8e: {  	[smem:$0x3FC6] =	sst s2  }
0x8f: {  	_ = 	snop  }
0x90: {  	s2 =	sld [smem:$0x3FC9]  }
0x91: {  	s18 =	sld [smem:$0x3FD0];
	(tm) =	ssettm $0x1  }
0x92: {  	s4 =	sld [smem:$0x3FFB];
	_ =	sdelay $0x3  }
0x93: {  	_ =	strace s4  }
0x94: {  	s4 =	sld [smem:$0x3FFC];
	_ =	sdelay $0x3  }
0x95: {  	_ =	strace s4  }
0x96: {  	s4 =	sld [smem:$0x3FFD];
	_ =	sdelay $0x3  }
0x97: {  	_ =	strace s4  }
0x98: {  	_ =	strace $0x8FFFFFFF  }
0x99: {  	s19 =	sld [smem:$0x3FDB];
	_ =	sdelay $0x1  }
0x9a: {  	s5 =	simm.s32 $_scs_section_size  }
0x9b: {  	s6 =	simm.s32 $_size__tile_overlayer_lowered;
	s7 =	simm.s32 $_tile_overlayer_lowered  }
0x9c: {  	s22 =	simm.s32 $0x1BFF;
	s21 =	sshll.u32 s7, $0x1;
	s4 =	sadd.s32 s5, s19  }
0x9d: {  	s8 =	simm.s32 $0x0;
	s20 =	sshll.u32 s6, $0x1;
	s6 =	sadd.s32 s21, s4  }
0x9e: {  	[timem:s8], [sflag:s22] =	dma.local [hbm:s6], s20  }
0x9f: {  	_ =	swait.ge [sflag:s22], s20  }
0xa0: {  	s5 =	ssub.s32 $0x0, s20;
	[sflag:s22] =	ssyncset.done $0x0  }
0xa1: {  	[sflag:s22] =	ssyncadd.s32 s5;
	_ =	sdelay $0x1  }
0xa2: {  	s23 =	simm.s32 $0x1B8B  }
0xa3: {  	_ =	swait.ge [sflag:s23], $0x1  }
0xa4: {  	[sflag:s23] =	ssyncset.done $0x0  }
0xa5: {  	s25 =	simm.s32 $0x1B8E;
	s24 =	sld [smem:$0x3FFE];
	[sflag:s23] =	ssyncadd.s32 $0xFFFFFFFF  }
0xa6: {  	s26 =	simm.s32 $execute0_lowered;
	[smem:$0x3FD2] =	sst s25  }
0xa7: {  	s6 =	sshll.u32 s26, $0x1;
	_ =	strace $0x80000049;
	[dreg:$0x1] =	wrdreg $0xFFFFFFFF  }
0xa8: {  	s28 =	simm.s32 $_size_execute0_lowered;
	s4 =	sadd.s32 s4, s6;
	[dreg:$0x0] =	wrdreg $0x0  }
0xa9: {  	s6 =	sshll.u32 s28, $0x1;
	[dreg:$0x2] =	wrdreg s4  }
0xaa: {  	[dreg:$0x3] =	wrdreg s6  }
0xab: {  	[dreg:$0x4] =	wrdreg $0xC0  }
0xac: {  	_ =	task [dreg:s8], $0x5FFFF  }
0xad: {  	[dreg:$0x1] =	wrdreg $0xFFFFFFFF  }
0xae: {  	[dreg:$0x0] =	wrdreg $0x60  }
0xaf: {  	[dreg:$0x2] =	wrdreg s2  }
0xb0: {  	[dreg:$0x3] =	wrdreg s24  }
0xb1: {  	[dreg:$0x4] =	wrdreg s18  }
0xb2: {  	[dreg:$0x5] =	wrdreg $0x9  }
0xb3: {  	_ =	task.clear_ibuf [dreg:s8], $0x6FFFF;
	_ =	strace $0x90000049  }
0xb4: {  	s29 =	simm.s32 $0x9;
	_ =	strace $0x8000004B  }
0xb5: {  	_ =	swait.ge [sflag:s29], $0x1  }
0xb6: {  	[sflag:s29] =	ssyncadd.s32 $0xFFFFFFFF  }
0xb7: {  	_ =	strace $0x9000004B  }
0xb8: {  	_ =	sfence  }
0xb9: {  	s30 =	sld [smem:$0x0];
	_ =	sdelay $0x2  }
0xba: {  	s31 =	sshll.u32 s1, $0xD;
	s1 =	sshrl.u32 s1, $0x2  }
0xbb: {  	s3 =	sand.u32 $0x4000, s31;
	s1 =	sadd.s32 s1, s30  }
0xbc: {  	s0 =	sor.u32 s3, s0;
	s1 =	sshll.u32 s1, $0x11  }
0xbd: {  	s0 =	sor.u32 s1, s0  }
0xbe: {  	s0 =	sadd.s32 $0x8F2B, s0  }
0xbf: {  	[sflag:s0] =	ssyncadd.remote.s32 $0x1  }
0xc0: {  	_ =	sfence.sel $0xFFFF  }
0xc1: {  	[dreg:$0x0] =	wrdreg $0xFFFFFFFF;
	(pc) =	sbr.abs _section_cstart, $3  }
0xc2: {  	[dreg:$0x1] =	wrdreg $0xFFFFFFFF  }
0xc3: {  	_ =	task.clear_ibuf [dreg:s8], $0x2FFFF;
	_ =	strace $0x9FFFFFFF  }
0xc4: {  	(tm) =	ssettm $0x7FFFFFFF  }
0xc5: {  	_ =	shalt  }
tec
execute0_lowered:
.L_overlay_start_1:
0x0: {  	(tag) =	ssettag $0x1  }
0x1: {  	v0 =	vimm.s32 $0x700;
	vm10 =	vcmask $0x300;
	vm9 =	vcmask $0x704  }
0x2: {  	vm7 =	vcmask $0xB08;
	vm6 =	vcmask $0xF0C;
	vm5 =	vcmask $0x1310  }
0x3: {  	vm3 =	vcmask $0x1714;
	vm2 =	vcmask $0x1B18;
	vm1 =	vcmask $0x1F1C  }
0x4: {  	vm0 =	vcmask $0x2320;
	v1 =	vimm.s32 $0x680;
	v2 =	vimm.s32 $0x600  }
0x5: {  	vm4 =	vcmask $0x2724;
	vm8 =	vcmask $0x2B28;
	vm11 =	vcmask $0x2F2C  }
0x6: {  	vm12 =	vcmask $0x3330;
	vm14 =	vcmask $0x3734;
	vm13 =	vcmask $0x3B38  }
0x7: {  	v34 =	vimm.s32 $0x580;
	v37 =	vimm.s32 $0x500;
	v38 =	vimm.s32 $0x480  }
0x8: {  	v41 =	vimm.s32 $0x400;
	v44 =	vimm.s32 $0x380;
	v45 =	vimm.s32 $0x300  }
0x9: {  	v48 =	vimm.s32 $0x280;
	v51 =	vimm.s32 $0x200;
	v52 =	vimm.s32 $0x180  }
0xa: {  	v55 =	vimm.s32 $0x100;
	v58 =	vimm.s32 $0x80;
	v59 =	vimm.s32 $0x0  }
0xb: {  	v62 =	vimm.s32 $0xFEDCBA9;
	v3 =	vimm.s32 $0x87654321;
	v4 =	vimm.s32 $0x10FEDCBA  }
0xc: {  	v5 =	vimm.s32 $0x98765432;
	v13 =	vimm.s32 $0x210FEDCB;
	v14 =	vimm.s32 $0xA9876543  }
0xd: {  	v15 =	vimm.s32 $0x3210FEDC;
	v16 =	vimm.s32 $0xBA987654;
	v22 =	vimm.s32 $0x543210FE  }
0xe: {  	v23 =	vimm.s32 $0xDCBA9876;
	v24 =	vimm.s32 $0xFEDCBA98;
	v25 =	vimm.s32 $0x6543210F  }
0xf: {  	v0 =	vsel vm10, $0x780, v0;
	v1 =	vsel vm10, $0x700, v1;
	v2 =	vsel vm10, $0x680, v2  }
0x10: {  	v36 =	vsel vm10, $0x600, v34;
	v43 =	vsel vm10, $0x480, v41;
	v50 =	vsel vm10, $0x300, v48  }
0x11: {  	v57 =	vsel vm10, $0x180, v55;
	v3 =	vunpack.c.l.s4.s8 v3;
	v4 =	vunpack.c.l.s4.s8 v4  }
0x12: {  	v9 =	vunpack.c.l.s4.s8 v5;
	v5 =	vimm.s32 $0xCBA98765;
	v41 =	vimm.s32 $0x18171615  }
0x13: {  	v48 =	vimm.s32 $0x16151413;
	v55 =	vimm.s32 $0x202F2E2D;
	v0 =	vsel vm9, $0x0, v0  }
0x14: {  	v1 =	vsel vm9, $0x780, v1;
	v2 =	vsel vm9, $0x700, v2;
	v18 =	vunpack.c.l.s4.s8 v5  }
0x15: {  	v0 =	vsel vm7, $0x80, v0;
	v1 =	vsel vm7, $0x0, v1;
	v2 =	vsel vm7, $0x780, v2  }
0x16: {  	v11 =	vunpack.c.0.s8.s32 v3;
	v12 =	vunpack.c.0.s8.s32 v4;
	v4 =	vimm.s32 $0x43210FED  }
0x17: {  	v3 =	vunpack.c.l.s4.s8 v16;
	v16 =	vimm.s32 $0x2B2A2928;
	v0 =	vsel vm6, $0x100, v0  }
0x18: {  	v1 =	vsel vm6, $0x80, v1;
	v2 =	vsel vm6, $0x0, v2;
	v4 =	vunpack.c.l.s4.s8 v4  }
0x19: {  	v28 =	vunpack.c.0.s8.s32 v18;
	v18 =	vimm.s32 $0x303F3E3D;
	v0 =	vsel vm5, $0x180, v0  }
0x1a: {  	v1 =	vsel vm5, $0x100, v1;
	v2 =	vsel vm5, $0x80, v2;
	[tilespmem:$0x1FE20] =	vst v11;
	v20 =	vunpack.c.0.s8.s32 v3  }
0x1b: {  	[tilespmem:$0x1FE30] =	vst v12;
	v3 =	vunpack.c.l.s4.s8 v25;
	v11 =	vimm.s32 $0x2F2E2D2C;
	v12 =	vimm.s32 $0x23222120  }
0x1c: {  	v0 =	vsel vm3, $0x200, v0;
	v1 =	vsel vm3, $0x180, v1;
	v2 =	vsel vm3, $0x100, v2  }
0x1d: {  	v21 =	vunpack.c.0.s8.s32 v4;
	v4 =	vimm.s32 $0x76543210;
	v0 =	vsel vm2, $0x280, v0  }
0x1e: {  	v1 =	vsel vm2, $0x200, v1;
	v2 =	vsel vm2, $0x180, v2;
	v4 =	vunpack.c.l.s4.s8 v4  }
0x1f: {  	[tilespmem:$0x1FE80] =	vst v20;
	v20 =	vunpack.c.0.s8.s32 v18;
	v0 =	vsel vm1, $0x300, v0;
	v1 =	vsel vm1, $0x280, v1  }
0x20: {  	v2 =	vsel vm1, $0x200, v2;
	v0 =	vsel vm0, $0x380, v0;
	v1 =	vsel vm0, $0x300, v1  }
0x21: {  	v2 =	vsel vm0, $0x280, v2;
	v0 =	vsel vm4, $0x400, v0;
	v1 =	vsel vm4, $0x380, v1  }
0x22: {  	v2 =	vsel vm4, $0x300, v2;
	v0 =	vsel vm8, $0x480, v0;
	v1 =	vsel vm8, $0x400, v1  }
0x23: {  	v2 =	vsel vm8, $0x380, v2;
	v0 =	vsel vm11, $0x500, v0;
	v1 =	vsel vm11, $0x480, v1  }
0x24: {  	v2 =	vsel vm11, $0x400, v2;
	v0 =	vsel vm12, $0x580, v0;
	v32 =	vsel vm12, $0x500, v1  }
0x25: {  	v33 =	vsel vm12, $0x480, v2;
	v2 =	vsel vm10, $0x500, v38;
	v38 =	vimm.s32 $0x1C1B1A19  }
0x26: {  	v0 =	vsel vm14, $0x600, v0;
	v1 =	vsel vm14, $0x500, v33;
	v2 =	vsel vm9, $0x580, v2  }
0x27: {  	v0 =	vsel vm13, $0x680, v0;
	v35 =	vsel vm13, $0x580, v1;
	v1 =	vsel vm10, $0x580, v37  }
0x28: {  	v2 =	vsel vm7, $0x600, v2;
	[tilespmem:$0x1FD20] =	vst v0;
	v0 =	vsel vm14, $0x580, v32;
	v1 =	vsel vm9, $0x600, v1  }
0x29: {  	[tilespmem:$0x1FD40] =	vst v35;
	v2 =	vsel vm6, $0x680, v2;
	v35 =	vunpack.c.0.s8.s32 v38;
	v38 =	vunpack.c.0.s8.s32 v41  }
0x2a: {  	v0 =	vsel vm13, $0x600, v0;
	v1 =	vsel vm7, $0x680, v1;
	v2 =	vsel vm5, $0x700, v2  }
0x2b: {  	[tilespmem:$0x1FD30] =	vst v0;
	v0 =	vsel vm9, $0x680, v36;
	v1 =	vsel vm6, $0x700, v1;
	v2 =	vsel vm3, $0x780, v2  }
0x2c: {  	v36 =	vunpack.c.0.s8.s32 v4;
	v0 =	vsel vm7, $0x700, v0;
	v1 =	vsel vm5, $0x780, v1  }
0x2d: {  	v2 =	vsel vm2, $0x0, v2;
	v0 =	vsel vm6, $0x780, v0;
	v1 =	vsel vm3, $0x0, v1  }
0x2e: {  	v2 =	vsel vm1, $0x80, v2;
	v0 =	vsel vm5, $0x0, v0;
	v1 =	vsel vm2, $0x80, v1  }
0x2f: {  	v2 =	vsel vm0, $0x100, v2;
	v0 =	vsel vm3, $0x80, v0;
	v1 =	vsel vm1, $0x100, v1  }
0x30: {  	v2 =	vsel vm4, $0x180, v2;
	v0 =	vsel vm2, $0x100, v0;
	v1 =	vsel vm0, $0x180, v1  }
0x31: {  	v2 =	vsel vm8, $0x200, v2;
	v0 =	vsel vm1, $0x180, v0;
	v1 =	vsel vm4, $0x200, v1  }
0x32: {  	v2 =	vsel vm11, $0x280, v2;
	v0 =	vsel vm0, $0x200, v0;
	v1 =	vsel vm8, $0x280, v1  }
0x33: {  	v40 =	vsel vm12, $0x300, v2;
	v2 =	vsel vm10, $0x380, v45;
	v45 =	vimm.s32 $0x19181716  }
0x34: {  	v0 =	vsel vm4, $0x280, v0;
	v1 =	vsel vm11, $0x300, v1;
	v2 =	vsel vm9, $0x400, v2  }
0x35: {  	v0 =	vsel vm8, $0x300, v0;
	v39 =	vsel vm12, $0x380, v1;
	v1 =	vsel vm14, $0x380, v40  }
0x36: {  	v2 =	vsel vm7, $0x480, v2;
	v40 =	vimm.s32 $0x14131211;
	v0 =	vsel vm11, $0x380, v0  }
0x37: {  	v42 =	vsel vm13, $0x400, v1;
	v1 =	vsel vm10, $0x400, v44;
	v2 =	vsel vm6, $0x500, v2  }
0x38: {  	v44 =	vimm.s32 $0x15141312;
	v0 =	vsel vm12, $0x400, v0;
	v1 =	vsel vm9, $0x480, v1  }
0x39: {  	[tilespmem:$0x1FD70] =	vst v42;
	v2 =	vsel vm5, $0x580, v2;
	v42 =	vimm.s32 $0x1D1C1B1A;
	v41 =	vunpack.c.0.s8.s32 v44  }
0x3a: {  	v0 =	vsel vm14, $0x480, v0;
	v1 =	vsel vm7, $0x500, v1;
	v2 =	vsel vm3, $0x600, v2  }
0x3b: {  	v0 =	vsel vm13, $0x500, v0;
	v1 =	vsel vm6, $0x580, v1;
	v2 =	vsel vm2, $0x680, v2  }
0x3c: {  	[tilespmem:$0x1FD50] =	vst v0;
	v0 =	vsel vm14, $0x400, v39;
	v1 =	vsel vm5, $0x600, v1;
	v2 =	vsel vm1, $0x700, v2  }
0x3d: {  	v39 =	vimm.s32 $0x101F1E1D;
	v0 =	vsel vm13, $0x480, v0;
	v1 =	vsel vm3, $0x680, v1  }
0x3e: {  	v2 =	vsel vm0, $0x780, v2;
	[tilespmem:$0x1FD60] =	vst v0;
	v0 =	vsel vm9, $0x500, v43;
	v1 =	vsel vm2, $0x700, v1  }
0x3f: {  	v2 =	vsel vm4, $0x0, v2;
	v43 =	vimm.s32 $0x11101F1E;
	v0 =	vsel vm7, $0x580, v0  }
0x40: {  	v1 =	vsel vm1, $0x780, v1;
	v2 =	vsel vm8, $0x80, v2;
	v0 =	vsel vm6, $0x600, v0  }
0x41: {  	v1 =	vsel vm0, $0x0, v1;
	v2 =	vsel vm11, $0x100, v2;
	v0 =	vsel vm5, $0x680, v0  }
0x42: {  	v1 =	vsel vm4, $0x80, v1;
	v47 =	vsel vm12, $0x180, v2;
	v2 =	vsel vm10, $0x200, v52  }
0x43: {  	v52 =	vimm.s32 $0x17161514;
	v0 =	vsel vm3, $0x700, v0;
	v1 =	vsel vm8, $0x100, v1  }
0x44: {  	v2 =	vsel vm9, $0x280, v2;
	v0 =	vsel vm2, $0x780, v0;
	v1 =	vsel vm11, $0x180, v1  }
0x45: {  	v2 =	vsel vm7, $0x300, v2;
	v0 =	vsel vm1, $0x0, v0;
	v46 =	vsel vm12, $0x200, v1  }
0x46: {  	v1 =	vsel vm14, $0x200, v47;
	v2 =	vsel vm6, $0x380, v2;
	v47 =	vimm.s32 $0x1211101F  }
0x47: {  	v0 =	vsel vm0, $0x80, v0;
	v49 =	vsel vm13, $0x280, v1;
	v1 =	vsel vm10, $0x280, v51  }
0x48: {  	v2 =	vsel vm5, $0x400, v2;
	v44 =	vunpack.c.0.s8.s32 v47;
	v51 =	vimm.s32 $0x13121110  }
0x49: {  	v0 =	vsel vm4, $0x100, v0;
	v1 =	vsel vm9, $0x300, v1;
	v2 =	vsel vm3, $0x480, v2  }
0x4a: {  	[tilespmem:$0x1FDA0] =	vst v49;
	v49 =	vimm.s32 $0x1A191817;
	v0 =	vsel vm8, $0x180, v0;
	v1 =	vsel vm7, $0x380, v1  }
0x4b: {  	v2 =	vsel vm2, $0x500, v2;
	v0 =	vsel vm11, $0x200, v0;
	v1 =	vsel vm6, $0x400, v1  }
0x4c: {  	v2 =	vsel vm1, $0x580, v2;
	v0 =	vsel vm12, $0x280, v0;
	v1 =	vsel vm5, $0x480, v1  }
0x4d: {  	v2 =	vsel vm0, $0x600, v2;
	v0 =	vsel vm14, $0x300, v0;
	v1 =	vsel vm3, $0x500, v1  }
0x4e: {  	v2 =	vsel vm4, $0x680, v2;
	v0 =	vsel vm13, $0x380, v0;
	v1 =	vsel vm2, $0x580, v1  }
0x4f: {  	v2 =	vsel vm8, $0x700, v2;
	[tilespmem:$0x1FD80] =	vst v0;
	v0 =	vsel vm14, $0x280, v46;
	v1 =	vsel vm1, $0x600, v1  }
0x50: {  	v2 =	vsel vm11, $0x780, v2;
	v46 =	vimm.s32 $0x1E1D1C1B;
	v0 =	vsel vm13, $0x300, v0  }
0x51: {  	v1 =	vsel vm0, $0x680, v1;
	v54 =	vsel vm12, $0x0, v2;
	v2 =	vsel vm10, $0x80, v59  }
0x52: {  	v59 =	vimm.s32 $0x21202F2E;
	[tilespmem:$0x1FD90] =	vst v0;
	v0 =	vsel vm9, $0x380, v50;
	v1 =	vsel vm4, $0x700, v1  }
0x53: {  	v2 =	vsel vm9, $0x100, v2;
	v50 =	vimm.s32 $0x1F1E1D1C;
	v0 =	vsel vm7, $0x400, v0  }
0x54: {  	v1 =	vsel vm8, $0x780, v1;
	v2 =	vsel vm7, $0x180, v2;
	v0 =	vsel vm6, $0x480, v0  }
0x55: {  	v47 =	vunpack.c.0.s8.s32 v50;
	v1 =	vsel vm11, $0x0, v1;
	v0 =	vsel vm5, $0x500, v0  }
0x56: {  	v2 =	vsel vm6, $0x200, v2;
	v53 =	vsel vm12, $0x80, v1;
	v0 =	vsel vm3, $0x580, v0  }
0x57: {  	v1 =	vsel vm14, $0x80, v54;
	v2 =	vsel vm5, $0x280, v2;
	v0 =	vsel vm2, $0x600, v0  }
0x58: {  	v54 =	vimm.s32 $0x2C2B2A29;
	v56 =	vsel vm13, $0x100, v1;
	v0 =	vsel vm1, $0x680, v0  }
0x59: {  	v1 =	vsel vm10, $0x100, v58;
	v2 =	vsel vm3, $0x300, v2;
	v0 =	vsel vm0, $0x700, v0  }
0x5a: {  	v58 =	vimm.s32 $0x2D2C2B2A;
	v1 =	vsel vm9, $0x180, v1;
	v0 =	vsel vm4, $0x780, v0  }
0x5b: {  	[tilespmem:$0x1FDD0] =	vst v56;
	v2 =	vsel vm2, $0x380, v2;
	v56 =	vimm.s32 $0x24232221;
	v0 =	vsel vm8, $0x0, v0  }
0x5c: {  	v1 =	vsel vm7, $0x200, v1;
	v2 =	vsel vm1, $0x400, v2;
	v0 =	vsel vm11, $0x80, v0  }
0x5d: {  	v1 =	vsel vm6, $0x280, v1;
	v2 =	vsel vm0, $0x480, v2;
	v0 =	vsel vm12, $0x100, v0  }
0x5e: {  	v1 =	vsel vm5, $0x300, v1;
	v2 =	vsel vm4, $0x500, v2;
	v0 =	vsel vm14, $0x180, v0  }
0x5f: {  	v1 =	vsel vm3, $0x380, v1;
	v2 =	vsel vm8, $0x580, v2;
	v0 =	vsel vm13, $0x200, v0  }
0x60: {  	v1 =	vsel vm2, $0x400, v1;
	v2 =	vsel vm11, $0x600, v2;
	[tilespmem:$0x1FDB0] =	vst v0;
	v0 =	vsel vm14, $0x100, v53  }
0x61: {  	v1 =	vsel vm1, $0x480, v1;
	v61 =	vsel vm12, $0x680, v2;
	v0 =	vsel vm13, $0x180, v0  }
0x62: {  	v2 =	vunpack.c.l.s4.s8 v62;
	v1 =	vsel vm0, $0x500, v1;
	[tilespmem:$0x1FDC0] =	vst v0;
	v0 =	vsel vm9, $0x200, v57  }
0x63: {  	v62 =	vimm.s32 $0x2E2D2C2B;
	v1 =	vsel vm4, $0x580, v1;
	v0 =	vsel vm7, $0x280, v0  }
0x64: {  	v10 =	vunpack.c.0.s8.s32 v2;
	v2 =	vunpack.c.l.s4.s8 v15;
	v0 =	vsel vm6, $0x300, v0  }
0x65: {  	v1 =	vsel vm8, $0x600, v1;
	v53 =	vimm.s32 $0x1B1A1918;
	v0 =	vsel vm5, $0x380, v0  }
0x66: {  	v1 =	vsel vm11, $0x680, v1;
	v19 =	vunpack.c.0.s8.s32 v2;
	v0 =	vsel vm3, $0x400, v0  }
0x67: {  	v2 =	vunpack.c.l.s4.s8 v24;
	v50 =	vunpack.c.0.s8.s32 v53;
	v0 =	vsel vm2, $0x480, v0  }
0x68: {  	v53 =	vunpack.c.0.s8.s32 v56;
	v56 =	vunpack.c.0.s8.s32 v59;
	v0 =	vsel vm1, $0x500, v0  }
0x69: {  	[tilespmem:$0x1FE10] =	vst v10;
	v59 =	vunpack.c.0.s8.s32 v62;
	v10 =	vimm.s32 $0x2A292827;
	v0 =	vsel vm0, $0x580, v0  }
0x6a: {  	v60 =	vsel vm12, $0x700, v1;
	v1 =	vsel vm14, $0x700, v61;
	v0 =	vsel vm4, $0x600, v0  }
0x6b: {  	v57 =	vimm.s32 $0x28272625;
	v61 =	vimm.s32 $0x29282726;
	v0 =	vsel vm8, $0x680, v0  }
0x6c: {  	v62 =	vunpack.c.0.s8.s32 v10;
	v10 =	vimm.s32 $0x39383736;
	v0 =	vsel vm11, $0x700, v0  }
0x6d: {  	v63 =	vsel vm13, $0x780, v1;
	v1 =	vunpack.c.l.s4.s8 v14;
	v0 =	vsel vm12, $0x780, v0  }
0x6e: {  	v2 =	vunpack.c.0.s8.s32 v2;
	v14 =	vunpack.c.0.s8.s32 v12;
	v0 =	vsel vm14, $0x0, v0  }
0x6f: {  	[tilespmem:$0x1FE00] =	vst v63;
	v63 =	vimm.s32 $0x2221202F;
	v17 =	vunpack.c.0.s8.s32 v1;
	v0 =	vsel vm13, $0x80, v0  }
0x70: {  	v1 =	vunpack.c.l.s4.s8 v23;
	v37 =	vand.u32 $0xF, v2;
	[tilespmem:$0x1FDE0] =	vst v0;
	v0 =	vsel vm14, $0x780, v60  }
0x71: {  	v23 =	vimm.s32 $0x3D3C3B3A;
	v34 =	vcombine.low v37, v36;
	v0 =	vsel vm13, $0x0, v0  }
0x72: {  	v36 =	vunpack.c.0.s8.s32 v39;
	v37 =	vunpack.c.0.s8.s32 v40;
	[tilespmem:$0x1FDF0] =	vst v0;
	v0 =	vunpack.c.0.s8.s32 v9  }
0x73: {  	[tilespmem:$0x1FE90] =	vst v21;
	v39 =	vunpack.c.0.s8.s32 v42;
	v40 =	vunpack.c.0.s8.s32 v43;
	v42 =	vunpack.c.0.s8.s32 v45  }
0x74: {  	v43 =	vunpack.c.0.s8.s32 v46;
	v45 =	vunpack.c.0.s8.s32 v48;
	[tilespmem:$0x1FE40] =	vst v0;
	v0 =	vunpack.c.l.s4.s8 v13  }
0x75: {  	[tilespmem:$0x1FEE0] =	vst v20;
	v46 =	vunpack.c.0.s8.s32 v49;
	v48 =	vunpack.c.0.s8.s32 v51;
	v49 =	vunpack.c.0.s8.s32 v52  }
0x76: {  	[tilespmem:$0x1FE70] =	vst v19;
	v51 =	vunpack.c.0.s8.s32 v54;
	v52 =	vunpack.c.0.s8.s32 v55;
	v0 =	vunpack.c.0.s8.s32 v0  }
0x77: {  	v54 =	vunpack.c.0.s8.s32 v57;
	v55 =	vunpack.c.0.s8.s32 v58;
	[tilespmem:$0x1FE60] =	vst v17;
	v17 =	vimm.s32 $0x3C3B3A39  }
0x78: {  	v19 =	vunpack.c.0.s8.s32 v17;
	v13 =	vimm.s32 $0x27262524;
	[tilespmem:$0x1FE50] =	vst v0;
	v0 =	vunpack.c.l.s4.s8 v22  }
0x79: {  	s6 =	rddreg [dreg:$0x0];
	[tilespmem:$0x1FEA0] =	vst v14;
	v58 =	vunpack.c.0.s8.s32 v61;
	v25 =	vunpack.c.0.s8.s32 v23;
	v15 =	vunpack.c.0.s8.s32 v13  }
0x7a: {  	s5 =	rddreg [dreg:$0x1];
	[tilespmem:$0x1FED0] =	vst v19;
	v22 =	vimm.s32 $0x38373635;
	v30 =	vunpack.c.0.s8.s32 v0;
	v0 =	vunpack.c.0.s8.s32 v16  }
0x7b: {  	s0 =	rddreg [dreg:$0x2];
	s1 =	simm.s32 $0x0;
	v60 =	vimm.s32 $0x25242322;
	v9 =	vimm.s32 $0x26252423;
	[tilespmem:$0x1FEB0] =	vst v15;
	v24 =	vunpack.c.0.s8.s32 v22  }
0x7c: {  	[smem:$0x7FF] =	sst s1;
	v57 =	vunpack.c.0.s8.s32 v60;
	v61 =	vunpack.c.0.s8.s32 v9;
	v9 =	vimm.s32 $0x35343332;
	[tilespmem:$0x1FEC0] =	vst v0  }
0x7d: {  	s2 =	rddreg [dreg:$0x3];
	v60 =	vunpack.c.0.s8.s32 v63;
	v63 =	vunpack.c.0.s8.s32 v11;
	v11 =	vunpack.c.0.s8.s32 v9;
	_ =	strace $0x8000004A;
	[tilespmem:$0x1FF00] =	vst v24  }
0x7e: {  	v12 =	vunpack.c.0.s8.s32 v10;
	v14 =	vimm.s32 $0x3231303F;
	[tilespmem:$0x1FF10] =	vst v25  }
0x7f: {  	v15 =	vimm.s32 $0x36353433;
	v16 =	vunpack.c.0.s8.s32 v14;
	[tilespmem:$0x1FF30] =	vst v11  }
0x80: {  	v20 =	vimm.s32 $0x33323130;
	v17 =	vunpack.c.0.s8.s32 v15;
	[tilespmem:$0x1FF40] =	vst v12  }
0x81: {  	v5 =	vimm.s32 $0xEDCBA987;
	v22 =	vunpack.c.0.s8.s32 v20;
	[tilespmem:$0x1FF60] =	vst v16  }
0x82: {  	v26 =	vunpack.c.l.s4.s8 v5;
	v21 =	vimm.s32 $0x34333231;
	[tilespmem:$0x1FF70] =	vst v17  }
0x83: {  	v23 =	vlaneseq.u32;
	v0 =	vunpack.c.0.s8.s32 v21;
	[tilespmem:$0x1FFA0] =	vst v22  }
0x84: {  	v33 =	vunpack.c.0.s8.s32 v26;
	v26 =	vimm.s32 $0x31303F3E;
	v6 =	vmul.u32 $0x80, v23;
	[tilespmem:$0x1FFD0] =	vst v28  }
0x85: {  	s4 =	srdreg.scid;
	s3 =	stileid.u32;
	s13 =	simm.s32 $0x6600;
	[tilespmem:$0x1FEF0] =	vst v0;
	v0 =	vunpack.c.0.s8.s32 v26  }
0x86: {  	s11 =	simm.s32 $0x3;
	s14 =	simm.s32 $0x6480;
	s15 =	simm.s32 $0xA600;
	v13 =	vimm.s32 $0x3E3D3C3B;
	[tilespmem:$0x1FFE0] =	vst v6  }
0x87: {  	s12 =	simm.s32 $0x80;
	s16 =	simm.s32 $0x6500;
	s17 =	simm.s32 $0xE600;
	v19 =	vimm.s32 $0x3F3E3D3C;
	[tilespmem:$0x1FF20] =	vst v0;
	v0 =	vunpack.c.0.s8.s32 v13  }
0x88: {  	s18 =	simm.s32 $0x1;
	s19 =	simm.s32 $0x16600;
	s20 =	simm.s32 $0x2;
	v18 =	vimm.s32 $0x3A393837;
	v21 =	vunpack.c.0.s8.s32 v19;
	[tilespmem:$0x1FFF0] =	vst v30  }
0x89: {  	s21 =	simm.s32 $0x0;
	s4 =	sand.u32 $0x1, s4;
	s7 =	sshll.u32 s3, $0xB;
	v25 =	vimm.s32 $0x3B3A3938;
	[tilespmem:$0x1FF50] =	vst v0;
	v0 =	vunpack.c.0.s8.s32 v18  }
0x8a: {  	s5 =	sadd.s32 $0x800, s5;
	s8 =	sshll.u32 s4, $0xA;
	s9 =	ssub.s32 $0x2, s4;
	v24 =	vimm.s32 $0x37363534;
	[tilespmem:$0x1FF90] =	vst v21;
	v26 =	vunpack.c.0.s8.s32 v25  }
0x8b: {  	s4 =	sor.u32 s8, s7;
	s31 =	sshrl.u32 s9, $0x1;
	s7 =	simm.s32 $0x400;
	[tilespmem:$0x1FF80] =	vst v0;
	v0 =	vunpack.c.0.s8.s32 v24  }
0x8c: {  	s8 =	sshrl.u32 s4, $0x3;
	s10 =	ssub.s32 s9, s31;
	s9 =	simm.s32 $0x6400;
	[tilespmem:$0x1FFC0] =	vst v26  }
0x8d: {  	s6 =	sadd.s32 s6, s8;
	s8 =	simm.s32 $0x8000;
	s10 =	smax.u32 s10, $0x1;
	v32 =	vunpack.c.0.s8.s32 v3;
	v31 =	vunpack.c.0.s8.s32 v1;
	vm0 =	vcmask $0x1F10;
	[tilespmem:$0x1FFB0] =	vst v0  }
.LBB2_1:
0x8e: {  	[tilespmem:s1], [sflag:$0x3] =	stream.strided.gather [hbm4b:s6+s7], $0x6400, s8, s7, $0x38;
	[tilespmem:$0x1A600] =	vst v63  }
0x8f: {  	_ =	swait.ge [sflag:s11], $0x6400  }
0x90: {  	[sflag:s11] =	ssyncset.done $0x0  }
0x91: {  	[sflag:s11] =	ssyncadd.s32 $0xFFFF9C00  }
0x92: {  	v0 =	vld [tilespmem:$0x0]  }
0x93: {  	v1 =	vld [tilespmem:$0x10]  }
0x94: {  	v2 =	vld [tilespmem:$0x20]  }
0x95: {  	v3 =	vld [tilespmem:$0x30]  }
0x96: {  	v4 =	vld [tilespmem:$0x40]  }
0x97: {  	v5 =	vld [tilespmem:$0x50];
	v0 =	vshrl.u32 v0, $0x1  }
0x98: {  	v11 =	vld [tilespmem:$0x60];
	v10 =	vshrl.u32 v1, $0x1;
	[tilespmem:$0x6400] =	vst v0  }
0x99: {  	v13 =	vld [tilespmem:$0x70];
	v12 =	vshrl.u32 v2, $0x1;
	[tilespmem:$0x6410] =	vst v10  }
0x9a: {  	v14 =	vshrl.u32 v3, $0x1;
	[tilespmem:$0x6420] =	vst v12  }
0x9b: {  	v15 =	vshrl.u32 v4, $0x1;
	[tilespmem:$0x6430] =	vst v14  }
0x9c: {  	v16 =	vshrl.u32 v5, $0x1;
	[tilespmem:$0x6440] =	vst v15  }
0x9d: {  	v17 =	vshrl.u32 v11, $0x1;
	[tilespmem:$0x6450] =	vst v16  }
0x9e: {  	v18 =	vshrl.u32 v13, $0x1;
	[tilespmem:$0x6460] =	vst v17  }
0x9f: {  	[tilespmem:$0x6470] =	vst v18  }
0xa0: {  	[tilespmem:s13], [sflag:$0x1] =	stream.indirect.gather [hbm4b:s5+s12], $0x80, s9, s12, $0xb8;
	[tilespmem:$0x1A600] =	vst v63  }
0xa1: {  	v19 =	vld [tilespmem:$0x80]  }
0xa2: {  	v20 =	vld [tilespmem:$0x90]  }
0xa3: {  	v21 =	vld [tilespmem:$0xA0]  }
0xa4: {  	v22 =	vld [tilespmem:$0xB0]  }
0xa5: {  	v4 =	vld [tilespmem:$0xC0]  }
0xa6: {  	v5 =	vld [tilespmem:$0xD0];
	v0 =	vshrl.u32 v19, $0x1  }
0xa7: {  	v24 =	vld [tilespmem:$0xE0];
	v23 =	vshrl.u32 v20, $0x1;
	[tilespmem:$0x6480] =	vst v0  }
0xa8: {  	v26 =	vld [tilespmem:$0xF0];
	v25 =	vshrl.u32 v21, $0x1;
	[tilespmem:$0x6490] =	vst v23  }
0xa9: {  	v9 =	vshrl.u32 v22, $0x1;
	[tilespmem:$0x64A0] =	vst v25  }
0xaa: {  	v10 =	vshrl.u32 v4, $0x1;
	[tilespmem:$0x64B0] =	vst v9  }
0xab: {  	v11 =	vshrl.u32 v5, $0x1;
	[tilespmem:$0x64C0] =	vst v10  }
0xac: {  	v12 =	vshrl.u32 v24, $0x1;
	[tilespmem:$0x64D0] =	vst v11  }
0xad: {  	v13 =	vshrl.u32 v26, $0x1;
	[tilespmem:$0x64E0] =	vst v12  }
0xae: {  	[tilespmem:$0x64F0] =	vst v13  }
0xaf: {  	[tilespmem:s15], [sflag:$0x1] =	stream.indirect.gather [hbm4b:s5+s12], $0x80, s14, s12, $0xb8;
	[tilespmem:$0x1A600] =	vst v63  }
0xb0: {  	v14 =	vld [tilespmem:$0x100]  }
0xb1: {  	v15 =	vld [tilespmem:$0x110]  }
0xb2: {  	v16 =	vld [tilespmem:$0x120]  }
0xb3: {  	v17 =	vld [tilespmem:$0x130]  }
0xb4: {  	v4 =	vld [tilespmem:$0x140]  }
0xb5: {  	v5 =	vld [tilespmem:$0x150];
	v0 =	vshrl.u32 v14, $0x1  }
0xb6: {  	v19 =	vld [tilespmem:$0x160];
	v18 =	vshrl.u32 v15, $0x1;
	[tilespmem:$0x6500] =	vst v0  }
0xb7: {  	v21 =	vld [tilespmem:$0x170];
	v20 =	vshrl.u32 v16, $0x1;
	[tilespmem:$0x6510] =	vst v18  }
0xb8: {  	v22 =	vshrl.u32 v17, $0x1;
	[tilespmem:$0x6520] =	vst v20  }
0xb9: {  	v23 =	vshrl.u32 v4, $0x1;
	[tilespmem:$0x6530] =	vst v22  }
0xba: {  	v24 =	vshrl.u32 v5, $0x1;
	[tilespmem:$0x6540] =	vst v23  }
0xbb: {  	v25 =	vshrl.u32 v19, $0x1;
	[tilespmem:$0x6550] =	vst v24  }
0xbc: {  	v26 =	vshrl.u32 v21, $0x1;
	[tilespmem:$0x6560] =	vst v25  }
0xbd: {  	s22 =	simm.s32 $0x10;
	s23 =	simm.s32 $0x0;
	s24 =	simm.s32 $0x0;
	[tilespmem:$0x6570] =	vst v26  }
0xbe: {  	[tilespmem:s17], [sflag:$0x1] =	stream.indirect.gather [hbm4b:s5+s12], $0x80, s16, s12, $0xb8;
	[tilespmem:$0x1A600] =	vst v63  }
.LBB2_2:
0xbf: {  	p0 =	sgt.u32 s24, $0xC4  }
0xc0: {  	s25 =	sadd.s32 @!p0 $0x3, s24  }
0xc1: {  	s26 =	sshll.u32 @!p0 s25, $0x7  }
0xc2: {  	s29 =	sand.u32 @!p0 $0x3FFFFF80, s26  }
0xc3: {  	v0 =	vld @!p0 [tilespmem:s29+$0x0];
	_ =	sdelay $0x3  }
0xc4: {  	s28 =	sand.u32 @!p0 $0x3, s25  }
0xc5: {  	s26 =	sshll.u32 @!p0 s28, $0x7;
	v0 =	vshrl.u32 @!p0 v0, $0x1  }
0xc6: {  	[tilespmem:s26+$0x6400] =	vst @!p0 v0  }
0xc7: {  	v0 =	vld @!p0 [tilespmem:s29+$0x10];
	_ =	sdelay $0x4  }
0xc8: {  	v0 =	vshrl.u32 @!p0 v0, $0x1  }
0xc9: {  	[tilespmem:s26+$0x6410] =	vst @!p0 v0  }
0xca: {  	v0 =	vld @!p0 [tilespmem:s29+$0x20];
	_ =	sdelay $0x4  }
0xcb: {  	v0 =	vshrl.u32 @!p0 v0, $0x1  }
0xcc: {  	[tilespmem:s26+$0x6420] =	vst @!p0 v0  }
0xcd: {  	v0 =	vld @!p0 [tilespmem:s29+$0x30];
	_ =	sdelay $0x4  }
0xce: {  	v0 =	vshrl.u32 @!p0 v0, $0x1  }
0xcf: {  	[tilespmem:s26+$0x6430] =	vst @!p0 v0  }
0xd0: {  	v0 =	vld @!p0 [tilespmem:s29+$0x40];
	_ =	sdelay $0x4  }
0xd1: {  	v0 =	vshrl.u32 @!p0 v0, $0x1  }
0xd2: {  	[tilespmem:s26+$0x6440] =	vst @!p0 v0  }
0xd3: {  	v0 =	vld @!p0 [tilespmem:s29+$0x50];
	_ =	sdelay $0x4  }
0xd4: {  	v0 =	vshrl.u32 @!p0 v0, $0x1  }
0xd5: {  	[tilespmem:s26+$0x6450] =	vst @!p0 v0  }
0xd6: {  	v0 =	vld @!p0 [tilespmem:s29+$0x60];
	_ =	sdelay $0x4  }
0xd7: {  	v17 =	vld [tilespmem:$0x1FE00];
	v0 =	vshrl.u32 @!p0 v0, $0x1  }
0xd8: {  	v16 =	vld [tilespmem:$0x1FDF0];
	s25 =	sand.u32 $0x1, s24;
	[tilespmem:s26+$0x6460] =	vst @!p0 v0  }
0xd9: {  	v0 =	vld @!p0 [tilespmem:s29+$0x70];
	s29 =	sshll.u32 s25, $0x6  }
0xda: {  	v15 =	vld [tilespmem:$0x1FDE0];
	v1 =	vmov s29  }
0xdb: {  	v14 =	vld [tilespmem:$0x1FDD0];
	v1 =	vshll.u32 v1, $0x7  }
0xdc: {  	v13 =	vld [tilespmem:$0x1FDC0];
	v2 =	vor.u32 v6, v1  }
0xdd: {  	v12 =	vld [tilespmem:$0x1FDB0];
	v23 =	vor.u32 v17, v1;
	[tilespmem:$0x1F920] =	vst v2  }
0xde: {  	v11 =	vld [tilespmem:$0x1FDA0];
	v24 =	vor.u32 v16, v1;
	[tilespmem:$0x1F930] =	vst v23  }
0xdf: {  	v10 =	vld [tilespmem:$0x1FD90];
	v25 =	vor.u32 v15, v1;
	[tilespmem:$0x1F940] =	vst v24  }
0xe0: {  	v9 =	vld [tilespmem:$0x1FD80];
	v26 =	vor.u32 v14, v1;
	[tilespmem:$0x1F950] =	vst v25  }
0xe1: {  	v8 =	vld [tilespmem:$0x1FD70];
	v4 =	vor.u32 v13, v1;
	[tilespmem:$0x1F960] =	vst v26  }
0xe2: {  	v5 =	vor.u32 v12, v1;
	[tilespmem:$0x1F970] =	vst v4  }
0xe3: {  	v7 =	vor.u32 v11, v1;
	[tilespmem:$0x1F980] =	vst v5  }
0xe4: {  	s30 =	sor.u32 $0x10, s29;
	v18 =	vor.u32 v10, v1;
	[tilespmem:$0x1F990] =	vst v7  }
0xe5: {  	v22 =	vmov s30;
	v19 =	vor.u32 v9, v1;
	[tilespmem:$0x1F9A0] =	vst v18  }
0xe6: {  	v20 =	vor.u32 v8, v1;
	[tilespmem:$0x1F9B0] =	vst v19;
	v2 =	vshll.u32 v22, $0x7  }
0xe7: {  	[tilespmem:$0x1F9C0] =	vst v20;
	v18 =	vor.u32 v17, v2  }
0xe8: {  	v19 =	vor.u32 v16, v2;
	[tilespmem:$0x1FA30] =	vst v18  }
0xe9: {  	v20 =	vor.u32 v15, v2;
	[tilespmem:$0x1FA40] =	vst v19  }
0xea: {  	v22 =	vor.u32 v13, v2;
	[tilespmem:$0x1FA50] =	vst v20  }
0xeb: {  	v7 =	vld [tilespmem:$0x1FD60];
	v0 =	vshrl.u32 @!p0 v0, $0x1;
	[tilespmem:$0x1FA70] =	vst v22  }
0xec: {  	v5 =	vld [tilespmem:$0x1FD40];
	v18 =	vor.u32 v9, v2;
	[tilespmem:s26+$0x6470] =	vst @!p0 v0  }
0xed: {  	v4 =	vld [tilespmem:$0x1FD30];
	v24 =	vmov v6;
	v19 =	vor.u32 v8, v2;
	[tilespmem:$0x1FAB0] =	vst v18  }
0xee: {  	v26 =	vor.u32 v24, v2;
	[tilespmem:$0x1FAC0] =	vst v19  }
0xef: {  	[tilespmem:$0x1FA20] =	vst v26;
	v26 =	vor.u32 v10, v2  }
0xf0: {  	v21 =	vor.u32 v7, v1;
	[tilespmem:$0x1FAA0] =	vst v26  }
0xf1: {  	v6 =	vld [tilespmem:$0x1FD50];
	v23 =	vor.u32 v5, v1;
	[tilespmem:$0x1F9D0] =	vst v21  }
0xf2: {  	v25 =	vor.u32 v4, v1;
	[tilespmem:$0x1F9F0] =	vst v23  }
0xf3: {  	v20 =	vor.u32 v7, v2;
	[tilespmem:$0x1FA00] =	vst v25  }
0xf4: {  	v22 =	vor.u32 v5, v2;
	[tilespmem:$0x1FAD0] =	vst v20  }
0xf5: {  	v21 =	vor.u32 v14, v2;
	[tilespmem:$0x1FAF0] =	vst v22  }
0xf6: {  	v3 =	vor.u32 v6, v1;
	[tilespmem:$0x1FA60] =	vst v21  }
0xf7: {  	v23 =	vor.u32 v12, v2;
	[tilespmem:$0x1F9E0] =	vst v3;
	v3 =	vld [tilespmem:$0x1FD20]  }
0xf8: {  	v25 =	vor.u32 v11, v2;
	[tilespmem:$0x1FA80] =	vst v23  }
0xf9: {  	[tilespmem:$0x1FA90] =	vst v25;
	v25 =	vor.u32 v6, v2  }
0xfa: {  	s28 =	sshll.u32 @!p0 s28, $0xE;
	s30 =	sor.u32 $0x20, s29;
	v23 =	vor.u32 v4, v2;
	[tilespmem:$0x1FAE0] =	vst v25  }
0xfb: {  	v21 =	vmov s30;
	s30 =	sor.u32 @!p0 $0x6400, s26;
	s26 =	sadd.s32 @!p0 $0x6600, s28;
	s28 =	simm.s32 @!p0 $0x80;
	[tilespmem:$0x1FB00] =	vst v23  }
0xfc: {  	[tilespmem:s26], [sflag:$0x1] =	stream.indirect.gather @!p0 [hbm4b:s5+s28], $0x80, s30, s28, $0xb8;
	v1 =	vor.u32 v3, v1;
	[tilespmem:$0x1A600] =	vst v63  }
0xfd: {  	v2 =	vor.u32 v3, v2;
	[tilespmem:$0x1FA10] =	vst v1;
	v1 =	vshll.u32 v21, $0x7  }
0xfe: {  	[tilespmem:$0x1FB10] =	vst v2;
	v25 =	vor.u32 v24, v1  }
0xff: {  	v26 =	vor.u32 v17, v1;
	[tilespmem:$0x1FB20] =	vst v25  }
0x100: {  	v18 =	vor.u32 v16, v1;
	[tilespmem:$0x1FB30] =	vst v26  }
0x101: {  	v19 =	vor.u32 v15, v1;
	[tilespmem:$0x1FB40] =	vst v18  }
0x102: {  	v20 =	vor.u32 v14, v1;
	[tilespmem:$0x1FB50] =	vst v19  }
0x103: {  	v21 =	vor.u32 v13, v1;
	[tilespmem:$0x1FB60] =	vst v20  }
0x104: {  	v22 =	vor.u32 v12, v1;
	[tilespmem:$0x1FB70] =	vst v21  }
0x105: {  	v23 =	vor.u32 v11, v1;
	[tilespmem:$0x1FB80] =	vst v22  }
0x106: {  	[tilespmem:$0x1FB90] =	vst v23;
	v25 =	vor.u32 v10, v1  }
0x107: {  	v26 =	vor.u32 v9, v1;
	[tilespmem:$0x1FBA0] =	vst v25  }
0x108: {  	v18 =	vor.u32 v8, v1;
	[tilespmem:$0x1FBB0] =	vst v26  }
0x109: {  	v19 =	vor.u32 v7, v1;
	[tilespmem:$0x1FBC0] =	vst v18  }
0x10a: {  	v21 =	vor.u32 v6, v1;
	[tilespmem:$0x1FBD0] =	vst v19  }
0x10b: {  	v22 =	vor.u32 v5, v1;
	[tilespmem:$0x1FBE0] =	vst v21  }
0x10c: {  	s29 =	sor.u32 $0x30, s29;
	[tilespmem:$0x1FBF0] =	vst v22  }
0x10d: {  	v20 =	vmov s29;
	v23 =	vor.u32 v4, v1;
	_ =	swait.ge [sflag:s18], $0x4000  }
0x10e: {  	v1 =	vor.u32 v3, v1;
	v0 =	vshll.u32 v20, $0x7;
	[tilespmem:$0x1FC00] =	vst v23  }
0x10f: {  	v24 =	vor.u32 v24, v0;
	[tilespmem:$0x1FC10] =	vst v1  }
0x110: {  	v25 =	vor.u32 v17, v0;
	[tilespmem:$0x1FC20] =	vst v24  }
0x111: {  	v26 =	vor.u32 v16, v0;
	[tilespmem:$0x1FC30] =	vst v25  }
0x112: {  	v15 =	vor.u32 v15, v0;
	[tilespmem:$0x1FC40] =	vst v26  }
0x113: {  	v16 =	vor.u32 v14, v0;
	[tilespmem:$0x1FC50] =	vst v15  }
0x114: {  	v17 =	vor.u32 v13, v0;
	[tilespmem:$0x1FC60] =	vst v16  }
0x115: {  	p0 =	slt.u32 s24, $0x2;
	v18 =	vor.u32 v12, v0;
	[sflag:s18] =	ssyncset.done $0x0;
	[tilespmem:$0x1FC70] =	vst v17  }
0x116: {  	s28 =	simm.s32 @!p0 $0x2;
	[tilespmem:$0x1FC80] =	vst v18;
	[sflag:s18] =	ssyncadd.s32 $0xFFFFC000  }
0x117: {  	v19 =	vor.u32 v11, v0;
	_ =	swait.ge @!p0 [sflag:s28], $0x2000  }
0x118: {  	v20 =	vor.u32 v10, v0;
	[tilespmem:$0x1FC90] =	vst v19  }
0x119: {  	v21 =	vor.u32 v9, v0;
	[tilespmem:$0x1FCA0] =	vst v20  }
0x11a: {  	v22 =	vor.u32 v8, v0;
	[tilespmem:$0x1FCB0] =	vst v21  }
0x11b: {  	v23 =	vor.u32 v7, v0;
	[tilespmem:$0x1FCC0] =	vst v22  }
0x11c: {  	v24 =	vor.u32 v6, v0;
	[tilespmem:$0x1FCD0] =	vst v23  }
0x11d: {  	v25 =	vor.u32 v5, v0;
	[tilespmem:$0x1FCE0] =	vst v24  }
0x11e: {  	s31 =	sand.u32 $0x3, s23;
	v26 =	vor.u32 v4, v0;
	[tilespmem:$0x1FCF0] =	vst v25  }
0x11f: {  	s26 =	sshll.u32 s31, $0x7;
	s30 =	smov.u32 s22;
	v0 =	vor.u32 v3, v0;
	[sflag:s28] =	ssyncset.done @!p0 $0x0;
	[tilespmem:$0x1FD00] =	vst v26  }
0x120: {  	s29 =	simm.s32 $0x0;
	v9 =	vlaneseq.u32;
	[tilespmem:$0x1FD10] =	vst v0;
	[sflag:s28] =	ssyncadd.s32 @!p0 $0xFFFFE000;
	s28 =	simm.s32 $0xFFFFFFFE  }
.LBB2_3:
0x121: {  	v0 =	vld [tilespmem:s30+$0xFFFFFFF0]  }
0x122: {  	v2 =	vld [tilespmem:$0x1FFE0];
	_ =	sdelay $0x1  }
0x123: {  	s31 =	sadd.s32 s29, s26  }
0x124: {  	v1 =	vmov s31  }
0x125: {  	v1 =	vshll.u32 v1, $0x7;
	v0 =	vshll.u32 v0, $0x6  }
0x126: {  	v1 =	vor.u32 v2, v1;
	v0 =	vand.u32 $0x40, v0  }
0x127: {  	v3 =	vld [tilespmem:$0x1FE10];
	v25 =	vor.u32 v1, v0  }
0x128: {  	v4 =	vld [tilespmem:$0x1FE20];
	v0 =	vor.u32 v9, v25;
	_ =	sdelay $0x1  }
0x129: {  	v6 =	vld [tilespmem:$0x1F920];
	_ =	sdelay $0x2  }
0x12a: {  	v5 =	vcombine.low v4, v3;
	v0 =	vld.idx.msk [tilespmem:v0+s13+$0x0], $0xffff  }
0x12b: {  	v24 =	vor.u32 s29, v9  }
0x12c: {  	v2 =	vor.u32 v6, v24;
	v6 =	vld [tilespmem:$0x1FE40];
	v1 =	vand.u32 $0xF, v5  }
0x12d: {  	v5 =	vld [tilespmem:$0x1FE30];
	[tilespmem:$0x1F5C0] =	vst v1;
	v1 =	vor.u32 v1, v25;
	_ =	sdelay $0x1  }
0x12e: {  	v13 =	vld [tilespmem:$0x1F930];
	v0 =	vmul.f32 $8.000000000e+00, v0;
	_ =	sdelay $0x1  }
0x12f: {  	[tilespmem:v2+s19+$0x0] =	vst.idx.msk $0xffff, v0  }
0x130: {  	v7 =	vcombine.low v6, v5;
	v0 =	vld.idx.msk [tilespmem:v1+s13+$0x0], $0xffff;
	_ =	sdelay $0x1  }
0x131: {  	v2 =	vor.u32 v13, v24;
	v1 =	vand.u32 $0xF, v7  }
0x132: {  	[tilespmem:$0x1F5D0] =	vst v1;
	v1 =	vor.u32 v1, v25;
	_ =	sdelay $0x1  }
0x133: {  	v0 =	vmul.f32 $8.000000000e+00, v0  }
0x134: {  	v10 =	vld [tilespmem:$0x1FE60]  }
0x135: {  	v12 =	vld [tilespmem:$0x1FE90];
	[tilespmem:v2+s19+$0x0] =	vst.idx.msk $0xffff, v0  }
0x136: {  	v0 =	vld.idx.msk [tilespmem:v1+s13+$0x0], $0xffff  }
0x137: {  	v7 =	vld [tilespmem:$0x1FE50];
	_ =	sdelay $0x1  }
0x138: {  	v15 =	vld [tilespmem:$0x1F940];
	_ =	sdelay $0x2  }
0x139: {  	v14 =	vcombine.low v10, v7;
	_ =	sdelay $0x1  }
0x13a: {  	v8 =	vld [tilespmem:$0x1FE70];
	v2 =	vor.u32 v15, v24;
	v1 =	vand.u32 $0xF, v14  }
0x13b: {  	v11 =	vld [tilespmem:$0x1FE80];
	[tilespmem:$0x1F5E0] =	vst v1;
	v1 =	vor.u32 v1, v25;
	_ =	sdelay $0x1  }
0x13c: {  	v17 =	vld [tilespmem:$0x1F950];
	v0 =	vmul.f32 $8.000000000e+00, v0;
	_ =	sdelay $0x1  }
0x13d: {  	[tilespmem:v2+s19+$0x0] =	vst.idx.msk $0xffff, v0  }
0x13e: {  	v16 =	vcombine.low v11, v8;
	v0 =	vld.idx.msk [tilespmem:v1+s13+$0x0], $0xffff;
	_ =	sdelay $0x1  }
0x13f: {  	v2 =	vor.u32 v17, v24;
	v1 =	vand.u32 $0xF, v16  }
0x140: {  	[tilespmem:$0x1F5F0] =	vst v1;
	v1 =	vor.u32 v1, v25;
	_ =	sdelay $0x1  }
0x141: {  	v19 =	vld [tilespmem:$0x1F960];
	v0 =	vmul.f32 $8.000000000e+00, v0;
	_ =	sdelay $0x1  }
0x142: {  	[tilespmem:v2+s19+$0x0] =	vst.idx.msk $0xffff, v0  }
0x143: {  	v18 =	vcombine.low v28, v12;
	v0 =	vld.idx.msk [tilespmem:v1+s13+$0x0], $0xffff;
	_ =	sdelay $0x1  }
0x144: {  	v2 =	vor.u32 v19, v24;
	v1 =	vand.u32 $0xF, v18  }
0x145: {  	[tilespmem:$0x1F600] =	vst v1;
	v1 =	vor.u32 v1, v25;
	_ =	sdelay $0x1  }
0x146: {  	v21 =	vld [tilespmem:$0x1F970];
	v0 =	vmul.f32 $8.000000000e+00, v0;
	_ =	sdelay $0x1  }
0x147: {  	[tilespmem:v2+s19+$0x0] =	vst.idx.msk $0xffff, v0  }
0x148: {  	v20 =	vcombine.low v31, v30;
	v0 =	vld.idx.msk [tilespmem:v1+s13+$0x0], $0xffff;
	_ =	sdelay $0x1  }
0x149: {  	v2 =	vor.u32 v21, v24;
	v1 =	vand.u32 $0xF, v20  }
0x14a: {  	[tilespmem:$0x1F610] =	vst v1;
	v1 =	vor.u32 v1, v25;
	_ =	sdelay $0x1  }
0x14b: {  	v23 =	vld [tilespmem:$0x1F980];
	v0 =	vmul.f32 $8.000000000e+00, v0;
	_ =	sdelay $0x1  }
0x14c: {  	[tilespmem:v2+s19+$0x0] =	vst.idx.msk $0xffff, v0  }
0x14d: {  	v22 =	vcombine.low v33, v32;
	v0 =	vld.idx.msk [tilespmem:v1+s13+$0x0], $0xffff;
	_ =	sdelay $0x1  }
0x14e: {  	v2 =	vor.u32 v23, v24;
	v1 =	vand.u32 $0xF, v22  }
0x14f: {  	[tilespmem:$0x1F620] =	vst v1;
	v1 =	vor.u32 v1, v25;
	_ =	sdelay $0x1  }
0x150: {  	v26 =	vld [tilespmem:$0x1F990];
	v0 =	vmul.f32 $8.000000000e+00, v0;
	_ =	sdelay $0x1  }
0x151: {  	[tilespmem:v2+s19+$0x0] =	vst.idx.msk $0xffff, v0  }
0x152: {  	v0 =	vld.idx.msk [tilespmem:v1+s13+$0x0], $0xffff;
	_ =	sdelay $0x1  }
0x153: {  	v1 =	vor.u32 v26, v24  }
0x154: {  	v13 =	vor.u32 v34, v25;
	_ =	sdelay $0x1  }
0x155: {  	v15 =	vld [tilespmem:$0x1F9A0];
	v0 =	vmul.f32 $8.000000000e+00, v0;
	_ =	sdelay $0x1  }
0x156: {  	[tilespmem:v1+s19+$0x0] =	vst.idx.msk $0xffff, v0  }
0x157: {  	v14 =	vcombine.low v3, v4;
	v0 =	vld.idx.msk [tilespmem:v13+s13+$0x0], $0xffff;
	_ =	sdelay $0x1  }
0x158: {  	v2 =	vor.u32 v15, v24;
	v1 =	vand.u32 $0xF, v14  }
0x159: {  	[tilespmem:$0x1F630] =	vst v1;
	v1 =	vor.u32 v1, v25;
	_ =	sdelay $0x1  }
0x15a: {  	v17 =	vld [tilespmem:$0x1F9B0];
	v0 =	vmul.f32 $8.000000000e+00, v0;
	_ =	sdelay $0x1  }
0x15b: {  	[tilespmem:v2+s19+$0x0] =	vst.idx.msk $0xffff, v0  }
0x15c: {  	v16 =	vcombine.low v5, v6;
	v0 =	vld.idx.msk [tilespmem:v1+s13+$0x0], $0xffff;
	_ =	sdelay $0x1  }
0x15d: {  	v2 =	vor.u32 v17, v24;
	v1 =	vand.u32 $0xF, v16  }
0x15e: {  	[tilespmem:$0x1F640] =	vst v1;
	v1 =	vor.u32 v1, v25;
	_ =	sdelay $0x1  }
0x15f: {  	v19 =	vld [tilespmem:$0x1F9C0];
	v0 =	vmul.f32 $8.000000000e+00, v0;
	_ =	sdelay $0x1  }
0x160: {  	[tilespmem:v2+s19+$0x0] =	vst.idx.msk $0xffff, v0  }
0x161: {  	v18 =	vcombine.low v7, v10;
	v0 =	vld.idx.msk [tilespmem:v1+s13+$0x0], $0xffff;
	_ =	sdelay $0x1  }
0x162: {  	v2 =	vor.u32 v19, v24;
	v1 =	vand.u32 $0xF, v18  }
0x163: {  	[tilespmem:$0x1F650] =	vst v1;
	v1 =	vor.u32 v1, v25;
	_ =	sdelay $0x1  }
0x164: {  	v21 =	vld [tilespmem:$0x1F9D0];
	v0 =	vmul.f32 $8.000000000e+00, v0;
	_ =	sdelay $0x1  }
0x165: {  	[tilespmem:v2+s19+$0x0] =	vst.idx.msk $0xffff, v0  }
0x166: {  	v20 =	vcombine.low v8, v11;
	v0 =	vld.idx.msk [tilespmem:v1+s13+$0x0], $0xffff;
	_ =	sdelay $0x1  }
0x167: {  	v2 =	vor.u32 v21, v24;
	v1 =	vand.u32 $0xF, v20  }
0x168: {  	[tilespmem:$0x1F660] =	vst v1;
	v1 =	vor.u32 v1, v25;
	_ =	sdelay $0x1  }
0x169: {  	v23 =	vld [tilespmem:$0x1F9E0];
	v0 =	vmul.f32 $8.000000000e+00, v0;
	_ =	sdelay $0x1  }
0x16a: {  	[tilespmem:v2+s19+$0x0] =	vst.idx.msk $0xffff, v0  }
0x16b: {  	v22 =	vcombine.low v12, v28;
	v0 =	vld.idx.msk [tilespmem:v1+s13+$0x0], $0xffff;
	_ =	sdelay $0x1  }
0x16c: {  	v2 =	vor.u32 v23, v24;
	v1 =	vand.u32 $0xF, v22  }
0x16d: {  	[tilespmem:$0x1F670] =	vst v1;
	v1 =	vor.u32 v1, v25;
	_ =	sdelay $0x1  }
0x16e: {  	v4 =	vld [tilespmem:$0x1F9F0];
	v0 =	vmul.f32 $8.000000000e+00, v0;
	_ =	sdelay $0x1  }
0x16f: {  	[tilespmem:v2+s19+$0x0] =	vst.idx.msk $0xffff, v0  }
0x170: {  	v26 =	vcombine.low v30, v31;
	v0 =	vld.idx.msk [tilespmem:v1+s13+$0x0], $0xffff;
	_ =	sdelay $0x1  }
0x171: {  	v2 =	vor.u32 v4, v24;
	v1 =	vand.u32 $0xF, v26  }
0x172: {  	[tilespmem:$0x1F680] =	vst v1;
	v1 =	vor.u32 v1, v25;
	_ =	sdelay $0x1  }
0x173: {  	v6 =	vld [tilespmem:$0x1FA00];
	v0 =	vmul.f32 $8.000000000e+00, v0;
	_ =	sdelay $0x1  }
0x174: {  	[tilespmem:v2+s19+$0x0] =	vst.idx.msk $0xffff, v0  }
0x175: {  	v5 =	vcombine.low v32, v33;
	v0 =	vld.idx.msk [tilespmem:v1+s13+$0x0], $0xffff;
	_ =	sdelay $0x1  }
0x176: {  	v2 =	vor.u32 v6, v24;
	v1 =	vand.u32 $0xF, v5  }
0x177: {  	[tilespmem:$0x1F690] =	vst v1;
	v1 =	vor.u32 v1, v25;
	_ =	sdelay $0x1  }
0x178: {  	v7 =	vld [tilespmem:$0x1FA10];
	v0 =	vmul.f32 $8.000000000e+00, v0;
	_ =	sdelay $0x1  }
0x179: {  	[tilespmem:v2+s19+$0x0] =	vst.idx.msk $0xffff, v0  }
0x17a: {  	v0 =	vld.idx.msk [tilespmem:v1+s13+$0x0], $0xffff;
	_ =	sdelay $0x1  }
0x17b: {  	v12 =	vor.u32 $0x10, v9;
	v1 =	vor.u32 v7, v24  }
0x17c: {  	v2 =	vor.u32 v12, v25;
	_ =	sdelay $0x1  }
0x17d: {  	v14 =	vld [tilespmem:$0x1FA20];
	v0 =	vmul.f32 $8.000000000e+00, v0;
	_ =	sdelay $0x1  }
0x17e: {  	[tilespmem:v1+s19+$0x0] =	vst.idx.msk $0xffff, v0  }
0x17f: {  	v1 =	vsel vm0, v36, v35;
	v0 =	vld.idx.msk [tilespmem:v2+s13+$0x0], $0xffff;
	v2 =	vsel vm0, v38, v37  }
0x180: {  	v13 =	vcombine.low v2, v1  }
0x181: {  	v3 =	vor.u32 v14, v24  }
0x182: {  	v15 =	vor.u32 v13, v25;
	_ =	sdelay $0x1  }
0x183: {  	v17 =	vld [tilespmem:$0x1FA30];
	v0 =	vmul.f32 $8.000000000e+00, v0;
	_ =	sdelay $0x1  }
0x184: {  	[tilespmem:v3+s19+$0x0] =	vst.idx.msk $0xffff, v0  }
0x185: {  	v4 =	vsel vm0, v42, v41;
	v3 =	vsel vm0, v40, v39;
	v0 =	vld.idx.msk [tilespmem:v15+s13+$0x0], $0xffff  }
0x186: {  	v16 =	vcombine.low v4, v3  }
0x187: {  	v5 =	vor.u32 v17, v24  }
0x188: {  	v18 =	vor.u32 v16, v25;
	_ =	sdelay $0x1  }
0x189: {  	v19 =	vld [tilespmem:$0x1FA40];
	v0 =	vmul.f32 $8.000000000e+00, v0;
	_ =	sdelay $0x1  }
0x18a: {  	[tilespmem:v5+s19+$0x0] =	vst.idx.msk $0xffff, v0  }
0x18b: {  	v6 =	vsel vm0, v46, v45;
	v5 =	vsel vm0, v44, v43;
	v0 =	vld.idx.msk [tilespmem:v18+s13+$0x0], $0xffff  }
0x18c: {  	v9 =	vcombine.low v6, v5  }
0x18d: {  	v7 =	vor.u32 v19, v24  }
0x18e: {  	v8 =	vor.u32 v9, v25;
	_ =	sdelay $0x1  }
0x18f: {  	[tilespmem:$0x1F6D0] =	vst v9;
	v9 =	vld [tilespmem:$0x1FA50];
	v0 =	vmul.f32 $8.000000000e+00, v0;
	_ =	sdelay $0x1  }
0x190: {  	[tilespmem:v7+s19+$0x0] =	vst.idx.msk $0xffff, v0  }
0x191: {  	v7 =	vsel vm0, v48, v47;
	v0 =	vld.idx.msk [tilespmem:v8+s13+$0x0], $0xffff;
	v8 =	vsel vm0, v50, v49  }
0x192: {  	v11 =	vcombine.low v8, v7  }
0x193: {  	v9 =	vor.u32 v9, v24  }
0x194: {  	v10 =	vor.u32 v11, v25;
	_ =	sdelay $0x1  }
0x195: {  	[tilespmem:$0x1F6E0] =	vst v11;
	v11 =	vld [tilespmem:$0x1FA60];
	v0 =	vmul.f32 $8.000000000e+00, v0;
	_ =	sdelay $0x1  }
0x196: {  	[tilespmem:v9+s19+$0x0] =	vst.idx.msk $0xffff, v0  }
0x197: {  	v9 =	vsel vm0, v37, v36;
	v0 =	vld.idx.msk [tilespmem:v10+s13+$0x0], $0xffff;
	v10 =	vsel vm0, v35, v38  }
0x198: {  	[tilespmem:$0x1F6B0] =	vst v13;
	v13 =	vcombine.low v10, v9  }
0x199: {  	v11 =	vor.u32 v11, v24  }
0x19a: {  	v20 =	vor.u32 v13, v25;
	_ =	sdelay $0x1  }
0x19b: {  	v21 =	vld [tilespmem:$0x1FA70];
	v0 =	vmul.f32 $8.000000000e+00, v0;
	_ =	sdelay $0x1  }
0x19c: {  	[tilespmem:v11+s19+$0x0] =	vst.idx.msk $0xffff, v0  }
0x19d: {  	[tilespmem:$0x1F6A0] =	vst v12;
	v12 =	vsel vm0, v39, v42;
	v11 =	vsel vm0, v41, v40;
	v0 =	vld.idx.msk [tilespmem:v20+s13+$0x0], $0xffff  }
0x19e: {  	v15 =	vcombine.low v12, v11  }
0x19f: {  	[tilespmem:$0x1F6F0] =	vst v13;
	v13 =	vor.u32 v21, v24  }
0x1a0: {  	v14 =	vor.u32 v15, v25;
	_ =	sdelay $0x1  }
0x1a1: {  	v22 =	vld [tilespmem:$0x1FA80];
	v0 =	vmul.f32 $8.000000000e+00, v0;
	_ =	sdelay $0x1  }
0x1a2: {  	[tilespmem:v13+s19+$0x0] =	vst.idx.msk $0xffff, v0  }
0x1a3: {  	v13 =	vsel vm0, v45, v44;
	v0 =	vld.idx.msk [tilespmem:v14+s13+$0x0], $0xffff;
	v14 =	vsel vm0, v43, v46  }
0x1a4: {  	v17 =	vcombine.low v14, v13  }
0x1a5: {  	[tilespmem:$0x1F700] =	vst v15;
	v15 =	vor.u32 v22, v24  }
0x1a6: {  	[tilespmem:$0x1F6C0] =	vst v16;
	v16 =	vor.u32 v17, v25;
	_ =	sdelay $0x1  }
0x1a7: {  	v21 =	vld [tilespmem:$0x1FA90];
	v0 =	vmul.f32 $8.000000000e+00, v0;
	_ =	sdelay $0x1  }
0x1a8: {  	[tilespmem:v15+s19+$0x0] =	vst.idx.msk $0xffff, v0  }
0x1a9: {  	v23 =	vsel vm0, v49, v48;
	v26 =	vsel vm0, v47, v50;
	v0 =	vld.idx.msk [tilespmem:v16+s13+$0x0], $0xffff  }
0x1aa: {  	v20 =	vcombine.low v26, v23  }
0x1ab: {  	v15 =	vor.u32 v21, v24  }
0x1ac: {  	v16 =	vor.u32 v20, v25;
	_ =	sdelay $0x1  }
0x1ad: {  	v23 =	vld [tilespmem:$0x1FAA0];
	v0 =	vmul.f32 $8.000000000e+00, v0;
	_ =	sdelay $0x1  }
0x1ae: {  	[tilespmem:v15+s19+$0x0] =	vst.idx.msk $0xffff, v0  }
0x1af: {  	v0 =	vld.idx.msk [tilespmem:v16+s13+$0x0], $0xffff  }
0x1b0: {  	v22 =	vcombine.low v1, v2  }
0x1b1: {  	v1 =	vor.u32 v23, v24  }
0x1b2: {  	v2 =	vor.u32 v22, v25;
	_ =	sdelay $0x1  }
0x1b3: {  	v26 =	vld [tilespmem:$0x1FAB0];
	v0 =	vmul.f32 $8.000000000e+00, v0;
	_ =	sdelay $0x1  }
0x1b4: {  	[tilespmem:v1+s19+$0x0] =	vst.idx.msk $0xffff, v0  }
0x1b5: {  	v0 =	vld.idx.msk [tilespmem:v2+s13+$0x0], $0xffff  }
0x1b6: {  	v3 =	vcombine.low v3, v4  }
0x1b7: {  	v1 =	vor.u32 v26, v24  }
0x1b8: {  	v4 =	vor.u32 v3, v25;
	_ =	sdelay $0x1  }
0x1b9: {  	v15 =	vld [tilespmem:$0x1FAC0];
	v0 =	vmul.f32 $8.000000000e+00, v0;
	_ =	sdelay $0x1  }
0x1ba: {  	[tilespmem:v1+s19+$0x0] =	vst.idx.msk $0xffff, v0  }
0x1bb: {  	v0 =	vld.idx.msk [tilespmem:v4+s13+$0x0], $0xffff  }
0x1bc: {  	v6 =	vcombine.low v5, v6  }
0x1bd: {  	v1 =	vor.u32 v15, v24  }
0x1be: {  	v16 =	vor.u32 v6, v25;
	_ =	sdelay $0x1  }
0x1bf: {  	v18 =	vld [tilespmem:$0x1FAD0];
	v0 =	vmul.f32 $8.000000000e+00, v0;
	_ =	sdelay $0x1  }
0x1c0: {  	[tilespmem:v1+s19+$0x0] =	vst.idx.msk $0xffff, v0  }
0x1c1: {  	v0 =	vld.idx.msk [tilespmem:v16+s13+$0x0], $0xffff  }
0x1c2: {  	[tilespmem:$0x1F710] =	vst v17;
	v17 =	vcombine.low v7, v8  }
0x1c3: {  	v1 =	vor.u32 v18, v24  }
0x1c4: {  	[tilespmem:$0x1F720] =	vst v20;
	v20 =	vor.u32 v17, v25;
	_ =	sdelay $0x1  }
0x1c5: {  	[tilespmem:$0x1F730] =	vst v22;
	v22 =	vld [tilespmem:$0x1FAE0];
	v0 =	vmul.f32 $8.000000000e+00, v0;
	_ =	sdelay $0x1  }
0x1c6: {  	[tilespmem:v1+s19+$0x0] =	vst.idx.msk $0xffff, v0  }
0x1c7: {  	v0 =	vld.idx.msk [tilespmem:v20+s13+$0x0], $0xffff  }
0x1c8: {  	v21 =	vcombine.low v9, v10  }
0x1c9: {  	v1 =	vor.u32 v22, v24  }
0x1ca: {  	v23 =	vor.u32 v21, v25;
	_ =	sdelay $0x1  }
0x1cb: {  	v5 =	vld [tilespmem:$0x1FAF0];
	v0 =	vmul.f32 $8.000000000e+00, v0;
	_ =	sdelay $0x1  }
0x1cc: {  	[tilespmem:v1+s19+$0x0] =	vst.idx.msk $0xffff, v0  }
0x1cd: {  	v0 =	vld.idx.msk [tilespmem:v23+s13+$0x0], $0xffff  }
0x1ce: {  	v26 =	vcombine.low v11, v12  }
0x1cf: {  	v1 =	vor.u32 v5, v24  }
0x1d0: {  	[tilespmem:$0x1F750] =	vst v6;
	v6 =	vor.u32 v26, v25;
	_ =	sdelay $0x1  }
0x1d1: {  	v12 =	vld [tilespmem:$0x1FB00];
	v0 =	vmul.f32 $8.000000000e+00, v0;
	_ =	sdelay $0x1  }
0x1d2: {  	[tilespmem:v1+s19+$0x0] =	vst.idx.msk $0xffff, v0  }
0x1d3: {  	v0 =	vld.idx.msk [tilespmem:v6+s13+$0x0], $0xffff  }
0x1d4: {  	v7 =	vcombine.low v13, v14  }
0x1d5: {  	v1 =	vor.u32 v12, v24  }
0x1d6: {  	v13 =	vor.u32 v7, v25;
	_ =	sdelay $0x1  }
0x1d7: {  	v14 =	vld [tilespmem:$0x1FB10];
	v0 =	vmul.f32 $8.000000000e+00, v0;
	_ =	sdelay $0x1  }
0x1d8: {  	[tilespmem:v1+s19+$0x0] =	vst.idx.msk $0xffff, v0  }
0x1d9: {  	v0 =	vld.idx.msk [tilespmem:v13+s13+$0x0], $0xffff  }
0x1da: {  	v19 =	vlaneseq.u32  }
0x1db: {  	v15 =	vor.u32 $0x20, v19;
	v1 =	vor.u32 v14, v24  }
0x1dc: {  	v2 =	vor.u32 v15, v25;
	_ =	sdelay $0x1  }
0x1dd: {  	[tilespmem:$0x1F760] =	vst v17;
	v17 =	vld [tilespmem:$0x1FB20];
	v0 =	vmul.f32 $8.000000000e+00, v0;
	_ =	sdelay $0x1  }
0x1de: {  	[tilespmem:v1+s19+$0x0] =	vst.idx.msk $0xffff, v0  }
0x1df: {  	v1 =	vsel vm0, v52, v51;
	v0 =	vld.idx.msk [tilespmem:v2+s13+$0x0], $0xffff;
	v2 =	vsel vm0, v54, v53  }
0x1e0: {  	v16 =	vcombine.low v2, v1  }
0x1e1: {  	[tilespmem:$0x1F740] =	vst v3;
	v3 =	vor.u32 v17, v24  }
0x1e2: {  	v18 =	vor.u32 v16, v25;
	_ =	sdelay $0x1  }
0x1e3: {  	[tilespmem:$0x1F770] =	vst v21;
	v21 =	vld [tilespmem:$0x1FB30];
	v0 =	vmul.f32 $8.000000000e+00, v0;
	_ =	sdelay $0x1  }
0x1e4: {  	[tilespmem:v3+s19+$0x0] =	vst.idx.msk $0xffff, v0  }
0x1e5: {  	v4 =	vsel vm0, v58, v57;
	v3 =	vsel vm0, v56, v55;
	v0 =	vld.idx.msk [tilespmem:v18+s13+$0x0], $0xffff  }
0x1e6: {  	v20 =	vcombine.low v4, v3  }
0x1e7: {  	v5 =	vor.u32 v21, v24  }
0x1e8: {  	v22 =	vor.u32 v20, v25;
	_ =	sdelay $0x1  }
0x1e9: {  	v23 =	vld [tilespmem:$0x1FB40];
	v0 =	vmul.f32 $8.000000000e+00, v0;
	_ =	sdelay $0x1  }
0x1ea: {  	[tilespmem:v5+s19+$0x0] =	vst.idx.msk $0xffff, v0  }
0x1eb: {  	v6 =	vsel vm0, v62, v61;
	v5 =	vsel vm0, v60, v59;
	v0 =	vld.idx.msk [tilespmem:v22+s13+$0x0], $0xffff  }
0x1ec: {  	v17 =	vld [tilespmem:$0x1FEA0];
	v9 =	vcombine.low v6, v5  }
0x1ed: {  	[tilespmem:$0x1F790] =	vst v7;
	v7 =	vor.u32 v23, v24;
	v18 =	vld [tilespmem:$0x1FEB0]  }
0x1ee: {  	[tilespmem:$0x1F7C0] =	vst v20;
	v20 =	vld [tilespmem:$0x1FEC0];
	v8 =	vor.u32 v9, v25;
	_ =	sdelay $0x1  }
0x1ef: {  	[tilespmem:$0x1F7D0] =	vst v9;
	v9 =	vld [tilespmem:$0x1FB50];
	v0 =	vmul.f32 $8.000000000e+00, v0;
	_ =	sdelay $0x1  }
0x1f0: {  	[tilespmem:v7+s19+$0x0] =	vst.idx.msk $0xffff, v0  }
0x1f1: {  	v7 =	vsel vm0, v17, v63;
	v0 =	vld.idx.msk [tilespmem:v8+s13+$0x0], $0xffff;
	v8 =	vsel vm0, v20, v18  }
0x1f2: {  	v11 =	vcombine.low v8, v7  }
0x1f3: {  	v9 =	vor.u32 v9, v24  }
0x1f4: {  	v10 =	vor.u32 v11, v25;
	_ =	sdelay $0x1  }
0x1f5: {  	[tilespmem:$0x1F7E0] =	vst v11;
	v11 =	vld [tilespmem:$0x1FB60];
	v0 =	vmul.f32 $8.000000000e+00, v0;
	_ =	sdelay $0x1  }
0x1f6: {  	[tilespmem:v9+s19+$0x0] =	vst.idx.msk $0xffff, v0  }
0x1f7: {  	v9 =	vsel vm0, v53, v52;
	v0 =	vld.idx.msk [tilespmem:v10+s13+$0x0], $0xffff;
	v10 =	vsel vm0, v51, v54  }
0x1f8: {  	[tilespmem:$0x1F780] =	vst v26;
	v26 =	vcombine.low v10, v9  }
0x1f9: {  	v11 =	vor.u32 v11, v24  }
0x1fa: {  	[tilespmem:$0x1F7B0] =	vst v16;
	v16 =	vor.u32 v26, v25;
	_ =	sdelay $0x1  }
0x1fb: {  	v22 =	vld [tilespmem:$0x1FB70];
	v0 =	vmul.f32 $8.000000000e+00, v0;
	_ =	sdelay $0x1  }
0x1fc: {  	[tilespmem:v11+s19+$0x0] =	vst.idx.msk $0xffff, v0  }
0x1fd: {  	v12 =	vsel vm0, v55, v58;
	v11 =	vsel vm0, v57, v56;
	v0 =	vld.idx.msk [tilespmem:v16+s13+$0x0], $0xffff  }
0x1fe: {  	v21 =	vcombine.low v12, v11  }
0x1ff: {  	v13 =	vor.u32 v22, v24  }
0x200: {  	v23 =	vor.u32 v21, v25;
	_ =	sdelay $0x1  }
0x201: {  	[tilespmem:$0x1F7F0] =	vst v26;
	v26 =	vld [tilespmem:$0x1FB80];
	v0 =	vmul.f32 $8.000000000e+00, v0;
	_ =	sdelay $0x1  }
0x202: {  	[tilespmem:v13+s19+$0x0] =	vst.idx.msk $0xffff, v0  }
0x203: {  	v14 =	vsel vm0, v59, v62;
	v13 =	vsel vm0, v61, v60;
	v0 =	vld.idx.msk [tilespmem:v23+s13+$0x0], $0xffff  }
0x204: {  	[tilespmem:$0x1F800] =	vst v21;
	v21 =	vcombine.low v14, v13  }
0x205: {  	[tilespmem:$0x1F7A0] =	vst v15;
	v15 =	vor.u32 v26, v24  }
0x206: {  	v22 =	vor.u32 v21, v25;
	_ =	sdelay $0x1  }
0x207: {  	v23 =	vsel vm0, v18, v17;
	v18 =	vld [tilespmem:$0x1FB90];
	v0 =	vmul.f32 $8.000000000e+00, v0;
	_ =	sdelay $0x1  }
0x208: {  	[tilespmem:v15+s19+$0x0] =	vst.idx.msk $0xffff, v0  }
0x209: {  	v26 =	vsel vm0, v63, v20;
	v0 =	vld.idx.msk [tilespmem:v22+s13+$0x0], $0xffff  }
0x20a: {  	v17 =	vcombine.low v26, v23  }
0x20b: {  	v15 =	vor.u32 v18, v24  }
0x20c: {  	v16 =	vor.u32 v17, v25;
	_ =	sdelay $0x1  }
0x20d: {  	[tilespmem:$0x1F810] =	vst v21;
	v21 =	vld [tilespmem:$0x1FBA0];
	v0 =	vmul.f32 $8.000000000e+00, v0;
	_ =	sdelay $0x1  }
0x20e: {  	[tilespmem:v15+s19+$0x0] =	vst.idx.msk $0xffff, v0  }
0x20f: {  	v0 =	vld.idx.msk [tilespmem:v16+s13+$0x0], $0xffff  }
0x210: {  	v20 =	vcombine.low v1, v2  }
0x211: {  	v1 =	vor.u32 v21, v24  }
0x212: {  	v2 =	vor.u32 v20, v25;
	_ =	sdelay $0x1  }
0x213: {  	v22 =	vld [tilespmem:$0x1FBB0];
	v0 =	vmul.f32 $8.000000000e+00, v0;
	_ =	sdelay $0x1  }
0x214: {  	[tilespmem:v1+s19+$0x0] =	vst.idx.msk $0xffff, v0  }
0x215: {  	v0 =	vld.idx.msk [tilespmem:v2+s13+$0x0], $0xffff  }
0x216: {  	v3 =	vcombine.low v3, v4  }
0x217: {  	v1 =	vor.u32 v22, v24  }
0x218: {  	v23 =	vor.u32 v3, v25;
	_ =	sdelay $0x1  }
0x219: {  	v26 =	vcombine.low v5, v6;
	v5 =	vld [tilespmem:$0x1FBC0];
	v0 =	vmul.f32 $8.000000000e+00, v0;
	_ =	sdelay $0x1  }
0x21a: {  	[tilespmem:v1+s19+$0x0] =	vst.idx.msk $0xffff, v0  }
0x21b: {  	v0 =	vld.idx.msk [tilespmem:v23+s13+$0x0], $0xffff;
	_ =	sdelay $0x1  }
0x21c: {  	v1 =	vor.u32 v5, v24  }
0x21d: {  	v6 =	vor.u32 v26, v25;
	_ =	sdelay $0x1  }
0x21e: {  	v16 =	vld [tilespmem:$0x1FBD0];
	v0 =	vmul.f32 $8.000000000e+00, v0;
	_ =	sdelay $0x1  }
0x21f: {  	[tilespmem:v1+s19+$0x0] =	vst.idx.msk $0xffff, v0  }
0x220: {  	v0 =	vld.idx.msk [tilespmem:v6+s13+$0x0], $0xffff  }
0x221: {  	v15 =	vcombine.low v7, v8  }
0x222: {  	v1 =	vor.u32 v16, v24  }
0x223: {  	[tilespmem:$0x1F820] =	vst v17;
	v17 =	vor.u32 v15, v25;
	_ =	sdelay $0x1  }
0x224: {  	[tilespmem:$0x1F830] =	vst v20;
	v20 =	vld [tilespmem:$0x1FBE0];
	v0 =	vmul.f32 $8.000000000e+00, v0;
	_ =	sdelay $0x1  }
0x225: {  	[tilespmem:v1+s19+$0x0] =	vst.idx.msk $0xffff, v0  }
0x226: {  	v0 =	vld.idx.msk [tilespmem:v17+s13+$0x0], $0xffff  }
0x227: {  	v18 =	vcombine.low v9, v10  }
0x228: {  	v1 =	vor.u32 v20, v24  }
0x229: {  	v21 =	vor.u32 v18, v25;
	_ =	sdelay $0x1  }
0x22a: {  	v23 =	vld [tilespmem:$0x1FBF0];
	v0 =	vmul.f32 $8.000000000e+00, v0;
	_ =	sdelay $0x1  }
0x22b: {  	[tilespmem:v1+s19+$0x0] =	vst.idx.msk $0xffff, v0  }
0x22c: {  	v0 =	vld.idx.msk [tilespmem:v21+s13+$0x0], $0xffff  }
0x22d: {  	v22 =	vcombine.low v11, v12  }
0x22e: {  	v1 =	vor.u32 v23, v24  }
0x22f: {  	[tilespmem:$0x1F850] =	vst v26;
	v26 =	vor.u32 v22, v25;
	_ =	sdelay $0x1  }
0x230: {  	v5 =	vld [tilespmem:$0x1FC00];
	v0 =	vmul.f32 $8.000000000e+00, v0;
	_ =	sdelay $0x1  }
0x231: {  	[tilespmem:v1+s19+$0x0] =	vst.idx.msk $0xffff, v0  }
0x232: {  	v1 =	vld.idx.msk [tilespmem:v26+s13+$0x0], $0xffff  }
0x233: {  	v4 =	vcombine.low v13, v14  }
0x234: {  	v2 =	vor.u32 v5, v24  }
0x235: {  	v6 =	vor.u32 v4, v25;
	_ =	sdelay $0x1  }
0x236: {  	v7 =	vld [tilespmem:$0x1FC10];
	v1 =	vmul.f32 $8.000000000e+00, v1;
	_ =	sdelay $0x1  }
0x237: {  	[tilespmem:v2+s19+$0x0] =	vst.idx.msk $0xffff, v1  }
0x238: {  	v2 =	vld.idx.msk [tilespmem:v6+s13+$0x0], $0xffff;
	_ =	sdelay $0x1  }
0x239: {  	v12 =	vor.u32 v7, v24  }
0x23a: {  	v9 =	vld [tilespmem:$0x1FF00]  }
0x23b: {  	v13 =	vor.u32 $0x30, v19;
	v16 =	vld [tilespmem:$0x1FC20]  }
0x23c: {  	v14 =	vor.u32 v13, v25;
	v0 =	vld [tilespmem:$0x1FED0];
	v2 =	vmul.f32 $8.000000000e+00, v2  }
0x23d: {  	v1 =	vld [tilespmem:$0x1FEE0]  }
0x23e: {  	[tilespmem:v12+s19+$0x0] =	vst.idx.msk $0xffff, v2;
	v2 =	vld [tilespmem:$0x1FEF0];
	_ =	sdelay $0x1  }
0x23f: {  	[tilespmem:$0x1F840] =	vst v3  }
0x240: {  	[tilespmem:$0x1F890] =	vst v4;
	v3 =	vld.idx.msk [tilespmem:v14+s13+$0x0], $0xffff  }
0x241: {  	[tilespmem:$0x1F870] =	vst v18  }
0x242: {  	[tilespmem:$0x1F860] =	vst v15;
	v4 =	vor.u32 v16, v24;
	v30 =	vsel vm0, v1, v0;
	v18 =	vsel vm0, v9, v2  }
0x243: {  	[tilespmem:$0x1F880] =	vst v22;
	v22 =	vld [tilespmem:$0x1FF40];
	v15 =	vcombine.low v18, v30  }
0x244: {  	v20 =	vld [tilespmem:$0x1FF20]  }
0x245: {  	v23 =	vld [tilespmem:$0x1FC30];
	v3 =	vmul.f32 $8.000000000e+00, v3;
	v17 =	vor.u32 v15, v25  }
0x246: {  	v21 =	vld [tilespmem:$0x1FF30]  }
0x247: {  	[tilespmem:v4+s19+$0x0] =	vst.idx.msk $0xffff, v3;
	v3 =	vld [tilespmem:$0x1FF10];
	_ =	sdelay $0x2  }
0x248: {  	v4 =	vld.idx.msk [tilespmem:v17+s13+$0x0], $0xffff;
	_ =	sdelay $0x1  }
0x249: {  	[tilespmem:$0x1F8A0] =	vst v13;
	v5 =	vor.u32 v23, v24;
	v13 =	vsel vm0, v22, v21;
	v17 =	vsel vm0, v20, v3  }
0x24a: {  	v27 =	vld [tilespmem:$0x1FF70];
	v19 =	vcombine.low v13, v17  }
0x24b: {  	v10 =	vld [tilespmem:$0x1FF80]  }
0x24c: {  	v23 =	vld [tilespmem:$0x1FF50];
	v26 =	vor.u32 v19, v25;
	v4 =	vmul.f32 $8.000000000e+00, v4  }
0x24d: {  	v12 =	vld [tilespmem:$0x1FC40]  }
0x24e: {  	[tilespmem:v5+s19+$0x0] =	vst.idx.msk $0xffff, v4;
	v4 =	vld [tilespmem:$0x1FF60];
	_ =	sdelay $0x2  }
0x24f: {  	v5 =	vld.idx.msk [tilespmem:v26+s13+$0x0], $0xffff;
	_ =	sdelay $0x1  }
0x250: {  	v6 =	vor.u32 v12, v24;
	[tilespmem:$0x1F8B0] =	vst v15;
	v15 =	vsel vm0, v10, v27;
	v14 =	vsel vm0, v4, v23  }
0x251: {  	v28 =	vld [tilespmem:$0x1FF90];
	v8 =	vcombine.low v15, v14  }
0x252: {  	v11 =	vld [tilespmem:$0x1FFB0]  }
0x253: {  	v12 =	vld [tilespmem:$0x1FFC0];
	v5 =	vmul.f32 $8.000000000e+00, v5;
	v16 =	vor.u32 v8, v25  }
0x254: {  	[tilespmem:$0x1F8C0] =	vst v19;
	v19 =	vld [tilespmem:$0x1FC50]  }
0x255: {  	[tilespmem:v6+s19+$0x0] =	vst.idx.msk $0xffff, v5;
	v5 =	vld [tilespmem:$0x1FFA0];
	_ =	sdelay $0x2  }
0x256: {  	v6 =	vld.idx.msk [tilespmem:v16+s13+$0x0], $0xffff;
	_ =	sdelay $0x1  }
0x257: {  	v26 =	vsel vm0, v12, v11;
	v7 =	vor.u32 v19, v24;
	v29 =	vsel vm0, v5, v28  }
0x258: {  	v16 =	vcombine.low v26, v29;
	_ =	sdelay $0x1  }
0x259: {  	[tilespmem:$0x1F8D0] =	vst v8;
	v8 =	vor.u32 v16, v25;
	v6 =	vmul.f32 $8.000000000e+00, v6;
	_ =	sdelay $0x1  }
0x25a: {  	[tilespmem:v7+s19+$0x0] =	vst.idx.msk $0xffff, v6;
	v6 =	vld [tilespmem:$0x1FC60];
	_ =	sdelay $0x2  }
0x25b: {  	v19 =	vsel vm0, v2, v1;
	[tilespmem:$0x1F8E0] =	vst v16;
	v16 =	vsel vm0, v0, v9;
	v7 =	vld.idx.msk [tilespmem:v8+s13+$0x0], $0xffff  }
0x25c: {  	v0 =	vcombine.low v16, v19  }
0x25d: {  	v8 =	vor.u32 v6, v24  }
0x25e: {  	v9 =	vor.u32 v0, v25;
	_ =	sdelay $0x1  }
0x25f: {  	v6 =	vld [tilespmem:$0x1FC70];
	v7 =	vmul.f32 $8.000000000e+00, v7;
	_ =	sdelay $0x1  }
0x260: {  	[tilespmem:v8+s19+$0x0] =	vst.idx.msk $0xffff, v7  }
0x261: {  	v22 =	vsel vm0, v3, v22;
	v7 =	vsel vm0, v21, v20;
	v8 =	vld.idx.msk [tilespmem:v9+s13+$0x0], $0xffff  }
0x262: {  	v21 =	vcombine.low v22, v7  }
0x263: {  	v9 =	vor.u32 v6, v24  }
0x264: {  	v20 =	vor.u32 v21, v25;
	_ =	sdelay $0x1  }
0x265: {  	v3 =	vsel vm0, v23, v10;
	v23 =	vld [tilespmem:$0x1FC80];
	v8 =	vmul.f32 $8.000000000e+00, v8;
	_ =	sdelay $0x1  }
0x266: {  	[tilespmem:v9+s19+$0x0] =	vst.idx.msk $0xffff, v8  }
0x267: {  	v9 =	vsel vm0, v27, v4;
	v1 =	vld.idx.msk [tilespmem:v20+s13+$0x0], $0xffff  }
0x268: {  	[tilespmem:$0x1F8F0] =	vst v0;
	v0 =	vcombine.low v3, v9  }
0x269: {  	[tilespmem:$0x1F900] =	vst v21;
	v21 =	vor.u32 v23, v24  }
0x26a: {  	[tilespmem:$0x1F910] =	vst v0;
	v0 =	vor.u32 v0, v25;
	_ =	sdelay $0x1  }
0x26b: {  	v6 =	vld [tilespmem:$0x1FC90];
	v1 =	vmul.f32 $8.000000000e+00, v1;
	_ =	sdelay $0x1  }
0x26c: {  	[tilespmem:v21+s19+$0x0] =	vst.idx.msk $0xffff, v1  }
0x26d: {  	v21 =	vsel vm0, v11, v5;
	v20 =	vld.idx.msk [tilespmem:v0+s13+$0x0], $0xffff;
	v0 =	vsel vm0, v28, v12  }
0x26e: {  	v8 =	vcombine.low v0, v21  }
0x26f: {  	v4 =	vor.u32 v6, v24  }
0x270: {  	v5 =	vor.u32 v8, v25;
	_ =	sdelay $0x1  }
0x271: {  	v27 =	vld [tilespmem:$0x1FCA0];
	v2 =	vmul.f32 $8.000000000e+00, v20;
	_ =	sdelay $0x1  }
0x272: {  	[tilespmem:v4+s19+$0x0] =	vst.idx.msk $0xffff, v2  }
0x273: {  	v1 =	vld.idx.msk [tilespmem:v5+s13+$0x0], $0xffff  }
0x274: {  	v0 =	vcombine.low v30, v18  }
0x275: {  	v12 =	vor.u32 v27, v24  }
0x276: {  	v18 =	vor.u32 v0, v25;
	_ =	sdelay $0x1  }
0x277: {  	v1 =	vmul.f32 $8.000000000e+00, v1;
	_ =	sdelay $0x1  }
0x278: {  	[tilespmem:v12+s19+$0x0] =	vst.idx.msk $0xffff, v1  }
0x279: {  	v2 =	vld.idx.msk [tilespmem:v18+s13+$0x0], $0xffff  }
0x27a: {  	v18 =	vld [tilespmem:$0x1FCB0];
	_ =	sdelay $0x3  }
0x27b: {  	v1 =	vcombine.low v17, v13  }
0x27c: {  	v20 =	vor.u32 v18, v24  }
0x27d: {  	v17 =	vor.u32 v1, v25;
	_ =	sdelay $0x1  }
0x27e: {  	v2 =	vmul.f32 $8.000000000e+00, v2;
	_ =	sdelay $0x1  }
0x27f: {  	[tilespmem:v20+s19+$0x0] =	vst.idx.msk $0xffff, v2  }
0x280: {  	v2 =	vld.idx.msk [tilespmem:v17+s13+$0x0], $0xffff  }
0x281: {  	v17 =	vld [tilespmem:$0x1FCC0];
	_ =	sdelay $0x3  }
0x282: {  	v13 =	vcombine.low v14, v15  }
0x283: {  	v21 =	vor.u32 v17, v24  }
0x284: {  	v15 =	vor.u32 v13, v25;
	_ =	sdelay $0x1  }
0x285: {  	v20 =	vld [tilespmem:$0x1FCD0];
	v2 =	vmul.f32 $8.000000000e+00, v2;
	_ =	sdelay $0x1  }
0x286: {  	[tilespmem:v21+s19+$0x0] =	vst.idx.msk $0xffff, v2  }
0x287: {  	v2 =	vld.idx.msk [tilespmem:v15+s13+$0x0], $0xffff  }
0x288: {  	v14 =	vcombine.low v29, v26  }
0x289: {  	v4 =	vor.u32 v20, v24  }
0x28a: {  	v5 =	vor.u32 v14, v25;
	_ =	sdelay $0x1  }
0x28b: {  	v21 =	vld [tilespmem:$0x1FCE0];
	v2 =	vmul.f32 $8.000000000e+00, v2;
	_ =	sdelay $0x1  }
0x28c: {  	[tilespmem:v4+s19+$0x0] =	vst.idx.msk $0xffff, v2  }
0x28d: {  	v2 =	vld.idx.msk [tilespmem:v5+s13+$0x0], $0xffff;
	_ =	sdelay $0x1  }
0x28e: {  	v10 =	vor.u32 v21, v24  }
0x28f: {  	v15 =	vcombine.low v19, v16;
	_ =	sdelay $0x1  }
0x290: {  	v11 =	vor.u32 v15, v25;
	v2 =	vmul.f32 $8.000000000e+00, v2;
	_ =	sdelay $0x1  }
0x291: {  	[tilespmem:v10+s19+$0x0] =	vst.idx.msk $0xffff, v2;
	v10 =	vld [tilespmem:$0x1FCF0];
	_ =	sdelay $0x2  }
0x292: {  	v2 =	vld.idx.msk [tilespmem:v11+s13+$0x0], $0xffff  }
0x293: {  	v16 =	vcombine.low v7, v22  }
0x294: {  	v12 =	vor.u32 v10, v24  }
0x295: {  	v19 =	vor.u32 v16, v25;
	_ =	sdelay $0x1  }
0x296: {  	v5 =	vld [tilespmem:$0x1FD00];
	v2 =	vmul.f32 $8.000000000e+00, v2;
	_ =	sdelay $0x1  }
0x297: {  	[tilespmem:v12+s19+$0x0] =	vst.idx.msk $0xffff, v2  }
0x298: {  	v2 =	vld.idx.msk [tilespmem:v19+s13+$0x0], $0xffff  }
0x299: {  	v12 =	vcombine.low v9, v3  }
0x29a: {  	v22 =	vor.u32 v5, v24  }
0x29b: {  	v25 =	vor.u32 v12, v25;
	_ =	sdelay $0x1  }
0x29c: {  	v11 =	vld [tilespmem:$0x1FD10];
	v2 =	vmul.f32 $8.000000000e+00, v2;
	_ =	sdelay $0x1  }
0x29d: {  	[tilespmem:v22+s19+$0x0] =	vst.idx.msk $0xffff, v2  }
0x29e: {  	v2 =	vld.idx.msk [tilespmem:v25+s13+$0x0], $0xffff;
	_ =	sdelay $0x1  }
0x29f: {  	v26 =	vor.u32 v11, v24;
	_ =	sdelay $0x2  }
0x2a0: {  	v2 =	vmul.f32 $8.000000000e+00, v2;
	_ =	sdelay $0x1  }
0x2a1: {  	[tilespmem:v26+s19+$0x0] =	vst.idx.msk $0xffff, v2  }
0x2a2: {  	v2 =	vld [tilespmem:s30+$0x0]  }
0x2a3: {  	v19 =	vld [tilespmem:$0x1FFE0];
	_ =	sdelay $0x1  }
0x2a4: {  	s31 =	sadd.s32 $0x10, s31  }
0x2a5: {  	v7 =	vmov s31  }
0x2a6: {  	v3 =	vshll.u32 v7, $0x7;
	v2 =	vshll.u32 v2, $0x6  }
0x2a7: {  	v3 =	vor.u32 v19, v3;
	v2 =	vand.u32 $0x40, v2  }
0x2a8: {  	v9 =	vlaneseq.u32;
	v25 =	vor.u32 v3, v2  }
0x2a9: {  	v2 =	vor.u32 v9, v25;
	_ =	sdelay $0x1  }
0x2aa: {  	v22 =	vld [tilespmem:$0x1F920]  }
0x2ab: {  	v26 =	vld [tilespmem:$0x1F5C0];
	_ =	sdelay $0x1  }
0x2ac: {  	s31 =	sadd.s32 $0x10, s29;
	v2 =	vld.idx.msk [tilespmem:v2+s13+$0x0], $0xffff  }
0x2ad: {  	v24 =	vor.u32 s31, v9  }
0x2ae: {  	v3 =	vor.u32 v22, v24  }
0x2af: {  	v4 =	vor.u32 v26, v25;
	_ =	sdelay $0x1  }
0x2b0: {  	v7 =	vld [tilespmem:$0x1F930];
	v2 =	vmul.f32 $8.000000000e+00, v2  }
0x2b1: {  	v19 =	vld [tilespmem:$0x1F5D0]  }
0x2b2: {  	[tilespmem:v3+s19+$0x0] =	vst.idx.msk $0xffff, v2  }
0x2b3: {  	v2 =	vld.idx.msk [tilespmem:v4+s13+$0x0], $0xffff;
	_ =	sdelay $0x1  }
0x2b4: {  	v3 =	vor.u32 v7, v24  }
0x2b5: {  	v4 =	vor.u32 v19, v25;
	_ =	sdelay $0x1  }
0x2b6: {  	v22 =	vld [tilespmem:$0x1F940];
	v2 =	vmul.f32 $8.000000000e+00, v2  }
0x2b7: {  	v26 =	vld [tilespmem:$0x1F5E0]  }
0x2b8: {  	[tilespmem:v3+s19+$0x0] =	vst.idx.msk $0xffff, v2  }
0x2b9: {  	v2 =	vld.idx.msk [tilespmem:v4+s13+$0x0], $0xffff;
	_ =	sdelay $0x1  }
0x2ba: {  	v3 =	vor.u32 v22, v24  }
0x2bb: {  	v4 =	vor.u32 v26, v25;
	_ =	sdelay $0x1  }
0x2bc: {  	v7 =	vld [tilespmem:$0x1F950];
	v2 =	vmul.f32 $8.000000000e+00, v2  }
0x2bd: {  	v19 =	vld [tilespmem:$0x1F5F0]  }
0x2be: {  	[tilespmem:v3+s19+$0x0] =	vst.idx.msk $0xffff, v2  }
0x2bf: {  	v2 =	vld.idx.msk [tilespmem:v4+s13+$0x0], $0xffff;
	_ =	sdelay $0x1  }
0x2c0: {  	v3 =	vor.u32 v7, v24  }
0x2c1: {  	v4 =	vor.u32 v19, v25;
	_ =	sdelay $0x1  }
0x2c2: {  	v22 =	vld [tilespmem:$0x1F960];
	v2 =	vmul.f32 $8.000000000e+00, v2  }
0x2c3: {  	v26 =	vld [tilespmem:$0x1F600]  }
0x2c4: {  	[tilespmem:v3+s19+$0x0] =	vst.idx.msk $0xffff, v2  }
0x2c5: {  	v2 =	vld.idx.msk [tilespmem:v4+s13+$0x0], $0xffff;
	_ =	sdelay $0x1  }
0x2c6: {  	v3 =	vor.u32 v22, v24  }
0x2c7: {  	v4 =	vor.u32 v26, v25;
	_ =	sdelay $0x1  }
0x2c8: {  	v7 =	vld [tilespmem:$0x1F970];
	v2 =	vmul.f32 $8.000000000e+00, v2  }
0x2c9: {  	v19 =	vld [tilespmem:$0x1F610]  }
0x2ca: {  	[tilespmem:v3+s19+$0x0] =	vst.idx.msk $0xffff, v2  }
0x2cb: {  	v2 =	vld.idx.msk [tilespmem:v4+s13+$0x0], $0xffff;
	_ =	sdelay $0x1  }
0x2cc: {  	v3 =	vor.u32 v7, v24  }
0x2cd: {  	v4 =	vor.u32 v19, v25;
	_ =	sdelay $0x1  }
0x2ce: {  	v22 =	vld [tilespmem:$0x1F980];
	v2 =	vmul.f32 $8.000000000e+00, v2  }
0x2cf: {  	v26 =	vld [tilespmem:$0x1F620]  }
0x2d0: {  	[tilespmem:v3+s19+$0x0] =	vst.idx.msk $0xffff, v2  }
0x2d1: {  	v2 =	vld.idx.msk [tilespmem:v4+s13+$0x0], $0xffff;
	_ =	sdelay $0x1  }
0x2d2: {  	v3 =	vor.u32 v22, v24  }
0x2d3: {  	v4 =	vor.u32 v26, v25;
	_ =	sdelay $0x1  }
0x2d4: {  	v7 =	vld [tilespmem:$0x1F990];
	v2 =	vmul.f32 $8.000000000e+00, v2;
	_ =	sdelay $0x1  }
0x2d5: {  	[tilespmem:v3+s19+$0x0] =	vst.idx.msk $0xffff, v2  }
0x2d6: {  	v2 =	vld.idx.msk [tilespmem:v4+s13+$0x0], $0xffff;
	_ =	sdelay $0x1  }
0x2d7: {  	v3 =	vor.u32 v7, v24  }
0x2d8: {  	v19 =	vor.u32 v34, v25;
	_ =	sdelay $0x1  }
0x2d9: {  	v22 =	vld [tilespmem:$0x1F9A0];
	v2 =	vmul.f32 $8.000000000e+00, v2  }
0x2da: {  	v26 =	vld [tilespmem:$0x1F630]  }
0x2db: {  	[tilespmem:v3+s19+$0x0] =	vst.idx.msk $0xffff, v2  }
0x2dc: {  	v2 =	vld.idx.msk [tilespmem:v19+s13+$0x0], $0xffff;
	_ =	sdelay $0x1  }
0x2dd: {  	v3 =	vor.u32 v22, v24  }
0x2de: {  	v4 =	vor.u32 v26, v25;
	_ =	sdelay $0x1  }
0x2df: {  	v7 =	vld [tilespmem:$0x1F9B0];
	v2 =	vmul.f32 $8.000000000e+00, v2  }
0x2e0: {  	v19 =	vld [tilespmem:$0x1F640]  }
0x2e1: {  	[tilespmem:v3+s19+$0x0] =	vst.idx.msk $0xffff, v2  }
0x2e2: {  	v2 =	vld.idx.msk [tilespmem:v4+s13+$0x0], $0xffff;
	_ =	sdelay $0x1  }
0x2e3: {  	v3 =	vor.u32 v7, v24  }
0x2e4: {  	v4 =	vor.u32 v19, v25;
	_ =	sdelay $0x1  }
0x2e5: {  	v22 =	vld [tilespmem:$0x1F9C0];
	v2 =	vmul.f32 $8.000000000e+00, v2  }
0x2e6: {  	v26 =	vld [tilespmem:$0x1F650]  }
0x2e7: {  	[tilespmem:v3+s19+$0x0] =	vst.idx.msk $0xffff, v2  }
0x2e8: {  	v2 =	vld.idx.msk [tilespmem:v4+s13+$0x0], $0xffff;
	_ =	sdelay $0x1  }
0x2e9: {  	v3 =	vor.u32 v22, v24  }
0x2ea: {  	v4 =	vor.u32 v26, v25;
	_ =	sdelay $0x1  }
0x2eb: {  	v7 =	vld [tilespmem:$0x1F9D0];
	v2 =	vmul.f32 $8.000000000e+00, v2  }
0x2ec: {  	v19 =	vld [tilespmem:$0x1F660]  }
0x2ed: {  	[tilespmem:v3+s19+$0x0] =	vst.idx.msk $0xffff, v2  }
0x2ee: {  	v2 =	vld.idx.msk [tilespmem:v4+s13+$0x0], $0xffff;
	_ =	sdelay $0x1  }
0x2ef: {  	v3 =	vor.u32 v7, v24  }
0x2f0: {  	v4 =	vor.u32 v19, v25;
	_ =	sdelay $0x1  }
0x2f1: {  	v22 =	vld [tilespmem:$0x1F9E0];
	v2 =	vmul.f32 $8.000000000e+00, v2  }
0x2f2: {  	v26 =	vld [tilespmem:$0x1F670]  }
0x2f3: {  	[tilespmem:v3+s19+$0x0] =	vst.idx.msk $0xffff, v2  }
0x2f4: {  	v2 =	vld.idx.msk [tilespmem:v4+s13+$0x0], $0xffff;
	_ =	sdelay $0x1  }
0x2f5: {  	v3 =	vor.u32 v22, v24  }
0x2f6: {  	v4 =	vor.u32 v26, v25;
	_ =	sdelay $0x1  }
0x2f7: {  	v7 =	vld [tilespmem:$0x1F9F0];
	v2 =	vmul.f32 $8.000000000e+00, v2  }
0x2f8: {  	v19 =	vld [tilespmem:$0x1F680]  }
0x2f9: {  	[tilespmem:v3+s19+$0x0] =	vst.idx.msk $0xffff, v2  }
0x2fa: {  	v2 =	vld.idx.msk [tilespmem:v4+s13+$0x0], $0xffff;
	_ =	sdelay $0x1  }
0x2fb: {  	v3 =	vor.u32 v7, v24  }
0x2fc: {  	v4 =	vor.u32 v19, v25;
	_ =	sdelay $0x1  }
0x2fd: {  	v22 =	vld [tilespmem:$0x1FA00];
	v2 =	vmul.f32 $8.000000000e+00, v2  }
0x2fe: {  	v26 =	vld [tilespmem:$0x1F690]  }
0x2ff: {  	[tilespmem:v3+s19+$0x0] =	vst.idx.msk $0xffff, v2  }
0x300: {  	v2 =	vld.idx.msk [tilespmem:v4+s13+$0x0], $0xffff;
	_ =	sdelay $0x1  }
0x301: {  	v3 =	vor.u32 v22, v24  }
0x302: {  	v4 =	vor.u32 v26, v25;
	_ =	sdelay $0x1  }
0x303: {  	v7 =	vld [tilespmem:$0x1FA10];
	v2 =	vmul.f32 $8.000000000e+00, v2  }
0x304: {  	v19 =	vld [tilespmem:$0x1F6A0]  }
0x305: {  	[tilespmem:v3+s19+$0x0] =	vst.idx.msk $0xffff, v2  }
0x306: {  	v2 =	vld.idx.msk [tilespmem:v4+s13+$0x0], $0xffff;
	_ =	sdelay $0x1  }
0x307: {  	v3 =	vor.u32 v7, v24  }
0x308: {  	v4 =	vor.u32 v19, v25;
	_ =	sdelay $0x1  }
0x309: {  	v22 =	vld [tilespmem:$0x1FA20];
	v2 =	vmul.f32 $8.000000000e+00, v2  }
0x30a: {  	v26 =	vld [tilespmem:$0x1F6B0]  }
0x30b: {  	[tilespmem:v3+s19+$0x0] =	vst.idx.msk $0xffff, v2  }
0x30c: {  	v2 =	vld.idx.msk [tilespmem:v4+s13+$0x0], $0xffff;
	_ =	sdelay $0x1  }
0x30d: {  	v3 =	vor.u32 v22, v24  }
0x30e: {  	v4 =	vor.u32 v26, v25;
	_ =	sdelay $0x1  }
0x30f: {  	v7 =	vld [tilespmem:$0x1FA30];
	v2 =	vmul.f32 $8.000000000e+00, v2  }
0x310: {  	v19 =	vld [tilespmem:$0x1F6C0]  }
0x311: {  	[tilespmem:v3+s19+$0x0] =	vst.idx.msk $0xffff, v2  }
0x312: {  	v2 =	vld.idx.msk [tilespmem:v4+s13+$0x0], $0xffff;
	_ =	sdelay $0x1  }
0x313: {  	v3 =	vor.u32 v7, v24  }
0x314: {  	v4 =	vor.u32 v19, v25;
	_ =	sdelay $0x1  }
0x315: {  	v22 =	vld [tilespmem:$0x1FA40];
	v2 =	vmul.f32 $8.000000000e+00, v2  }
0x316: {  	v26 =	vld [tilespmem:$0x1F6D0]  }
0x317: {  	[tilespmem:v3+s19+$0x0] =	vst.idx.msk $0xffff, v2  }
0x318: {  	v2 =	vld.idx.msk [tilespmem:v4+s13+$0x0], $0xffff;
	_ =	sdelay $0x1  }
0x319: {  	v3 =	vor.u32 v22, v24  }
0x31a: {  	v4 =	vor.u32 v26, v25;
	_ =	sdelay $0x1  }
0x31b: {  	v7 =	vld [tilespmem:$0x1FA50];
	v2 =	vmul.f32 $8.000000000e+00, v2  }
0x31c: {  	v19 =	vld [tilespmem:$0x1F6E0]  }
0x31d: {  	[tilespmem:v3+s19+$0x0] =	vst.idx.msk $0xffff, v2  }
0x31e: {  	v2 =	vld.idx.msk [tilespmem:v4+s13+$0x0], $0xffff;
	_ =	sdelay $0x1  }
0x31f: {  	v3 =	vor.u32 v7, v24  }
0x320: {  	v4 =	vor.u32 v19, v25;
	_ =	sdelay $0x1  }
0x321: {  	v22 =	vld [tilespmem:$0x1FA60];
	v2 =	vmul.f32 $8.000000000e+00, v2  }
0x322: {  	v26 =	vld [tilespmem:$0x1F6F0]  }
0x323: {  	[tilespmem:v3+s19+$0x0] =	vst.idx.msk $0xffff, v2  }
0x324: {  	v2 =	vld.idx.msk [tilespmem:v4+s13+$0x0], $0xffff;
	_ =	sdelay $0x1  }
0x325: {  	v3 =	vor.u32 v22, v24  }
0x326: {  	v4 =	vor.u32 v26, v25;
	_ =	sdelay $0x1  }
0x327: {  	v7 =	vld [tilespmem:$0x1FA70];
	v2 =	vmul.f32 $8.000000000e+00, v2  }
0x328: {  	v19 =	vld [tilespmem:$0x1F700]  }
0x329: {  	[tilespmem:v3+s19+$0x0] =	vst.idx.msk $0xffff, v2  }
0x32a: {  	v2 =	vld.idx.msk [tilespmem:v4+s13+$0x0], $0xffff;
	_ =	sdelay $0x1  }
0x32b: {  	v3 =	vor.u32 v7, v24  }
0x32c: {  	v4 =	vor.u32 v19, v25;
	_ =	sdelay $0x1  }
0x32d: {  	v22 =	vld [tilespmem:$0x1FA80];
	v2 =	vmul.f32 $8.000000000e+00, v2  }
0x32e: {  	v26 =	vld [tilespmem:$0x1F710]  }
0x32f: {  	[tilespmem:v3+s19+$0x0] =	vst.idx.msk $0xffff, v2  }
0x330: {  	v2 =	vld.idx.msk [tilespmem:v4+s13+$0x0], $0xffff;
	_ =	sdelay $0x1  }
0x331: {  	v3 =	vor.u32 v22, v24  }
0x332: {  	v4 =	vor.u32 v26, v25;
	_ =	sdelay $0x1  }
0x333: {  	v7 =	vld [tilespmem:$0x1FA90];
	v2 =	vmul.f32 $8.000000000e+00, v2  }
0x334: {  	v19 =	vld [tilespmem:$0x1F720]  }
0x335: {  	[tilespmem:v3+s19+$0x0] =	vst.idx.msk $0xffff, v2  }
0x336: {  	v2 =	vld.idx.msk [tilespmem:v4+s13+$0x0], $0xffff;
	_ =	sdelay $0x1  }
0x337: {  	v3 =	vor.u32 v7, v24  }
0x338: {  	v4 =	vor.u32 v19, v25;
	_ =	sdelay $0x1  }
0x339: {  	v22 =	vld [tilespmem:$0x1FAA0];
	v2 =	vmul.f32 $8.000000000e+00, v2  }
0x33a: {  	v26 =	vld [tilespmem:$0x1F730]  }
0x33b: {  	[tilespmem:v3+s19+$0x0] =	vst.idx.msk $0xffff, v2  }
0x33c: {  	v2 =	vld.idx.msk [tilespmem:v4+s13+$0x0], $0xffff;
	_ =	sdelay $0x1  }
0x33d: {  	v3 =	vor.u32 v22, v24  }
0x33e: {  	v4 =	vor.u32 v26, v25;
	_ =	sdelay $0x1  }
0x33f: {  	v7 =	vld [tilespmem:$0x1FAB0];
	v2 =	vmul.f32 $8.000000000e+00, v2  }
0x340: {  	v19 =	vld [tilespmem:$0x1F740]  }
0x341: {  	[tilespmem:v3+s19+$0x0] =	vst.idx.msk $0xffff, v2  }
0x342: {  	v2 =	vld.idx.msk [tilespmem:v4+s13+$0x0], $0xffff;
	_ =	sdelay $0x1  }
0x343: {  	v3 =	vor.u32 v7, v24  }
0x344: {  	v4 =	vor.u32 v19, v25;
	_ =	sdelay $0x1  }
0x345: {  	v22 =	vld [tilespmem:$0x1FAC0];
	v2 =	vmul.f32 $8.000000000e+00, v2  }
0x346: {  	v26 =	vld [tilespmem:$0x1F750]  }
0x347: {  	[tilespmem:v3+s19+$0x0] =	vst.idx.msk $0xffff, v2  }
0x348: {  	v2 =	vld.idx.msk [tilespmem:v4+s13+$0x0], $0xffff;
	_ =	sdelay $0x1  }
0x349: {  	v3 =	vor.u32 v22, v24  }
0x34a: {  	v4 =	vor.u32 v26, v25;
	_ =	sdelay $0x1  }
0x34b: {  	v7 =	vld [tilespmem:$0x1FAD0];
	v2 =	vmul.f32 $8.000000000e+00, v2  }
0x34c: {  	v19 =	vld [tilespmem:$0x1F760]  }
0x34d: {  	[tilespmem:v3+s19+$0x0] =	vst.idx.msk $0xffff, v2  }
0x34e: {  	v2 =	vld.idx.msk [tilespmem:v4+s13+$0x0], $0xffff;
	_ =	sdelay $0x1  }
0x34f: {  	v3 =	vor.u32 v7, v24  }
0x350: {  	v4 =	vor.u32 v19, v25;
	_ =	sdelay $0x1  }
0x351: {  	v22 =	vld [tilespmem:$0x1FAE0];
	v2 =	vmul.f32 $8.000000000e+00, v2  }
0x352: {  	v26 =	vld [tilespmem:$0x1F770]  }
0x353: {  	[tilespmem:v3+s19+$0x0] =	vst.idx.msk $0xffff, v2  }
0x354: {  	v2 =	vld.idx.msk [tilespmem:v4+s13+$0x0], $0xffff;
	_ =	sdelay $0x1  }
0x355: {  	v3 =	vor.u32 v22, v24  }
0x356: {  	v4 =	vor.u32 v26, v25;
	_ =	sdelay $0x1  }
0x357: {  	v7 =	vld [tilespmem:$0x1FAF0];
	v2 =	vmul.f32 $8.000000000e+00, v2  }
0x358: {  	v19 =	vld [tilespmem:$0x1F780]  }
0x359: {  	[tilespmem:v3+s19+$0x0] =	vst.idx.msk $0xffff, v2  }
0x35a: {  	v2 =	vld.idx.msk [tilespmem:v4+s13+$0x0], $0xffff;
	_ =	sdelay $0x1  }
0x35b: {  	v3 =	vor.u32 v7, v24  }
0x35c: {  	v4 =	vor.u32 v19, v25;
	_ =	sdelay $0x1  }
0x35d: {  	v22 =	vld [tilespmem:$0x1FB00];
	v2 =	vmul.f32 $8.000000000e+00, v2  }
0x35e: {  	v26 =	vld [tilespmem:$0x1F790]  }
0x35f: {  	[tilespmem:v3+s19+$0x0] =	vst.idx.msk $0xffff, v2  }
0x360: {  	v2 =	vld.idx.msk [tilespmem:v4+s13+$0x0], $0xffff;
	_ =	sdelay $0x1  }
0x361: {  	v3 =	vor.u32 v22, v24  }
0x362: {  	v4 =	vor.u32 v26, v25;
	_ =	sdelay $0x1  }
0x363: {  	v7 =	vld [tilespmem:$0x1FB10];
	v2 =	vmul.f32 $8.000000000e+00, v2  }
0x364: {  	v19 =	vld [tilespmem:$0x1F7A0]  }
0x365: {  	[tilespmem:v3+s19+$0x0] =	vst.idx.msk $0xffff, v2  }
0x366: {  	v2 =	vld.idx.msk [tilespmem:v4+s13+$0x0], $0xffff;
	_ =	sdelay $0x1  }
0x367: {  	v3 =	vor.u32 v7, v24  }
0x368: {  	v4 =	vor.u32 v19, v25;
	_ =	sdelay $0x1  }
0x369: {  	v22 =	vld [tilespmem:$0x1FB20];
	v2 =	vmul.f32 $8.000000000e+00, v2  }
0x36a: {  	v26 =	vld [tilespmem:$0x1F7B0]  }
0x36b: {  	[tilespmem:v3+s19+$0x0] =	vst.idx.msk $0xffff, v2  }
0x36c: {  	v2 =	vld.idx.msk [tilespmem:v4+s13+$0x0], $0xffff;
	_ =	sdelay $0x1  }
0x36d: {  	v3 =	vor.u32 v22, v24  }
0x36e: {  	v4 =	vor.u32 v26, v25;
	_ =	sdelay $0x1  }
0x36f: {  	v7 =	vld [tilespmem:$0x1FB30];
	v2 =	vmul.f32 $8.000000000e+00, v2  }
0x370: {  	v19 =	vld [tilespmem:$0x1F7C0]  }
0x371: {  	[tilespmem:v3+s19+$0x0] =	vst.idx.msk $0xffff, v2  }
0x372: {  	v2 =	vld.idx.msk [tilespmem:v4+s13+$0x0], $0xffff;
	_ =	sdelay $0x1  }
0x373: {  	v3 =	vor.u32 v7, v24  }
0x374: {  	v4 =	vor.u32 v19, v25;
	_ =	sdelay $0x1  }
0x375: {  	v22 =	vld [tilespmem:$0x1FB40];
	v2 =	vmul.f32 $8.000000000e+00, v2  }
0x376: {  	v26 =	vld [tilespmem:$0x1F7D0]  }
0x377: {  	[tilespmem:v3+s19+$0x0] =	vst.idx.msk $0xffff, v2  }
0x378: {  	v2 =	vld.idx.msk [tilespmem:v4+s13+$0x0], $0xffff;
	_ =	sdelay $0x1  }
0x379: {  	v3 =	vor.u32 v22, v24  }
0x37a: {  	v4 =	vor.u32 v26, v25;
	_ =	sdelay $0x1  }
0x37b: {  	v7 =	vld [tilespmem:$0x1FB50];
	v2 =	vmul.f32 $8.000000000e+00, v2  }
0x37c: {  	v19 =	vld [tilespmem:$0x1F7E0]  }
0x37d: {  	[tilespmem:v3+s19+$0x0] =	vst.idx.msk $0xffff, v2  }
0x37e: {  	v2 =	vld.idx.msk [tilespmem:v4+s13+$0x0], $0xffff;
	_ =	sdelay $0x1  }
0x37f: {  	v3 =	vor.u32 v7, v24  }
0x380: {  	v4 =	vor.u32 v19, v25;
	_ =	sdelay $0x1  }
0x381: {  	v22 =	vld [tilespmem:$0x1FB60];
	v2 =	vmul.f32 $8.000000000e+00, v2  }
0x382: {  	v26 =	vld [tilespmem:$0x1F7F0]  }
0x383: {  	[tilespmem:v3+s19+$0x0] =	vst.idx.msk $0xffff, v2  }
0x384: {  	v2 =	vld.idx.msk [tilespmem:v4+s13+$0x0], $0xffff;
	_ =	sdelay $0x1  }
0x385: {  	v3 =	vor.u32 v22, v24  }
0x386: {  	v4 =	vor.u32 v26, v25;
	_ =	sdelay $0x1  }
0x387: {  	v7 =	vld [tilespmem:$0x1FB70];
	v2 =	vmul.f32 $8.000000000e+00, v2  }
0x388: {  	v19 =	vld [tilespmem:$0x1F800]  }
0x389: {  	[tilespmem:v3+s19+$0x0] =	vst.idx.msk $0xffff, v2  }
0x38a: {  	v2 =	vld.idx.msk [tilespmem:v4+s13+$0x0], $0xffff;
	_ =	sdelay $0x1  }
0x38b: {  	v3 =	vor.u32 v7, v24  }
0x38c: {  	v4 =	vor.u32 v19, v25;
	_ =	sdelay $0x1  }
0x38d: {  	v22 =	vld [tilespmem:$0x1FB80];
	v2 =	vmul.f32 $8.000000000e+00, v2  }
0x38e: {  	v26 =	vld [tilespmem:$0x1F810]  }
0x38f: {  	[tilespmem:v3+s19+$0x0] =	vst.idx.msk $0xffff, v2  }
0x390: {  	v2 =	vld.idx.msk [tilespmem:v4+s13+$0x0], $0xffff;
	_ =	sdelay $0x1  }
0x391: {  	v3 =	vor.u32 v22, v24  }
0x392: {  	v4 =	vor.u32 v26, v25;
	_ =	sdelay $0x1  }
0x393: {  	v7 =	vld [tilespmem:$0x1FB90];
	v2 =	vmul.f32 $8.000000000e+00, v2  }
0x394: {  	v19 =	vld [tilespmem:$0x1F820]  }
0x395: {  	[tilespmem:v3+s19+$0x0] =	vst.idx.msk $0xffff, v2  }
0x396: {  	v2 =	vld.idx.msk [tilespmem:v4+s13+$0x0], $0xffff;
	_ =	sdelay $0x1  }
0x397: {  	v3 =	vor.u32 v7, v24  }
0x398: {  	v4 =	vor.u32 v19, v25;
	_ =	sdelay $0x1  }
0x399: {  	v22 =	vld [tilespmem:$0x1FBA0];
	v2 =	vmul.f32 $8.000000000e+00, v2  }
0x39a: {  	v26 =	vld [tilespmem:$0x1F830]  }
0x39b: {  	[tilespmem:v3+s19+$0x0] =	vst.idx.msk $0xffff, v2  }
0x39c: {  	v2 =	vld.idx.msk [tilespmem:v4+s13+$0x0], $0xffff;
	_ =	sdelay $0x1  }
0x39d: {  	v3 =	vor.u32 v22, v24  }
0x39e: {  	v4 =	vor.u32 v26, v25;
	_ =	sdelay $0x1  }
0x39f: {  	v7 =	vld [tilespmem:$0x1FBB0];
	v2 =	vmul.f32 $8.000000000e+00, v2  }
0x3a0: {  	v19 =	vld [tilespmem:$0x1F840]  }
0x3a1: {  	[tilespmem:v3+s19+$0x0] =	vst.idx.msk $0xffff, v2  }
0x3a2: {  	v2 =	vld.idx.msk [tilespmem:v4+s13+$0x0], $0xffff;
	_ =	sdelay $0x1  }
0x3a3: {  	v3 =	vor.u32 v7, v24  }
0x3a4: {  	v4 =	vor.u32 v19, v25;
	_ =	sdelay $0x1  }
0x3a5: {  	v22 =	vld [tilespmem:$0x1FBC0];
	v2 =	vmul.f32 $8.000000000e+00, v2  }
0x3a6: {  	v26 =	vld [tilespmem:$0x1F850]  }
0x3a7: {  	[tilespmem:v3+s19+$0x0] =	vst.idx.msk $0xffff, v2  }
0x3a8: {  	v2 =	vld.idx.msk [tilespmem:v4+s13+$0x0], $0xffff;
	_ =	sdelay $0x1  }
0x3a9: {  	v3 =	vor.u32 v22, v24  }
0x3aa: {  	v4 =	vor.u32 v26, v25;
	_ =	sdelay $0x1  }
0x3ab: {  	v7 =	vld [tilespmem:$0x1FBD0];
	v2 =	vmul.f32 $8.000000000e+00, v2  }
0x3ac: {  	v19 =	vld [tilespmem:$0x1F860]  }
0x3ad: {  	[tilespmem:v3+s19+$0x0] =	vst.idx.msk $0xffff, v2  }
0x3ae: {  	v2 =	vld.idx.msk [tilespmem:v4+s13+$0x0], $0xffff;
	_ =	sdelay $0x1  }
0x3af: {  	v3 =	vor.u32 v7, v24  }
0x3b0: {  	v4 =	vor.u32 v19, v25;
	_ =	sdelay $0x1  }
0x3b1: {  	v22 =	vld [tilespmem:$0x1FBE0];
	v2 =	vmul.f32 $8.000000000e+00, v2  }
0x3b2: {  	v26 =	vld [tilespmem:$0x1F870]  }
0x3b3: {  	[tilespmem:v3+s19+$0x0] =	vst.idx.msk $0xffff, v2  }
0x3b4: {  	v2 =	vld.idx.msk [tilespmem:v4+s13+$0x0], $0xffff;
	_ =	sdelay $0x1  }
0x3b5: {  	v3 =	vor.u32 v22, v24  }
0x3b6: {  	v4 =	vor.u32 v26, v25;
	_ =	sdelay $0x1  }
0x3b7: {  	v7 =	vld [tilespmem:$0x1FBF0];
	v2 =	vmul.f32 $8.000000000e+00, v2  }
0x3b8: {  	v19 =	vld [tilespmem:$0x1F880]  }
0x3b9: {  	[tilespmem:v3+s19+$0x0] =	vst.idx.msk $0xffff, v2  }
0x3ba: {  	v2 =	vld.idx.msk [tilespmem:v4+s13+$0x0], $0xffff;
	_ =	sdelay $0x1  }
0x3bb: {  	v3 =	vor.u32 v7, v24  }
0x3bc: {  	v4 =	vor.u32 v19, v25;
	_ =	sdelay $0x1  }
0x3bd: {  	v22 =	vld [tilespmem:$0x1FC00];
	v2 =	vmul.f32 $8.000000000e+00, v2  }
0x3be: {  	v26 =	vld [tilespmem:$0x1F890]  }
0x3bf: {  	[tilespmem:v3+s19+$0x0] =	vst.idx.msk $0xffff, v2  }
0x3c0: {  	v2 =	vld.idx.msk [tilespmem:v4+s13+$0x0], $0xffff;
	_ =	sdelay $0x1  }
0x3c1: {  	v3 =	vor.u32 v22, v24  }
0x3c2: {  	v4 =	vor.u32 v26, v25;
	_ =	sdelay $0x1  }
0x3c3: {  	v7 =	vld [tilespmem:$0x1FC10];
	v2 =	vmul.f32 $8.000000000e+00, v2  }
0x3c4: {  	v19 =	vld [tilespmem:$0x1F8A0]  }
0x3c5: {  	[tilespmem:v3+s19+$0x0] =	vst.idx.msk $0xffff, v2  }
0x3c6: {  	v2 =	vld.idx.msk [tilespmem:v4+s13+$0x0], $0xffff;
	_ =	sdelay $0x1  }
0x3c7: {  	v3 =	vor.u32 v7, v24  }
0x3c8: {  	v4 =	vor.u32 v19, v25;
	_ =	sdelay $0x1  }
0x3c9: {  	v22 =	vld [tilespmem:$0x1FC20];
	v2 =	vmul.f32 $8.000000000e+00, v2  }
0x3ca: {  	v26 =	vld [tilespmem:$0x1F8B0]  }
0x3cb: {  	[tilespmem:v3+s19+$0x0] =	vst.idx.msk $0xffff, v2  }
0x3cc: {  	v2 =	vld.idx.msk [tilespmem:v4+s13+$0x0], $0xffff;
	_ =	sdelay $0x1  }
0x3cd: {  	v3 =	vor.u32 v22, v24  }
0x3ce: {  	v4 =	vor.u32 v26, v25;
	_ =	sdelay $0x1  }
0x3cf: {  	v7 =	vld [tilespmem:$0x1FC30];
	v2 =	vmul.f32 $8.000000000e+00, v2  }
0x3d0: {  	v19 =	vld [tilespmem:$0x1F8C0]  }
0x3d1: {  	[tilespmem:v3+s19+$0x0] =	vst.idx.msk $0xffff, v2  }
0x3d2: {  	v2 =	vld.idx.msk [tilespmem:v4+s13+$0x0], $0xffff;
	_ =	sdelay $0x1  }
0x3d3: {  	v3 =	vor.u32 v7, v24  }
0x3d4: {  	v4 =	vor.u32 v19, v25;
	_ =	sdelay $0x1  }
0x3d5: {  	v22 =	vld [tilespmem:$0x1FC40];
	v2 =	vmul.f32 $8.000000000e+00, v2  }
0x3d6: {  	v26 =	vld [tilespmem:$0x1F8D0]  }
0x3d7: {  	[tilespmem:v3+s19+$0x0] =	vst.idx.msk $0xffff, v2  }
0x3d8: {  	v2 =	vld.idx.msk [tilespmem:v4+s13+$0x0], $0xffff;
	_ =	sdelay $0x1  }
0x3d9: {  	v3 =	vor.u32 v22, v24  }
0x3da: {  	v4 =	vor.u32 v26, v25;
	_ =	sdelay $0x1  }
0x3db: {  	v7 =	vld [tilespmem:$0x1FC50];
	v2 =	vmul.f32 $8.000000000e+00, v2  }
0x3dc: {  	v19 =	vld [tilespmem:$0x1F8E0]  }
0x3dd: {  	[tilespmem:v3+s19+$0x0] =	vst.idx.msk $0xffff, v2  }
0x3de: {  	v2 =	vld.idx.msk [tilespmem:v4+s13+$0x0], $0xffff;
	_ =	sdelay $0x1  }
0x3df: {  	v3 =	vor.u32 v7, v24  }
0x3e0: {  	v4 =	vor.u32 v19, v25;
	_ =	sdelay $0x1  }
0x3e1: {  	v22 =	vld [tilespmem:$0x1FC60];
	v2 =	vmul.f32 $8.000000000e+00, v2  }
0x3e2: {  	v26 =	vld [tilespmem:$0x1F8F0]  }
0x3e3: {  	[tilespmem:v3+s19+$0x0] =	vst.idx.msk $0xffff, v2  }
0x3e4: {  	v2 =	vld.idx.msk [tilespmem:v4+s13+$0x0], $0xffff;
	_ =	sdelay $0x1  }
0x3e5: {  	v3 =	vor.u32 v22, v24  }
0x3e6: {  	v4 =	vor.u32 v26, v25;
	_ =	sdelay $0x1  }
0x3e7: {  	v19 =	vld [tilespmem:$0x1FC70];
	v2 =	vmul.f32 $8.000000000e+00, v2  }
0x3e8: {  	v22 =	vld [tilespmem:$0x1F900]  }
0x3e9: {  	[tilespmem:v3+s19+$0x0] =	vst.idx.msk $0xffff, v2  }
0x3ea: {  	v2 =	vld.idx.msk [tilespmem:v4+s13+$0x0], $0xffff;
	_ =	sdelay $0x1  }
0x3eb: {  	v3 =	vor.u32 v19, v24  }
0x3ec: {  	v4 =	vor.u32 v22, v25;
	_ =	sdelay $0x1  }
0x3ed: {  	v2 =	vmul.f32 $8.000000000e+00, v2  }
0x3ee: {  	v19 =	vld [tilespmem:$0x1F910]  }
0x3ef: {  	[tilespmem:v3+s19+$0x0] =	vst.idx.msk $0xffff, v2  }
0x3f0: {  	v2 =	vld.idx.msk [tilespmem:v4+s13+$0x0], $0xffff;
	_ =	sdelay $0x1  }
0x3f1: {  	v26 =	vor.u32 v23, v24  }
0x3f2: {  	v4 =	vor.u32 v19, v25;
	_ =	sdelay $0x1  }
0x3f3: {  	v2 =	vmul.f32 $8.000000000e+00, v2;
	_ =	sdelay $0x1  }
0x3f4: {  	[tilespmem:v26+s19+$0x0] =	vst.idx.msk $0xffff, v2  }
0x3f5: {  	v2 =	vld.idx.msk [tilespmem:v4+s13+$0x0], $0xffff;
	_ =	sdelay $0x1  }
0x3f6: {  	v22 =	vor.u32 v6, v24  }
0x3f7: {  	v23 =	vor.u32 v8, v25;
	_ =	sdelay $0x1  }
0x3f8: {  	v2 =	vmul.f32 $8.000000000e+00, v2;
	_ =	sdelay $0x1  }
0x3f9: {  	[tilespmem:v22+s19+$0x0] =	vst.idx.msk $0xffff, v2  }
0x3fa: {  	v2 =	vld.idx.msk [tilespmem:v23+s13+$0x0], $0xffff;
	_ =	sdelay $0x1  }
0x3fb: {  	v26 =	vor.u32 v27, v24  }
0x3fc: {  	v0 =	vor.u32 v0, v25;
	_ =	sdelay $0x1  }
0x3fd: {  	v2 =	vmul.f32 $8.000000000e+00, v2;
	_ =	sdelay $0x1  }
0x3fe: {  	[tilespmem:v26+s19+$0x0] =	vst.idx.msk $0xffff, v2  }
0x3ff: {  	v0 =	vld.idx.msk [tilespmem:v0+s13+$0x0], $0xffff;
	_ =	sdelay $0x1  }
0x400: {  	v6 =	vor.u32 v18, v24  }
0x401: {  	v1 =	vor.u32 v1, v25;
	_ =	sdelay $0x1  }
0x402: {  	v0 =	vmul.f32 $8.000000000e+00, v0;
	_ =	sdelay $0x1  }
0x403: {  	[tilespmem:v6+s19+$0x0] =	vst.idx.msk $0xffff, v0  }
0x404: {  	v0 =	vld.idx.msk [tilespmem:v1+s13+$0x0], $0xffff;
	_ =	sdelay $0x1  }
0x405: {  	v7 =	vor.u32 v17, v24  }
0x406: {  	v13 =	vor.u32 v13, v25;
	_ =	sdelay $0x1  }
0x407: {  	v0 =	vmul.f32 $8.000000000e+00, v0;
	_ =	sdelay $0x1  }
0x408: {  	[tilespmem:v7+s19+$0x0] =	vst.idx.msk $0xffff, v0  }
0x409: {  	v0 =	vld.idx.msk [tilespmem:v13+s13+$0x0], $0xffff;
	_ =	sdelay $0x1  }
0x40a: {  	v17 =	vor.u32 v20, v24  }
0x40b: {  	v18 =	vor.u32 v14, v25;
	_ =	sdelay $0x1  }
0x40c: {  	v0 =	vmul.f32 $8.000000000e+00, v0;
	_ =	sdelay $0x1  }
0x40d: {  	[tilespmem:v17+s19+$0x0] =	vst.idx.msk $0xffff, v0  }
0x40e: {  	v0 =	vld.idx.msk [tilespmem:v18+s13+$0x0], $0xffff;
	_ =	sdelay $0x1  }
0x40f: {  	v19 =	vor.u32 v21, v24  }
0x410: {  	v20 =	vor.u32 v15, v25;
	_ =	sdelay $0x1  }
0x411: {  	v0 =	vmul.f32 $8.000000000e+00, v0;
	_ =	sdelay $0x1  }
0x412: {  	[tilespmem:v19+s19+$0x0] =	vst.idx.msk $0xffff, v0  }
0x413: {  	v0 =	vld.idx.msk [tilespmem:v20+s13+$0x0], $0xffff;
	_ =	sdelay $0x1  }
0x414: {  	v21 =	vor.u32 v10, v24  }
0x415: {  	v22 =	vor.u32 v16, v25;
	_ =	sdelay $0x1  }
0x416: {  	v0 =	vmul.f32 $8.000000000e+00, v0;
	_ =	sdelay $0x1  }
0x417: {  	[tilespmem:v21+s19+$0x0] =	vst.idx.msk $0xffff, v0  }
0x418: {  	v0 =	vld.idx.msk [tilespmem:v22+s13+$0x0], $0xffff;
	_ =	sdelay $0x1  }
0x419: {  	v23 =	vor.u32 v5, v24  }
0x41a: {  	v25 =	vor.u32 v12, v25;
	_ =	sdelay $0x1  }
0x41b: {  	v0 =	vmul.f32 $8.000000000e+00, v0;
	_ =	sdelay $0x1  }
0x41c: {  	[tilespmem:v23+s19+$0x0] =	vst.idx.msk $0xffff, v0  }
0x41d: {  	v0 =	vld.idx.msk [tilespmem:v25+s13+$0x0], $0xffff  }
0x41e: {  	s28 =	sadd.s32 $0x2, s28  }
0x41f: {  	p0 =	slt.u32 s28, $0x6;
	v26 =	vor.u32 v11, v24  }
.Ltmp0:
0x420: {  	_ = 	snop;
	(pc) =	sbr.rel @p0 .LBB2_3-.Ltmp0, $4  }
0x421: {  	_ = 	snop  }
0x422: {  	v0 =	vmul.f32 $8.000000000e+00, v0  }
0x423: {  	v28 =	vld [tilespmem:$0x1FFD0]  }
0x424: {  	v30 =	vld [tilespmem:$0x1FFF0];
	s29 =	sadd.s32 $0x20, s29;
	s30 =	sadd.s32 $0x20, s30;
	[tilespmem:v26+s19+$0x0] =	vst.idx.msk $0xffff, v0  }
0x425: {  	s26 =	sshll.u32 s24, $0x12;
	s24 =	sadd.s32 $0x1, s24  }
0x426: {  	p0 =	sne.s32 s24, $0xC8  }
.Ltmp1:
0x427: {  	_ = 	snop;
	(pc) =	sbr.rel @p0 .LBB2_2-.Ltmp1, $4  }
0x428: {  	s26 =	sor.u32 s4, s26  }
0x429: {  	s25 =	sshll.u32 s25, $0xD;
	s22 =	sadd.s32 $0x80, s22;
	s26 =	sshrl.u32 s26, $0x3  }
0x42a: {  	s23 =	sadd.s32 $0x1, s23;
	s25 =	sadd.s32 $0x16600, s25;
	s26 =	sadd.s32 s0, s26  }
0x42b: {  	v6 =	vld [tilespmem:$0x1FFE0];
	[hbm4b:s26+s7] =	stream.strided.scatter [tilespmem:s25], [sflag:$0x2], $0x2000, s8, s7, $0x38  }
0x42c: {  	s21 =	sadd.s32 $0x1, s21  }
0x42d: {  	_ =	swait.ge [sflag:s20], $0x2000;
	p0 =	sne.s32 s21, s10  }
.Ltmp2:
0x42e: {  	[sflag:s20] =	ssyncset.done $0x0;
	(pc) =	sbr.rel @p0 .LBB2_1-.Ltmp2, $4  }
0x42f: {  	[sflag:s20] =	ssyncadd.s32 $0xFFFFE000  }
0x430: {  	_ =	swait.ge [sflag:s20], $0x2000  }
0x431: {  	[sflag:s20] =	ssyncset.done $0x0  }
0x432: {  	[sflag:s20] =	ssyncadd.s32 $0xFFFFE000  }
0x433: {  	_ =	sfence.sel $0x180000  }
0x434: {  	[bflag:$0x0] =	sbarrier.arrive $0xFFFF  }
0x435: {  	p0 =	sne.s32 s3, $0x0;
	_ =	strace $0x9000004A  }
0x436: {  	s0 =	sadd.s32 @!p0 $0x100000, s2;
	[bflag:$0x2] =	sbarrier.arrive $0xFFFF  }
0x437: {  	[sflag:s0] =	ssyncadd.tile.s32 @!p0 $0x1;
	_ =	shalt  }
.Lfunc_end2:
_tile_overlayer_lowered:
.L_overlay_start_2:
0x438: {  	(tag) =	ssettag $0x2  }
0x439: {  	s0 =	rddreg [dreg:$0x0];
	s2 =	stileid.u32  }
0x43a: {  	s1 =	rddreg [dreg:$0x1];
	p0 =	sne.s32 s2, $0x0  }
0x43b: {  	s3 =	rddreg [dreg:$0x2];
	[bflag:$0x3] =	sbarrier.arrive $0xFFFF;
	s2 =	simm.s32 @!p0 $0x1C03  }
0x43c: {  	[timem:s3], [sflag:s2] =	dma.local @!p0 [hbm:s0], s1  }
0x43d: {  	s0 =	simm.s32 @!p0 $0x3  }
0x43e: {  	_ =	swait.ge @!p0 [sflag:s0], s1  }
0x43f: {  	s1 =	ssub.s32 @!p0 $0x0, s1;
	[sflag:s0] =	ssyncset.done @!p0 $0x0  }
0x440: {  	[sflag:s0] =	ssyncadd.s32 @!p0 s1  }
0x441: {  	[bflag:$0x3] =	sbarrier.arrive $0xFFFF  }
0x442: {  	_ =	shalt  }

</sc_bundles>
